<compile_context>
chip_gen: v7x
topology: tpu7x:2x2x1
jax: 0.10.2.dev20260603
libtpu: 0.0.44.dev20260713+nightly
codegen_flags: <defaults>
</compile_context>

<pallas_src>
import functools

import jax
import jax.numpy as jnp
from jax import lax
from jax.experimental import pallas as pl
from jax.experimental.pallas import tpu as pltpu
from jax.experimental.pallas import tpu_sc as plsc

VOCAB = 1000000
D = 64
T = 200
B = 1024

NC = 2
NS = 16
NW = NC * NS
ROWS = B * T
ROWS_W = ROWS // NW
SEQ_CHUNK = 4
C = SEQ_CHUNK * T
NCHUNK = ROWS_W // C
GSUB = 128
NLOAD = (C + GSUB - 1) // GSUB


def _make_kernel():
    mesh = plsc.VectorSubcoreMesh(core_axis_name="c", subcore_axis_name="s")

    @functools.partial(
        pl.kernel,
        out_type=jax.ShapeDtypeStruct((ROWS, D), jnp.float32),
        mesh=mesh,
        scratch_types=[
            pltpu.VMEM((T, D), jnp.float32),
            pltpu.VMEM((C,), jnp.int32),
            pltpu.VMEM((C,), jnp.int32),
            pltpu.VMEM((C, D), jnp.float32),
            pltpu.VMEM((C, D), jnp.float32),
            pltpu.SemaphoreType.DMA,
            pltpu.SemaphoreType.DMA,
            pltpu.SemaphoreType.DMA,
            pltpu.SemaphoreType.DMA,
        ],
        compiler_params=pltpu.CompilerParams(use_tc_tiling_on_sc=False),
    )
    def k(x_hbm, emb_hbm, pos_hbm, out_hbm, pos_v, idx0, idx1, rows0, rows1,
          gsem0, gsem1, ssem0, ssem1):
        idx_v = (idx0, idx1)
        rows_v = (rows0, rows1)
        gsem = (gsem0, gsem1)
        ssem = (ssem0, ssem1)
        wid = lax.axis_index("s") * NC + lax.axis_index("c")
        base = wid * ROWS_W

        pltpu.sync_copy(pos_hbm, pos_v)

        def start_gathers(g, bi):
            pltpu.sync_copy(x_hbm.at[pl.ds(base + g * C, C)], idx_v[bi])
            handles = []
            for j in range(NLOAD):
                n = min(GSUB, C - j * GSUB)
                handles.append(pltpu.async_copy(
                    emb_hbm.at[idx_v[bi].at[pl.ds(j * GSUB, n)]],
                    rows_v[bi].at[pl.ds(j * GSUB, n)],
                    gsem[bi]))
            return handles

        def add_pos(bi):
            rows = rows_v[bi]

            def body(t, carry):
                pv = [pos_v[t, pl.ds(j * 16, 16)] for j in range(4)]
                for s in range(SEQ_CHUNK):
                    for j in range(4):
                        plsc.addupdate(rows.at[s * T + t, pl.ds(j * 16, 16)],
                                       pv[j])
                return carry

            lax.fori_loop(0, T, body, 0)

        pending_g = [None, None]
        pending_s = [None, None]
        pending_g[0] = start_gathers(0, 0)
        for g in range(NCHUNK):
            bi = g % 2
            nb = (g + 1) % 2
            if g + 1 < NCHUNK:
                if pending_s[nb] is not None:
                    pending_s[nb].wait()
                    pending_s[nb] = None
                pending_g[nb] = start_gathers(g + 1, nb)
            for h in pending_g[bi]:
                h.wait()
            pending_g[bi] = None
            add_pos(bi)
            pending_s[bi] = pltpu.async_copy(
                rows_v[bi], out_hbm.at[pl.ds(base + g * C, C)], ssem[bi])
        for s in pending_s:
            if s is not None:
                s.wait()

    return k


_kernel_call = _make_kernel()


@jax.jit
def kernel(x, emb, posenc):
    flat = _kernel_call(x.reshape(-1), emb, posenc)
    return flat.reshape(B, T, D)

# --- scband reference (transcript-rebuilt; emitter-appended) ---
"""Pipeline reference for scband-open-layer-35983236006457 (READ-ONLY COPY).

The authoritative reference and input builder live on the scoring server;
editing this copy changes nothing except your own understanding.
"""

import jax, jax.numpy as jnp
import numpy as np

VOCAB = 1000000
D_MODEL = 64
CTX = 200
BATCH = 1024
SEQ = 200

def setup_inputs(seed: int = 0) -> dict:
    key = jax.random.key(seed)
    k1, k2, k3 = jax.random.split(key, 3)
    x = jax.random.randint(k1, (BATCH, SEQ), 0, VOCAB, dtype=jnp.int64 if jax.config.jax_enable_x64 else jnp.int32)
    emb = jax.random.normal(k2, (VOCAB, D_MODEL), dtype=jnp.float32)
    posenc = jax.random.normal(k3, (CTX, D_MODEL), dtype=jnp.float32)
    return {"x": x, "emb": emb, "posenc": posenc}

def reference(x, emb, posenc):
    B, T = x.shape
    positions = jnp.arange(T)
    tok = jnp.take(emb, x, axis=0)            # [B, T, D]
    pos = jnp.take(posenc, positions, axis=0) # [T, D]
    return tok + pos[None, :, :]

if __name__ == "__main__":
    import jax
    _d = setup_inputs()
    print(jax.jit(kernel)(*tuple(_d.values())))

</pallas_src>

<mosaic_0001>
#map = affine_map<(d0, d1) -> (0)>
#map1 = affine_map<(d0, d1) -> (0, 0)>
module attributes {stable_mosaic.version = 14 : i64} {
  func.func @k(%arg0: i32, %arg1: i32, %arg2: memref<204800xi32, #tpu.memory_space<hbm>>, %arg3: memref<1000000x64xf32, #tpu.memory_space<hbm>>, %arg4: memref<200x64xf32, #tpu.memory_space<hbm>>, %arg5: memref<204800x64xf32, #tpu.memory_space<hbm>>, %arg6: memref<200x64xf32, #tpu.memory_space<vmem>>, %arg7: memref<800xi32, #tpu.memory_space<vmem>>, %arg8: memref<800xi32, #tpu.memory_space<vmem>>, %arg9: memref<800x64xf32, #tpu.memory_space<vmem>>, %arg10: memref<800x64xf32, #tpu.memory_space<vmem>>, %arg11: memref<!tpu.dma_semaphore, #tpu.memory_space<semaphore_mem>>, %arg12: memref<!tpu.dma_semaphore, #tpu.memory_space<semaphore_mem>>, %arg13: memref<!tpu.dma_semaphore, #tpu.memory_space<semaphore_mem>>, %arg14: memref<!tpu.dma_semaphore, #tpu.memory_space<semaphore_mem>>) attributes {dimension_semantics = [#tpu.dimension_semantics<core_parallel>, #tpu.dimension_semantics<subcore_parallel>], iteration_bounds = array<i64: 2, 16>, scalar_prefetch = 0 : i64, scratch_operands = 9 : i64, tpu.core_type = #tpu.core_type<sc_vector_subcore>, window_params = [{transform_indices = #map}, {transform_indices = #map1}, {transform_indices = #map1}, {transform_indices = #map1}]} {
    %mul3A = arith.constant 2 : i32
    %mul3A_0 = arith.muli %arg1, %mul3A : i32
    %add3A = arith.addi %mul3A_0, %arg0 : i32
    %mul3A_1 = arith.constant 6400 : i32
    %mul3A_2 = arith.muli %add3A, %mul3A_1 : i32
    "tpu.region"() ({
      %run_scoped3A = tpu.sem_alloc : memref<!tpu.dma_semaphore, #tpu.memory_space<semaphore_mem>>
      tpu.enqueue_dma source(%arg4 : memref<200x64xf32, #tpu.memory_space<hbm>>) target(%arg6 : memref<200x64xf32, #tpu.memory_space<vmem>>) target_semaphore(%run_scoped3A : memref<!tpu.dma_semaphore, #tpu.memory_space<semaphore_mem>>)
      tpu.wait_dma2 semaphore(%run_scoped3A : memref<!tpu.dma_semaphore, #tpu.memory_space<semaphore_mem>>) src(%arg4 : memref<200x64xf32, #tpu.memory_space<hbm>>) dst(%arg6 : memref<200x64xf32, #tpu.memory_space<vmem>>)
      tpu.yield
    }) : () -> ()
    %add3A_3 = arith.constant 0 : i32
    %add3A_4 = arith.addi %mul3A_2, %add3A_3 : i32
    "tpu.region"() ({
      %run_scoped3A = tpu.sem_alloc : memref<!tpu.dma_semaphore, #tpu.memory_space<semaphore_mem>>
      %dma_start3A_1040 = tpu.memref_slice %arg2[%add3A_4] : memref<204800xi32, #tpu.memory_space<hbm>> -> memref<800xi32, #tpu.memory_space<hbm>>
      %dma_start3A_1041 = tpu.memref_slice %arg2[%add3A_4] : memref<204800xi32, #tpu.memory_space<hbm>> -> memref<800xi32, #tpu.memory_space<hbm>>
      tpu.enqueue_dma source(%dma_start3A_1041 : memref<800xi32, #tpu.memory_space<hbm>>) target(%arg7 : memref<800xi32, #tpu.memory_space<vmem>>) target_semaphore(%run_scoped3A : memref<!tpu.dma_semaphore, #tpu.memory_space<semaphore_mem>>)
      %dma_wait3A_1042 = tpu.memref_slice %arg2[%add3A_4] : memref<204800xi32, #tpu.memory_space<hbm>> -> memref<800xi32, #tpu.memory_space<hbm>>
      %dma_wait3A_1043 = tpu.memref_slice %arg2[%add3A_4] : memref<204800xi32, #tpu.memory_space<hbm>> -> memref<800xi32, #tpu.memory_space<hbm>>
      tpu.wait_dma2 semaphore(%run_scoped3A : memref<!tpu.dma_semaphore, #tpu.memory_space<semaphore_mem>>) src(%dma_wait3A_1043 : memref<800xi32, #tpu.memory_space<hbm>>) dst(%arg7 : memref<800xi32, #tpu.memory_space<vmem>>)
      tpu.yield
    }) : () -> ()
    %dma_start3A = arith.constant 0 : i32
    %dma_start3A_5 = arith.constant 0 : i32
    %dma_start3A_6 = tpu.memref_slice %arg9[%dma_start3A, %dma_start3A_5] : memref<800x64xf32, #tpu.memory_space<vmem>> -> memref<128x64xf32, #tpu.memory_space<vmem>>
    %dma_start3A_7 = arith.constant 0 : i32
    %dma_start3A_8 = tpu.memref_slice %arg7[%dma_start3A_7] : memref<800xi32, #tpu.memory_space<vmem>> -> memref<128xi32, #tpu.memory_space<vmem>>
    %dma_start3A_9 = arith.constant 0 : i32
    %dma_start3A_10 = arith.constant 0 : i32
    %dma_start3A_11 = tpu.memref_slice %arg3[%dma_start3A_9, %dma_start3A_10] : memref<1000000x64xf32, #tpu.memory_space<hbm>> -> memref<1000000x64xf32, #tpu.memory_space<hbm>>
    tpu.enqueue_indirect_dma source(%dma_start3A_11 : memref<1000000x64xf32, #tpu.memory_space<hbm>>) target(%dma_start3A_6 : memref<128x64xf32, #tpu.memory_space<vmem>>) offsets(%dma_start3A_8 : memref<128xi32, #tpu.memory_space<vmem>>) semaphore(%arg11 : memref<!tpu.dma_semaphore, #tpu.memory_space<semaphore_mem>>)
    %dma_start3A_12 = arith.constant 128 : i32
    %dma_start3A_13 = arith.constant 0 : i32
    %dma_start3A_14 = tpu.memref_slice %arg9[%dma_start3A_12, %dma_start3A_13] : memref<800x64xf32, #tpu.memory_space<vmem>> -> memref<128x64xf32, #tpu.memory_space<vmem>>
    %dma_start3A_15 = arith.constant 128 : i32
    %dma_start3A_16 = tpu.memref_slice %arg7[%dma_start3A_15] : memref<800xi32, #tpu.memory_space<vmem>> -> memref<128xi32, #tpu.memory_space<vmem>>
    %dma_start3A_17 = arith.constant 0 : i32
    %dma_start3A_18 = arith.constant 0 : i32
    %dma_start3A_19 = tpu.memref_slice %arg3[%dma_start3A_17, %dma_start3A_18] : memref<1000000x64xf32, #tpu.memory_space<hbm>> -> memref<1000000x64xf32, #tpu.memory_space<hbm>>
    tpu.enqueue_indirect_dma source(%dma_start3A_19 : memref<1000000x64xf32, #tpu.memory_space<hbm>>) target(%dma_start3A_14 : memref<128x64xf32, #tpu.memory_space<vmem>>) offsets(%dma_start3A_16 : memref<128xi32, #tpu.memory_space<vmem>>) semaphore(%arg11 : memref<!tpu.dma_semaphore, #tpu.memory_space<semaphore_mem>>)
    %dma_start3A_20 = arith.constant 256 : i32
    %dma_start3A_21 = arith.constant 0 : i32
    %dma_start3A_22 = tpu.memref_slice %arg9[%dma_start3A_20, %dma_start3A_21] : memref<800x64xf32, #tpu.memory_space<vmem>> -> memref<128x64xf32, #tpu.memory_space<vmem>>
    %dma_start3A_23 = arith.constant 256 : i32
    %dma_start3A_24 = tpu.memref_slice %arg7[%dma_start3A_23] : memref<800xi32, #tpu.memory_space<vmem>> -> memref<128xi32, #tpu.memory_space<vmem>>
    %dma_start3A_25 = arith.constant 0 : i32
    %dma_start3A_26 = arith.constant 0 : i32
    %dma_start3A_27 = tpu.memref_slice %arg3[%dma_start3A_25, %dma_start3A_26] : memref<1000000x64xf32, #tpu.memory_space<hbm>> -> memref<1000000x64xf32, #tpu.memory_space<hbm>>
    tpu.enqueue_indirect_dma source(%dma_start3A_27 : memref<1000000x64xf32, #tpu.memory_space<hbm>>) target(%dma_start3A_22 : memref<128x64xf32, #tpu.memory_space<vmem>>) offsets(%dma_start3A_24 : memref<128xi32, #tpu.memory_space<vmem>>) semaphore(%arg11 : memref<!tpu.dma_semaphore, #tpu.memory_space<semaphore_mem>>)
    %dma_start3A_28 = arith.constant 384 : i32
    %dma_start3A_29 = arith.constant 0 : i32
    %dma_start3A_30 = tpu.memref_slice %arg9[%dma_start3A_28, %dma_start3A_29] : memref<800x64xf32, #tpu.memory_space<vmem>> -> memref<128x64xf32, #tpu.memory_space<vmem>>
    %dma_start3A_31 = arith.constant 384 : i32
    %dma_start3A_32 = tpu.memref_slice %arg7[%dma_start3A_31] : memref<800xi32, #tpu.memory_space<vmem>> -> memref<128xi32, #tpu.memory_space<vmem>>
    %dma_start3A_33 = arith.constant 0 : i32
    %dma_start3A_34 = arith.constant 0 : i32
    %dma_start3A_35 = tpu.memref_slice %arg3[%dma_start3A_33, %dma_start3A_34] : memref<1000000x64xf32, #tpu.memory_space<hbm>> -> memref<1000000x64xf32, #tpu.memory_space<hbm>>
    tpu.enqueue_indirect_dma source(%dma_start3A_35 : memref<1000000x64xf32, #tpu.memory_space<hbm>>) target(%dma_start3A_30 : memref<128x64xf32, #tpu.memory_space<vmem>>) offsets(%dma_start3A_32 : memref<128xi32, #tpu.memory_space<vmem>>) semaphore(%arg11 : memref<!tpu.dma_semaphore, #tpu.memory_space<semaphore_mem>>)
    %dma_start3A_36 = arith.constant 512 : i32
    %dma_start3A_37 = arith.constant 0 : i32
    %dma_start3A_38 = tpu.memref_slice %arg9[%dma_start3A_36, %dma_start3A_37] : memref<800x64xf32, #tpu.memory_space<vmem>> -> memref<128x64xf32, #tpu.memory_space<vmem>>
    %dma_start3A_39 = arith.constant 512 : i32
    %dma_start3A_40 = tpu.memref_slice %arg7[%dma_start3A_39] : memref<800xi32, #tpu.memory_space<vmem>> -> memref<128xi32, #tpu.memory_space<vmem>>
    %dma_start3A_41 = arith.constant 0 : i32
    %dma_start3A_42 = arith.constant 0 : i32
    %dma_start3A_43 = tpu.memref_slice %arg3[%dma_start3A_41, %dma_start3A_42] : memref<1000000x64xf32, #tpu.memory_space<hbm>> -> memref<1000000x64xf32, #tpu.memory_space<hbm>>
    tpu.enqueue_indirect_dma source(%dma_start3A_43 : memref<1000000x64xf32, #tpu.memory_space<hbm>>) target(%dma_start3A_38 : memref<128x64xf32, #tpu.memory_space<vmem>>) offsets(%dma_start3A_40 : memref<128xi32, #tpu.memory_space<vmem>>) semaphore(%arg11 : memref<!tpu.dma_semaphore, #tpu.memory_space<semaphore_mem>>)
    %dma_start3A_44 = arith.constant 640 : i32
    %dma_start3A_45 = arith.constant 0 : i32
    %dma_start3A_46 = tpu.memref_slice %arg9[%dma_start3A_44, %dma_start3A_45] : memref<800x64xf32, #tpu.memory_space<vmem>> -> memref<128x64xf32, #tpu.memory_space<vmem>>
    %dma_start3A_47 = arith.constant 640 : i32
    %dma_start3A_48 = tpu.memref_slice %arg7[%dma_start3A_47] : memref<800xi32, #tpu.memory_space<vmem>> -> memref<128xi32, #tpu.memory_space<vmem>>
    %dma_start3A_49 = arith.constant 0 : i32
    %dma_start3A_50 = arith.constant 0 : i32
    %dma_start3A_51 = tpu.memref_slice %arg3[%dma_start3A_49, %dma_start3A_50] : memref<1000000x64xf32, #tpu.memory_space<hbm>> -> memref<1000000x64xf32, #tpu.memory_space<hbm>>
    tpu.enqueue_indirect_dma source(%dma_start3A_51 : memref<1000000x64xf32, #tpu.memory_space<hbm>>) target(%dma_start3A_46 : memref<128x64xf32, #tpu.memory_space<vmem>>) offsets(%dma_start3A_48 : memref<128xi32, #tpu.memory_space<vmem>>) semaphore(%arg11 : memref<!tpu.dma_semaphore, #tpu.memory_space<semaphore_mem>>)
    %dma_start3A_52 = arith.constant 768 : i32
    %dma_start3A_53 = arith.constant 0 : i32
    %dma_start3A_54 = tpu.memref_slice %arg9[%dma_start3A_52, %dma_start3A_53] : memref<800x64xf32, #tpu.memory_space<vmem>> -> memref<32x64xf32, #tpu.memory_space<vmem>>
    %dma_start3A_55 = arith.constant 768 : i32
    %dma_start3A_56 = tpu.memref_slice %arg7[%dma_start3A_55] : memref<800xi32, #tpu.memory_space<vmem>> -> memref<32xi32, #tpu.memory_space<vmem>>
    %dma_start3A_57 = arith.constant 0 : i32
    %dma_start3A_58 = arith.constant 0 : i32
    %dma_start3A_59 = tpu.memref_slice %arg3[%dma_start3A_57, %dma_start3A_58] : memref<1000000x64xf32, #tpu.memory_space<hbm>> -> memref<1000000x64xf32, #tpu.memory_space<hbm>>
    tpu.enqueue_indirect_dma source(%dma_start3A_59 : memref<1000000x64xf32, #tpu.memory_space<hbm>>) target(%dma_start3A_54 : memref<32x64xf32, #tpu.memory_space<vmem>>) offsets(%dma_start3A_56 : memref<32xi32, #tpu.memory_space<vmem>>) semaphore(%arg11 : memref<!tpu.dma_semaphore, #tpu.memory_space<semaphore_mem>>)
    %add3A_60 = arith.constant 800 : i32
    %add3A_61 = arith.addi %mul3A_2, %add3A_60 : i32
    "tpu.region"() ({
      %run_scoped3A = tpu.sem_alloc : memref<!tpu.dma_semaphore, #tpu.memory_space<semaphore_mem>>
      %dma_start3A_1040 = tpu.memref_slice %arg2[%add3A_61] : memref<204800xi32, #tpu.memory_space<hbm>> -> memref<800xi32, #tpu.memory_space<hbm>>
      %dma_start3A_1041 = tpu.memref_slice %arg2[%add3A_61] : memref<204800xi32, #tpu.memory_space<hbm>> -> memref<800xi32, #tpu.memory_space<hbm>>
      tpu.enqueue_dma source(%dma_start3A_1041 : memref<800xi32, #tpu.memory_space<hbm>>) target(%arg8 : memref<800xi32, #tpu.memory_space<vmem>>) target_semaphore(%run_scoped3A : memref<!tpu.dma_semaphore, #tpu.memory_space<semaphore_mem>>)
      %dma_wait3A_1042 = tpu.memref_slice %arg2[%add3A_61] : memref<204800xi32, #tpu.memory_space<hbm>> -> memref<800xi32, #tpu.memory_space<hbm>>
      %dma_wait3A_1043 = tpu.memref_slice %arg2[%add3A_61] : memref<204800xi32, #tpu.memory_space<hbm>> -> memref<800xi32, #tpu.memory_space<hbm>>
      tpu.wait_dma2 semaphore(%run_scoped3A : memref<!tpu.dma_semaphore, #tpu.memory_space<semaphore_mem>>) src(%dma_wait3A_1043 : memref<800xi32, #tpu.memory_space<hbm>>) dst(%arg8 : memref<800xi32, #tpu.memory_space<vmem>>)
      tpu.yield
    }) : () -> ()
    %dma_start3A_62 = arith.constant 0 : i32
    %dma_start3A_63 = arith.constant 0 : i32
    %dma_start3A_64 = tpu.memref_slice %arg10[%dma_start3A_62, %dma_start3A_63] : memref<800x64xf32, #tpu.memory_space<vmem>> -> memref<128x64xf32, #tpu.memory_space<vmem>>
    %dma_start3A_65 = arith.constant 0 : i32
    %dma_start3A_66 = tpu.memref_slice %arg8[%dma_start3A_65] : memref<800xi32, #tpu.memory_space<vmem>> -> memref<128xi32, #tpu.memory_space<vmem>>
    %dma_start3A_67 = arith.constant 0 : i32
    %dma_start3A_68 = arith.constant 0 : i32
    %dma_start3A_69 = tpu.memref_slice %arg3[%dma_start3A_67, %dma_start3A_68] : memref<1000000x64xf32, #tpu.memory_space<hbm>> -> memref<1000000x64xf32, #tpu.memory_space<hbm>>
    tpu.enqueue_indirect_dma source(%dma_start3A_69 : memref<1000000x64xf32, #tpu.memory_space<hbm>>) target(%dma_start3A_64 : memref<128x64xf32, #tpu.memory_space<vmem>>) offsets(%dma_start3A_66 : memref<128xi32, #tpu.memory_space<vmem>>) semaphore(%arg12 : memref<!tpu.dma_semaphore, #tpu.memory_space<semaphore_mem>>)
    %dma_start3A_70 = arith.constant 128 : i32
    %dma_start3A_71 = arith.constant 0 : i32
    %dma_start3A_72 = tpu.memref_slice %arg10[%dma_start3A_70, %dma_start3A_71] : memref<800x64xf32, #tpu.memory_space<vmem>> -> memref<128x64xf32, #tpu.memory_space<vmem>>
    %dma_start3A_73 = arith.constant 128 : i32
    %dma_start3A_74 = tpu.memref_slice %arg8[%dma_start3A_73] : memref<800xi32, #tpu.memory_space<vmem>> -> memref<128xi32, #tpu.memory_space<vmem>>
    %dma_start3A_75 = arith.constant 0 : i32
    %dma_start3A_76 = arith.constant 0 : i32
    %dma_start3A_77 = tpu.memref_slice %arg3[%dma_start3A_75, %dma_start3A_76] : memref<1000000x64xf32, #tpu.memory_space<hbm>> -> memref<1000000x64xf32, #tpu.memory_space<hbm>>
    tpu.enqueue_indirect_dma source(%dma_start3A_77 : memref<1000000x64xf32, #tpu.memory_space<hbm>>) target(%dma_start3A_72 : memref<128x64xf32, #tpu.memory_space<vmem>>) offsets(%dma_start3A_74 : memref<128xi32, #tpu.memory_space<vmem>>) semaphore(%arg12 : memref<!tpu.dma_semaphore, #tpu.memory_space<semaphore_mem>>)
    %dma_start3A_78 = arith.constant 256 : i32
    %dma_start3A_79 = arith.constant 0 : i32
    %dma_start3A_80 = tpu.memref_slice %arg10[%dma_start3A_78, %dma_start3A_79] : memref<800x64xf32, #tpu.memory_space<vmem>> -> memref<128x64xf32, #tpu.memory_space<vmem>>
    %dma_start3A_81 = arith.constant 256 : i32
    %dma_start3A_82 = tpu.memref_slice %arg8[%dma_start3A_81] : memref<800xi32, #tpu.memory_space<vmem>> -> memref<128xi32, #tpu.memory_space<vmem>>
    %dma_start3A_83 = arith.constant 0 : i32
    %dma_start3A_84 = arith.constant 0 : i32
    %dma_start3A_85 = tpu.memref_slice %arg3[%dma_start3A_83, %dma_start3A_84] : memref<1000000x64xf32, #tpu.memory_space<hbm>> -> memref<1000000x64xf32, #tpu.memory_space<hbm>>
    tpu.enqueue_indirect_dma source(%dma_start3A_85 : memref<1000000x64xf32, #tpu.memory_space<hbm>>) target(%dma_start3A_80 : memref<128x64xf32, #tpu.memory_space<vmem>>) offsets(%dma_start3A_82 : memref<128xi32, #tpu.memory_space<vmem>>) semaphore(%arg12 : memref<!tpu.dma_semaphore, #tpu.memory_space<semaphore_mem>>)
    %dma_start3A_86 = arith.constant 384 : i32
    %dma_start3A_87 = arith.constant 0 : i32
    %dma_start3A_88 = tpu.memref_slice %arg10[%dma_start3A_86, %dma_start3A_87] : memref<800x64xf32, #tpu.memory_space<vmem>> -> memref<128x64xf32, #tpu.memory_space<vmem>>
    %dma_start3A_89 = arith.constant 384 : i32
    %dma_start3A_90 = tpu.memref_slice %arg8[%dma_start3A_89] : memref<800xi32, #tpu.memory_space<vmem>> -> memref<128xi32, #tpu.memory_space<vmem>>
    %dma_start3A_91 = arith.constant 0 : i32
    %dma_start3A_92 = arith.constant 0 : i32
    %dma_start3A_93 = tpu.memref_slice %arg3[%dma_start3A_91, %dma_start3A_92] : memref<1000000x64xf32, #tpu.memory_space<hbm>> -> memref<1000000x64xf32, #tpu.memory_space<hbm>>
    tpu.enqueue_indirect_dma source(%dma_start3A_93 : memref<1000000x64xf32, #tpu.memory_space<hbm>>) target(%dma_start3A_88 : memref<128x64xf32, #tpu.memory_space<vmem>>) offsets(%dma_start3A_90 : memref<128xi32, #tpu.memory_space<vmem>>) semaphore(%arg12 : memref<!tpu.dma_semaphore, #tpu.memory_space<semaphore_mem>>)
    %dma_start3A_94 = arith.constant 512 : i32
    %dma_start3A_95 = arith.constant 0 : i32
    %dma_start3A_96 = tpu.memref_slice %arg10[%dma_start3A_94, %dma_start3A_95] : memref<800x64xf32, #tpu.memory_space<vmem>> -> memref<128x64xf32, #tpu.memory_space<vmem>>
    %dma_start3A_97 = arith.constant 512 : i32
    %dma_start3A_98 = tpu.memref_slice %arg8[%dma_start3A_97] : memref<800xi32, #tpu.memory_space<vmem>> -> memref<128xi32, #tpu.memory_space<vmem>>
    %dma_start3A_99 = arith.constant 0 : i32
    %dma_start3A_100 = arith.constant 0 : i32
    %dma_start3A_101 = tpu.memref_slice %arg3[%dma_start3A_99, %dma_start3A_100] : memref<1000000x64xf32, #tpu.memory_space<hbm>> -> memref<1000000x64xf32, #tpu.memory_space<hbm>>
    tpu.enqueue_indirect_dma source(%dma_start3A_101 : memref<1000000x64xf32, #tpu.memory_space<hbm>>) target(%dma_start3A_96 : memref<128x64xf32, #tpu.memory_space<vmem>>) offsets(%dma_start3A_98 : memref<128xi32, #tpu.memory_space<vmem>>) semaphore(%arg12 : memref<!tpu.dma_semaphore, #tpu.memory_space<semaphore_mem>>)
    %dma_start3A_102 = arith.constant 640 : i32
    %dma_start3A_103 = arith.constant 0 : i32
    %dma_start3A_104 = tpu.memref_slice %arg10[%dma_start3A_102, %dma_start3A_103] : memref<800x64xf32, #tpu.memory_space<vmem>> -> memref<128x64xf32, #tpu.memory_space<vmem>>
    %dma_start3A_105 = arith.constant 640 : i32
    %dma_start3A_106 = tpu.memref_slice %arg8[%dma_start3A_105] : memref<800xi32, #tpu.memory_space<vmem>> -> memref<128xi32, #tpu.memory_space<vmem>>
    %dma_start3A_107 = arith.constant 0 : i32
    %dma_start3A_108 = arith.constant 0 : i32
    %dma_start3A_109 = tpu.memref_slice %arg3[%dma_start3A_107, %dma_start3A_108] : memref<1000000x64xf32, #tpu.memory_space<hbm>> -> memref<1000000x64xf32, #tpu.memory_space<hbm>>
    tpu.enqueue_indirect_dma source(%dma_start3A_109 : memref<1000000x64xf32, #tpu.memory_space<hbm>>) target(%dma_start3A_104 : memref<128x64xf32, #tpu.memory_space<vmem>>) offsets(%dma_start3A_106 : memref<128xi32, #tpu.memory_space<vmem>>) semaphore(%arg12 : memref<!tpu.dma_semaphore, #tpu.memory_space<semaphore_mem>>)
    %dma_start3A_110 = arith.constant 768 : i32
    %dma_start3A_111 = arith.constant 0 : i32
    %dma_start3A_112 = tpu.memref_slice %arg10[%dma_start3A_110, %dma_start3A_111] : memref<800x64xf32, #tpu.memory_space<vmem>> -> memref<32x64xf32, #tpu.memory_space<vmem>>
    %dma_start3A_113 = arith.constant 768 : i32
    %dma_start3A_114 = tpu.memref_slice %arg8[%dma_start3A_113] : memref<800xi32, #tpu.memory_space<vmem>> -> memref<32xi32, #tpu.memory_space<vmem>>
    %dma_start3A_115 = arith.constant 0 : i32
    %dma_start3A_116 = arith.constant 0 : i32
    %dma_start3A_117 = tpu.memref_slice %arg3[%dma_start3A_115, %dma_start3A_116] : memref<1000000x64xf32, #tpu.memory_space<hbm>> -> memref<1000000x64xf32, #tpu.memory_space<hbm>>
    tpu.enqueue_indirect_dma source(%dma_start3A_117 : memref<1000000x64xf32, #tpu.memory_space<hbm>>) target(%dma_start3A_112 : memref<32x64xf32, #tpu.memory_space<vmem>>) offsets(%dma_start3A_114 : memref<32xi32, #tpu.memory_space<vmem>>) semaphore(%arg12 : memref<!tpu.dma_semaphore, #tpu.memory_space<semaphore_mem>>)
    %dma_wait3A = arith.constant 0 : i32
    %dma_wait3A_118 = arith.constant 0 : i32
    %dma_wait3A_119 = tpu.memref_slice %arg9[%dma_wait3A, %dma_wait3A_118] : memref<800x64xf32, #tpu.memory_space<vmem>> -> memref<128x64xf32, #tpu.memory_space<vmem>>
    %dma_wait3A_120 = arith.constant 0 : i32
    %dma_wait3A_121 = tpu.memref_slice %arg7[%dma_wait3A_120] : memref<800xi32, #tpu.memory_space<vmem>> -> memref<128xi32, #tpu.memory_space<vmem>>
    %dma_wait3A_122 = arith.constant 0 : i32
    %dma_wait3A_123 = arith.constant 0 : i32
    %dma_wait3A_124 = tpu.memref_slice %arg3[%dma_wait3A_122, %dma_wait3A_123] : memref<1000000x64xf32, #tpu.memory_space<hbm>> -> memref<1000000x64xf32, #tpu.memory_space<hbm>>
    tpu.wait_indirect_dma semaphore(%arg11 : memref<!tpu.dma_semaphore, #tpu.memory_space<semaphore_mem>>) src(%dma_wait3A_124 : memref<1000000x64xf32, #tpu.memory_space<hbm>>) dst(%dma_wait3A_119 : memref<128x64xf32, #tpu.memory_space<vmem>>)
    %dma_wait3A_125 = arith.constant 128 : i32
    %dma_wait3A_126 = arith.constant 0 : i32
    %dma_wait3A_127 = tpu.memref_slice %arg9[%dma_wait3A_125, %dma_wait3A_126] : memref<800x64xf32, #tpu.memory_space<vmem>> -> memref<128x64xf32, #tpu.memory_space<vmem>>
    %dma_wait3A_128 = arith.constant 128 : i32
    %dma_wait3A_129 = tpu.memref_slice %arg7[%dma_wait3A_128] : memref<800xi32, #tpu.memory_space<vmem>> -> memref<128xi32, #tpu.memory_space<vmem>>
    %dma_wait3A_130 = arith.constant 0 : i32
    %dma_wait3A_131 = arith.constant 0 : i32
    %dma_wait3A_132 = tpu.memref_slice %arg3[%dma_wait3A_130, %dma_wait3A_131] : memref<1000000x64xf32, #tpu.memory_space<hbm>> -> memref<1000000x64xf32, #tpu.memory_space<hbm>>
    tpu.wait_indirect_dma semaphore(%arg11 : memref<!tpu.dma_semaphore, #tpu.memory_space<semaphore_mem>>) src(%dma_wait3A_132 : memref<1000000x64xf32, #tpu.memory_space<hbm>>) dst(%dma_wait3A_127 : memref<128x64xf32, #tpu.memory_space<vmem>>)
    %dma_wait3A_133 = arith.constant 256 : i32
    %dma_wait3A_134 = arith.constant 0 : i32
    %dma_wait3A_135 = tpu.memref_slice %arg9[%dma_wait3A_133, %dma_wait3A_134] : memref<800x64xf32, #tpu.memory_space<vmem>> -> memref<128x64xf32, #tpu.memory_space<vmem>>
    %dma_wait3A_136 = arith.constant 256 : i32
    %dma_wait3A_137 = tpu.memref_slice %arg7[%dma_wait3A_136] : memref<800xi32, #tpu.memory_space<vmem>> -> memref<128xi32, #tpu.memory_space<vmem>>
    %dma_wait3A_138 = arith.constant 0 : i32
    %dma_wait3A_139 = arith.constant 0 : i32
    %dma_wait3A_140 = tpu.memref_slice %arg3[%dma_wait3A_138, %dma_wait3A_139] : memref<1000000x64xf32, #tpu.memory_space<hbm>> -> memref<1000000x64xf32, #tpu.memory_space<hbm>>
    tpu.wait_indirect_dma semaphore(%arg11 : memref<!tpu.dma_semaphore, #tpu.memory_space<semaphore_mem>>) src(%dma_wait3A_140 : memref<1000000x64xf32, #tpu.memory_space<hbm>>) dst(%dma_wait3A_135 : memref<128x64xf32, #tpu.memory_space<vmem>>)
    %dma_wait3A_141 = arith.constant 384 : i32
    %dma_wait3A_142 = arith.constant 0 : i32
    %dma_wait3A_143 = tpu.memref_slice %arg9[%dma_wait3A_141, %dma_wait3A_142] : memref<800x64xf32, #tpu.memory_space<vmem>> -> memref<128x64xf32, #tpu.memory_space<vmem>>
    %dma_wait3A_144 = arith.constant 384 : i32
    %dma_wait3A_145 = tpu.memref_slice %arg7[%dma_wait3A_144] : memref<800xi32, #tpu.memory_space<vmem>> -> memref<128xi32, #tpu.memory_space<vmem>>
    %dma_wait3A_146 = arith.constant 0 : i32
    %dma_wait3A_147 = arith.constant 0 : i32
    %dma_wait3A_148 = tpu.memref_slice %arg3[%dma_wait3A_146, %dma_wait3A_147] : memref<1000000x64xf32, #tpu.memory_space<hbm>> -> memref<1000000x64xf32, #tpu.memory_space<hbm>>
    tpu.wait_indirect_dma semaphore(%arg11 : memref<!tpu.dma_semaphore, #tpu.memory_space<semaphore_mem>>) src(%dma_wait3A_148 : memref<1000000x64xf32, #tpu.memory_space<hbm>>) dst(%dma_wait3A_143 : memref<128x64xf32, #tpu.memory_space<vmem>>)
    %dma_wait3A_149 = arith.constant 512 : i32
    %dma_wait3A_150 = arith.constant 0 : i32
    %dma_wait3A_151 = tpu.memref_slice %arg9[%dma_wait3A_149, %dma_wait3A_150] : memref<800x64xf32, #tpu.memory_space<vmem>> -> memref<128x64xf32, #tpu.memory_space<vmem>>
    %dma_wait3A_152 = arith.constant 512 : i32
    %dma_wait3A_153 = tpu.memref_slice %arg7[%dma_wait3A_152] : memref<800xi32, #tpu.memory_space<vmem>> -> memref<128xi32, #tpu.memory_space<vmem>>
    %dma_wait3A_154 = arith.constant 0 : i32
    %dma_wait3A_155 = arith.constant 0 : i32
    %dma_wait3A_156 = tpu.memref_slice %arg3[%dma_wait3A_154, %dma_wait3A_155] : memref<1000000x64xf32, #tpu.memory_space<hbm>> -> memref<1000000x64xf32, #tpu.memory_space<hbm>>
    tpu.wait_indirect_dma semaphore(%arg11 : memref<!tpu.dma_semaphore, #tpu.memory_space<semaphore_mem>>) src(%dma_wait3A_156 : memref<1000000x64xf32, #tpu.memory_space<hbm>>) dst(%dma_wait3A_151 : memref<128x64xf32, #tpu.memory_space<vmem>>)
    %dma_wait3A_157 = arith.constant 640 : i32
    %dma_wait3A_158 = arith.constant 0 : i32
    %dma_wait3A_159 = tpu.memref_slice %arg9[%dma_wait3A_157, %dma_wait3A_158] : memref<800x64xf32, #tpu.memory_space<vmem>> -> memref<128x64xf32, #tpu.memory_space<vmem>>
    %dma_wait3A_160 = arith.constant 640 : i32
    %dma_wait3A_161 = tpu.memref_slice %arg7[%dma_wait3A_160] : memref<800xi32, #tpu.memory_space<vmem>> -> memref<128xi32, #tpu.memory_space<vmem>>
    %dma_wait3A_162 = arith.constant 0 : i32
    %dma_wait3A_163 = arith.constant 0 : i32
    %dma_wait3A_164 = tpu.memref_slice %arg3[%dma_wait3A_162, %dma_wait3A_163] : memref<1000000x64xf32, #tpu.memory_space<hbm>> -> memref<1000000x64xf32, #tpu.memory_space<hbm>>
    tpu.wait_indirect_dma semaphore(%arg11 : memref<!tpu.dma_semaphore, #tpu.memory_space<semaphore_mem>>) src(%dma_wait3A_164 : memref<1000000x64xf32, #tpu.memory_space<hbm>>) dst(%dma_wait3A_159 : memref<128x64xf32, #tpu.memory_space<vmem>>)
    %dma_wait3A_165 = arith.constant 768 : i32
    %dma_wait3A_166 = arith.constant 0 : i32
    %dma_wait3A_167 = tpu.memref_slice %arg9[%dma_wait3A_165, %dma_wait3A_166] : memref<800x64xf32, #tpu.memory_space<vmem>> -> memref<32x64xf32, #tpu.memory_space<vmem>>
    %dma_wait3A_168 = arith.constant 768 : i32
    %dma_wait3A_169 = tpu.memref_slice %arg7[%dma_wait3A_168] : memref<800xi32, #tpu.memory_space<vmem>> -> memref<32xi32, #tpu.memory_space<vmem>>
    %dma_wait3A_170 = arith.constant 0 : i32
    %dma_wait3A_171 = arith.constant 0 : i32
    %dma_wait3A_172 = tpu.memref_slice %arg3[%dma_wait3A_170, %dma_wait3A_171] : memref<1000000x64xf32, #tpu.memory_space<hbm>> -> memref<1000000x64xf32, #tpu.memory_space<hbm>>
    tpu.wait_indirect_dma semaphore(%arg11 : memref<!tpu.dma_semaphore, #tpu.memory_space<semaphore_mem>>) src(%dma_wait3A_172 : memref<1000000x64xf32, #tpu.memory_space<hbm>>) dst(%dma_wait3A_167 : memref<32x64xf32, #tpu.memory_space<vmem>>)
    %scan3A = arith.constant 0 : i32
    %scan3A_173 = arith.constant 0 : i32
    %scan3A_174 = arith.constant 200 : i32
    %scan3A_175 = arith.addi %scan3A_173, %scan3A_174 : i32
    %scan3A_176 = arith.constant 1 : i32
    scf.for %scan3A_1040 = %scan3A_173 to %scan3A_175 step %scan3A_176  : i32 {
      %get3A = arith.index_cast %scan3A_1040 : i32 to index
      %get3A_1041 = arith.constant 0 : index
      %get3A_1042 = tpu.vector_load %arg6[%get3A, %get3A_1041] {strides = array<i32>} : memref<200x64xf32, #tpu.memory_space<vmem>>, vector<1x16xf32>,
      %get3A_1043 = vector.shape_cast %get3A_1042 : vector<1x16xf32> to vector<16xf32>
      %get3A_1044 = arith.index_cast %scan3A_1040 : i32 to index
      %get3A_1045 = arith.constant 16 : index
      %get3A_1046 = tpu.vector_load %arg6[%get3A_1044, %get3A_1045] {strides = array<i32>} : memref<200x64xf32, #tpu.memory_space<vmem>>, vector<1x16xf32>,
      %get3A_1047 = vector.shape_cast %get3A_1046 : vector<1x16xf32> to vector<16xf32>
      %get3A_1048 = arith.index_cast %scan3A_1040 : i32 to index
      %get3A_1049 = arith.constant 32 : index
      %get3A_1050 = tpu.vector_load %arg6[%get3A_1048, %get3A_1049] {strides = array<i32>} : memref<200x64xf32, #tpu.memory_space<vmem>>, vector<1x16xf32>,
      %get3A_1051 = vector.shape_cast %get3A_1050 : vector<1x16xf32> to vector<16xf32>
      %get3A_1052 = arith.index_cast %scan3A_1040 : i32 to index
      %get3A_1053 = arith.constant 48 : index
      %get3A_1054 = tpu.vector_load %arg6[%get3A_1052, %get3A_1053] {strides = array<i32>} : memref<200x64xf32, #tpu.memory_space<vmem>>, vector<1x16xf32>,
      %get3A_1055 = vector.shape_cast %get3A_1054 : vector<1x16xf32> to vector<16xf32>
      %add3A_1056 = arith.constant 0 : i32
      %add3A_1057 = arith.addi %add3A_1056, %scan3A_1040 : i32
      %swap3A = arith.index_cast %add3A_1057 : i32 to index
      %swap3A_1058 = arith.constant 0 : index
      %swap3A_1059 = tpu.vector_load %arg9[%swap3A, %swap3A_1058] {strides = array<i32>} : memref<800x64xf32, #tpu.memory_space<vmem>>, vector<1x16xf32>,
      %swap3A_1060 = vector.shape_cast %swap3A_1059 : vector<1x16xf32> to vector<16xf32>
      %swap3A_1061 = vector.shape_cast %get3A_1043 : vector<16xf32> to vector<1x16xf32>
      tpu.vector_store %arg9[%swap3A, %swap3A_1058], %swap3A_1061 {add = true, strides = array<i32>} : memref<800x64xf32, #tpu.memory_space<vmem>>, vector<1x16xf32>,
      %add3A_1062 = arith.constant 0 : i32
      %add3A_1063 = arith.addi %add3A_1062, %scan3A_1040 : i32
      %swap3A_1064 = arith.index_cast %add3A_1063 : i32 to index
      %swap3A_1065 = arith.constant 16 : index
      %swap3A_1066 = tpu.vector_load %arg9[%swap3A_1064, %swap3A_1065] {strides = array<i32>} : memref<800x64xf32, #tpu.memory_space<vmem>>, vector<1x16xf32>,
      %swap3A_1067 = vector.shape_cast %swap3A_1066 : vector<1x16xf32> to vector<16xf32>
      %swap3A_1068 = vector.shape_cast %get3A_1047 : vector<16xf32> to vector<1x16xf32>
      tpu.vector_store %arg9[%swap3A_1064, %swap3A_1065], %swap3A_1068 {add = true, strides = array<i32>} : memref<800x64xf32, #tpu.memory_space<vmem>>, vector<1x16xf32>,
      %add3A_1069 = arith.constant 0 : i32
      %add3A_1070 = arith.addi %add3A_1069, %scan3A_1040 : i32
      %swap3A_1071 = arith.index_cast %add3A_1070 : i32 to index
      %swap3A_1072 = arith.constant 32 : index
      %swap3A_1073 = tpu.vector_load %arg9[%swap3A_1071, %swap3A_1072] {strides = array<i32>} : memref<800x64xf32, #tpu.memory_space<vmem>>, vector<1x16xf32>,
      %swap3A_1074 = vector.shape_cast %swap3A_1073 : vector<1x16xf32> to vector<16xf32>
      %swap3A_1075 = vector.shape_cast %get3A_1051 : vector<16xf32> to vector<1x16xf32>
      tpu.vector_store %arg9[%swap3A_1071, %swap3A_1072], %swap3A_1075 {add = true, strides = array<i32>} : memref<800x64xf32, #tpu.memory_space<vmem>>, vector<1x16xf32>,
      %add3A_1076 = arith.constant 0 : i32
      %add3A_1077 = arith.addi %add3A_1076, %scan3A_1040 : i32
      %swap3A_1078 = arith.index_cast %add3A_1077 : i32 to index
      %swap3A_1079 = arith.constant 48 : index
      %swap3A_1080 = tpu.vector_load %arg9[%swap3A_1078, %swap3A_1079] {strides = array<i32>} : memref<800x64xf32, #tpu.memory_space<vmem>>, vector<1x16xf32>,
      %swap3A_1081 = vector.shape_cast %swap3A_1080 : vector<1x16xf32> to vector<16xf32>
      %swap3A_1082 = vector.shape_cast %get3A_1055 : vector<16xf32> to vector<1x16xf32>
      tpu.vector_store %arg9[%swap3A_1078, %swap3A_1079], %swap3A_1082 {add = true, strides = array<i32>} : memref<800x64xf32, #tpu.memory_space<vmem>>, vector<1x16xf32>,
      %add3A_1083 = arith.constant 200 : i32
      %add3A_1084 = arith.addi %add3A_1083, %scan3A_1040 : i32
      %swap3A_1085 = arith.index_cast %add3A_1084 : i32 to index
      %swap3A_1086 = arith.constant 0 : index
      %swap3A_1087 = tpu.vector_load %arg9[%swap3A_1085, %swap3A_1086] {strides = array<i32>} : memref<800x64xf32, #tpu.memory_space<vmem>>, vector<1x16xf32>,
      %swap3A_1088 = vector.shape_cast %swap3A_1087 : vector<1x16xf32> to vector<16xf32>
      %swap3A_1089 = vector.shape_cast %get3A_1043 : vector<16xf32> to vector<1x16xf32>
      tpu.vector_store %arg9[%swap3A_1085, %swap3A_1086], %swap3A_1089 {add = true, strides = array<i32>} : memref<800x64xf32, #tpu.memory_space<vmem>>, vector<1x16xf32>,
      %add3A_1090 = arith.constant 200 : i32
      %add3A_1091 = arith.addi %add3A_1090, %scan3A_1040 : i32
      %swap3A_1092 = arith.index_cast %add3A_1091 : i32 to index
      %swap3A_1093 = arith.constant 16 : index
      %swap3A_1094 = tpu.vector_load %arg9[%swap3A_1092, %swap3A_1093] {strides = array<i32>} : memref<800x64xf32, #tpu.memory_space<vmem>>, vector<1x16xf32>,
      %swap3A_1095 = vector.shape_cast %swap3A_1094 : vector<1x16xf32> to vector<16xf32>
      %swap3A_1096 = vector.shape_cast %get3A_1047 : vector<16xf32> to vector<1x16xf32>
      tpu.vector_store %arg9[%swap3A_1092, %swap3A_1093], %swap3A_1096 {add = true, strides = array<i32>} : memref<800x64xf32, #tpu.memory_space<vmem>>, vector<1x16xf32>,
      %add3A_1097 = arith.constant 200 : i32
      %add3A_1098 = arith.addi %add3A_1097, %scan3A_1040 : i32
      %swap3A_1099 = arith.index_cast %add3A_1098 : i32 to index
      %swap3A_1100 = arith.constant 32 : index
      %swap3A_1101 = tpu.vector_load %arg9[%swap3A_1099, %swap3A_1100] {strides = array<i32>} : memref<800x64xf32, #tpu.memory_space<vmem>>, vector<1x16xf32>,
      %swap3A_1102 = vector.shape_cast %swap3A_1101 : vector<1x16xf32> to vector<16xf32>
      %swap3A_1103 = vector.shape_cast %get3A_1051 : vector<16xf32> to vector<1x16xf32>
      tpu.vector_store %arg9[%swap3A_1099, %swap3A_1100], %swap3A_1103 {add = true, strides = array<i32>} : memref<800x64xf32, #tpu.memory_space<vmem>>, vector<1x16xf32>,
      %add3A_1104 = arith.constant 200 : i32
      %add3A_1105 = arith.addi %add3A_1104, %scan3A_1040 : i32
      %swap3A_1106 = arith.index_cast %add3A_1105 : i32 to index
      %swap3A_1107 = arith.constant 48 : index
      %swap3A_1108 = tpu.vector_load %arg9[%swap3A_1106, %swap3A_1107] {strides = array<i32>} : memref<800x64xf32, #tpu.memory_space<vmem>>, vector<1x16xf32>,
      %swap3A_1109 = vector.shape_cast %swap3A_1108 : vector<1x16xf32> to vector<16xf32>
      %swap3A_1110 = vector.shape_cast %get3A_1055 : vector<16xf32> to vector<1x16xf32>
      tpu.vector_store %arg9[%swap3A_1106, %swap3A_1107], %swap3A_1110 {add = true, strides = array<i32>} : memref<800x64xf32, #tpu.memory_space<vmem>>, vector<1x16xf32>,
      %add3A_1111 = arith.constant 400 : i32
      %add3A_1112 = arith.addi %add3A_1111, %scan3A_1040 : i32
      %swap3A_1113 = arith.index_cast %add3A_1112 : i32 to index
      %swap3A_1114 = arith.constant 0 : index
      %swap3A_1115 = tpu.vector_load %arg9[%swap3A_1113, %swap3A_1114] {strides = array<i32>} : memref<800x64xf32, #tpu.memory_space<vmem>>, vector<1x16xf32>,
      %swap3A_1116 = vector.shape_cast %swap3A_1115 : vector<1x16xf32> to vector<16xf32>
      %swap3A_1117 = vector.shape_cast %get3A_1043 : vector<16xf32> to vector<1x16xf32>
      tpu.vector_store %arg9[%swap3A_1113, %swap3A_1114], %swap3A_1117 {add = true, strides = array<i32>} : memref<800x64xf32, #tpu.memory_space<vmem>>, vector<1x16xf32>,
      %add3A_1118 = arith.constant 400 : i32
      %add3A_1119 = arith.addi %add3A_1118, %scan3A_1040 : i32
      %swap3A_1120 = arith.index_cast %add3A_1119 : i32 to index
      %swap3A_1121 = arith.constant 16 : index
      %swap3A_1122 = tpu.vector_load %arg9[%swap3A_1120, %swap3A_1121] {strides = array<i32>} : memref<800x64xf32, #tpu.memory_space<vmem>>, vector<1x16xf32>,
      %swap3A_1123 = vector.shape_cast %swap3A_1122 : vector<1x16xf32> to vector<16xf32>
      %swap3A_1124 = vector.shape_cast %get3A_1047 : vector<16xf32> to vector<1x16xf32>
      tpu.vector_store %arg9[%swap3A_1120, %swap3A_1121], %swap3A_1124 {add = true, strides = array<i32>} : memref<800x64xf32, #tpu.memory_space<vmem>>, vector<1x16xf32>,
      %add3A_1125 = arith.constant 400 : i32
      %add3A_1126 = arith.addi %add3A_1125, %scan3A_1040 : i32
      %swap3A_1127 = arith.index_cast %add3A_1126 : i32 to index
      %swap3A_1128 = arith.constant 32 : index
      %swap3A_1129 = tpu.vector_load %arg9[%swap3A_1127, %swap3A_1128] {strides = array<i32>} : memref<800x64xf32, #tpu.memory_space<vmem>>, vector<1x16xf32>,
      %swap3A_1130 = vector.shape_cast %swap3A_1129 : vector<1x16xf32> to vector<16xf32>
      %swap3A_1131 = vector.shape_cast %get3A_1051 : vector<16xf32> to vector<1x16xf32>
      tpu.vector_store %arg9[%swap3A_1127, %swap3A_1128], %swap3A_1131 {add = true, strides = array<i32>} : memref<800x64xf32, #tpu.memory_space<vmem>>, vector<1x16xf32>,
      %add3A_1132 = arith.constant 400 : i32
      %add3A_1133 = arith.addi %add3A_1132, %scan3A_1040 : i32
      %swap3A_1134 = arith.index_cast %add3A_1133 : i32 to index
      %swap3A_1135 = arith.constant 48 : index
      %swap3A_1136 = tpu.vector_load %arg9[%swap3A_1134, %swap3A_1135] {strides = array<i32>} : memref<800x64xf32, #tpu.memory_space<vmem>>, vector<1x16xf32>,
      %swap3A_1137 = vector.shape_cast %swap3A_1136 : vector<1x16xf32> to vector<16xf32>
      %swap3A_1138 = vector.shape_cast %get3A_1055 : vector<16xf32> to vector<1x16xf32>
      tpu.vector_store %arg9[%swap3A_1134, %swap3A_1135], %swap3A_1138 {add = true, strides = array<i32>} : memref<800x64xf32, #tpu.memory_space<vmem>>, vector<1x16xf32>,
      %add3A_1139 = arith.constant 600 : i32
      %add3A_1140 = arith.addi %add3A_1139, %scan3A_1040 : i32
      %swap3A_1141 = arith.index_cast %add3A_1140 : i32 to index
      %swap3A_1142 = arith.constant 0 : index
      %swap3A_1143 = tpu.vector_load %arg9[%swap3A_1141, %swap3A_1142] {strides = array<i32>} : memref<800x64xf32, #tpu.memory_space<vmem>>, vector<1x16xf32>,
      %swap3A_1144 = vector.shape_cast %swap3A_1143 : vector<1x16xf32> to vector<16xf32>
      %swap3A_1145 = vector.shape_cast %get3A_1043 : vector<16xf32> to vector<1x16xf32>
      tpu.vector_store %arg9[%swap3A_1141, %swap3A_1142], %swap3A_1145 {add = true, strides = array<i32>} : memref<800x64xf32, #tpu.memory_space<vmem>>, vector<1x16xf32>,
      %add3A_1146 = arith.constant 600 : i32
      %add3A_1147 = arith.addi %add3A_1146, %scan3A_1040 : i32
      %swap3A_1148 = arith.index_cast %add3A_1147 : i32 to index
      %swap3A_1149 = arith.constant 16 : index
      %swap3A_1150 = tpu.vector_load %arg9[%swap3A_1148, %swap3A_1149] {strides = array<i32>} : memref<800x64xf32, #tpu.memory_space<vmem>>, vector<1x16xf32>,
      %swap3A_1151 = vector.shape_cast %swap3A_1150 : vector<1x16xf32> to vector<16xf32>
      %swap3A_1152 = vector.shape_cast %get3A_1047 : vector<16xf32> to vector<1x16xf32>
      tpu.vector_store %arg9[%swap3A_1148, %swap3A_1149], %swap3A_1152 {add = true, strides = array<i32>} : memref<800x64xf32, #tpu.memory_space<vmem>>, vector<1x16xf32>,
      %add3A_1153 = arith.constant 600 : i32
      %add3A_1154 = arith.addi %add3A_1153, %scan3A_1040 : i32
      %swap3A_1155 = arith.index_cast %add3A_1154 : i32 to index
      %swap3A_1156 = arith.constant 32 : index
      %swap3A_1157 = tpu.vector_load %arg9[%swap3A_1155, %swap3A_1156] {strides = array<i32>} : memref<800x64xf32, #tpu.memory_space<vmem>>, vector<1x16xf32>,
      %swap3A_1158 = vector.shape_cast %swap3A_1157 : vector<1x16xf32> to vector<16xf32>
      %swap3A_1159 = vector.shape_cast %get3A_1051 : vector<16xf32> to vector<1x16xf32>
      tpu.vector_store %arg9[%swap3A_1155, %swap3A_1156], %swap3A_1159 {add = true, strides = array<i32>} : memref<800x64xf32, #tpu.memory_space<vmem>>, vector<1x16xf32>,
      %add3A_1160 = arith.constant 600 : i32
      %add3A_1161 = arith.addi %add3A_1160, %scan3A_1040 : i32
      %swap3A_1162 = arith.index_cast %add3A_1161 : i32 to index
      %swap3A_1163 = arith.constant 48 : index
      %swap3A_1164 = tpu.vector_load %arg9[%swap3A_1162, %swap3A_1163] {strides = array<i32>} : memref<800x64xf32, #tpu.memory_space<vmem>>, vector<1x16xf32>,
      %swap3A_1165 = vector.shape_cast %swap3A_1164 : vector<1x16xf32> to vector<16xf32>
      %swap3A_1166 = vector.shape_cast %get3A_1055 : vector<16xf32> to vector<1x16xf32>
      tpu.vector_store %arg9[%swap3A_1162, %swap3A_1163], %swap3A_1166 {add = true, strides = array<i32>} : memref<800x64xf32, #tpu.memory_space<vmem>>, vector<1x16xf32>,
    }
    %scan3A_177 = arith.constant 200 : i32
    %add3A_178 = arith.constant 0 : i32
    %add3A_179 = arith.addi %mul3A_2, %add3A_178 : i32
    %dma_start3A_180 = arith.constant 0 : i32
    %dma_start3A_181 = tpu.memref_slice %arg5[%add3A_179, %dma_start3A_180] : memref<204800x64xf32, #tpu.memory_space<hbm>> -> memref<800x64xf32, #tpu.memory_space<hbm>>
    %dma_start3A_182 = arith.constant 0 : i32
    %dma_start3A_183 = tpu.memref_slice %arg5[%add3A_179, %dma_start3A_182] : memref<204800x64xf32, #tpu.memory_space<hbm>> -> memref<800x64xf32, #tpu.memory_space<hbm>>
    tpu.enqueue_dma source(%arg9 : memref<800x64xf32, #tpu.memory_space<vmem>>) target(%dma_start3A_183 : memref<800x64xf32, #tpu.memory_space<hbm>>) target_semaphore(%arg13 : memref<!tpu.dma_semaphore, #tpu.memory_space<semaphore_mem>>)
    %dma_wait3A_184 = arith.constant 0 : i32
    %dma_wait3A_185 = tpu.memref_slice %arg5[%add3A_179, %dma_wait3A_184] : memref<204800x64xf32, #tpu.memory_space<hbm>> -> memref<800x64xf32, #tpu.memory_space<hbm>>
    %dma_wait3A_186 = arith.constant 0 : i32
    %dma_wait3A_187 = tpu.memref_slice %arg5[%add3A_179, %dma_wait3A_186] : memref<204800x64xf32, #tpu.memory_space<hbm>> -> memref<800x64xf32, #tpu.memory_space<hbm>>
    tpu.wait_dma2 semaphore(%arg13 : memref<!tpu.dma_semaphore, #tpu.memory_space<semaphore_mem>>) src(%arg9 : memref<800x64xf32, #tpu.memory_space<vmem>>) dst(%dma_wait3A_187 : memref<800x64xf32, #tpu.memory_space<hbm>>)
    %add3A_188 = arith.constant 1600 : i32
    %add3A_189 = arith.addi %mul3A_2, %add3A_188 : i32
    "tpu.region"() ({
      %run_scoped3A = tpu.sem_alloc : memref<!tpu.dma_semaphore, #tpu.memory_space<semaphore_mem>>
      %dma_start3A_1040 = tpu.memref_slice %arg2[%add3A_189] : memref<204800xi32, #tpu.memory_space<hbm>> -> memref<800xi32, #tpu.memory_space<hbm>>
      %dma_start3A_1041 = tpu.memref_slice %arg2[%add3A_189] : memref<204800xi32, #tpu.memory_space<hbm>> -> memref<800xi32, #tpu.memory_space<hbm>>
      tpu.enqueue_dma source(%dma_start3A_1041 : memref<800xi32, #tpu.memory_space<hbm>>) target(%arg7 : memref<800xi32, #tpu.memory_space<vmem>>) target_semaphore(%run_scoped3A : memref<!tpu.dma_semaphore, #tpu.memory_space<semaphore_mem>>)
      %dma_wait3A_1042 = tpu.memref_slice %arg2[%add3A_189] : memref<204800xi32, #tpu.memory_space<hbm>> -> memref<800xi32, #tpu.memory_space<hbm>>
      %dma_wait3A_1043 = tpu.memref_slice %arg2[%add3A_189] : memref<204800xi32, #tpu.memory_space<hbm>> -> memref<800xi32, #tpu.memory_space<hbm>>
      tpu.wait_dma2 semaphore(%run_scoped3A : memref<!tpu.dma_semaphore, #tpu.memory_space<semaphore_mem>>) src(%dma_wait3A_1043 : memref<800xi32, #tpu.memory_space<hbm>>) dst(%arg7 : memref<800xi32, #tpu.memory_space<vmem>>)
      tpu.yield
    }) : () -> ()
    %dma_start3A_190 = arith.constant 0 : i32
    %dma_start3A_191 = arith.constant 0 : i32
    %dma_start3A_192 = tpu.memref_slice %arg9[%dma_start3A_190, %dma_start3A_191] : memref<800x64xf32, #tpu.memory_space<vmem>> -> memref<128x64xf32, #tpu.memory_space<vmem>>
    %dma_start3A_193 = arith.constant 0 : i32
    %dma_start3A_194 = tpu.memref_slice %arg7[%dma_start3A_193] : memref<800xi32, #tpu.memory_space<vmem>> -> memref<128xi32, #tpu.memory_space<vmem>>
    %dma_start3A_195 = arith.constant 0 : i32
    %dma_start3A_196 = arith.constant 0 : i32
    %dma_start3A_197 = tpu.memref_slice %arg3[%dma_start3A_195, %dma_start3A_196] : memref<1000000x64xf32, #tpu.memory_space<hbm>> -> memref<1000000x64xf32, #tpu.memory_space<hbm>>
    tpu.enqueue_indirect_dma source(%dma_start3A_197 : memref<1000000x64xf32, #tpu.memory_space<hbm>>) target(%dma_start3A_192 : memref<128x64xf32, #tpu.memory_space<vmem>>) offsets(%dma_start3A_194 : memref<128xi32, #tpu.memory_space<vmem>>) semaphore(%arg11 : memref<!tpu.dma_semaphore, #tpu.memory_space<semaphore_mem>>)
    %dma_start3A_198 = arith.constant 128 : i32
    %dma_start3A_199 = arith.constant 0 : i32
    %dma_start3A_200 = tpu.memref_slice %arg9[%dma_start3A_198, %dma_start3A_199] : memref<800x64xf32, #tpu.memory_space<vmem>> -> memref<128x64xf32, #tpu.memory_space<vmem>>
    %dma_start3A_201 = arith.constant 128 : i32
    %dma_start3A_202 = tpu.memref_slice %arg7[%dma_start3A_201] : memref<800xi32, #tpu.memory_space<vmem>> -> memref<128xi32, #tpu.memory_space<vmem>>
    %dma_start3A_203 = arith.constant 0 : i32
    %dma_start3A_204 = arith.constant 0 : i32
    %dma_start3A_205 = tpu.memref_slice %arg3[%dma_start3A_203, %dma_start3A_204] : memref<1000000x64xf32, #tpu.memory_space<hbm>> -> memref<1000000x64xf32, #tpu.memory_space<hbm>>
    tpu.enqueue_indirect_dma source(%dma_start3A_205 : memref<1000000x64xf32, #tpu.memory_space<hbm>>) target(%dma_start3A_200 : memref<128x64xf32, #tpu.memory_space<vmem>>) offsets(%dma_start3A_202 : memref<128xi32, #tpu.memory_space<vmem>>) semaphore(%arg11 : memref<!tpu.dma_semaphore, #tpu.memory_space<semaphore_mem>>)
    %dma_start3A_206 = arith.constant 256 : i32
    %dma_start3A_207 = arith.constant 0 : i32
    %dma_start3A_208 = tpu.memref_slice %arg9[%dma_start3A_206, %dma_start3A_207] : memref<800x64xf32, #tpu.memory_space<vmem>> -> memref<128x64xf32, #tpu.memory_space<vmem>>
    %dma_start3A_209 = arith.constant 256 : i32
    %dma_start3A_210 = tpu.memref_slice %arg7[%dma_start3A_209] : memref<800xi32, #tpu.memory_space<vmem>> -> memref<128xi32, #tpu.memory_space<vmem>>
    %dma_start3A_211 = arith.constant 0 : i32
    %dma_start3A_212 = arith.constant 0 : i32
    %dma_start3A_213 = tpu.memref_slice %arg3[%dma_start3A_211, %dma_start3A_212] : memref<1000000x64xf32, #tpu.memory_space<hbm>> -> memref<1000000x64xf32, #tpu.memory_space<hbm>>
    tpu.enqueue_indirect_dma source(%dma_start3A_213 : memref<1000000x64xf32, #tpu.memory_space<hbm>>) target(%dma_start3A_208 : memref<128x64xf32, #tpu.memory_space<vmem>>) offsets(%dma_start3A_210 : memref<128xi32, #tpu.memory_space<vmem>>) semaphore(%arg11 : memref<!tpu.dma_semaphore, #tpu.memory_space<semaphore_mem>>)
    %dma_start3A_214 = arith.constant 384 : i32
    %dma_start3A_215 = arith.constant 0 : i32
    %dma_start3A_216 = tpu.memref_slice %arg9[%dma_start3A_214, %dma_start3A_215] : memref<800x64xf32, #tpu.memory_space<vmem>> -> memref<128x64xf32, #tpu.memory_space<vmem>>
    %dma_start3A_217 = arith.constant 384 : i32
    %dma_start3A_218 = tpu.memref_slice %arg7[%dma_start3A_217] : memref<800xi32, #tpu.memory_space<vmem>> -> memref<128xi32, #tpu.memory_space<vmem>>
    %dma_start3A_219 = arith.constant 0 : i32
    %dma_start3A_220 = arith.constant 0 : i32
    %dma_start3A_221 = tpu.memref_slice %arg3[%dma_start3A_219, %dma_start3A_220] : memref<1000000x64xf32, #tpu.memory_space<hbm>> -> memref<1000000x64xf32, #tpu.memory_space<hbm>>
    tpu.enqueue_indirect_dma source(%dma_start3A_221 : memref<1000000x64xf32, #tpu.memory_space<hbm>>) target(%dma_start3A_216 : memref<128x64xf32, #tpu.memory_space<vmem>>) offsets(%dma_start3A_218 : memref<128xi32, #tpu.memory_space<vmem>>) semaphore(%arg11 : memref<!tpu.dma_semaphore, #tpu.memory_space<semaphore_mem>>)
    %dma_start3A_222 = arith.constant 512 : i32
    %dma_start3A_223 = arith.constant 0 : i32
    %dma_start3A_224 = tpu.memref_slice %arg9[%dma_start3A_222, %dma_start3A_223] : memref<800x64xf32, #tpu.memory_space<vmem>> -> memref<128x64xf32, #tpu.memory_space<vmem>>
    %dma_start3A_225 = arith.constant 512 : i32
    %dma_start3A_226 = tpu.memref_slice %arg7[%dma_start3A_225] : memref<800xi32, #tpu.memory_space<vmem>> -> memref<128xi32, #tpu.memory_space<vmem>>
    %dma_start3A_227 = arith.constant 0 : i32
    %dma_start3A_228 = arith.constant 0 : i32
    %dma_start3A_229 = tpu.memref_slice %arg3[%dma_start3A_227, %dma_start3A_228] : memref<1000000x64xf32, #tpu.memory_space<hbm>> -> memref<1000000x64xf32, #tpu.memory_space<hbm>>
    tpu.enqueue_indirect_dma source(%dma_start3A_229 : memref<1000000x64xf32, #tpu.memory_space<hbm>>) target(%dma_start3A_224 : memref<128x64xf32, #tpu.memory_space<vmem>>) offsets(%dma_start3A_226 : memref<128xi32, #tpu.memory_space<vmem>>) semaphore(%arg11 : memref<!tpu.dma_semaphore, #tpu.memory_space<semaphore_mem>>)
    %dma_start3A_230 = arith.constant 640 : i32
    %dma_start3A_231 = arith.constant 0 : i32
    %dma_start3A_232 = tpu.memref_slice %arg9[%dma_start3A_230, %dma_start3A_231] : memref<800x64xf32, #tpu.memory_space<vmem>> -> memref<128x64xf32, #tpu.memory_space<vmem>>
    %dma_start3A_233 = arith.constant 640 : i32
    %dma_start3A_234 = tpu.memref_slice %arg7[%dma_start3A_233] : memref<800xi32, #tpu.memory_space<vmem>> -> memref<128xi32, #tpu.memory_space<vmem>>
    %dma_start3A_235 = arith.constant 0 : i32
    %dma_start3A_236 = arith.constant 0 : i32
    %dma_start3A_237 = tpu.memref_slice %arg3[%dma_start3A_235, %dma_start3A_236] : memref<1000000x64xf32, #tpu.memory_space<hbm>> -> memref<1000000x64xf32, #tpu.memory_space<hbm>>
    tpu.enqueue_indirect_dma source(%dma_start3A_237 : memref<1000000x64xf32, #tpu.memory_space<hbm>>) target(%dma_start3A_232 : memref<128x64xf32, #tpu.memory_space<vmem>>) offsets(%dma_start3A_234 : memref<128xi32, #tpu.memory_space<vmem>>) semaphore(%arg11 : memref<!tpu.dma_semaphore, #tpu.memory_space<semaphore_mem>>)
    %dma_start3A_238 = arith.constant 768 : i32
    %dma_start3A_239 = arith.constant 0 : i32
    %dma_start3A_240 = tpu.memref_slice %arg9[%dma_start3A_238, %dma_start3A_239] : memref<800x64xf32, #tpu.memory_space<vmem>> -> memref<32x64xf32, #tpu.memory_space<vmem>>
    %dma_start3A_241 = arith.constant 768 : i32
    %dma_start3A_242 = tpu.memref_slice %arg7[%dma_start3A_241] : memref<800xi32, #tpu.memory_space<vmem>> -> memref<32xi32, #tpu.memory_space<vmem>>
    %dma_start3A_243 = arith.constant 0 : i32
    %dma_start3A_244 = arith.constant 0 : i32
    %dma_start3A_245 = tpu.memref_slice %arg3[%dma_start3A_243, %dma_start3A_244] : memref<1000000x64xf32, #tpu.memory_space<hbm>> -> memref<1000000x64xf32, #tpu.memory_space<hbm>>
    tpu.enqueue_indirect_dma source(%dma_start3A_245 : memref<1000000x64xf32, #tpu.memory_space<hbm>>) target(%dma_start3A_240 : memref<32x64xf32, #tpu.memory_space<vmem>>) offsets(%dma_start3A_242 : memref<32xi32, #tpu.memory_space<vmem>>) semaphore(%arg11 : memref<!tpu.dma_semaphore, #tpu.memory_space<semaphore_mem>>)
    %dma_wait3A_246 = arith.constant 0 : i32
    %dma_wait3A_247 = arith.constant 0 : i32
    %dma_wait3A_248 = tpu.memref_slice %arg10[%dma_wait3A_246, %dma_wait3A_247] : memref<800x64xf32, #tpu.memory_space<vmem>> -> memref<128x64xf32, #tpu.memory_space<vmem>>
    %dma_wait3A_249 = arith.constant 0 : i32
    %dma_wait3A_250 = tpu.memref_slice %arg8[%dma_wait3A_249] : memref<800xi32, #tpu.memory_space<vmem>> -> memref<128xi32, #tpu.memory_space<vmem>>
    %dma_wait3A_251 = arith.constant 0 : i32
    %dma_wait3A_252 = arith.constant 0 : i32
    %dma_wait3A_253 = tpu.memref_slice %arg3[%dma_wait3A_251, %dma_wait3A_252] : memref<1000000x64xf32, #tpu.memory_space<hbm>> -> memref<1000000x64xf32, #tpu.memory_space<hbm>>
    tpu.wait_indirect_dma semaphore(%arg12 : memref<!tpu.dma_semaphore, #tpu.memory_space<semaphore_mem>>) src(%dma_wait3A_253 : memref<1000000x64xf32, #tpu.memory_space<hbm>>) dst(%dma_wait3A_248 : memref<128x64xf32, #tpu.memory_space<vmem>>)
    %dma_wait3A_254 = arith.constant 128 : i32
    %dma_wait3A_255 = arith.constant 0 : i32
    %dma_wait3A_256 = tpu.memref_slice %arg10[%dma_wait3A_254, %dma_wait3A_255] : memref<800x64xf32, #tpu.memory_space<vmem>> -> memref<128x64xf32, #tpu.memory_space<vmem>>
    %dma_wait3A_257 = arith.constant 128 : i32
    %dma_wait3A_258 = tpu.memref_slice %arg8[%dma_wait3A_257] : memref<800xi32, #tpu.memory_space<vmem>> -> memref<128xi32, #tpu.memory_space<vmem>>
    %dma_wait3A_259 = arith.constant 0 : i32
    %dma_wait3A_260 = arith.constant 0 : i32
    %dma_wait3A_261 = tpu.memref_slice %arg3[%dma_wait3A_259, %dma_wait3A_260] : memref<1000000x64xf32, #tpu.memory_space<hbm>> -> memref<1000000x64xf32, #tpu.memory_space<hbm>>
    tpu.wait_indirect_dma semaphore(%arg12 : memref<!tpu.dma_semaphore, #tpu.memory_space<semaphore_mem>>) src(%dma_wait3A_261 : memref<1000000x64xf32, #tpu.memory_space<hbm>>) dst(%dma_wait3A_256 : memref<128x64xf32, #tpu.memory_space<vmem>>)
    %dma_wait3A_262 = arith.constant 256 : i32
    %dma_wait3A_263 = arith.constant 0 : i32
    %dma_wait3A_264 = tpu.memref_slice %arg10[%dma_wait3A_262, %dma_wait3A_263] : memref<800x64xf32, #tpu.memory_space<vmem>> -> memref<128x64xf32, #tpu.memory_space<vmem>>
    %dma_wait3A_265 = arith.constant 256 : i32
    %dma_wait3A_266 = tpu.memref_slice %arg8[%dma_wait3A_265] : memref<800xi32, #tpu.memory_space<vmem>> -> memref<128xi32, #tpu.memory_space<vmem>>
    %dma_wait3A_267 = arith.constant 0 : i32
    %dma_wait3A_268 = arith.constant 0 : i32
    %dma_wait3A_269 = tpu.memref_slice %arg3[%dma_wait3A_267, %dma_wait3A_268] : memref<1000000x64xf32, #tpu.memory_space<hbm>> -> memref<1000000x64xf32, #tpu.memory_space<hbm>>
    tpu.wait_indirect_dma semaphore(%arg12 : memref<!tpu.dma_semaphore, #tpu.memory_space<semaphore_mem>>) src(%dma_wait3A_269 : memref<1000000x64xf32, #tpu.memory_space<hbm>>) dst(%dma_wait3A_264 : memref<128x64xf32, #tpu.memory_space<vmem>>)
    %dma_wait3A_270 = arith.constant 384 : i32
    %dma_wait3A_271 = arith.constant 0 : i32
    %dma_wait3A_272 = tpu.memref_slice %arg10[%dma_wait3A_270, %dma_wait3A_271] : memref<800x64xf32, #tpu.memory_space<vmem>> -> memref<128x64xf32, #tpu.memory_space<vmem>>
    %dma_wait3A_273 = arith.constant 384 : i32
    %dma_wait3A_274 = tpu.memref_slice %arg8[%dma_wait3A_273] : memref<800xi32, #tpu.memory_space<vmem>> -> memref<128xi32, #tpu.memory_space<vmem>>
    %dma_wait3A_275 = arith.constant 0 : i32
    %dma_wait3A_276 = arith.constant 0 : i32
    %dma_wait3A_277 = tpu.memref_slice %arg3[%dma_wait3A_275, %dma_wait3A_276] : memref<1000000x64xf32, #tpu.memory_space<hbm>> -> memref<1000000x64xf32, #tpu.memory_space<hbm>>
    tpu.wait_indirect_dma semaphore(%arg12 : memref<!tpu.dma_semaphore, #tpu.memory_space<semaphore_mem>>) src(%dma_wait3A_277 : memref<1000000x64xf32, #tpu.memory_space<hbm>>) dst(%dma_wait3A_272 : memref<128x64xf32, #tpu.memory_space<vmem>>)
    %dma_wait3A_278 = arith.constant 512 : i32
    %dma_wait3A_279 = arith.constant 0 : i32
    %dma_wait3A_280 = tpu.memref_slice %arg10[%dma_wait3A_278, %dma_wait3A_279] : memref<800x64xf32, #tpu.memory_space<vmem>> -> memref<128x64xf32, #tpu.memory_space<vmem>>
    %dma_wait3A_281 = arith.constant 512 : i32
    %dma_wait3A_282 = tpu.memref_slice %arg8[%dma_wait3A_281] : memref<800xi32, #tpu.memory_space<vmem>> -> memref<128xi32, #tpu.memory_space<vmem>>
    %dma_wait3A_283 = arith.constant 0 : i32
    %dma_wait3A_284 = arith.constant 0 : i32
    %dma_wait3A_285 = tpu.memref_slice %arg3[%dma_wait3A_283, %dma_wait3A_284] : memref<1000000x64xf32, #tpu.memory_space<hbm>> -> memref<1000000x64xf32, #tpu.memory_space<hbm>>
    tpu.wait_indirect_dma semaphore(%arg12 : memref<!tpu.dma_semaphore, #tpu.memory_space<semaphore_mem>>) src(%dma_wait3A_285 : memref<1000000x64xf32, #tpu.memory_space<hbm>>) dst(%dma_wait3A_280 : memref<128x64xf32, #tpu.memory_space<vmem>>)
    %dma_wait3A_286 = arith.constant 640 : i32
    %dma_wait3A_287 = arith.constant 0 : i32
    %dma_wait3A_288 = tpu.memref_slice %arg10[%dma_wait3A_286, %dma_wait3A_287] : memref<800x64xf32, #tpu.memory_space<vmem>> -> memref<128x64xf32, #tpu.memory_space<vmem>>
    %dma_wait3A_289 = arith.constant 640 : i32
    %dma_wait3A_290 = tpu.memref_slice %arg8[%dma_wait3A_289] : memref<800xi32, #tpu.memory_space<vmem>> -> memref<128xi32, #tpu.memory_space<vmem>>
    %dma_wait3A_291 = arith.constant 0 : i32
    %dma_wait3A_292 = arith.constant 0 : i32
    %dma_wait3A_293 = tpu.memref_slice %arg3[%dma_wait3A_291, %dma_wait3A_292] : memref<1000000x64xf32, #tpu.memory_space<hbm>> -> memref<1000000x64xf32, #tpu.memory_space<hbm>>
    tpu.wait_indirect_dma semaphore(%arg12 : memref<!tpu.dma_semaphore, #tpu.memory_space<semaphore_mem>>) src(%dma_wait3A_293 : memref<1000000x64xf32, #tpu.memory_space<hbm>>) dst(%dma_wait3A_288 : memref<128x64xf32, #tpu.memory_space<vmem>>)
    %dma_wait3A_294 = arith.constant 768 : i32
    %dma_wait3A_295 = arith.constant 0 : i32
    %dma_wait3A_296 = tpu.memref_slice %arg10[%dma_wait3A_294, %dma_wait3A_295] : memref<800x64xf32, #tpu.memory_space<vmem>> -> memref<32x64xf32, #tpu.memory_space<vmem>>
    %dma_wait3A_297 = arith.constant 768 : i32
    %dma_wait3A_298 = tpu.memref_slice %arg8[%dma_wait3A_297] : memref<800xi32, #tpu.memory_space<vmem>> -> memref<32xi32, #tpu.memory_space<vmem>>
    %dma_wait3A_299 = arith.constant 0 : i32
    %dma_wait3A_300 = arith.constant 0 : i32
    %dma_wait3A_301 = tpu.memref_slice %arg3[%dma_wait3A_299, %dma_wait3A_300] : memref<1000000x64xf32, #tpu.memory_space<hbm>> -> memref<1000000x64xf32, #tpu.memory_space<hbm>>
    tpu.wait_indirect_dma semaphore(%arg12 : memref<!tpu.dma_semaphore, #tpu.memory_space<semaphore_mem>>) src(%dma_wait3A_301 : memref<1000000x64xf32, #tpu.memory_space<hbm>>) dst(%dma_wait3A_296 : memref<32x64xf32, #tpu.memory_space<vmem>>)
    %scan3A_302 = arith.constant 0 : i32
    %scan3A_303 = arith.constant 0 : i32
    %scan3A_304 = arith.constant 200 : i32
    %scan3A_305 = arith.addi %scan3A_303, %scan3A_304 : i32
    %scan3A_306 = arith.constant 1 : i32
    scf.for %scan3A_1040 = %scan3A_303 to %scan3A_305 step %scan3A_306  : i32 {
      %get3A = arith.index_cast %scan3A_1040 : i32 to index
      %get3A_1041 = arith.constant 0 : index
      %get3A_1042 = tpu.vector_load %arg6[%get3A, %get3A_1041] {strides = array<i32>} : memref<200x64xf32, #tpu.memory_space<vmem>>, vector<1x16xf32>,
      %get3A_1043 = vector.shape_cast %get3A_1042 : vector<1x16xf32> to vector<16xf32>
      %get3A_1044 = arith.index_cast %scan3A_1040 : i32 to index
      %get3A_1045 = arith.constant 16 : index
      %get3A_1046 = tpu.vector_load %arg6[%get3A_1044, %get3A_1045] {strides = array<i32>} : memref<200x64xf32, #tpu.memory_space<vmem>>, vector<1x16xf32>,
      %get3A_1047 = vector.shape_cast %get3A_1046 : vector<1x16xf32> to vector<16xf32>
      %get3A_1048 = arith.index_cast %scan3A_1040 : i32 to index
      %get3A_1049 = arith.constant 32 : index
      %get3A_1050 = tpu.vector_load %arg6[%get3A_1048, %get3A_1049] {strides = array<i32>} : memref<200x64xf32, #tpu.memory_space<vmem>>, vector<1x16xf32>,
      %get3A_1051 = vector.shape_cast %get3A_1050 : vector<1x16xf32> to vector<16xf32>
      %get3A_1052 = arith.index_cast %scan3A_1040 : i32 to index
      %get3A_1053 = arith.constant 48 : index
      %get3A_1054 = tpu.vector_load %arg6[%get3A_1052, %get3A_1053] {strides = array<i32>} : memref<200x64xf32, #tpu.memory_space<vmem>>, vector<1x16xf32>,
      %get3A_1055 = vector.shape_cast %get3A_1054 : vector<1x16xf32> to vector<16xf32>
      %add3A_1056 = arith.constant 0 : i32
      %add3A_1057 = arith.addi %add3A_1056, %scan3A_1040 : i32
      %swap3A = arith.index_cast %add3A_1057 : i32 to index
      %swap3A_1058 = arith.constant 0 : index
      %swap3A_1059 = tpu.vector_load %arg10[%swap3A, %swap3A_1058] {strides = array<i32>} : memref<800x64xf32, #tpu.memory_space<vmem>>, vector<1x16xf32>,
      %swap3A_1060 = vector.shape_cast %swap3A_1059 : vector<1x16xf32> to vector<16xf32>
      %swap3A_1061 = vector.shape_cast %get3A_1043 : vector<16xf32> to vector<1x16xf32>
      tpu.vector_store %arg10[%swap3A, %swap3A_1058], %swap3A_1061 {add = true, strides = array<i32>} : memref<800x64xf32, #tpu.memory_space<vmem>>, vector<1x16xf32>,
      %add3A_1062 = arith.constant 0 : i32
      %add3A_1063 = arith.addi %add3A_1062, %scan3A_1040 : i32
      %swap3A_1064 = arith.index_cast %add3A_1063 : i32 to index
      %swap3A_1065 = arith.constant 16 : index
      %swap3A_1066 = tpu.vector_load %arg10[%swap3A_1064, %swap3A_1065] {strides = array<i32>} : memref<800x64xf32, #tpu.memory_space<vmem>>, vector<1x16xf32>,
      %swap3A_1067 = vector.shape_cast %swap3A_1066 : vector<1x16xf32> to vector<16xf32>
      %swap3A_1068 = vector.shape_cast %get3A_1047 : vector<16xf32> to vector<1x16xf32>
      tpu.vector_store %arg10[%swap3A_1064, %swap3A_1065], %swap3A_1068 {add = true, strides = array<i32>} : memref<800x64xf32, #tpu.memory_space<vmem>>, vector<1x16xf32>,
      %add3A_1069 = arith.constant 0 : i32
      %add3A_1070 = arith.addi %add3A_1069, %scan3A_1040 : i32
      %swap3A_1071 = arith.index_cast %add3A_1070 : i32 to index
      %swap3A_1072 = arith.constant 32 : index
      %swap3A_1073 = tpu.vector_load %arg10[%swap3A_1071, %swap3A_1072] {strides = array<i32>} : memref<800x64xf32, #tpu.memory_space<vmem>>, vector<1x16xf32>,
      %swap3A_1074 = vector.shape_cast %swap3A_1073 : vector<1x16xf32> to vector<16xf32>
      %swap3A_1075 = vector.shape_cast %get3A_1051 : vector<16xf32> to vector<1x16xf32>
      tpu.vector_store %arg10[%swap3A_1071, %swap3A_1072], %swap3A_1075 {add = true, strides = array<i32>} : memref<800x64xf32, #tpu.memory_space<vmem>>, vector<1x16xf32>,
      %add3A_1076 = arith.constant 0 : i32
      %add3A_1077 = arith.addi %add3A_1076, %scan3A_1040 : i32
      %swap3A_1078 = arith.index_cast %add3A_1077 : i32 to index
      %swap3A_1079 = arith.constant 48 : index
      %swap3A_1080 = tpu.vector_load %arg10[%swap3A_1078, %swap3A_1079] {strides = array<i32>} : memref<800x64xf32, #tpu.memory_space<vmem>>, vector<1x16xf32>,
      %swap3A_1081 = vector.shape_cast %swap3A_1080 : vector<1x16xf32> to vector<16xf32>
      %swap3A_1082 = vector.shape_cast %get3A_1055 : vector<16xf32> to vector<1x16xf32>
      tpu.vector_store %arg10[%swap3A_1078, %swap3A_1079], %swap3A_1082 {add = true, strides = array<i32>} : memref<800x64xf32, #tpu.memory_space<vmem>>, vector<1x16xf32>,
      %add3A_1083 = arith.constant 200 : i32
      %add3A_1084 = arith.addi %add3A_1083, %scan3A_1040 : i32
      %swap3A_1085 = arith.index_cast %add3A_1084 : i32 to index
      %swap3A_1086 = arith.constant 0 : index
      %swap3A_1087 = tpu.vector_load %arg10[%swap3A_1085, %swap3A_1086] {strides = array<i32>} : memref<800x64xf32, #tpu.memory_space<vmem>>, vector<1x16xf32>,
      %swap3A_1088 = vector.shape_cast %swap3A_1087 : vector<1x16xf32> to vector<16xf32>
      %swap3A_1089 = vector.shape_cast %get3A_1043 : vector<16xf32> to vector<1x16xf32>
      tpu.vector_store %arg10[%swap3A_1085, %swap3A_1086], %swap3A_1089 {add = true, strides = array<i32>} : memref<800x64xf32, #tpu.memory_space<vmem>>, vector<1x16xf32>,
      %add3A_1090 = arith.constant 200 : i32
      %add3A_1091 = arith.addi %add3A_1090, %scan3A_1040 : i32
      %swap3A_1092 = arith.index_cast %add3A_1091 : i32 to index
      %swap3A_1093 = arith.constant 16 : index
      %swap3A_1094 = tpu.vector_load %arg10[%swap3A_1092, %swap3A_1093] {strides = array<i32>} : memref<800x64xf32, #tpu.memory_space<vmem>>, vector<1x16xf32>,
      %swap3A_1095 = vector.shape_cast %swap3A_1094 : vector<1x16xf32> to vector<16xf32>
      %swap3A_1096 = vector.shape_cast %get3A_1047 : vector<16xf32> to vector<1x16xf32>
      tpu.vector_store %arg10[%swap3A_1092, %swap3A_1093], %swap3A_1096 {add = true, strides = array<i32>} : memref<800x64xf32, #tpu.memory_space<vmem>>, vector<1x16xf32>,
      %add3A_1097 = arith.constant 200 : i32
      %add3A_1098 = arith.addi %add3A_1097, %scan3A_1040 : i32
      %swap3A_1099 = arith.index_cast %add3A_1098 : i32 to index
      %swap3A_1100 = arith.constant 32 : index
      %swap3A_1101 = tpu.vector_load %arg10[%swap3A_1099, %swap3A_1100] {strides = array<i32>} : memref<800x64xf32, #tpu.memory_space<vmem>>, vector<1x16xf32>,
      %swap3A_1102 = vector.shape_cast %swap3A_1101 : vector<1x16xf32> to vector<16xf32>
      %swap3A_1103 = vector.shape_cast %get3A_1051 : vector<16xf32> to vector<1x16xf32>
      tpu.vector_store %arg10[%swap3A_1099, %swap3A_1100], %swap3A_1103 {add = true, strides = array<i32>} : memref<800x64xf32, #tpu.memory_space<vmem>>, vector<1x16xf32>,
      %add3A_1104 = arith.constant 200 : i32
      %add3A_1105 = arith.addi %add3A_1104, %scan3A_1040 : i32
      %swap3A_1106 = arith.index_cast %add3A_1105 : i32 to index
      %swap3A_1107 = arith.constant 48 : index
      %swap3A_1108 = tpu.vector_load %arg10[%swap3A_1106, %swap3A_1107] {strides = array<i32>} : memref<800x64xf32, #tpu.memory_space<vmem>>, vector<1x16xf32>,
      %swap3A_1109 = vector.shape_cast %swap3A_1108 : vector<1x16xf32> to vector<16xf32>
      %swap3A_1110 = vector.shape_cast %get3A_1055 : vector<16xf32> to vector<1x16xf32>
      tpu.vector_store %arg10[%swap3A_1106, %swap3A_1107], %swap3A_1110 {add = true, strides = array<i32>} : memref<800x64xf32, #tpu.memory_space<vmem>>, vector<1x16xf32>,
      %add3A_1111 = arith.constant 400 : i32
      %add3A_1112 = arith.addi %add3A_1111, %scan3A_1040 : i32
      %swap3A_1113 = arith.index_cast %add3A_1112 : i32 to index
      %swap3A_1114 = arith.constant 0 : index
      %swap3A_1115 = tpu.vector_load %arg10[%swap3A_1113, %swap3A_1114] {strides = array<i32>} : memref<800x64xf32, #tpu.memory_space<vmem>>, vector<1x16xf32>,
      %swap3A_1116 = vector.shape_cast %swap3A_1115 : vector<1x16xf32> to vector<16xf32>
      %swap3A_1117 = vector.shape_cast %get3A_1043 : vector<16xf32> to vector<1x16xf32>
      tpu.vector_store %arg10[%swap3A_1113, %swap3A_1114], %swap3A_1117 {add = true, strides = array<i32>} : memref<800x64xf32, #tpu.memory_space<vmem>>, vector<1x16xf32>,
      %add3A_1118 = arith.constant 400 : i32
      %add3A_1119 = arith.addi %add3A_1118, %scan3A_1040 : i32
      %swap3A_1120 = arith.index_cast %add3A_1119 : i32 to index
      %swap3A_1121 = arith.constant 16 : index
      %swap3A_1122 = tpu.vector_load %arg10[%swap3A_1120, %swap3A_1121] {strides = array<i32>} : memref<800x64xf32, #tpu.memory_space<vmem>>, vector<1x16xf32>,
      %swap3A_1123 = vector.shape_cast %swap3A_1122 : vector<1x16xf32> to vector<16xf32>
      %swap3A_1124 = vector.shape_cast %get3A_1047 : vector<16xf32> to vector<1x16xf32>
      tpu.vector_store %arg10[%swap3A_1120, %swap3A_1121], %swap3A_1124 {add = true, strides = array<i32>} : memref<800x64xf32, #tpu.memory_space<vmem>>, vector<1x16xf32>,
      %add3A_1125 = arith.constant 400 : i32
      %add3A_1126 = arith.addi %add3A_1125, %scan3A_1040 : i32
      %swap3A_1127 = arith.index_cast %add3A_1126 : i32 to index
      %swap3A_1128 = arith.constant 32 : index
      %swap3A_1129 = tpu.vector_load %arg10[%swap3A_1127, %swap3A_1128] {strides = array<i32>} : memref<800x64xf32, #tpu.memory_space<vmem>>, vector<1x16xf32>,
      %swap3A_1130 = vector.shape_cast %swap3A_1129 : vector<1x16xf32> to vector<16xf32>
      %swap3A_1131 = vector.shape_cast %get3A_1051 : vector<16xf32> to vector<1x16xf32>
      tpu.vector_store %arg10[%swap3A_1127, %swap3A_1128], %swap3A_1131 {add = true, strides = array<i32>} : memref<800x64xf32, #tpu.memory_space<vmem>>, vector<1x16xf32>,
      %add3A_1132 = arith.constant 400 : i32
      %add3A_1133 = arith.addi %add3A_1132, %scan3A_1040 : i32
      %swap3A_1134 = arith.index_cast %add3A_1133 : i32 to index
      %swap3A_1135 = arith.constant 48 : index
      %swap3A_1136 = tpu.vector_load %arg10[%swap3A_1134, %swap3A_1135] {strides = array<i32>} : memref<800x64xf32, #tpu.memory_space<vmem>>, vector<1x16xf32>,
      %swap3A_1137 = vector.shape_cast %swap3A_1136 : vector<1x16xf32> to vector<16xf32>
      %swap3A_1138 = vector.shape_cast %get3A_1055 : vector<16xf32> to vector<1x16xf32>
      tpu.vector_store %arg10[%swap3A_1134, %swap3A_1135], %swap3A_1138 {add = true, strides = array<i32>} : memref<800x64xf32, #tpu.memory_space<vmem>>, vector<1x16xf32>,
      %add3A_1139 = arith.constant 600 : i32
      %add3A_1140 = arith.addi %add3A_1139, %scan3A_1040 : i32
      %swap3A_1141 = arith.index_cast %add3A_1140 : i32 to index
      %swap3A_1142 = arith.constant 0 : index
      %swap3A_1143 = tpu.vector_load %arg10[%swap3A_1141, %swap3A_1142] {strides = array<i32>} : memref<800x64xf32, #tpu.memory_space<vmem>>, vector<1x16xf32>,
      %swap3A_1144 = vector.shape_cast %swap3A_1143 : vector<1x16xf32> to vector<16xf32>
      %swap3A_1145 = vector.shape_cast %get3A_1043 : vector<16xf32> to vector<1x16xf32>
      tpu.vector_store %arg10[%swap3A_1141, %swap3A_1142], %swap3A_1145 {add = true, strides = array<i32>} : memref<800x64xf32, #tpu.memory_space<vmem>>, vector<1x16xf32>,
      %add3A_1146 = arith.constant 600 : i32
      %add3A_1147 = arith.addi %add3A_1146, %scan3A_1040 : i32
      %swap3A_1148 = arith.index_cast %add3A_1147 : i32 to index
      %swap3A_1149 = arith.constant 16 : index
      %swap3A_1150 = tpu.vector_load %arg10[%swap3A_1148, %swap3A_1149] {strides = array<i32>} : memref<800x64xf32, #tpu.memory_space<vmem>>, vector<1x16xf32>,
      %swap3A_1151 = vector.shape_cast %swap3A_1150 : vector<1x16xf32> to vector<16xf32>
      %swap3A_1152 = vector.shape_cast %get3A_1047 : vector<16xf32> to vector<1x16xf32>
      tpu.vector_store %arg10[%swap3A_1148, %swap3A_1149], %swap3A_1152 {add = true, strides = array<i32>} : memref<800x64xf32, #tpu.memory_space<vmem>>, vector<1x16xf32>,
      %add3A_1153 = arith.constant 600 : i32
      %add3A_1154 = arith.addi %add3A_1153, %scan3A_1040 : i32
      %swap3A_1155 = arith.index_cast %add3A_1154 : i32 to index
      %swap3A_1156 = arith.constant 32 : index
      %swap3A_1157 = tpu.vector_load %arg10[%swap3A_1155, %swap3A_1156] {strides = array<i32>} : memref<800x64xf32, #tpu.memory_space<vmem>>, vector<1x16xf32>,
      %swap3A_1158 = vector.shape_cast %swap3A_1157 : vector<1x16xf32> to vector<16xf32>
      %swap3A_1159 = vector.shape_cast %get3A_1051 : vector<16xf32> to vector<1x16xf32>
      tpu.vector_store %arg10[%swap3A_1155, %swap3A_1156], %swap3A_1159 {add = true, strides = array<i32>} : memref<800x64xf32, #tpu.memory_space<vmem>>, vector<1x16xf32>,
      %add3A_1160 = arith.constant 600 : i32
      %add3A_1161 = arith.addi %add3A_1160, %scan3A_1040 : i32
      %swap3A_1162 = arith.index_cast %add3A_1161 : i32 to index
      %swap3A_1163 = arith.constant 48 : index
      %swap3A_1164 = tpu.vector_load %arg10[%swap3A_1162, %swap3A_1163] {strides = array<i32>} : memref<800x64xf32, #tpu.memory_space<vmem>>, vector<1x16xf32>,
      %swap3A_1165 = vector.shape_cast %swap3A_1164 : vector<1x16xf32> to vector<16xf32>
      %swap3A_1166 = vector.shape_cast %get3A_1055 : vector<16xf32> to vector<1x16xf32>
      tpu.vector_store %arg10[%swap3A_1162, %swap3A_1163], %swap3A_1166 {add = true, strides = array<i32>} : memref<800x64xf32, #tpu.memory_space<vmem>>, vector<1x16xf32>,
    }
    %scan3A_307 = arith.constant 200 : i32
    %add3A_308 = arith.constant 800 : i32
    %add3A_309 = arith.addi %mul3A_2, %add3A_308 : i32
    %dma_start3A_310 = arith.constant 0 : i32
    %dma_start3A_311 = tpu.memref_slice %arg5[%add3A_309, %dma_start3A_310] : memref<204800x64xf32, #tpu.memory_space<hbm>> -> memref<800x64xf32, #tpu.memory_space<hbm>>
    %dma_start3A_312 = arith.constant 0 : i32
    %dma_start3A_313 = tpu.memref_slice %arg5[%add3A_309, %dma_start3A_312] : memref<204800x64xf32, #tpu.memory_space<hbm>> -> memref<800x64xf32, #tpu.memory_space<hbm>>
    tpu.enqueue_dma source(%arg10 : memref<800x64xf32, #tpu.memory_space<vmem>>) target(%dma_start3A_313 : memref<800x64xf32, #tpu.memory_space<hbm>>) target_semaphore(%arg14 : memref<!tpu.dma_semaphore, #tpu.memory_space<semaphore_mem>>)
    %dma_wait3A_314 = arith.constant 0 : i32
    %dma_wait3A_315 = tpu.memref_slice %arg5[%add3A_309, %dma_wait3A_314] : memref<204800x64xf32, #tpu.memory_space<hbm>> -> memref<800x64xf32, #tpu.memory_space<hbm>>
    %dma_wait3A_316 = arith.constant 0 : i32
    %dma_wait3A_317 = tpu.memref_slice %arg5[%add3A_309, %dma_wait3A_316] : memref<204800x64xf32, #tpu.memory_space<hbm>> -> memref<800x64xf32, #tpu.memory_space<hbm>>
    tpu.wait_dma2 semaphore(%arg14 : memref<!tpu.dma_semaphore, #tpu.memory_space<semaphore_mem>>) src(%arg10 : memref<800x64xf32, #tpu.memory_space<vmem>>) dst(%dma_wait3A_317 : memref<800x64xf32, #tpu.memory_space<hbm>>)
    %add3A_318 = arith.constant 2400 : i32
    %add3A_319 = arith.addi %mul3A_2, %add3A_318 : i32
    "tpu.region"() ({
      %run_scoped3A = tpu.sem_alloc : memref<!tpu.dma_semaphore, #tpu.memory_space<semaphore_mem>>
      %dma_start3A_1040 = tpu.memref_slice %arg2[%add3A_319] : memref<204800xi32, #tpu.memory_space<hbm>> -> memref<800xi32, #tpu.memory_space<hbm>>
      %dma_start3A_1041 = tpu.memref_slice %arg2[%add3A_319] : memref<204800xi32, #tpu.memory_space<hbm>> -> memref<800xi32, #tpu.memory_space<hbm>>
      tpu.enqueue_dma source(%dma_start3A_1041 : memref<800xi32, #tpu.memory_space<hbm>>) target(%arg8 : memref<800xi32, #tpu.memory_space<vmem>>) target_semaphore(%run_scoped3A : memref<!tpu.dma_semaphore, #tpu.memory_space<semaphore_mem>>)
      %dma_wait3A_1042 = tpu.memref_slice %arg2[%add3A_319] : memref<204800xi32, #tpu.memory_space<hbm>> -> memref<800xi32, #tpu.memory_space<hbm>>
      %dma_wait3A_1043 = tpu.memref_slice %arg2[%add3A_319] : memref<204800xi32, #tpu.memory_space<hbm>> -> memref<800xi32, #tpu.memory_space<hbm>>
      tpu.wait_dma2 semaphore(%run_scoped3A : memref<!tpu.dma_semaphore, #tpu.memory_space<semaphore_mem>>) src(%dma_wait3A_1043 : memref<800xi32, #tpu.memory_space<hbm>>) dst(%arg8 : memref<800xi32, #tpu.memory_space<vmem>>)
      tpu.yield
    }) : () -> ()
    %dma_start3A_320 = arith.constant 0 : i32
    %dma_start3A_321 = arith.constant 0 : i32
    %dma_start3A_322 = tpu.memref_slice %arg10[%dma_start3A_320, %dma_start3A_321] : memref<800x64xf32, #tpu.memory_space<vmem>> -> memref<128x64xf32, #tpu.memory_space<vmem>>
    %dma_start3A_323 = arith.constant 0 : i32
    %dma_start3A_324 = tpu.memref_slice %arg8[%dma_start3A_323] : memref<800xi32, #tpu.memory_space<vmem>> -> memref<128xi32, #tpu.memory_space<vmem>>
    %dma_start3A_325 = arith.constant 0 : i32
    %dma_start3A_326 = arith.constant 0 : i32
    %dma_start3A_327 = tpu.memref_slice %arg3[%dma_start3A_325, %dma_start3A_326] : memref<1000000x64xf32, #tpu.memory_space<hbm>> -> memref<1000000x64xf32, #tpu.memory_space<hbm>>
    tpu.enqueue_indirect_dma source(%dma_start3A_327 : memref<1000000x64xf32, #tpu.memory_space<hbm>>) target(%dma_start3A_322 : memref<128x64xf32, #tpu.memory_space<vmem>>) offsets(%dma_start3A_324 : memref<128xi32, #tpu.memory_space<vmem>>) semaphore(%arg12 : memref<!tpu.dma_semaphore, #tpu.memory_space<semaphore_mem>>)
    %dma_start3A_328 = arith.constant 128 : i32
    %dma_start3A_329 = arith.constant 0 : i32
    %dma_start3A_330 = tpu.memref_slice %arg10[%dma_start3A_328, %dma_start3A_329] : memref<800x64xf32, #tpu.memory_space<vmem>> -> memref<128x64xf32, #tpu.memory_space<vmem>>
    %dma_start3A_331 = arith.constant 128 : i32
    %dma_start3A_332 = tpu.memref_slice %arg8[%dma_start3A_331] : memref<800xi32, #tpu.memory_space<vmem>> -> memref<128xi32, #tpu.memory_space<vmem>>
    %dma_start3A_333 = arith.constant 0 : i32
    %dma_start3A_334 = arith.constant 0 : i32
    %dma_start3A_335 = tpu.memref_slice %arg3[%dma_start3A_333, %dma_start3A_334] : memref<1000000x64xf32, #tpu.memory_space<hbm>> -> memref<1000000x64xf32, #tpu.memory_space<hbm>>
    tpu.enqueue_indirect_dma source(%dma_start3A_335 : memref<1000000x64xf32, #tpu.memory_space<hbm>>) target(%dma_start3A_330 : memref<128x64xf32, #tpu.memory_space<vmem>>) offsets(%dma_start3A_332 : memref<128xi32, #tpu.memory_space<vmem>>) semaphore(%arg12 : memref<!tpu.dma_semaphore, #tpu.memory_space<semaphore_mem>>)
    %dma_start3A_336 = arith.constant 256 : i32
    %dma_start3A_337 = arith.constant 0 : i32
    %dma_start3A_338 = tpu.memref_slice %arg10[%dma_start3A_336, %dma_start3A_337] : memref<800x64xf32, #tpu.memory_space<vmem>> -> memref<128x64xf32, #tpu.memory_space<vmem>>
    %dma_start3A_339 = arith.constant 256 : i32
    %dma_start3A_340 = tpu.memref_slice %arg8[%dma_start3A_339] : memref<800xi32, #tpu.memory_space<vmem>> -> memref<128xi32, #tpu.memory_space<vmem>>
    %dma_start3A_341 = arith.constant 0 : i32
    %dma_start3A_342 = arith.constant 0 : i32
    %dma_start3A_343 = tpu.memref_slice %arg3[%dma_start3A_341, %dma_start3A_342] : memref<1000000x64xf32, #tpu.memory_space<hbm>> -> memref<1000000x64xf32, #tpu.memory_space<hbm>>
    tpu.enqueue_indirect_dma source(%dma_start3A_343 : memref<1000000x64xf32, #tpu.memory_space<hbm>>) target(%dma_start3A_338 : memref<128x64xf32, #tpu.memory_space<vmem>>) offsets(%dma_start3A_340 : memref<128xi32, #tpu.memory_space<vmem>>) semaphore(%arg12 : memref<!tpu.dma_semaphore, #tpu.memory_space<semaphore_mem>>)
    %dma_start3A_344 = arith.constant 384 : i32
    %dma_start3A_345 = arith.constant 0 : i32
    %dma_start3A_346 = tpu.memref_slice %arg10[%dma_start3A_344, %dma_start3A_345] : memref<800x64xf32, #tpu.memory_space<vmem>> -> memref<128x64xf32, #tpu.memory_space<vmem>>
    %dma_start3A_347 = arith.constant 384 : i32
    %dma_start3A_348 = tpu.memref_slice %arg8[%dma_start3A_347] : memref<800xi32, #tpu.memory_space<vmem>> -> memref<128xi32, #tpu.memory_space<vmem>>
    %dma_start3A_349 = arith.constant 0 : i32
    %dma_start3A_350 = arith.constant 0 : i32
    %dma_start3A_351 = tpu.memref_slice %arg3[%dma_start3A_349, %dma_start3A_350] : memref<1000000x64xf32, #tpu.memory_space<hbm>> -> memref<1000000x64xf32, #tpu.memory_space<hbm>>
    tpu.enqueue_indirect_dma source(%dma_start3A_351 : memref<1000000x64xf32, #tpu.memory_space<hbm>>) target(%dma_start3A_346 : memref<128x64xf32, #tpu.memory_space<vmem>>) offsets(%dma_start3A_348 : memref<128xi32, #tpu.memory_space<vmem>>) semaphore(%arg12 : memref<!tpu.dma_semaphore, #tpu.memory_space<semaphore_mem>>)
    %dma_start3A_352 = arith.constant 512 : i32
    %dma_start3A_353 = arith.constant 0 : i32
    %dma_start3A_354 = tpu.memref_slice %arg10[%dma_start3A_352, %dma_start3A_353] : memref<800x64xf32, #tpu.memory_space<vmem>> -> memref<128x64xf32, #tpu.memory_space<vmem>>
    %dma_start3A_355 = arith.constant 512 : i32
    %dma_start3A_356 = tpu.memref_slice %arg8[%dma_start3A_355] : memref<800xi32, #tpu.memory_space<vmem>> -> memref<128xi32, #tpu.memory_space<vmem>>
    %dma_start3A_357 = arith.constant 0 : i32
    %dma_start3A_358 = arith.constant 0 : i32
    %dma_start3A_359 = tpu.memref_slice %arg3[%dma_start3A_357, %dma_start3A_358] : memref<1000000x64xf32, #tpu.memory_space<hbm>> -> memref<1000000x64xf32, #tpu.memory_space<hbm>>
    tpu.enqueue_indirect_dma source(%dma_start3A_359 : memref<1000000x64xf32, #tpu.memory_space<hbm>>) target(%dma_start3A_354 : memref<128x64xf32, #tpu.memory_space<vmem>>) offsets(%dma_start3A_356 : memref<128xi32, #tpu.memory_space<vmem>>) semaphore(%arg12 : memref<!tpu.dma_semaphore, #tpu.memory_space<semaphore_mem>>)
    %dma_start3A_360 = arith.constant 640 : i32
    %dma_start3A_361 = arith.constant 0 : i32
    %dma_start3A_362 = tpu.memref_slice %arg10[%dma_start3A_360, %dma_start3A_361] : memref<800x64xf32, #tpu.memory_space<vmem>> -> memref<128x64xf32, #tpu.memory_space<vmem>>
    %dma_start3A_363 = arith.constant 640 : i32
    %dma_start3A_364 = tpu.memref_slice %arg8[%dma_start3A_363] : memref<800xi32, #tpu.memory_space<vmem>> -> memref<128xi32, #tpu.memory_space<vmem>>
    %dma_start3A_365 = arith.constant 0 : i32
    %dma_start3A_366 = arith.constant 0 : i32
    %dma_start3A_367 = tpu.memref_slice %arg3[%dma_start3A_365, %dma_start3A_366] : memref<1000000x64xf32, #tpu.memory_space<hbm>> -> memref<1000000x64xf32, #tpu.memory_space<hbm>>
    tpu.enqueue_indirect_dma source(%dma_start3A_367 : memref<1000000x64xf32, #tpu.memory_space<hbm>>) target(%dma_start3A_362 : memref<128x64xf32, #tpu.memory_space<vmem>>) offsets(%dma_start3A_364 : memref<128xi32, #tpu.memory_space<vmem>>) semaphore(%arg12 : memref<!tpu.dma_semaphore, #tpu.memory_space<semaphore_mem>>)
    %dma_start3A_368 = arith.constant 768 : i32
    %dma_start3A_369 = arith.constant 0 : i32
    %dma_start3A_370 = tpu.memref_slice %arg10[%dma_start3A_368, %dma_start3A_369] : memref<800x64xf32, #tpu.memory_space<vmem>> -> memref<32x64xf32, #tpu.memory_space<vmem>>
    %dma_start3A_371 = arith.constant 768 : i32
    %dma_start3A_372 = tpu.memref_slice %arg8[%dma_start3A_371] : memref<800xi32, #tpu.memory_space<vmem>> -> memref<32xi32, #tpu.memory_space<vmem>>
    %dma_start3A_373 = arith.constant 0 : i32
    %dma_start3A_374 = arith.constant 0 : i32
    %dma_start3A_375 = tpu.memref_slice %arg3[%dma_start3A_373, %dma_start3A_374] : memref<1000000x64xf32, #tpu.memory_space<hbm>> -> memref<1000000x64xf32, #tpu.memory_space<hbm>>
    tpu.enqueue_indirect_dma source(%dma_start3A_375 : memref<1000000x64xf32, #tpu.memory_space<hbm>>) target(%dma_start3A_370 : memref<32x64xf32, #tpu.memory_space<vmem>>) offsets(%dma_start3A_372 : memref<32xi32, #tpu.memory_space<vmem>>) semaphore(%arg12 : memref<!tpu.dma_semaphore, #tpu.memory_space<semaphore_mem>>)
    %dma_wait3A_376 = arith.constant 0 : i32
    %dma_wait3A_377 = arith.constant 0 : i32
    %dma_wait3A_378 = tpu.memref_slice %arg9[%dma_wait3A_376, %dma_wait3A_377] : memref<800x64xf32, #tpu.memory_space<vmem>> -> memref<128x64xf32, #tpu.memory_space<vmem>>
    %dma_wait3A_379 = arith.constant 0 : i32
    %dma_wait3A_380 = tpu.memref_slice %arg7[%dma_wait3A_379] : memref<800xi32, #tpu.memory_space<vmem>> -> memref<128xi32, #tpu.memory_space<vmem>>
    %dma_wait3A_381 = arith.constant 0 : i32
    %dma_wait3A_382 = arith.constant 0 : i32
    %dma_wait3A_383 = tpu.memref_slice %arg3[%dma_wait3A_381, %dma_wait3A_382] : memref<1000000x64xf32, #tpu.memory_space<hbm>> -> memref<1000000x64xf32, #tpu.memory_space<hbm>>
    tpu.wait_indirect_dma semaphore(%arg11 : memref<!tpu.dma_semaphore, #tpu.memory_space<semaphore_mem>>) src(%dma_wait3A_383 : memref<1000000x64xf32, #tpu.memory_space<hbm>>) dst(%dma_wait3A_378 : memref<128x64xf32, #tpu.memory_space<vmem>>)
    %dma_wait3A_384 = arith.constant 128 : i32
    %dma_wait3A_385 = arith.constant 0 : i32
    %dma_wait3A_386 = tpu.memref_slice %arg9[%dma_wait3A_384, %dma_wait3A_385] : memref<800x64xf32, #tpu.memory_space<vmem>> -> memref<128x64xf32, #tpu.memory_space<vmem>>
    %dma_wait3A_387 = arith.constant 128 : i32
    %dma_wait3A_388 = tpu.memref_slice %arg7[%dma_wait3A_387] : memref<800xi32, #tpu.memory_space<vmem>> -> memref<128xi32, #tpu.memory_space<vmem>>
    %dma_wait3A_389 = arith.constant 0 : i32
    %dma_wait3A_390 = arith.constant 0 : i32
    %dma_wait3A_391 = tpu.memref_slice %arg3[%dma_wait3A_389, %dma_wait3A_390] : memref<1000000x64xf32, #tpu.memory_space<hbm>> -> memref<1000000x64xf32, #tpu.memory_space<hbm>>
    tpu.wait_indirect_dma semaphore(%arg11 : memref<!tpu.dma_semaphore, #tpu.memory_space<semaphore_mem>>) src(%dma_wait3A_391 : memref<1000000x64xf32, #tpu.memory_space<hbm>>) dst(%dma_wait3A_386 : memref<128x64xf32, #tpu.memory_space<vmem>>)
    %dma_wait3A_392 = arith.constant 256 : i32
    %dma_wait3A_393 = arith.constant 0 : i32
    %dma_wait3A_394 = tpu.memref_slice %arg9[%dma_wait3A_392, %dma_wait3A_393] : memref<800x64xf32, #tpu.memory_space<vmem>> -> memref<128x64xf32, #tpu.memory_space<vmem>>
    %dma_wait3A_395 = arith.constant 256 : i32
    %dma_wait3A_396 = tpu.memref_slice %arg7[%dma_wait3A_395] : memref<800xi32, #tpu.memory_space<vmem>> -> memref<128xi32, #tpu.memory_space<vmem>>
    %dma_wait3A_397 = arith.constant 0 : i32
    %dma_wait3A_398 = arith.constant 0 : i32
    %dma_wait3A_399 = tpu.memref_slice %arg3[%dma_wait3A_397, %dma_wait3A_398] : memref<1000000x64xf32, #tpu.memory_space<hbm>> -> memref<1000000x64xf32, #tpu.memory_space<hbm>>
    tpu.wait_indirect_dma semaphore(%arg11 : memref<!tpu.dma_semaphore, #tpu.memory_space<semaphore_mem>>) src(%dma_wait3A_399 : memref<1000000x64xf32, #tpu.memory_space<hbm>>) dst(%dma_wait3A_394 : memref<128x64xf32, #tpu.memory_space<vmem>>)
    %dma_wait3A_400 = arith.constant 384 : i32
    %dma_wait3A_401 = arith.constant 0 : i32
    %dma_wait3A_402 = tpu.memref_slice %arg9[%dma_wait3A_400, %dma_wait3A_401] : memref<800x64xf32, #tpu.memory_space<vmem>> -> memref<128x64xf32, #tpu.memory_space<vmem>>
    %dma_wait3A_403 = arith.constant 384 : i32
    %dma_wait3A_404 = tpu.memref_slice %arg7[%dma_wait3A_403] : memref<800xi32, #tpu.memory_space<vmem>> -> memref<128xi32, #tpu.memory_space<vmem>>
    %dma_wait3A_405 = arith.constant 0 : i32
    %dma_wait3A_406 = arith.constant 0 : i32
    %dma_wait3A_407 = tpu.memref_slice %arg3[%dma_wait3A_405, %dma_wait3A_406] : memref<1000000x64xf32, #tpu.memory_space<hbm>> -> memref<1000000x64xf32, #tpu.memory_space<hbm>>
    tpu.wait_indirect_dma semaphore(%arg11 : memref<!tpu.dma_semaphore, #tpu.memory_space<semaphore_mem>>) src(%dma_wait3A_407 : memref<1000000x64xf32, #tpu.memory_space<hbm>>) dst(%dma_wait3A_402 : memref<128x64xf32, #tpu.memory_space<vmem>>)
    %dma_wait3A_408 = arith.constant 512 : i32
    %dma_wait3A_409 = arith.constant 0 : i32
    %dma_wait3A_410 = tpu.memref_slice %arg9[%dma_wait3A_408, %dma_wait3A_409] : memref<800x64xf32, #tpu.memory_space<vmem>> -> memref<128x64xf32, #tpu.memory_space<vmem>>
    %dma_wait3A_411 = arith.constant 512 : i32
    %dma_wait3A_412 = tpu.memref_slice %arg7[%dma_wait3A_411] : memref<800xi32, #tpu.memory_space<vmem>> -> memref<128xi32, #tpu.memory_space<vmem>>
    %dma_wait3A_413 = arith.constant 0 : i32
    %dma_wait3A_414 = arith.constant 0 : i32
    %dma_wait3A_415 = tpu.memref_slice %arg3[%dma_wait3A_413, %dma_wait3A_414] : memref<1000000x64xf32, #tpu.memory_space<hbm>> -> memref<1000000x64xf32, #tpu.memory_space<hbm>>
    tpu.wait_indirect_dma semaphore(%arg11 : memref<!tpu.dma_semaphore, #tpu.memory_space<semaphore_mem>>) src(%dma_wait3A_415 : memref<1000000x64xf32, #tpu.memory_space<hbm>>) dst(%dma_wait3A_410 : memref<128x64xf32, #tpu.memory_space<vmem>>)
    %dma_wait3A_416 = arith.constant 640 : i32
    %dma_wait3A_417 = arith.constant 0 : i32
    %dma_wait3A_418 = tpu.memref_slice %arg9[%dma_wait3A_416, %dma_wait3A_417] : memref<800x64xf32, #tpu.memory_space<vmem>> -> memref<128x64xf32, #tpu.memory_space<vmem>>
    %dma_wait3A_419 = arith.constant 640 : i32
    %dma_wait3A_420 = tpu.memref_slice %arg7[%dma_wait3A_419] : memref<800xi32, #tpu.memory_space<vmem>> -> memref<128xi32, #tpu.memory_space<vmem>>
    %dma_wait3A_421 = arith.constant 0 : i32
    %dma_wait3A_422 = arith.constant 0 : i32
    %dma_wait3A_423 = tpu.memref_slice %arg3[%dma_wait3A_421, %dma_wait3A_422] : memref<1000000x64xf32, #tpu.memory_space<hbm>> -> memref<1000000x64xf32, #tpu.memory_space<hbm>>
    tpu.wait_indirect_dma semaphore(%arg11 : memref<!tpu.dma_semaphore, #tpu.memory_space<semaphore_mem>>) src(%dma_wait3A_423 : memref<1000000x64xf32, #tpu.memory_space<hbm>>) dst(%dma_wait3A_418 : memref<128x64xf32, #tpu.memory_space<vmem>>)
    %dma_wait3A_424 = arith.constant 768 : i32
    %dma_wait3A_425 = arith.constant 0 : i32
    %dma_wait3A_426 = tpu.memref_slice %arg9[%dma_wait3A_424, %dma_wait3A_425] : memref<800x64xf32, #tpu.memory_space<vmem>> -> memref<32x64xf32, #tpu.memory_space<vmem>>
    %dma_wait3A_427 = arith.constant 768 : i32
    %dma_wait3A_428 = tpu.memref_slice %arg7[%dma_wait3A_427] : memref<800xi32, #tpu.memory_space<vmem>> -> memref<32xi32, #tpu.memory_space<vmem>>
    %dma_wait3A_429 = arith.constant 0 : i32
    %dma_wait3A_430 = arith.constant 0 : i32
    %dma_wait3A_431 = tpu.memref_slice %arg3[%dma_wait3A_429, %dma_wait3A_430] : memref<1000000x64xf32, #tpu.memory_space<hbm>> -> memref<1000000x64xf32, #tpu.memory_space<hbm>>
    tpu.wait_indirect_dma semaphore(%arg11 : memref<!tpu.dma_semaphore, #tpu.memory_space<semaphore_mem>>) src(%dma_wait3A_431 : memref<1000000x64xf32, #tpu.memory_space<hbm>>) dst(%dma_wait3A_426 : memref<32x64xf32, #tpu.memory_space<vmem>>)
    %scan3A_432 = arith.constant 0 : i32
    %scan3A_433 = arith.constant 0 : i32
    %scan3A_434 = arith.constant 200 : i32
    %scan3A_435 = arith.addi %scan3A_433, %scan3A_434 : i32
    %scan3A_436 = arith.constant 1 : i32
    scf.for %scan3A_1040 = %scan3A_433 to %scan3A_435 step %scan3A_436  : i32 {
      %get3A = arith.index_cast %scan3A_1040 : i32 to index
      %get3A_1041 = arith.constant 0 : index
      %get3A_1042 = tpu.vector_load %arg6[%get3A, %get3A_1041] {strides = array<i32>} : memref<200x64xf32, #tpu.memory_space<vmem>>, vector<1x16xf32>,
      %get3A_1043 = vector.shape_cast %get3A_1042 : vector<1x16xf32> to vector<16xf32>
      %get3A_1044 = arith.index_cast %scan3A_1040 : i32 to index
      %get3A_1045 = arith.constant 16 : index
      %get3A_1046 = tpu.vector_load %arg6[%get3A_1044, %get3A_1045] {strides = array<i32>} : memref<200x64xf32, #tpu.memory_space<vmem>>, vector<1x16xf32>,
      %get3A_1047 = vector.shape_cast %get3A_1046 : vector<1x16xf32> to vector<16xf32>
      %get3A_1048 = arith.index_cast %scan3A_1040 : i32 to index
      %get3A_1049 = arith.constant 32 : index
      %get3A_1050 = tpu.vector_load %arg6[%get3A_1048, %get3A_1049] {strides = array<i32>} : memref<200x64xf32, #tpu.memory_space<vmem>>, vector<1x16xf32>,
      %get3A_1051 = vector.shape_cast %get3A_1050 : vector<1x16xf32> to vector<16xf32>
      %get3A_1052 = arith.index_cast %scan3A_1040 : i32 to index
      %get3A_1053 = arith.constant 48 : index
      %get3A_1054 = tpu.vector_load %arg6[%get3A_1052, %get3A_1053] {strides = array<i32>} : memref<200x64xf32, #tpu.memory_space<vmem>>, vector<1x16xf32>,
      %get3A_1055 = vector.shape_cast %get3A_1054 : vector<1x16xf32> to vector<16xf32>
      %add3A_1056 = arith.constant 0 : i32
      %add3A_1057 = arith.addi %add3A_1056, %scan3A_1040 : i32
      %swap3A = arith.index_cast %add3A_1057 : i32 to index
      %swap3A_1058 = arith.constant 0 : index
      %swap3A_1059 = tpu.vector_load %arg9[%swap3A, %swap3A_1058] {strides = array<i32>} : memref<800x64xf32, #tpu.memory_space<vmem>>, vector<1x16xf32>,
      %swap3A_1060 = vector.shape_cast %swap3A_1059 : vector<1x16xf32> to vector<16xf32>
      %swap3A_1061 = vector.shape_cast %get3A_1043 : vector<16xf32> to vector<1x16xf32>
      tpu.vector_store %arg9[%swap3A, %swap3A_1058], %swap3A_1061 {add = true, strides = array<i32>} : memref<800x64xf32, #tpu.memory_space<vmem>>, vector<1x16xf32>,
      %add3A_1062 = arith.constant 0 : i32
      %add3A_1063 = arith.addi %add3A_1062, %scan3A_1040 : i32
      %swap3A_1064 = arith.index_cast %add3A_1063 : i32 to index
      %swap3A_1065 = arith.constant 16 : index
      %swap3A_1066 = tpu.vector_load %arg9[%swap3A_1064, %swap3A_1065] {strides = array<i32>} : memref<800x64xf32, #tpu.memory_space<vmem>>, vector<1x16xf32>,
      %swap3A_1067 = vector.shape_cast %swap3A_1066 : vector<1x16xf32> to vector<16xf32>
      %swap3A_1068 = vector.shape_cast %get3A_1047 : vector<16xf32> to vector<1x16xf32>
      tpu.vector_store %arg9[%swap3A_1064, %swap3A_1065], %swap3A_1068 {add = true, strides = array<i32>} : memref<800x64xf32, #tpu.memory_space<vmem>>, vector<1x16xf32>,
      %add3A_1069 = arith.constant 0 : i32
      %add3A_1070 = arith.addi %add3A_1069, %scan3A_1040 : i32
      %swap3A_1071 = arith.index_cast %add3A_1070 : i32 to index
      %swap3A_1072 = arith.constant 32 : index
      %swap3A_1073 = tpu.vector_load %arg9[%swap3A_1071, %swap3A_1072] {strides = array<i32>} : memref<800x64xf32, #tpu.memory_space<vmem>>, vector<1x16xf32>,
      %swap3A_1074 = vector.shape_cast %swap3A_1073 : vector<1x16xf32> to vector<16xf32>
      %swap3A_1075 = vector.shape_cast %get3A_1051 : vector<16xf32> to vector<1x16xf32>
      tpu.vector_store %arg9[%swap3A_1071, %swap3A_1072], %swap3A_1075 {add = true, strides = array<i32>} : memref<800x64xf32, #tpu.memory_space<vmem>>, vector<1x16xf32>,
      %add3A_1076 = arith.constant 0 : i32
      %add3A_1077 = arith.addi %add3A_1076, %scan3A_1040 : i32
      %swap3A_1078 = arith.index_cast %add3A_1077 : i32 to index
      %swap3A_1079 = arith.constant 48 : index
      %swap3A_1080 = tpu.vector_load %arg9[%swap3A_1078, %swap3A_1079] {strides = array<i32>} : memref<800x64xf32, #tpu.memory_space<vmem>>, vector<1x16xf32>,
      %swap3A_1081 = vector.shape_cast %swap3A_1080 : vector<1x16xf32> to vector<16xf32>
      %swap3A_1082 = vector.shape_cast %get3A_1055 : vector<16xf32> to vector<1x16xf32>
      tpu.vector_store %arg9[%swap3A_1078, %swap3A_1079], %swap3A_1082 {add = true, strides = array<i32>} : memref<800x64xf32, #tpu.memory_space<vmem>>, vector<1x16xf32>,
      %add3A_1083 = arith.constant 200 : i32
      %add3A_1084 = arith.addi %add3A_1083, %scan3A_1040 : i32
      %swap3A_1085 = arith.index_cast %add3A_1084 : i32 to index
      %swap3A_1086 = arith.constant 0 : index
      %swap3A_1087 = tpu.vector_load %arg9[%swap3A_1085, %swap3A_1086] {strides = array<i32>} : memref<800x64xf32, #tpu.memory_space<vmem>>, vector<1x16xf32>,
      %swap3A_1088 = vector.shape_cast %swap3A_1087 : vector<1x16xf32> to vector<16xf32>
      %swap3A_1089 = vector.shape_cast %get3A_1043 : vector<16xf32> to vector<1x16xf32>
      tpu.vector_store %arg9[%swap3A_1085, %swap3A_1086], %swap3A_1089 {add = true, strides = array<i32>} : memref<800x64xf32, #tpu.memory_space<vmem>>, vector<1x16xf32>,
      %add3A_1090 = arith.constant 200 : i32
      %add3A_1091 = arith.addi %add3A_1090, %scan3A_1040 : i32
      %swap3A_1092 = arith.index_cast %add3A_1091 : i32 to index
      %swap3A_1093 = arith.constant 16 : index
      %swap3A_1094 = tpu.vector_load %arg9[%swap3A_1092, %swap3A_1093] {strides = array<i32>} : memref<800x64xf32, #tpu.memory_space<vmem>>, vector<1x16xf32>,
      %swap3A_1095 = vector.shape_cast %swap3A_1094 : vector<1x16xf32> to vector<16xf32>
      %swap3A_1096 = vector.shape_cast %get3A_1047 : vector<16xf32> to vector<1x16xf32>
      tpu.vector_store %arg9[%swap3A_1092, %swap3A_1093], %swap3A_1096 {add = true, strides = array<i32>} : memref<800x64xf32, #tpu.memory_space<vmem>>, vector<1x16xf32>,
      %add3A_1097 = arith.constant 200 : i32
      %add3A_1098 = arith.addi %add3A_1097, %scan3A_1040 : i32
      %swap3A_1099 = arith.index_cast %add3A_1098 : i32 to index
      %swap3A_1100 = arith.constant 32 : index
      %swap3A_1101 = tpu.vector_load %arg9[%swap3A_1099, %swap3A_1100] {strides = array<i32>} : memref<800x64xf32, #tpu.memory_space<vmem>>, vector<1x16xf32>,
      %swap3A_1102 = vector.shape_cast %swap3A_1101 : vector<1x16xf32> to vector<16xf32>
      %swap3A_1103 = vector.shape_cast %get3A_1051 : vector<16xf32> to vector<1x16xf32>
      tpu.vector_store %arg9[%swap3A_1099, %swap3A_1100], %swap3A_1103 {add = true, strides = array<i32>} : memref<800x64xf32, #tpu.memory_space<vmem>>, vector<1x16xf32>,
      %add3A_1104 = arith.constant 200 : i32
      %add3A_1105 = arith.addi %add3A_1104, %scan3A_1040 : i32
      %swap3A_1106 = arith.index_cast %add3A_1105 : i32 to index
      %swap3A_1107 = arith.constant 48 : index
      %swap3A_1108 = tpu.vector_load %arg9[%swap3A_1106, %swap3A_1107] {strides = array<i32>} : memref<800x64xf32, #tpu.memory_space<vmem>>, vector<1x16xf32>,
      %swap3A_1109 = vector.shape_cast %swap3A_1108 : vector<1x16xf32> to vector<16xf32>
      %swap3A_1110 = vector.shape_cast %get3A_1055 : vector<16xf32> to vector<1x16xf32>
      tpu.vector_store %arg9[%swap3A_1106, %swap3A_1107], %swap3A_1110 {add = true, strides = array<i32>} : memref<800x64xf32, #tpu.memory_space<vmem>>, vector<1x16xf32>,
      %add3A_1111 = arith.constant 400 : i32
      %add3A_1112 = arith.addi %add3A_1111, %scan3A_1040 : i32
      %swap3A_1113 = arith.index_cast %add3A_1112 : i32 to index
      %swap3A_1114 = arith.constant 0 : index
      %swap3A_1115 = tpu.vector_load %arg9[%swap3A_1113, %swap3A_1114] {strides = array<i32>} : memref<800x64xf32, #tpu.memory_space<vmem>>, vector<1x16xf32>,
      %swap3A_1116 = vector.shape_cast %swap3A_1115 : vector<1x16xf32> to vector<16xf32>
      %swap3A_1117 = vector.shape_cast %get3A_1043 : vector<16xf32> to vector<1x16xf32>
      tpu.vector_store %arg9[%swap3A_1113, %swap3A_1114], %swap3A_1117 {add = true, strides = array<i32>} : memref<800x64xf32, #tpu.memory_space<vmem>>, vector<1x16xf32>,
      %add3A_1118 = arith.constant 400 : i32
      %add3A_1119 = arith.addi %add3A_1118, %scan3A_1040 : i32
      %swap3A_1120 = arith.index_cast %add3A_1119 : i32 to index
      %swap3A_1121 = arith.constant 16 : index
      %swap3A_1122 = tpu.vector_load %arg9[%swap3A_1120, %swap3A_1121] {strides = array<i32>} : memref<800x64xf32, #tpu.memory_space<vmem>>, vector<1x16xf32>,
      %swap3A_1123 = vector.shape_cast %swap3A_1122 : vector<1x16xf32> to vector<16xf32>
      %swap3A_1124 = vector.shape_cast %get3A_1047 : vector<16xf32> to vector<1x16xf32>
      tpu.vector_store %arg9[%swap3A_1120, %swap3A_1121], %swap3A_1124 {add = true, strides = array<i32>} : memref<800x64xf32, #tpu.memory_space<vmem>>, vector<1x16xf32>,
      %add3A_1125 = arith.constant 400 : i32
      %add3A_1126 = arith.addi %add3A_1125, %scan3A_1040 : i32
      %swap3A_1127 = arith.index_cast %add3A_1126 : i32 to index
      %swap3A_1128 = arith.constant 32 : index
      %swap3A_1129 = tpu.vector_load %arg9[%swap3A_1127, %swap3A_1128] {strides = array<i32>} : memref<800x64xf32, #tpu.memory_space<vmem>>, vector<1x16xf32>,
      %swap3A_1130 = vector.shape_cast %swap3A_1129 : vector<1x16xf32> to vector<16xf32>
      %swap3A_1131 = vector.shape_cast %get3A_1051 : vector<16xf32> to vector<1x16xf32>
      tpu.vector_store %arg9[%swap3A_1127, %swap3A_1128], %swap3A_1131 {add = true, strides = array<i32>} : memref<800x64xf32, #tpu.memory_space<vmem>>, vector<1x16xf32>,
      %add3A_1132 = arith.constant 400 : i32
      %add3A_1133 = arith.addi %add3A_1132, %scan3A_1040 : i32
      %swap3A_1134 = arith.index_cast %add3A_1133 : i32 to index
      %swap3A_1135 = arith.constant 48 : index
      %swap3A_1136 = tpu.vector_load %arg9[%swap3A_1134, %swap3A_1135] {strides = array<i32>} : memref<800x64xf32, #tpu.memory_space<vmem>>, vector<1x16xf32>,
      %swap3A_1137 = vector.shape_cast %swap3A_1136 : vector<1x16xf32> to vector<16xf32>
      %swap3A_1138 = vector.shape_cast %get3A_1055 : vector<16xf32> to vector<1x16xf32>
      tpu.vector_store %arg9[%swap3A_1134, %swap3A_1135], %swap3A_1138 {add = true, strides = array<i32>} : memref<800x64xf32, #tpu.memory_space<vmem>>, vector<1x16xf32>,
      %add3A_1139 = arith.constant 600 : i32
      %add3A_1140 = arith.addi %add3A_1139, %scan3A_1040 : i32
      %swap3A_1141 = arith.index_cast %add3A_1140 : i32 to index
      %swap3A_1142 = arith.constant 0 : index
      %swap3A_1143 = tpu.vector_load %arg9[%swap3A_1141, %swap3A_1142] {strides = array<i32>} : memref<800x64xf32, #tpu.memory_space<vmem>>, vector<1x16xf32>,
      %swap3A_1144 = vector.shape_cast %swap3A_1143 : vector<1x16xf32> to vector<16xf32>
      %swap3A_1145 = vector.shape_cast %get3A_1043 : vector<16xf32> to vector<1x16xf32>
      tpu.vector_store %arg9[%swap3A_1141, %swap3A_1142], %swap3A_1145 {add = true, strides = array<i32>} : memref<800x64xf32, #tpu.memory_space<vmem>>, vector<1x16xf32>,
      %add3A_1146 = arith.constant 600 : i32
      %add3A_1147 = arith.addi %add3A_1146, %scan3A_1040 : i32
      %swap3A_1148 = arith.index_cast %add3A_1147 : i32 to index
      %swap3A_1149 = arith.constant 16 : index
      %swap3A_1150 = tpu.vector_load %arg9[%swap3A_1148, %swap3A_1149] {strides = array<i32>} : memref<800x64xf32, #tpu.memory_space<vmem>>, vector<1x16xf32>,
      %swap3A_1151 = vector.shape_cast %swap3A_1150 : vector<1x16xf32> to vector<16xf32>
      %swap3A_1152 = vector.shape_cast %get3A_1047 : vector<16xf32> to vector<1x16xf32>
      tpu.vector_store %arg9[%swap3A_1148, %swap3A_1149], %swap3A_1152 {add = true, strides = array<i32>} : memref<800x64xf32, #tpu.memory_space<vmem>>, vector<1x16xf32>,
      %add3A_1153 = arith.constant 600 : i32
      %add3A_1154 = arith.addi %add3A_1153, %scan3A_1040 : i32
      %swap3A_1155 = arith.index_cast %add3A_1154 : i32 to index
      %swap3A_1156 = arith.constant 32 : index
      %swap3A_1157 = tpu.vector_load %arg9[%swap3A_1155, %swap3A_1156] {strides = array<i32>} : memref<800x64xf32, #tpu.memory_space<vmem>>, vector<1x16xf32>,
      %swap3A_1158 = vector.shape_cast %swap3A_1157 : vector<1x16xf32> to vector<16xf32>
      %swap3A_1159 = vector.shape_cast %get3A_1051 : vector<16xf32> to vector<1x16xf32>
      tpu.vector_store %arg9[%swap3A_1155, %swap3A_1156], %swap3A_1159 {add = true, strides = array<i32>} : memref<800x64xf32, #tpu.memory_space<vmem>>, vector<1x16xf32>,
      %add3A_1160 = arith.constant 600 : i32
      %add3A_1161 = arith.addi %add3A_1160, %scan3A_1040 : i32
      %swap3A_1162 = arith.index_cast %add3A_1161 : i32 to index
      %swap3A_1163 = arith.constant 48 : index
      %swap3A_1164 = tpu.vector_load %arg9[%swap3A_1162, %swap3A_1163] {strides = array<i32>} : memref<800x64xf32, #tpu.memory_space<vmem>>, vector<1x16xf32>,
      %swap3A_1165 = vector.shape_cast %swap3A_1164 : vector<1x16xf32> to vector<16xf32>
      %swap3A_1166 = vector.shape_cast %get3A_1055 : vector<16xf32> to vector<1x16xf32>
      tpu.vector_store %arg9[%swap3A_1162, %swap3A_1163], %swap3A_1166 {add = true, strides = array<i32>} : memref<800x64xf32, #tpu.memory_space<vmem>>, vector<1x16xf32>,
    }
    %scan3A_437 = arith.constant 200 : i32
    %add3A_438 = arith.constant 1600 : i32
    %add3A_439 = arith.addi %mul3A_2, %add3A_438 : i32
    %dma_start3A_440 = arith.constant 0 : i32
    %dma_start3A_441 = tpu.memref_slice %arg5[%add3A_439, %dma_start3A_440] : memref<204800x64xf32, #tpu.memory_space<hbm>> -> memref<800x64xf32, #tpu.memory_space<hbm>>
    %dma_start3A_442 = arith.constant 0 : i32
    %dma_start3A_443 = tpu.memref_slice %arg5[%add3A_439, %dma_start3A_442] : memref<204800x64xf32, #tpu.memory_space<hbm>> -> memref<800x64xf32, #tpu.memory_space<hbm>>
    tpu.enqueue_dma source(%arg9 : memref<800x64xf32, #tpu.memory_space<vmem>>) target(%dma_start3A_443 : memref<800x64xf32, #tpu.memory_space<hbm>>) target_semaphore(%arg13 : memref<!tpu.dma_semaphore, #tpu.memory_space<semaphore_mem>>)
    %dma_wait3A_444 = arith.constant 0 : i32
    %dma_wait3A_445 = tpu.memref_slice %arg5[%add3A_439, %dma_wait3A_444] : memref<204800x64xf32, #tpu.memory_space<hbm>> -> memref<800x64xf32, #tpu.memory_space<hbm>>
    %dma_wait3A_446 = arith.constant 0 : i32
    %dma_wait3A_447 = tpu.memref_slice %arg5[%add3A_439, %dma_wait3A_446] : memref<204800x64xf32, #tpu.memory_space<hbm>> -> memref<800x64xf32, #tpu.memory_space<hbm>>
    tpu.wait_dma2 semaphore(%arg13 : memref<!tpu.dma_semaphore, #tpu.memory_space<semaphore_mem>>) src(%arg9 : memref<800x64xf32, #tpu.memory_space<vmem>>) dst(%dma_wait3A_447 : memref<800x64xf32, #tpu.memory_space<hbm>>)
    %add3A_448 = arith.constant 3200 : i32
    %add3A_449 = arith.addi %mul3A_2, %add3A_448 : i32
    "tpu.region"() ({
      %run_scoped3A = tpu.sem_alloc : memref<!tpu.dma_semaphore, #tpu.memory_space<semaphore_mem>>
      %dma_start3A_1040 = tpu.memref_slice %arg2[%add3A_449] : memref<204800xi32, #tpu.memory_space<hbm>> -> memref<800xi32, #tpu.memory_space<hbm>>
      %dma_start3A_1041 = tpu.memref_slice %arg2[%add3A_449] : memref<204800xi32, #tpu.memory_space<hbm>> -> memref<800xi32, #tpu.memory_space<hbm>>
      tpu.enqueue_dma source(%dma_start3A_1041 : memref<800xi32, #tpu.memory_space<hbm>>) target(%arg7 : memref<800xi32, #tpu.memory_space<vmem>>) target_semaphore(%run_scoped3A : memref<!tpu.dma_semaphore, #tpu.memory_space<semaphore_mem>>)
      %dma_wait3A_1042 = tpu.memref_slice %arg2[%add3A_449] : memref<204800xi32, #tpu.memory_space<hbm>> -> memref<800xi32, #tpu.memory_space<hbm>>
      %dma_wait3A_1043 = tpu.memref_slice %arg2[%add3A_449] : memref<204800xi32, #tpu.memory_space<hbm>> -> memref<800xi32, #tpu.memory_space<hbm>>
      tpu.wait_dma2 semaphore(%run_scoped3A : memref<!tpu.dma_semaphore, #tpu.memory_space<semaphore_mem>>) src(%dma_wait3A_1043 : memref<800xi32, #tpu.memory_space<hbm>>) dst(%arg7 : memref<800xi32, #tpu.memory_space<vmem>>)
      tpu.yield
    }) : () -> ()
    %dma_start3A_450 = arith.constant 0 : i32
    %dma_start3A_451 = arith.constant 0 : i32
    %dma_start3A_452 = tpu.memref_slice %arg9[%dma_start3A_450, %dma_start3A_451] : memref<800x64xf32, #tpu.memory_space<vmem>> -> memref<128x64xf32, #tpu.memory_space<vmem>>
    %dma_start3A_453 = arith.constant 0 : i32
    %dma_start3A_454 = tpu.memref_slice %arg7[%dma_start3A_453] : memref<800xi32, #tpu.memory_space<vmem>> -> memref<128xi32, #tpu.memory_space<vmem>>
    %dma_start3A_455 = arith.constant 0 : i32
    %dma_start3A_456 = arith.constant 0 : i32
    %dma_start3A_457 = tpu.memref_slice %arg3[%dma_start3A_455, %dma_start3A_456] : memref<1000000x64xf32, #tpu.memory_space<hbm>> -> memref<1000000x64xf32, #tpu.memory_space<hbm>>
    tpu.enqueue_indirect_dma source(%dma_start3A_457 : memref<1000000x64xf32, #tpu.memory_space<hbm>>) target(%dma_start3A_452 : memref<128x64xf32, #tpu.memory_space<vmem>>) offsets(%dma_start3A_454 : memref<128xi32, #tpu.memory_space<vmem>>) semaphore(%arg11 : memref<!tpu.dma_semaphore, #tpu.memory_space<semaphore_mem>>)
    %dma_start3A_458 = arith.constant 128 : i32
    %dma_start3A_459 = arith.constant 0 : i32
    %dma_start3A_460 = tpu.memref_slice %arg9[%dma_start3A_458, %dma_start3A_459] : memref<800x64xf32, #tpu.memory_space<vmem>> -> memref<128x64xf32, #tpu.memory_space<vmem>>
    %dma_start3A_461 = arith.constant 128 : i32
    %dma_start3A_462 = tpu.memref_slice %arg7[%dma_start3A_461] : memref<800xi32, #tpu.memory_space<vmem>> -> memref<128xi32, #tpu.memory_space<vmem>>
    %dma_start3A_463 = arith.constant 0 : i32
    %dma_start3A_464 = arith.constant 0 : i32
    %dma_start3A_465 = tpu.memref_slice %arg3[%dma_start3A_463, %dma_start3A_464] : memref<1000000x64xf32, #tpu.memory_space<hbm>> -> memref<1000000x64xf32, #tpu.memory_space<hbm>>
    tpu.enqueue_indirect_dma source(%dma_start3A_465 : memref<1000000x64xf32, #tpu.memory_space<hbm>>) target(%dma_start3A_460 : memref<128x64xf32, #tpu.memory_space<vmem>>) offsets(%dma_start3A_462 : memref<128xi32, #tpu.memory_space<vmem>>) semaphore(%arg11 : memref<!tpu.dma_semaphore, #tpu.memory_space<semaphore_mem>>)
    %dma_start3A_466 = arith.constant 256 : i32
    %dma_start3A_467 = arith.constant 0 : i32
    %dma_start3A_468 = tpu.memref_slice %arg9[%dma_start3A_466, %dma_start3A_467] : memref<800x64xf32, #tpu.memory_space<vmem>> -> memref<128x64xf32, #tpu.memory_space<vmem>>
    %dma_start3A_469 = arith.constant 256 : i32
    %dma_start3A_470 = tpu.memref_slice %arg7[%dma_start3A_469] : memref<800xi32, #tpu.memory_space<vmem>> -> memref<128xi32, #tpu.memory_space<vmem>>
    %dma_start3A_471 = arith.constant 0 : i32
    %dma_start3A_472 = arith.constant 0 : i32
    %dma_start3A_473 = tpu.memref_slice %arg3[%dma_start3A_471, %dma_start3A_472] : memref<1000000x64xf32, #tpu.memory_space<hbm>> -> memref<1000000x64xf32, #tpu.memory_space<hbm>>
    tpu.enqueue_indirect_dma source(%dma_start3A_473 : memref<1000000x64xf32, #tpu.memory_space<hbm>>) target(%dma_start3A_468 : memref<128x64xf32, #tpu.memory_space<vmem>>) offsets(%dma_start3A_470 : memref<128xi32, #tpu.memory_space<vmem>>) semaphore(%arg11 : memref<!tpu.dma_semaphore, #tpu.memory_space<semaphore_mem>>)
    %dma_start3A_474 = arith.constant 384 : i32
    %dma_start3A_475 = arith.constant 0 : i32
    %dma_start3A_476 = tpu.memref_slice %arg9[%dma_start3A_474, %dma_start3A_475] : memref<800x64xf32, #tpu.memory_space<vmem>> -> memref<128x64xf32, #tpu.memory_space<vmem>>
    %dma_start3A_477 = arith.constant 384 : i32
    %dma_start3A_478 = tpu.memref_slice %arg7[%dma_start3A_477] : memref<800xi32, #tpu.memory_space<vmem>> -> memref<128xi32, #tpu.memory_space<vmem>>
    %dma_start3A_479 = arith.constant 0 : i32
    %dma_start3A_480 = arith.constant 0 : i32
    %dma_start3A_481 = tpu.memref_slice %arg3[%dma_start3A_479, %dma_start3A_480] : memref<1000000x64xf32, #tpu.memory_space<hbm>> -> memref<1000000x64xf32, #tpu.memory_space<hbm>>
    tpu.enqueue_indirect_dma source(%dma_start3A_481 : memref<1000000x64xf32, #tpu.memory_space<hbm>>) target(%dma_start3A_476 : memref<128x64xf32, #tpu.memory_space<vmem>>) offsets(%dma_start3A_478 : memref<128xi32, #tpu.memory_space<vmem>>) semaphore(%arg11 : memref<!tpu.dma_semaphore, #tpu.memory_space<semaphore_mem>>)
    %dma_start3A_482 = arith.constant 512 : i32
    %dma_start3A_483 = arith.constant 0 : i32
    %dma_start3A_484 = tpu.memref_slice %arg9[%dma_start3A_482, %dma_start3A_483] : memref<800x64xf32, #tpu.memory_space<vmem>> -> memref<128x64xf32, #tpu.memory_space<vmem>>
    %dma_start3A_485 = arith.constant 512 : i32
    %dma_start3A_486 = tpu.memref_slice %arg7[%dma_start3A_485] : memref<800xi32, #tpu.memory_space<vmem>> -> memref<128xi32, #tpu.memory_space<vmem>>
    %dma_start3A_487 = arith.constant 0 : i32
    %dma_start3A_488 = arith.constant 0 : i32
    %dma_start3A_489 = tpu.memref_slice %arg3[%dma_start3A_487, %dma_start3A_488] : memref<1000000x64xf32, #tpu.memory_space<hbm>> -> memref<1000000x64xf32, #tpu.memory_space<hbm>>
    tpu.enqueue_indirect_dma source(%dma_start3A_489 : memref<1000000x64xf32, #tpu.memory_space<hbm>>) target(%dma_start3A_484 : memref<128x64xf32, #tpu.memory_space<vmem>>) offsets(%dma_start3A_486 : memref<128xi32, #tpu.memory_space<vmem>>) semaphore(%arg11 : memref<!tpu.dma_semaphore, #tpu.memory_space<semaphore_mem>>)
    %dma_start3A_490 = arith.constant 640 : i32
    %dma_start3A_491 = arith.constant 0 : i32
    %dma_start3A_492 = tpu.memref_slice %arg9[%dma_start3A_490, %dma_start3A_491] : memref<800x64xf32, #tpu.memory_space<vmem>> -> memref<128x64xf32, #tpu.memory_space<vmem>>
    %dma_start3A_493 = arith.constant 640 : i32
    %dma_start3A_494 = tpu.memref_slice %arg7[%dma_start3A_493] : memref<800xi32, #tpu.memory_space<vmem>> -> memref<128xi32, #tpu.memory_space<vmem>>
    %dma_start3A_495 = arith.constant 0 : i32
    %dma_start3A_496 = arith.constant 0 : i32
    %dma_start3A_497 = tpu.memref_slice %arg3[%dma_start3A_495, %dma_start3A_496] : memref<1000000x64xf32, #tpu.memory_space<hbm>> -> memref<1000000x64xf32, #tpu.memory_space<hbm>>
    tpu.enqueue_indirect_dma source(%dma_start3A_497 : memref<1000000x64xf32, #tpu.memory_space<hbm>>) target(%dma_start3A_492 : memref<128x64xf32, #tpu.memory_space<vmem>>) offsets(%dma_start3A_494 : memref<128xi32, #tpu.memory_space<vmem>>) semaphore(%arg11 : memref<!tpu.dma_semaphore, #tpu.memory_space<semaphore_mem>>)
    %dma_start3A_498 = arith.constant 768 : i32
    %dma_start3A_499 = arith.constant 0 : i32
    %dma_start3A_500 = tpu.memref_slice %arg9[%dma_start3A_498, %dma_start3A_499] : memref<800x64xf32, #tpu.memory_space<vmem>> -> memref<32x64xf32, #tpu.memory_space<vmem>>
    %dma_start3A_501 = arith.constant 768 : i32
    %dma_start3A_502 = tpu.memref_slice %arg7[%dma_start3A_501] : memref<800xi32, #tpu.memory_space<vmem>> -> memref<32xi32, #tpu.memory_space<vmem>>
    %dma_start3A_503 = arith.constant 0 : i32
    %dma_start3A_504 = arith.constant 0 : i32
    %dma_start3A_505 = tpu.memref_slice %arg3[%dma_start3A_503, %dma_start3A_504] : memref<1000000x64xf32, #tpu.memory_space<hbm>> -> memref<1000000x64xf32, #tpu.memory_space<hbm>>
    tpu.enqueue_indirect_dma source(%dma_start3A_505 : memref<1000000x64xf32, #tpu.memory_space<hbm>>) target(%dma_start3A_500 : memref<32x64xf32, #tpu.memory_space<vmem>>) offsets(%dma_start3A_502 : memref<32xi32, #tpu.memory_space<vmem>>) semaphore(%arg11 : memref<!tpu.dma_semaphore, #tpu.memory_space<semaphore_mem>>)
    %dma_wait3A_506 = arith.constant 0 : i32
    %dma_wait3A_507 = arith.constant 0 : i32
    %dma_wait3A_508 = tpu.memref_slice %arg10[%dma_wait3A_506, %dma_wait3A_507] : memref<800x64xf32, #tpu.memory_space<vmem>> -> memref<128x64xf32, #tpu.memory_space<vmem>>
    %dma_wait3A_509 = arith.constant 0 : i32
    %dma_wait3A_510 = tpu.memref_slice %arg8[%dma_wait3A_509] : memref<800xi32, #tpu.memory_space<vmem>> -> memref<128xi32, #tpu.memory_space<vmem>>
    %dma_wait3A_511 = arith.constant 0 : i32
    %dma_wait3A_512 = arith.constant 0 : i32
    %dma_wait3A_513 = tpu.memref_slice %arg3[%dma_wait3A_511, %dma_wait3A_512] : memref<1000000x64xf32, #tpu.memory_space<hbm>> -> memref<1000000x64xf32, #tpu.memory_space<hbm>>
    tpu.wait_indirect_dma semaphore(%arg12 : memref<!tpu.dma_semaphore, #tpu.memory_space<semaphore_mem>>) src(%dma_wait3A_513 : memref<1000000x64xf32, #tpu.memory_space<hbm>>) dst(%dma_wait3A_508 : memref<128x64xf32, #tpu.memory_space<vmem>>)
    %dma_wait3A_514 = arith.constant 128 : i32
    %dma_wait3A_515 = arith.constant 0 : i32
    %dma_wait3A_516 = tpu.memref_slice %arg10[%dma_wait3A_514, %dma_wait3A_515] : memref<800x64xf32, #tpu.memory_space<vmem>> -> memref<128x64xf32, #tpu.memory_space<vmem>>
    %dma_wait3A_517 = arith.constant 128 : i32
    %dma_wait3A_518 = tpu.memref_slice %arg8[%dma_wait3A_517] : memref<800xi32, #tpu.memory_space<vmem>> -> memref<128xi32, #tpu.memory_space<vmem>>
    %dma_wait3A_519 = arith.constant 0 : i32
    %dma_wait3A_520 = arith.constant 0 : i32
    %dma_wait3A_521 = tpu.memref_slice %arg3[%dma_wait3A_519, %dma_wait3A_520] : memref<1000000x64xf32, #tpu.memory_space<hbm>> -> memref<1000000x64xf32, #tpu.memory_space<hbm>>
    tpu.wait_indirect_dma semaphore(%arg12 : memref<!tpu.dma_semaphore, #tpu.memory_space<semaphore_mem>>) src(%dma_wait3A_521 : memref<1000000x64xf32, #tpu.memory_space<hbm>>) dst(%dma_wait3A_516 : memref<128x64xf32, #tpu.memory_space<vmem>>)
    %dma_wait3A_522 = arith.constant 256 : i32
    %dma_wait3A_523 = arith.constant 0 : i32
    %dma_wait3A_524 = tpu.memref_slice %arg10[%dma_wait3A_522, %dma_wait3A_523] : memref<800x64xf32, #tpu.memory_space<vmem>> -> memref<128x64xf32, #tpu.memory_space<vmem>>
    %dma_wait3A_525 = arith.constant 256 : i32
    %dma_wait3A_526 = tpu.memref_slice %arg8[%dma_wait3A_525] : memref<800xi32, #tpu.memory_space<vmem>> -> memref<128xi32, #tpu.memory_space<vmem>>
    %dma_wait3A_527 = arith.constant 0 : i32
    %dma_wait3A_528 = arith.constant 0 : i32
    %dma_wait3A_529 = tpu.memref_slice %arg3[%dma_wait3A_527, %dma_wait3A_528] : memref<1000000x64xf32, #tpu.memory_space<hbm>> -> memref<1000000x64xf32, #tpu.memory_space<hbm>>
    tpu.wait_indirect_dma semaphore(%arg12 : memref<!tpu.dma_semaphore, #tpu.memory_space<semaphore_mem>>) src(%dma_wait3A_529 : memref<1000000x64xf32, #tpu.memory_space<hbm>>) dst(%dma_wait3A_524 : memref<128x64xf32, #tpu.memory_space<vmem>>)
    %dma_wait3A_530 = arith.constant 384 : i32
    %dma_wait3A_531 = arith.constant 0 : i32
    %dma_wait3A_532 = tpu.memref_slice %arg10[%dma_wait3A_530, %dma_wait3A_531] : memref<800x64xf32, #tpu.memory_space<vmem>> -> memref<128x64xf32, #tpu.memory_space<vmem>>
    %dma_wait3A_533 = arith.constant 384 : i32
    %dma_wait3A_534 = tpu.memref_slice %arg8[%dma_wait3A_533] : memref<800xi32, #tpu.memory_space<vmem>> -> memref<128xi32, #tpu.memory_space<vmem>>
    %dma_wait3A_535 = arith.constant 0 : i32
    %dma_wait3A_536 = arith.constant 0 : i32
    %dma_wait3A_537 = tpu.memref_slice %arg3[%dma_wait3A_535, %dma_wait3A_536] : memref<1000000x64xf32, #tpu.memory_space<hbm>> -> memref<1000000x64xf32, #tpu.memory_space<hbm>>
    tpu.wait_indirect_dma semaphore(%arg12 : memref<!tpu.dma_semaphore, #tpu.memory_space<semaphore_mem>>) src(%dma_wait3A_537 : memref<1000000x64xf32, #tpu.memory_space<hbm>>) dst(%dma_wait3A_532 : memref<128x64xf32, #tpu.memory_space<vmem>>)
    %dma_wait3A_538 = arith.constant 512 : i32
    %dma_wait3A_539 = arith.constant 0 : i32
    %dma_wait3A_540 = tpu.memref_slice %arg10[%dma_wait3A_538, %dma_wait3A_539] : memref<800x64xf32, #tpu.memory_space<vmem>> -> memref<128x64xf32, #tpu.memory_space<vmem>>
    %dma_wait3A_541 = arith.constant 512 : i32
    %dma_wait3A_542 = tpu.memref_slice %arg8[%dma_wait3A_541] : memref<800xi32, #tpu.memory_space<vmem>> -> memref<128xi32, #tpu.memory_space<vmem>>
    %dma_wait3A_543 = arith.constant 0 : i32
    %dma_wait3A_544 = arith.constant 0 : i32
    %dma_wait3A_545 = tpu.memref_slice %arg3[%dma_wait3A_543, %dma_wait3A_544] : memref<1000000x64xf32, #tpu.memory_space<hbm>> -> memref<1000000x64xf32, #tpu.memory_space<hbm>>
    tpu.wait_indirect_dma semaphore(%arg12 : memref<!tpu.dma_semaphore, #tpu.memory_space<semaphore_mem>>) src(%dma_wait3A_545 : memref<1000000x64xf32, #tpu.memory_space<hbm>>) dst(%dma_wait3A_540 : memref<128x64xf32, #tpu.memory_space<vmem>>)
    %dma_wait3A_546 = arith.constant 640 : i32
    %dma_wait3A_547 = arith.constant 0 : i32
    %dma_wait3A_548 = tpu.memref_slice %arg10[%dma_wait3A_546, %dma_wait3A_547] : memref<800x64xf32, #tpu.memory_space<vmem>> -> memref<128x64xf32, #tpu.memory_space<vmem>>
    %dma_wait3A_549 = arith.constant 640 : i32
    %dma_wait3A_550 = tpu.memref_slice %arg8[%dma_wait3A_549] : memref<800xi32, #tpu.memory_space<vmem>> -> memref<128xi32, #tpu.memory_space<vmem>>
    %dma_wait3A_551 = arith.constant 0 : i32
    %dma_wait3A_552 = arith.constant 0 : i32
    %dma_wait3A_553 = tpu.memref_slice %arg3[%dma_wait3A_551, %dma_wait3A_552] : memref<1000000x64xf32, #tpu.memory_space<hbm>> -> memref<1000000x64xf32, #tpu.memory_space<hbm>>
    tpu.wait_indirect_dma semaphore(%arg12 : memref<!tpu.dma_semaphore, #tpu.memory_space<semaphore_mem>>) src(%dma_wait3A_553 : memref<1000000x64xf32, #tpu.memory_space<hbm>>) dst(%dma_wait3A_548 : memref<128x64xf32, #tpu.memory_space<vmem>>)
    %dma_wait3A_554 = arith.constant 768 : i32
    %dma_wait3A_555 = arith.constant 0 : i32
    %dma_wait3A_556 = tpu.memref_slice %arg10[%dma_wait3A_554, %dma_wait3A_555] : memref<800x64xf32, #tpu.memory_space<vmem>> -> memref<32x64xf32, #tpu.memory_space<vmem>>
    %dma_wait3A_557 = arith.constant 768 : i32
    %dma_wait3A_558 = tpu.memref_slice %arg8[%dma_wait3A_557] : memref<800xi32, #tpu.memory_space<vmem>> -> memref<32xi32, #tpu.memory_space<vmem>>
    %dma_wait3A_559 = arith.constant 0 : i32
    %dma_wait3A_560 = arith.constant 0 : i32
    %dma_wait3A_561 = tpu.memref_slice %arg3[%dma_wait3A_559, %dma_wait3A_560] : memref<1000000x64xf32, #tpu.memory_space<hbm>> -> memref<1000000x64xf32, #tpu.memory_space<hbm>>
    tpu.wait_indirect_dma semaphore(%arg12 : memref<!tpu.dma_semaphore, #tpu.memory_space<semaphore_mem>>) src(%dma_wait3A_561 : memref<1000000x64xf32, #tpu.memory_space<hbm>>) dst(%dma_wait3A_556 : memref<32x64xf32, #tpu.memory_space<vmem>>)
    %scan3A_562 = arith.constant 0 : i32
    %scan3A_563 = arith.constant 0 : i32
    %scan3A_564 = arith.constant 200 : i32
    %scan3A_565 = arith.addi %scan3A_563, %scan3A_564 : i32
    %scan3A_566 = arith.constant 1 : i32
    scf.for %scan3A_1040 = %scan3A_563 to %scan3A_565 step %scan3A_566  : i32 {
      %get3A = arith.index_cast %scan3A_1040 : i32 to index
      %get3A_1041 = arith.constant 0 : index
      %get3A_1042 = tpu.vector_load %arg6[%get3A, %get3A_1041] {strides = array<i32>} : memref<200x64xf32, #tpu.memory_space<vmem>>, vector<1x16xf32>,
      %get3A_1043 = vector.shape_cast %get3A_1042 : vector<1x16xf32> to vector<16xf32>
      %get3A_1044 = arith.index_cast %scan3A_1040 : i32 to index
      %get3A_1045 = arith.constant 16 : index
      %get3A_1046 = tpu.vector_load %arg6[%get3A_1044, %get3A_1045] {strides = array<i32>} : memref<200x64xf32, #tpu.memory_space<vmem>>, vector<1x16xf32>,
      %get3A_1047 = vector.shape_cast %get3A_1046 : vector<1x16xf32> to vector<16xf32>
      %get3A_1048 = arith.index_cast %scan3A_1040 : i32 to index
      %get3A_1049 = arith.constant 32 : index
      %get3A_1050 = tpu.vector_load %arg6[%get3A_1048, %get3A_1049] {strides = array<i32>} : memref<200x64xf32, #tpu.memory_space<vmem>>, vector<1x16xf32>,
      %get3A_1051 = vector.shape_cast %get3A_1050 : vector<1x16xf32> to vector<16xf32>
      %get3A_1052 = arith.index_cast %scan3A_1040 : i32 to index
      %get3A_1053 = arith.constant 48 : index
      %get3A_1054 = tpu.vector_load %arg6[%get3A_1052, %get3A_1053] {strides = array<i32>} : memref<200x64xf32, #tpu.memory_space<vmem>>, vector<1x16xf32>,
      %get3A_1055 = vector.shape_cast %get3A_1054 : vector<1x16xf32> to vector<16xf32>
      %add3A_1056 = arith.constant 0 : i32
      %add3A_1057 = arith.addi %add3A_1056, %scan3A_1040 : i32
      %swap3A = arith.index_cast %add3A_1057 : i32 to index
      %swap3A_1058 = arith.constant 0 : index
      %swap3A_1059 = tpu.vector_load %arg10[%swap3A, %swap3A_1058] {strides = array<i32>} : memref<800x64xf32, #tpu.memory_space<vmem>>, vector<1x16xf32>,
      %swap3A_1060 = vector.shape_cast %swap3A_1059 : vector<1x16xf32> to vector<16xf32>
      %swap3A_1061 = vector.shape_cast %get3A_1043 : vector<16xf32> to vector<1x16xf32>
      tpu.vector_store %arg10[%swap3A, %swap3A_1058], %swap3A_1061 {add = true, strides = array<i32>} : memref<800x64xf32, #tpu.memory_space<vmem>>, vector<1x16xf32>,
      %add3A_1062 = arith.constant 0 : i32
      %add3A_1063 = arith.addi %add3A_1062, %scan3A_1040 : i32
      %swap3A_1064 = arith.index_cast %add3A_1063 : i32 to index
      %swap3A_1065 = arith.constant 16 : index
      %swap3A_1066 = tpu.vector_load %arg10[%swap3A_1064, %swap3A_1065] {strides = array<i32>} : memref<800x64xf32, #tpu.memory_space<vmem>>, vector<1x16xf32>,
      %swap3A_1067 = vector.shape_cast %swap3A_1066 : vector<1x16xf32> to vector<16xf32>
      %swap3A_1068 = vector.shape_cast %get3A_1047 : vector<16xf32> to vector<1x16xf32>
      tpu.vector_store %arg10[%swap3A_1064, %swap3A_1065], %swap3A_1068 {add = true, strides = array<i32>} : memref<800x64xf32, #tpu.memory_space<vmem>>, vector<1x16xf32>,
      %add3A_1069 = arith.constant 0 : i32
      %add3A_1070 = arith.addi %add3A_1069, %scan3A_1040 : i32
      %swap3A_1071 = arith.index_cast %add3A_1070 : i32 to index
      %swap3A_1072 = arith.constant 32 : index
      %swap3A_1073 = tpu.vector_load %arg10[%swap3A_1071, %swap3A_1072] {strides = array<i32>} : memref<800x64xf32, #tpu.memory_space<vmem>>, vector<1x16xf32>,
      %swap3A_1074 = vector.shape_cast %swap3A_1073 : vector<1x16xf32> to vector<16xf32>
      %swap3A_1075 = vector.shape_cast %get3A_1051 : vector<16xf32> to vector<1x16xf32>
      tpu.vector_store %arg10[%swap3A_1071, %swap3A_1072], %swap3A_1075 {add = true, strides = array<i32>} : memref<800x64xf32, #tpu.memory_space<vmem>>, vector<1x16xf32>,
      %add3A_1076 = arith.constant 0 : i32
      %add3A_1077 = arith.addi %add3A_1076, %scan3A_1040 : i32
      %swap3A_1078 = arith.index_cast %add3A_1077 : i32 to index
      %swap3A_1079 = arith.constant 48 : index
      %swap3A_1080 = tpu.vector_load %arg10[%swap3A_1078, %swap3A_1079] {strides = array<i32>} : memref<800x64xf32, #tpu.memory_space<vmem>>, vector<1x16xf32>,
      %swap3A_1081 = vector.shape_cast %swap3A_1080 : vector<1x16xf32> to vector<16xf32>
      %swap3A_1082 = vector.shape_cast %get3A_1055 : vector<16xf32> to vector<1x16xf32>
      tpu.vector_store %arg10[%swap3A_1078, %swap3A_1079], %swap3A_1082 {add = true, strides = array<i32>} : memref<800x64xf32, #tpu.memory_space<vmem>>, vector<1x16xf32>,
      %add3A_1083 = arith.constant 200 : i32
      %add3A_1084 = arith.addi %add3A_1083, %scan3A_1040 : i32
      %swap3A_1085 = arith.index_cast %add3A_1084 : i32 to index
      %swap3A_1086 = arith.constant 0 : index
      %swap3A_1087 = tpu.vector_load %arg10[%swap3A_1085, %swap3A_1086] {strides = array<i32>} : memref<800x64xf32, #tpu.memory_space<vmem>>, vector<1x16xf32>,
      %swap3A_1088 = vector.shape_cast %swap3A_1087 : vector<1x16xf32> to vector<16xf32>
      %swap3A_1089 = vector.shape_cast %get3A_1043 : vector<16xf32> to vector<1x16xf32>
      tpu.vector_store %arg10[%swap3A_1085, %swap3A_1086], %swap3A_1089 {add = true, strides = array<i32>} : memref<800x64xf32, #tpu.memory_space<vmem>>, vector<1x16xf32>,
      %add3A_1090 = arith.constant 200 : i32
      %add3A_1091 = arith.addi %add3A_1090, %scan3A_1040 : i32
      %swap3A_1092 = arith.index_cast %add3A_1091 : i32 to index
      %swap3A_1093 = arith.constant 16 : index
      %swap3A_1094 = tpu.vector_load %arg10[%swap3A_1092, %swap3A_1093] {strides = array<i32>} : memref<800x64xf32, #tpu.memory_space<vmem>>, vector<1x16xf32>,
      %swap3A_1095 = vector.shape_cast %swap3A_1094 : vector<1x16xf32> to vector<16xf32>
      %swap3A_1096 = vector.shape_cast %get3A_1047 : vector<16xf32> to vector<1x16xf32>
      tpu.vector_store %arg10[%swap3A_1092, %swap3A_1093], %swap3A_1096 {add = true, strides = array<i32>} : memref<800x64xf32, #tpu.memory_space<vmem>>, vector<1x16xf32>,
      %add3A_1097 = arith.constant 200 : i32
      %add3A_1098 = arith.addi %add3A_1097, %scan3A_1040 : i32
      %swap3A_1099 = arith.index_cast %add3A_1098 : i32 to index
      %swap3A_1100 = arith.constant 32 : index
      %swap3A_1101 = tpu.vector_load %arg10[%swap3A_1099, %swap3A_1100] {strides = array<i32>} : memref<800x64xf32, #tpu.memory_space<vmem>>, vector<1x16xf32>,
      %swap3A_1102 = vector.shape_cast %swap3A_1101 : vector<1x16xf32> to vector<16xf32>
      %swap3A_1103 = vector.shape_cast %get3A_1051 : vector<16xf32> to vector<1x16xf32>
      tpu.vector_store %arg10[%swap3A_1099, %swap3A_1100], %swap3A_1103 {add = true, strides = array<i32>} : memref<800x64xf32, #tpu.memory_space<vmem>>, vector<1x16xf32>,
      %add3A_1104 = arith.constant 200 : i32
      %add3A_1105 = arith.addi %add3A_1104, %scan3A_1040 : i32
      %swap3A_1106 = arith.index_cast %add3A_1105 : i32 to index
      %swap3A_1107 = arith.constant 48 : index
      %swap3A_1108 = tpu.vector_load %arg10[%swap3A_1106, %swap3A_1107] {strides = array<i32>} : memref<800x64xf32, #tpu.memory_space<vmem>>, vector<1x16xf32>,
      %swap3A_1109 = vector.shape_cast %swap3A_1108 : vector<1x16xf32> to vector<16xf32>
      %swap3A_1110 = vector.shape_cast %get3A_1055 : vector<16xf32> to vector<1x16xf32>
      tpu.vector_store %arg10[%swap3A_1106, %swap3A_1107], %swap3A_1110 {add = true, strides = array<i32>} : memref<800x64xf32, #tpu.memory_space<vmem>>, vector<1x16xf32>,
      %add3A_1111 = arith.constant 400 : i32
      %add3A_1112 = arith.addi %add3A_1111, %scan3A_1040 : i32
      %swap3A_1113 = arith.index_cast %add3A_1112 : i32 to index
      %swap3A_1114 = arith.constant 0 : index
      %swap3A_1115 = tpu.vector_load %arg10[%swap3A_1113, %swap3A_1114] {strides = array<i32>} : memref<800x64xf32, #tpu.memory_space<vmem>>, vector<1x16xf32>,
      %swap3A_1116 = vector.shape_cast %swap3A_1115 : vector<1x16xf32> to vector<16xf32>
      %swap3A_1117 = vector.shape_cast %get3A_1043 : vector<16xf32> to vector<1x16xf32>
      tpu.vector_store %arg10[%swap3A_1113, %swap3A_1114], %swap3A_1117 {add = true, strides = array<i32>} : memref<800x64xf32, #tpu.memory_space<vmem>>, vector<1x16xf32>,
      %add3A_1118 = arith.constant 400 : i32
      %add3A_1119 = arith.addi %add3A_1118, %scan3A_1040 : i32
      %swap3A_1120 = arith.index_cast %add3A_1119 : i32 to index
      %swap3A_1121 = arith.constant 16 : index
      %swap3A_1122 = tpu.vector_load %arg10[%swap3A_1120, %swap3A_1121] {strides = array<i32>} : memref<800x64xf32, #tpu.memory_space<vmem>>, vector<1x16xf32>,
      %swap3A_1123 = vector.shape_cast %swap3A_1122 : vector<1x16xf32> to vector<16xf32>
      %swap3A_1124 = vector.shape_cast %get3A_1047 : vector<16xf32> to vector<1x16xf32>
      tpu.vector_store %arg10[%swap3A_1120, %swap3A_1121], %swap3A_1124 {add = true, strides = array<i32>} : memref<800x64xf32, #tpu.memory_space<vmem>>, vector<1x16xf32>,
      %add3A_1125 = arith.constant 400 : i32
      %add3A_1126 = arith.addi %add3A_1125, %scan3A_1040 : i32
      %swap3A_1127 = arith.index_cast %add3A_1126 : i32 to index
      %swap3A_1128 = arith.constant 32 : index
      %swap3A_1129 = tpu.vector_load %arg10[%swap3A_1127, %swap3A_1128] {strides = array<i32>} : memref<800x64xf32, #tpu.memory_space<vmem>>, vector<1x16xf32>,
      %swap3A_1130 = vector.shape_cast %swap3A_1129 : vector<1x16xf32> to vector<16xf32>
      %swap3A_1131 = vector.shape_cast %get3A_1051 : vector<16xf32> to vector<1x16xf32>
      tpu.vector_store %arg10[%swap3A_1127, %swap3A_1128], %swap3A_1131 {add = true, strides = array<i32>} : memref<800x64xf32, #tpu.memory_space<vmem>>, vector<1x16xf32>,
      %add3A_1132 = arith.constant 400 : i32
      %add3A_1133 = arith.addi %add3A_1132, %scan3A_1040 : i32
      %swap3A_1134 = arith.index_cast %add3A_1133 : i32 to index
      %swap3A_1135 = arith.constant 48 : index
      %swap3A_1136 = tpu.vector_load %arg10[%swap3A_1134, %swap3A_1135] {strides = array<i32>} : memref<800x64xf32, #tpu.memory_space<vmem>>, vector<1x16xf32>,
      %swap3A_1137 = vector.shape_cast %swap3A_1136 : vector<1x16xf32> to vector<16xf32>
      %swap3A_1138 = vector.shape_cast %get3A_1055 : vector<16xf32> to vector<1x16xf32>
      tpu.vector_store %arg10[%swap3A_1134, %swap3A_1135], %swap3A_1138 {add = true, strides = array<i32>} : memref<800x64xf32, #tpu.memory_space<vmem>>, vector<1x16xf32>,
      %add3A_1139 = arith.constant 600 : i32
      %add3A_1140 = arith.addi %add3A_1139, %scan3A_1040 : i32
      %swap3A_1141 = arith.index_cast %add3A_1140 : i32 to index
      %swap3A_1142 = arith.constant 0 : index
      %swap3A_1143 = tpu.vector_load %arg10[%swap3A_1141, %swap3A_1142] {strides = array<i32>} : memref<800x64xf32, #tpu.memory_space<vmem>>, vector<1x16xf32>,
      %swap3A_1144 = vector.shape_cast %swap3A_1143 : vector<1x16xf32> to vector<16xf32>
      %swap3A_1145 = vector.shape_cast %get3A_1043 : vector<16xf32> to vector<1x16xf32>
      tpu.vector_store %arg10[%swap3A_1141, %swap3A_1142], %swap3A_1145 {add = true, strides = array<i32>} : memref<800x64xf32, #tpu.memory_space<vmem>>, vector<1x16xf32>,
      %add3A_1146 = arith.constant 600 : i32
      %add3A_1147 = arith.addi %add3A_1146, %scan3A_1040 : i32
      %swap3A_1148 = arith.index_cast %add3A_1147 : i32 to index
      %swap3A_1149 = arith.constant 16 : index
      %swap3A_1150 = tpu.vector_load %arg10[%swap3A_1148, %swap3A_1149] {strides = array<i32>} : memref<800x64xf32, #tpu.memory_space<vmem>>, vector<1x16xf32>,
      %swap3A_1151 = vector.shape_cast %swap3A_1150 : vector<1x16xf32> to vector<16xf32>
      %swap3A_1152 = vector.shape_cast %get3A_1047 : vector<16xf32> to vector<1x16xf32>
      tpu.vector_store %arg10[%swap3A_1148, %swap3A_1149], %swap3A_1152 {add = true, strides = array<i32>} : memref<800x64xf32, #tpu.memory_space<vmem>>, vector<1x16xf32>,
      %add3A_1153 = arith.constant 600 : i32
      %add3A_1154 = arith.addi %add3A_1153, %scan3A_1040 : i32
      %swap3A_1155 = arith.index_cast %add3A_1154 : i32 to index
      %swap3A_1156 = arith.constant 32 : index
      %swap3A_1157 = tpu.vector_load %arg10[%swap3A_1155, %swap3A_1156] {strides = array<i32>} : memref<800x64xf32, #tpu.memory_space<vmem>>, vector<1x16xf32>,
      %swap3A_1158 = vector.shape_cast %swap3A_1157 : vector<1x16xf32> to vector<16xf32>
      %swap3A_1159 = vector.shape_cast %get3A_1051 : vector<16xf32> to vector<1x16xf32>
      tpu.vector_store %arg10[%swap3A_1155, %swap3A_1156], %swap3A_1159 {add = true, strides = array<i32>} : memref<800x64xf32, #tpu.memory_space<vmem>>, vector<1x16xf32>,
      %add3A_1160 = arith.constant 600 : i32
      %add3A_1161 = arith.addi %add3A_1160, %scan3A_1040 : i32
      %swap3A_1162 = arith.index_cast %add3A_1161 : i32 to index
      %swap3A_1163 = arith.constant 48 : index
      %swap3A_1164 = tpu.vector_load %arg10[%swap3A_1162, %swap3A_1163] {strides = array<i32>} : memref<800x64xf32, #tpu.memory_space<vmem>>, vector<1x16xf32>,
      %swap3A_1165 = vector.shape_cast %swap3A_1164 : vector<1x16xf32> to vector<16xf32>
      %swap3A_1166 = vector.shape_cast %get3A_1055 : vector<16xf32> to vector<1x16xf32>
      tpu.vector_store %arg10[%swap3A_1162, %swap3A_1163], %swap3A_1166 {add = true, strides = array<i32>} : memref<800x64xf32, #tpu.memory_space<vmem>>, vector<1x16xf32>,
    }
    %scan3A_567 = arith.constant 200 : i32
    %add3A_568 = arith.constant 2400 : i32
    %add3A_569 = arith.addi %mul3A_2, %add3A_568 : i32
    %dma_start3A_570 = arith.constant 0 : i32
    %dma_start3A_571 = tpu.memref_slice %arg5[%add3A_569, %dma_start3A_570] : memref<204800x64xf32, #tpu.memory_space<hbm>> -> memref<800x64xf32, #tpu.memory_space<hbm>>
    %dma_start3A_572 = arith.constant 0 : i32
    %dma_start3A_573 = tpu.memref_slice %arg5[%add3A_569, %dma_start3A_572] : memref<204800x64xf32, #tpu.memory_space<hbm>> -> memref<800x64xf32, #tpu.memory_space<hbm>>
    tpu.enqueue_dma source(%arg10 : memref<800x64xf32, #tpu.memory_space<vmem>>) target(%dma_start3A_573 : memref<800x64xf32, #tpu.memory_space<hbm>>) target_semaphore(%arg14 : memref<!tpu.dma_semaphore, #tpu.memory_space<semaphore_mem>>)
    %dma_wait3A_574 = arith.constant 0 : i32
    %dma_wait3A_575 = tpu.memref_slice %arg5[%add3A_569, %dma_wait3A_574] : memref<204800x64xf32, #tpu.memory_space<hbm>> -> memref<800x64xf32, #tpu.memory_space<hbm>>
    %dma_wait3A_576 = arith.constant 0 : i32
    %dma_wait3A_577 = tpu.memref_slice %arg5[%add3A_569, %dma_wait3A_576] : memref<204800x64xf32, #tpu.memory_space<hbm>> -> memref<800x64xf32, #tpu.memory_space<hbm>>
    tpu.wait_dma2 semaphore(%arg14 : memref<!tpu.dma_semaphore, #tpu.memory_space<semaphore_mem>>) src(%arg10 : memref<800x64xf32, #tpu.memory_space<vmem>>) dst(%dma_wait3A_577 : memref<800x64xf32, #tpu.memory_space<hbm>>)
    %add3A_578 = arith.constant 4000 : i32
    %add3A_579 = arith.addi %mul3A_2, %add3A_578 : i32
    "tpu.region"() ({
      %run_scoped3A = tpu.sem_alloc : memref<!tpu.dma_semaphore, #tpu.memory_space<semaphore_mem>>
      %dma_start3A_1040 = tpu.memref_slice %arg2[%add3A_579] : memref<204800xi32, #tpu.memory_space<hbm>> -> memref<800xi32, #tpu.memory_space<hbm>>
      %dma_start3A_1041 = tpu.memref_slice %arg2[%add3A_579] : memref<204800xi32, #tpu.memory_space<hbm>> -> memref<800xi32, #tpu.memory_space<hbm>>
      tpu.enqueue_dma source(%dma_start3A_1041 : memref<800xi32, #tpu.memory_space<hbm>>) target(%arg8 : memref<800xi32, #tpu.memory_space<vmem>>) target_semaphore(%run_scoped3A : memref<!tpu.dma_semaphore, #tpu.memory_space<semaphore_mem>>)
      %dma_wait3A_1042 = tpu.memref_slice %arg2[%add3A_579] : memref<204800xi32, #tpu.memory_space<hbm>> -> memref<800xi32, #tpu.memory_space<hbm>>
      %dma_wait3A_1043 = tpu.memref_slice %arg2[%add3A_579] : memref<204800xi32, #tpu.memory_space<hbm>> -> memref<800xi32, #tpu.memory_space<hbm>>
      tpu.wait_dma2 semaphore(%run_scoped3A : memref<!tpu.dma_semaphore, #tpu.memory_space<semaphore_mem>>) src(%dma_wait3A_1043 : memref<800xi32, #tpu.memory_space<hbm>>) dst(%arg8 : memref<800xi32, #tpu.memory_space<vmem>>)
      tpu.yield
    }) : () -> ()
    %dma_start3A_580 = arith.constant 0 : i32
    %dma_start3A_581 = arith.constant 0 : i32
    %dma_start3A_582 = tpu.memref_slice %arg10[%dma_start3A_580, %dma_start3A_581] : memref<800x64xf32, #tpu.memory_space<vmem>> -> memref<128x64xf32, #tpu.memory_space<vmem>>
    %dma_start3A_583 = arith.constant 0 : i32
    %dma_start3A_584 = tpu.memref_slice %arg8[%dma_start3A_583] : memref<800xi32, #tpu.memory_space<vmem>> -> memref<128xi32, #tpu.memory_space<vmem>>
    %dma_start3A_585 = arith.constant 0 : i32
    %dma_start3A_586 = arith.constant 0 : i32
    %dma_start3A_587 = tpu.memref_slice %arg3[%dma_start3A_585, %dma_start3A_586] : memref<1000000x64xf32, #tpu.memory_space<hbm>> -> memref<1000000x64xf32, #tpu.memory_space<hbm>>
    tpu.enqueue_indirect_dma source(%dma_start3A_587 : memref<1000000x64xf32, #tpu.memory_space<hbm>>) target(%dma_start3A_582 : memref<128x64xf32, #tpu.memory_space<vmem>>) offsets(%dma_start3A_584 : memref<128xi32, #tpu.memory_space<vmem>>) semaphore(%arg12 : memref<!tpu.dma_semaphore, #tpu.memory_space<semaphore_mem>>)
    %dma_start3A_588 = arith.constant 128 : i32
    %dma_start3A_589 = arith.constant 0 : i32
    %dma_start3A_590 = tpu.memref_slice %arg10[%dma_start3A_588, %dma_start3A_589] : memref<800x64xf32, #tpu.memory_space<vmem>> -> memref<128x64xf32, #tpu.memory_space<vmem>>
    %dma_start3A_591 = arith.constant 128 : i32
    %dma_start3A_592 = tpu.memref_slice %arg8[%dma_start3A_591] : memref<800xi32, #tpu.memory_space<vmem>> -> memref<128xi32, #tpu.memory_space<vmem>>
    %dma_start3A_593 = arith.constant 0 : i32
    %dma_start3A_594 = arith.constant 0 : i32
    %dma_start3A_595 = tpu.memref_slice %arg3[%dma_start3A_593, %dma_start3A_594] : memref<1000000x64xf32, #tpu.memory_space<hbm>> -> memref<1000000x64xf32, #tpu.memory_space<hbm>>
    tpu.enqueue_indirect_dma source(%dma_start3A_595 : memref<1000000x64xf32, #tpu.memory_space<hbm>>) target(%dma_start3A_590 : memref<128x64xf32, #tpu.memory_space<vmem>>) offsets(%dma_start3A_592 : memref<128xi32, #tpu.memory_space<vmem>>) semaphore(%arg12 : memref<!tpu.dma_semaphore, #tpu.memory_space<semaphore_mem>>)
    %dma_start3A_596 = arith.constant 256 : i32
    %dma_start3A_597 = arith.constant 0 : i32
    %dma_start3A_598 = tpu.memref_slice %arg10[%dma_start3A_596, %dma_start3A_597] : memref<800x64xf32, #tpu.memory_space<vmem>> -> memref<128x64xf32, #tpu.memory_space<vmem>>
    %dma_start3A_599 = arith.constant 256 : i32
    %dma_start3A_600 = tpu.memref_slice %arg8[%dma_start3A_599] : memref<800xi32, #tpu.memory_space<vmem>> -> memref<128xi32, #tpu.memory_space<vmem>>
    %dma_start3A_601 = arith.constant 0 : i32
    %dma_start3A_602 = arith.constant 0 : i32
    %dma_start3A_603 = tpu.memref_slice %arg3[%dma_start3A_601, %dma_start3A_602] : memref<1000000x64xf32, #tpu.memory_space<hbm>> -> memref<1000000x64xf32, #tpu.memory_space<hbm>>
    tpu.enqueue_indirect_dma source(%dma_start3A_603 : memref<1000000x64xf32, #tpu.memory_space<hbm>>) target(%dma_start3A_598 : memref<128x64xf32, #tpu.memory_space<vmem>>) offsets(%dma_start3A_600 : memref<128xi32, #tpu.memory_space<vmem>>) semaphore(%arg12 : memref<!tpu.dma_semaphore, #tpu.memory_space<semaphore_mem>>)
    %dma_start3A_604 = arith.constant 384 : i32
    %dma_start3A_605 = arith.constant 0 : i32
    %dma_start3A_606 = tpu.memref_slice %arg10[%dma_start3A_604, %dma_start3A_605] : memref<800x64xf32, #tpu.memory_space<vmem>> -> memref<128x64xf32, #tpu.memory_space<vmem>>
    %dma_start3A_607 = arith.constant 384 : i32
    %dma_start3A_608 = tpu.memref_slice %arg8[%dma_start3A_607] : memref<800xi32, #tpu.memory_space<vmem>> -> memref<128xi32, #tpu.memory_space<vmem>>
    %dma_start3A_609 = arith.constant 0 : i32
    %dma_start3A_610 = arith.constant 0 : i32
    %dma_start3A_611 = tpu.memref_slice %arg3[%dma_start3A_609, %dma_start3A_610] : memref<1000000x64xf32, #tpu.memory_space<hbm>> -> memref<1000000x64xf32, #tpu.memory_space<hbm>>
    tpu.enqueue_indirect_dma source(%dma_start3A_611 : memref<1000000x64xf32, #tpu.memory_space<hbm>>) target(%dma_start3A_606 : memref<128x64xf32, #tpu.memory_space<vmem>>) offsets(%dma_start3A_608 : memref<128xi32, #tpu.memory_space<vmem>>) semaphore(%arg12 : memref<!tpu.dma_semaphore, #tpu.memory_space<semaphore_mem>>)
    %dma_start3A_612 = arith.constant 512 : i32
    %dma_start3A_613 = arith.constant 0 : i32
    %dma_start3A_614 = tpu.memref_slice %arg10[%dma_start3A_612, %dma_start3A_613] : memref<800x64xf32, #tpu.memory_space<vmem>> -> memref<128x64xf32, #tpu.memory_space<vmem>>
    %dma_start3A_615 = arith.constant 512 : i32
    %dma_start3A_616 = tpu.memref_slice %arg8[%dma_start3A_615] : memref<800xi32, #tpu.memory_space<vmem>> -> memref<128xi32, #tpu.memory_space<vmem>>
    %dma_start3A_617 = arith.constant 0 : i32
    %dma_start3A_618 = arith.constant 0 : i32
    %dma_start3A_619 = tpu.memref_slice %arg3[%dma_start3A_617, %dma_start3A_618] : memref<1000000x64xf32, #tpu.memory_space<hbm>> -> memref<1000000x64xf32, #tpu.memory_space<hbm>>
    tpu.enqueue_indirect_dma source(%dma_start3A_619 : memref<1000000x64xf32, #tpu.memory_space<hbm>>) target(%dma_start3A_614 : memref<128x64xf32, #tpu.memory_space<vmem>>) offsets(%dma_start3A_616 : memref<128xi32, #tpu.memory_space<vmem>>) semaphore(%arg12 : memref<!tpu.dma_semaphore, #tpu.memory_space<semaphore_mem>>)
    %dma_start3A_620 = arith.constant 640 : i32
    %dma_start3A_621 = arith.constant 0 : i32
    %dma_start3A_622 = tpu.memref_slice %arg10[%dma_start3A_620, %dma_start3A_621] : memref<800x64xf32, #tpu.memory_space<vmem>> -> memref<128x64xf32, #tpu.memory_space<vmem>>
    %dma_start3A_623 = arith.constant 640 : i32
    %dma_start3A_624 = tpu.memref_slice %arg8[%dma_start3A_623] : memref<800xi32, #tpu.memory_space<vmem>> -> memref<128xi32, #tpu.memory_space<vmem>>
    %dma_start3A_625 = arith.constant 0 : i32
    %dma_start3A_626 = arith.constant 0 : i32
    %dma_start3A_627 = tpu.memref_slice %arg3[%dma_start3A_625, %dma_start3A_626] : memref<1000000x64xf32, #tpu.memory_space<hbm>> -> memref<1000000x64xf32, #tpu.memory_space<hbm>>
    tpu.enqueue_indirect_dma source(%dma_start3A_627 : memref<1000000x64xf32, #tpu.memory_space<hbm>>) target(%dma_start3A_622 : memref<128x64xf32, #tpu.memory_space<vmem>>) offsets(%dma_start3A_624 : memref<128xi32, #tpu.memory_space<vmem>>) semaphore(%arg12 : memref<!tpu.dma_semaphore, #tpu.memory_space<semaphore_mem>>)
    %dma_start3A_628 = arith.constant 768 : i32
    %dma_start3A_629 = arith.constant 0 : i32
    %dma_start3A_630 = tpu.memref_slice %arg10[%dma_start3A_628, %dma_start3A_629] : memref<800x64xf32, #tpu.memory_space<vmem>> -> memref<32x64xf32, #tpu.memory_space<vmem>>
    %dma_start3A_631 = arith.constant 768 : i32
    %dma_start3A_632 = tpu.memref_slice %arg8[%dma_start3A_631] : memref<800xi32, #tpu.memory_space<vmem>> -> memref<32xi32, #tpu.memory_space<vmem>>
    %dma_start3A_633 = arith.constant 0 : i32
    %dma_start3A_634 = arith.constant 0 : i32
    %dma_start3A_635 = tpu.memref_slice %arg3[%dma_start3A_633, %dma_start3A_634] : memref<1000000x64xf32, #tpu.memory_space<hbm>> -> memref<1000000x64xf32, #tpu.memory_space<hbm>>
    tpu.enqueue_indirect_dma source(%dma_start3A_635 : memref<1000000x64xf32, #tpu.memory_space<hbm>>) target(%dma_start3A_630 : memref<32x64xf32, #tpu.memory_space<vmem>>) offsets(%dma_start3A_632 : memref<32xi32, #tpu.memory_space<vmem>>) semaphore(%arg12 : memref<!tpu.dma_semaphore, #tpu.memory_space<semaphore_mem>>)
    %dma_wait3A_636 = arith.constant 0 : i32
    %dma_wait3A_637 = arith.constant 0 : i32
    %dma_wait3A_638 = tpu.memref_slice %arg9[%dma_wait3A_636, %dma_wait3A_637] : memref<800x64xf32, #tpu.memory_space<vmem>> -> memref<128x64xf32, #tpu.memory_space<vmem>>
    %dma_wait3A_639 = arith.constant 0 : i32
    %dma_wait3A_640 = tpu.memref_slice %arg7[%dma_wait3A_639] : memref<800xi32, #tpu.memory_space<vmem>> -> memref<128xi32, #tpu.memory_space<vmem>>
    %dma_wait3A_641 = arith.constant 0 : i32
    %dma_wait3A_642 = arith.constant 0 : i32
    %dma_wait3A_643 = tpu.memref_slice %arg3[%dma_wait3A_641, %dma_wait3A_642] : memref<1000000x64xf32, #tpu.memory_space<hbm>> -> memref<1000000x64xf32, #tpu.memory_space<hbm>>
    tpu.wait_indirect_dma semaphore(%arg11 : memref<!tpu.dma_semaphore, #tpu.memory_space<semaphore_mem>>) src(%dma_wait3A_643 : memref<1000000x64xf32, #tpu.memory_space<hbm>>) dst(%dma_wait3A_638 : memref<128x64xf32, #tpu.memory_space<vmem>>)
    %dma_wait3A_644 = arith.constant 128 : i32
    %dma_wait3A_645 = arith.constant 0 : i32
    %dma_wait3A_646 = tpu.memref_slice %arg9[%dma_wait3A_644, %dma_wait3A_645] : memref<800x64xf32, #tpu.memory_space<vmem>> -> memref<128x64xf32, #tpu.memory_space<vmem>>
    %dma_wait3A_647 = arith.constant 128 : i32
    %dma_wait3A_648 = tpu.memref_slice %arg7[%dma_wait3A_647] : memref<800xi32, #tpu.memory_space<vmem>> -> memref<128xi32, #tpu.memory_space<vmem>>
    %dma_wait3A_649 = arith.constant 0 : i32
    %dma_wait3A_650 = arith.constant 0 : i32
    %dma_wait3A_651 = tpu.memref_slice %arg3[%dma_wait3A_649, %dma_wait3A_650] : memref<1000000x64xf32, #tpu.memory_space<hbm>> -> memref<1000000x64xf32, #tpu.memory_space<hbm>>
    tpu.wait_indirect_dma semaphore(%arg11 : memref<!tpu.dma_semaphore, #tpu.memory_space<semaphore_mem>>) src(%dma_wait3A_651 : memref<1000000x64xf32, #tpu.memory_space<hbm>>) dst(%dma_wait3A_646 : memref<128x64xf32, #tpu.memory_space<vmem>>)
    %dma_wait3A_652 = arith.constant 256 : i32
    %dma_wait3A_653 = arith.constant 0 : i32
    %dma_wait3A_654 = tpu.memref_slice %arg9[%dma_wait3A_652, %dma_wait3A_653] : memref<800x64xf32, #tpu.memory_space<vmem>> -> memref<128x64xf32, #tpu.memory_space<vmem>>
    %dma_wait3A_655 = arith.constant 256 : i32
    %dma_wait3A_656 = tpu.memref_slice %arg7[%dma_wait3A_655] : memref<800xi32, #tpu.memory_space<vmem>> -> memref<128xi32, #tpu.memory_space<vmem>>
    %dma_wait3A_657 = arith.constant 0 : i32
    %dma_wait3A_658 = arith.constant 0 : i32
    %dma_wait3A_659 = tpu.memref_slice %arg3[%dma_wait3A_657, %dma_wait3A_658] : memref<1000000x64xf32, #tpu.memory_space<hbm>> -> memref<1000000x64xf32, #tpu.memory_space<hbm>>
    tpu.wait_indirect_dma semaphore(%arg11 : memref<!tpu.dma_semaphore, #tpu.memory_space<semaphore_mem>>) src(%dma_wait3A_659 : memref<1000000x64xf32, #tpu.memory_space<hbm>>) dst(%dma_wait3A_654 : memref<128x64xf32, #tpu.memory_space<vmem>>)
    %dma_wait3A_660 = arith.constant 384 : i32
    %dma_wait3A_661 = arith.constant 0 : i32
    %dma_wait3A_662 = tpu.memref_slice %arg9[%dma_wait3A_660, %dma_wait3A_661] : memref<800x64xf32, #tpu.memory_space<vmem>> -> memref<128x64xf32, #tpu.memory_space<vmem>>
    %dma_wait3A_663 = arith.constant 384 : i32
    %dma_wait3A_664 = tpu.memref_slice %arg7[%dma_wait3A_663] : memref<800xi32, #tpu.memory_space<vmem>> -> memref<128xi32, #tpu.memory_space<vmem>>
    %dma_wait3A_665 = arith.constant 0 : i32
    %dma_wait3A_666 = arith.constant 0 : i32
    %dma_wait3A_667 = tpu.memref_slice %arg3[%dma_wait3A_665, %dma_wait3A_666] : memref<1000000x64xf32, #tpu.memory_space<hbm>> -> memref<1000000x64xf32, #tpu.memory_space<hbm>>
    tpu.wait_indirect_dma semaphore(%arg11 : memref<!tpu.dma_semaphore, #tpu.memory_space<semaphore_mem>>) src(%dma_wait3A_667 : memref<1000000x64xf32, #tpu.memory_space<hbm>>) dst(%dma_wait3A_662 : memref<128x64xf32, #tpu.memory_space<vmem>>)
    %dma_wait3A_668 = arith.constant 512 : i32
    %dma_wait3A_669 = arith.constant 0 : i32
    %dma_wait3A_670 = tpu.memref_slice %arg9[%dma_wait3A_668, %dma_wait3A_669] : memref<800x64xf32, #tpu.memory_space<vmem>> -> memref<128x64xf32, #tpu.memory_space<vmem>>
    %dma_wait3A_671 = arith.constant 512 : i32
    %dma_wait3A_672 = tpu.memref_slice %arg7[%dma_wait3A_671] : memref<800xi32, #tpu.memory_space<vmem>> -> memref<128xi32, #tpu.memory_space<vmem>>
    %dma_wait3A_673 = arith.constant 0 : i32
    %dma_wait3A_674 = arith.constant 0 : i32
    %dma_wait3A_675 = tpu.memref_slice %arg3[%dma_wait3A_673, %dma_wait3A_674] : memref<1000000x64xf32, #tpu.memory_space<hbm>> -> memref<1000000x64xf32, #tpu.memory_space<hbm>>
    tpu.wait_indirect_dma semaphore(%arg11 : memref<!tpu.dma_semaphore, #tpu.memory_space<semaphore_mem>>) src(%dma_wait3A_675 : memref<1000000x64xf32, #tpu.memory_space<hbm>>) dst(%dma_wait3A_670 : memref<128x64xf32, #tpu.memory_space<vmem>>)
    %dma_wait3A_676 = arith.constant 640 : i32
    %dma_wait3A_677 = arith.constant 0 : i32
    %dma_wait3A_678 = tpu.memref_slice %arg9[%dma_wait3A_676, %dma_wait3A_677] : memref<800x64xf32, #tpu.memory_space<vmem>> -> memref<128x64xf32, #tpu.memory_space<vmem>>
    %dma_wait3A_679 = arith.constant 640 : i32
    %dma_wait3A_680 = tpu.memref_slice %arg7[%dma_wait3A_679] : memref<800xi32, #tpu.memory_space<vmem>> -> memref<128xi32, #tpu.memory_space<vmem>>
    %dma_wait3A_681 = arith.constant 0 : i32
    %dma_wait3A_682 = arith.constant 0 : i32
    %dma_wait3A_683 = tpu.memref_slice %arg3[%dma_wait3A_681, %dma_wait3A_682] : memref<1000000x64xf32, #tpu.memory_space<hbm>> -> memref<1000000x64xf32, #tpu.memory_space<hbm>>
    tpu.wait_indirect_dma semaphore(%arg11 : memref<!tpu.dma_semaphore, #tpu.memory_space<semaphore_mem>>) src(%dma_wait3A_683 : memref<1000000x64xf32, #tpu.memory_space<hbm>>) dst(%dma_wait3A_678 : memref<128x64xf32, #tpu.memory_space<vmem>>)
    %dma_wait3A_684 = arith.constant 768 : i32
    %dma_wait3A_685 = arith.constant 0 : i32
    %dma_wait3A_686 = tpu.memref_slice %arg9[%dma_wait3A_684, %dma_wait3A_685] : memref<800x64xf32, #tpu.memory_space<vmem>> -> memref<32x64xf32, #tpu.memory_space<vmem>>
    %dma_wait3A_687 = arith.constant 768 : i32
    %dma_wait3A_688 = tpu.memref_slice %arg7[%dma_wait3A_687] : memref<800xi32, #tpu.memory_space<vmem>> -> memref<32xi32, #tpu.memory_space<vmem>>
    %dma_wait3A_689 = arith.constant 0 : i32
    %dma_wait3A_690 = arith.constant 0 : i32
    %dma_wait3A_691 = tpu.memref_slice %arg3[%dma_wait3A_689, %dma_wait3A_690] : memref<1000000x64xf32, #tpu.memory_space<hbm>> -> memref<1000000x64xf32, #tpu.memory_space<hbm>>
    tpu.wait_indirect_dma semaphore(%arg11 : memref<!tpu.dma_semaphore, #tpu.memory_space<semaphore_mem>>) src(%dma_wait3A_691 : memref<1000000x64xf32, #tpu.memory_space<hbm>>) dst(%dma_wait3A_686 : memref<32x64xf32, #tpu.memory_space<vmem>>)
    %scan3A_692 = arith.constant 0 : i32
    %scan3A_693 = arith.constant 0 : i32
    %scan3A_694 = arith.constant 200 : i32
    %scan3A_695 = arith.addi %scan3A_693, %scan3A_694 : i32
    %scan3A_696 = arith.constant 1 : i32
    scf.for %scan3A_1040 = %scan3A_693 to %scan3A_695 step %scan3A_696  : i32 {
      %get3A = arith.index_cast %scan3A_1040 : i32 to index
      %get3A_1041 = arith.constant 0 : index
      %get3A_1042 = tpu.vector_load %arg6[%get3A, %get3A_1041] {strides = array<i32>} : memref<200x64xf32, #tpu.memory_space<vmem>>, vector<1x16xf32>,
      %get3A_1043 = vector.shape_cast %get3A_1042 : vector<1x16xf32> to vector<16xf32>
      %get3A_1044 = arith.index_cast %scan3A_1040 : i32 to index
      %get3A_1045 = arith.constant 16 : index
      %get3A_1046 = tpu.vector_load %arg6[%get3A_1044, %get3A_1045] {strides = array<i32>} : memref<200x64xf32, #tpu.memory_space<vmem>>, vector<1x16xf32>,
      %get3A_1047 = vector.shape_cast %get3A_1046 : vector<1x16xf32> to vector<16xf32>
      %get3A_1048 = arith.index_cast %scan3A_1040 : i32 to index
      %get3A_1049 = arith.constant 32 : index
      %get3A_1050 = tpu.vector_load %arg6[%get3A_1048, %get3A_1049] {strides = array<i32>} : memref<200x64xf32, #tpu.memory_space<vmem>>, vector<1x16xf32>,
      %get3A_1051 = vector.shape_cast %get3A_1050 : vector<1x16xf32> to vector<16xf32>
      %get3A_1052 = arith.index_cast %scan3A_1040 : i32 to index
      %get3A_1053 = arith.constant 48 : index
      %get3A_1054 = tpu.vector_load %arg6[%get3A_1052, %get3A_1053] {strides = array<i32>} : memref<200x64xf32, #tpu.memory_space<vmem>>, vector<1x16xf32>,
      %get3A_1055 = vector.shape_cast %get3A_1054 : vector<1x16xf32> to vector<16xf32>
      %add3A_1056 = arith.constant 0 : i32
      %add3A_1057 = arith.addi %add3A_1056, %scan3A_1040 : i32
      %swap3A = arith.index_cast %add3A_1057 : i32 to index
      %swap3A_1058 = arith.constant 0 : index
      %swap3A_1059 = tpu.vector_load %arg9[%swap3A, %swap3A_1058] {strides = array<i32>} : memref<800x64xf32, #tpu.memory_space<vmem>>, vector<1x16xf32>,
      %swap3A_1060 = vector.shape_cast %swap3A_1059 : vector<1x16xf32> to vector<16xf32>
      %swap3A_1061 = vector.shape_cast %get3A_1043 : vector<16xf32> to vector<1x16xf32>
      tpu.vector_store %arg9[%swap3A, %swap3A_1058], %swap3A_1061 {add = true, strides = array<i32>} : memref<800x64xf32, #tpu.memory_space<vmem>>, vector<1x16xf32>,
      %add3A_1062 = arith.constant 0 : i32
      %add3A_1063 = arith.addi %add3A_1062, %scan3A_1040 : i32
      %swap3A_1064 = arith.index_cast %add3A_1063 : i32 to index
      %swap3A_1065 = arith.constant 16 : index
      %swap3A_1066 = tpu.vector_load %arg9[%swap3A_1064, %swap3A_1065] {strides = array<i32>} : memref<800x64xf32, #tpu.memory_space<vmem>>, vector<1x16xf32>,
      %swap3A_1067 = vector.shape_cast %swap3A_1066 : vector<1x16xf32> to vector<16xf32>
      %swap3A_1068 = vector.shape_cast %get3A_1047 : vector<16xf32> to vector<1x16xf32>
      tpu.vector_store %arg9[%swap3A_1064, %swap3A_1065], %swap3A_1068 {add = true, strides = array<i32>} : memref<800x64xf32, #tpu.memory_space<vmem>>, vector<1x16xf32>,
      %add3A_1069 = arith.constant 0 : i32
      %add3A_1070 = arith.addi %add3A_1069, %scan3A_1040 : i32
      %swap3A_1071 = arith.index_cast %add3A_1070 : i32 to index
      %swap3A_1072 = arith.constant 32 : index
      %swap3A_1073 = tpu.vector_load %arg9[%swap3A_1071, %swap3A_1072] {strides = array<i32>} : memref<800x64xf32, #tpu.memory_space<vmem>>, vector<1x16xf32>,
      %swap3A_1074 = vector.shape_cast %swap3A_1073 : vector<1x16xf32> to vector<16xf32>
      %swap3A_1075 = vector.shape_cast %get3A_1051 : vector<16xf32> to vector<1x16xf32>
      tpu.vector_store %arg9[%swap3A_1071, %swap3A_1072], %swap3A_1075 {add = true, strides = array<i32>} : memref<800x64xf32, #tpu.memory_space<vmem>>, vector<1x16xf32>,
      %add3A_1076 = arith.constant 0 : i32
      %add3A_1077 = arith.addi %add3A_1076, %scan3A_1040 : i32
      %swap3A_1078 = arith.index_cast %add3A_1077 : i32 to index
      %swap3A_1079 = arith.constant 48 : index
      %swap3A_1080 = tpu.vector_load %arg9[%swap3A_1078, %swap3A_1079] {strides = array<i32>} : memref<800x64xf32, #tpu.memory_space<vmem>>, vector<1x16xf32>,
      %swap3A_1081 = vector.shape_cast %swap3A_1080 : vector<1x16xf32> to vector<16xf32>
      %swap3A_1082 = vector.shape_cast %get3A_1055 : vector<16xf32> to vector<1x16xf32>
      tpu.vector_store %arg9[%swap3A_1078, %swap3A_1079], %swap3A_1082 {add = true, strides = array<i32>} : memref<800x64xf32, #tpu.memory_space<vmem>>, vector<1x16xf32>,
      %add3A_1083 = arith.constant 200 : i32
      %add3A_1084 = arith.addi %add3A_1083, %scan3A_1040 : i32
      %swap3A_1085 = arith.index_cast %add3A_1084 : i32 to index
      %swap3A_1086 = arith.constant 0 : index
      %swap3A_1087 = tpu.vector_load %arg9[%swap3A_1085, %swap3A_1086] {strides = array<i32>} : memref<800x64xf32, #tpu.memory_space<vmem>>, vector<1x16xf32>,
      %swap3A_1088 = vector.shape_cast %swap3A_1087 : vector<1x16xf32> to vector<16xf32>
      %swap3A_1089 = vector.shape_cast %get3A_1043 : vector<16xf32> to vector<1x16xf32>
      tpu.vector_store %arg9[%swap3A_1085, %swap3A_1086], %swap3A_1089 {add = true, strides = array<i32>} : memref<800x64xf32, #tpu.memory_space<vmem>>, vector<1x16xf32>,
      %add3A_1090 = arith.constant 200 : i32
      %add3A_1091 = arith.addi %add3A_1090, %scan3A_1040 : i32
      %swap3A_1092 = arith.index_cast %add3A_1091 : i32 to index
      %swap3A_1093 = arith.constant 16 : index
      %swap3A_1094 = tpu.vector_load %arg9[%swap3A_1092, %swap3A_1093] {strides = array<i32>} : memref<800x64xf32, #tpu.memory_space<vmem>>, vector<1x16xf32>,
      %swap3A_1095 = vector.shape_cast %swap3A_1094 : vector<1x16xf32> to vector<16xf32>
      %swap3A_1096 = vector.shape_cast %get3A_1047 : vector<16xf32> to vector<1x16xf32>
      tpu.vector_store %arg9[%swap3A_1092, %swap3A_1093], %swap3A_1096 {add = true, strides = array<i32>} : memref<800x64xf32, #tpu.memory_space<vmem>>, vector<1x16xf32>,
      %add3A_1097 = arith.constant 200 : i32
      %add3A_1098 = arith.addi %add3A_1097, %scan3A_1040 : i32
      %swap3A_1099 = arith.index_cast %add3A_1098 : i32 to index
      %swap3A_1100 = arith.constant 32 : index
      %swap3A_1101 = tpu.vector_load %arg9[%swap3A_1099, %swap3A_1100] {strides = array<i32>} : memref<800x64xf32, #tpu.memory_space<vmem>>, vector<1x16xf32>,
      %swap3A_1102 = vector.shape_cast %swap3A_1101 : vector<1x16xf32> to vector<16xf32>
      %swap3A_1103 = vector.shape_cast %get3A_1051 : vector<16xf32> to vector<1x16xf32>
      tpu.vector_store %arg9[%swap3A_1099, %swap3A_1100], %swap3A_1103 {add = true, strides = array<i32>} : memref<800x64xf32, #tpu.memory_space<vmem>>, vector<1x16xf32>,
      %add3A_1104 = arith.constant 200 : i32
      %add3A_1105 = arith.addi %add3A_1104, %scan3A_1040 : i32
      %swap3A_1106 = arith.index_cast %add3A_1105 : i32 to index
      %swap3A_1107 = arith.constant 48 : index
      %swap3A_1108 = tpu.vector_load %arg9[%swap3A_1106, %swap3A_1107] {strides = array<i32>} : memref<800x64xf32, #tpu.memory_space<vmem>>, vector<1x16xf32>,
      %swap3A_1109 = vector.shape_cast %swap3A_1108 : vector<1x16xf32> to vector<16xf32>
      %swap3A_1110 = vector.shape_cast %get3A_1055 : vector<16xf32> to vector<1x16xf32>
      tpu.vector_store %arg9[%swap3A_1106, %swap3A_1107], %swap3A_1110 {add = true, strides = array<i32>} : memref<800x64xf32, #tpu.memory_space<vmem>>, vector<1x16xf32>,
      %add3A_1111 = arith.constant 400 : i32
      %add3A_1112 = arith.addi %add3A_1111, %scan3A_1040 : i32
      %swap3A_1113 = arith.index_cast %add3A_1112 : i32 to index
      %swap3A_1114 = arith.constant 0 : index
      %swap3A_1115 = tpu.vector_load %arg9[%swap3A_1113, %swap3A_1114] {strides = array<i32>} : memref<800x64xf32, #tpu.memory_space<vmem>>, vector<1x16xf32>,
      %swap3A_1116 = vector.shape_cast %swap3A_1115 : vector<1x16xf32> to vector<16xf32>
      %swap3A_1117 = vector.shape_cast %get3A_1043 : vector<16xf32> to vector<1x16xf32>
      tpu.vector_store %arg9[%swap3A_1113, %swap3A_1114], %swap3A_1117 {add = true, strides = array<i32>} : memref<800x64xf32, #tpu.memory_space<vmem>>, vector<1x16xf32>,
      %add3A_1118 = arith.constant 400 : i32
      %add3A_1119 = arith.addi %add3A_1118, %scan3A_1040 : i32
      %swap3A_1120 = arith.index_cast %add3A_1119 : i32 to index
      %swap3A_1121 = arith.constant 16 : index
      %swap3A_1122 = tpu.vector_load %arg9[%swap3A_1120, %swap3A_1121] {strides = array<i32>} : memref<800x64xf32, #tpu.memory_space<vmem>>, vector<1x16xf32>,
      %swap3A_1123 = vector.shape_cast %swap3A_1122 : vector<1x16xf32> to vector<16xf32>
      %swap3A_1124 = vector.shape_cast %get3A_1047 : vector<16xf32> to vector<1x16xf32>
      tpu.vector_store %arg9[%swap3A_1120, %swap3A_1121], %swap3A_1124 {add = true, strides = array<i32>} : memref<800x64xf32, #tpu.memory_space<vmem>>, vector<1x16xf32>,
      %add3A_1125 = arith.constant 400 : i32
      %add3A_1126 = arith.addi %add3A_1125, %scan3A_1040 : i32
      %swap3A_1127 = arith.index_cast %add3A_1126 : i32 to index
      %swap3A_1128 = arith.constant 32 : index
      %swap3A_1129 = tpu.vector_load %arg9[%swap3A_1127, %swap3A_1128] {strides = array<i32>} : memref<800x64xf32, #tpu.memory_space<vmem>>, vector<1x16xf32>,
      %swap3A_1130 = vector.shape_cast %swap3A_1129 : vector<1x16xf32> to vector<16xf32>
      %swap3A_1131 = vector.shape_cast %get3A_1051 : vector<16xf32> to vector<1x16xf32>
      tpu.vector_store %arg9[%swap3A_1127, %swap3A_1128], %swap3A_1131 {add = true, strides = array<i32>} : memref<800x64xf32, #tpu.memory_space<vmem>>, vector<1x16xf32>,
      %add3A_1132 = arith.constant 400 : i32
      %add3A_1133 = arith.addi %add3A_1132, %scan3A_1040 : i32
      %swap3A_1134 = arith.index_cast %add3A_1133 : i32 to index
      %swap3A_1135 = arith.constant 48 : index
      %swap3A_1136 = tpu.vector_load %arg9[%swap3A_1134, %swap3A_1135] {strides = array<i32>} : memref<800x64xf32, #tpu.memory_space<vmem>>, vector<1x16xf32>,
      %swap3A_1137 = vector.shape_cast %swap3A_1136 : vector<1x16xf32> to vector<16xf32>
      %swap3A_1138 = vector.shape_cast %get3A_1055 : vector<16xf32> to vector<1x16xf32>
      tpu.vector_store %arg9[%swap3A_1134, %swap3A_1135], %swap3A_1138 {add = true, strides = array<i32>} : memref<800x64xf32, #tpu.memory_space<vmem>>, vector<1x16xf32>,
      %add3A_1139 = arith.constant 600 : i32
      %add3A_1140 = arith.addi %add3A_1139, %scan3A_1040 : i32
      %swap3A_1141 = arith.index_cast %add3A_1140 : i32 to index
      %swap3A_1142 = arith.constant 0 : index
      %swap3A_1143 = tpu.vector_load %arg9[%swap3A_1141, %swap3A_1142] {strides = array<i32>} : memref<800x64xf32, #tpu.memory_space<vmem>>, vector<1x16xf32>,
      %swap3A_1144 = vector.shape_cast %swap3A_1143 : vector<1x16xf32> to vector<16xf32>
      %swap3A_1145 = vector.shape_cast %get3A_1043 : vector<16xf32> to vector<1x16xf32>
      tpu.vector_store %arg9[%swap3A_1141, %swap3A_1142], %swap3A_1145 {add = true, strides = array<i32>} : memref<800x64xf32, #tpu.memory_space<vmem>>, vector<1x16xf32>,
      %add3A_1146 = arith.constant 600 : i32
      %add3A_1147 = arith.addi %add3A_1146, %scan3A_1040 : i32
      %swap3A_1148 = arith.index_cast %add3A_1147 : i32 to index
      %swap3A_1149 = arith.constant 16 : index
      %swap3A_1150 = tpu.vector_load %arg9[%swap3A_1148, %swap3A_1149] {strides = array<i32>} : memref<800x64xf32, #tpu.memory_space<vmem>>, vector<1x16xf32>,
      %swap3A_1151 = vector.shape_cast %swap3A_1150 : vector<1x16xf32> to vector<16xf32>
      %swap3A_1152 = vector.shape_cast %get3A_1047 : vector<16xf32> to vector<1x16xf32>
      tpu.vector_store %arg9[%swap3A_1148, %swap3A_1149], %swap3A_1152 {add = true, strides = array<i32>} : memref<800x64xf32, #tpu.memory_space<vmem>>, vector<1x16xf32>,
      %add3A_1153 = arith.constant 600 : i32
      %add3A_1154 = arith.addi %add3A_1153, %scan3A_1040 : i32
      %swap3A_1155 = arith.index_cast %add3A_1154 : i32 to index
      %swap3A_1156 = arith.constant 32 : index
      %swap3A_1157 = tpu.vector_load %arg9[%swap3A_1155, %swap3A_1156] {strides = array<i32>} : memref<800x64xf32, #tpu.memory_space<vmem>>, vector<1x16xf32>,
      %swap3A_1158 = vector.shape_cast %swap3A_1157 : vector<1x16xf32> to vector<16xf32>
      %swap3A_1159 = vector.shape_cast %get3A_1051 : vector<16xf32> to vector<1x16xf32>
      tpu.vector_store %arg9[%swap3A_1155, %swap3A_1156], %swap3A_1159 {add = true, strides = array<i32>} : memref<800x64xf32, #tpu.memory_space<vmem>>, vector<1x16xf32>,
      %add3A_1160 = arith.constant 600 : i32
      %add3A_1161 = arith.addi %add3A_1160, %scan3A_1040 : i32
      %swap3A_1162 = arith.index_cast %add3A_1161 : i32 to index
      %swap3A_1163 = arith.constant 48 : index
      %swap3A_1164 = tpu.vector_load %arg9[%swap3A_1162, %swap3A_1163] {strides = array<i32>} : memref<800x64xf32, #tpu.memory_space<vmem>>, vector<1x16xf32>,
      %swap3A_1165 = vector.shape_cast %swap3A_1164 : vector<1x16xf32> to vector<16xf32>
      %swap3A_1166 = vector.shape_cast %get3A_1055 : vector<16xf32> to vector<1x16xf32>
      tpu.vector_store %arg9[%swap3A_1162, %swap3A_1163], %swap3A_1166 {add = true, strides = array<i32>} : memref<800x64xf32, #tpu.memory_space<vmem>>, vector<1x16xf32>,
    }
    %scan3A_697 = arith.constant 200 : i32
    %add3A_698 = arith.constant 3200 : i32
    %add3A_699 = arith.addi %mul3A_2, %add3A_698 : i32
    %dma_start3A_700 = arith.constant 0 : i32
    %dma_start3A_701 = tpu.memref_slice %arg5[%add3A_699, %dma_start3A_700] : memref<204800x64xf32, #tpu.memory_space<hbm>> -> memref<800x64xf32, #tpu.memory_space<hbm>>
    %dma_start3A_702 = arith.constant 0 : i32
    %dma_start3A_703 = tpu.memref_slice %arg5[%add3A_699, %dma_start3A_702] : memref<204800x64xf32, #tpu.memory_space<hbm>> -> memref<800x64xf32, #tpu.memory_space<hbm>>
    tpu.enqueue_dma source(%arg9 : memref<800x64xf32, #tpu.memory_space<vmem>>) target(%dma_start3A_703 : memref<800x64xf32, #tpu.memory_space<hbm>>) target_semaphore(%arg13 : memref<!tpu.dma_semaphore, #tpu.memory_space<semaphore_mem>>)
    %dma_wait3A_704 = arith.constant 0 : i32
    %dma_wait3A_705 = tpu.memref_slice %arg5[%add3A_699, %dma_wait3A_704] : memref<204800x64xf32, #tpu.memory_space<hbm>> -> memref<800x64xf32, #tpu.memory_space<hbm>>
    %dma_wait3A_706 = arith.constant 0 : i32
    %dma_wait3A_707 = tpu.memref_slice %arg5[%add3A_699, %dma_wait3A_706] : memref<204800x64xf32, #tpu.memory_space<hbm>> -> memref<800x64xf32, #tpu.memory_space<hbm>>
    tpu.wait_dma2 semaphore(%arg13 : memref<!tpu.dma_semaphore, #tpu.memory_space<semaphore_mem>>) src(%arg9 : memref<800x64xf32, #tpu.memory_space<vmem>>) dst(%dma_wait3A_707 : memref<800x64xf32, #tpu.memory_space<hbm>>)
    %add3A_708 = arith.constant 4800 : i32
    %add3A_709 = arith.addi %mul3A_2, %add3A_708 : i32
    "tpu.region"() ({
      %run_scoped3A = tpu.sem_alloc : memref<!tpu.dma_semaphore, #tpu.memory_space<semaphore_mem>>
      %dma_start3A_1040 = tpu.memref_slice %arg2[%add3A_709] : memref<204800xi32, #tpu.memory_space<hbm>> -> memref<800xi32, #tpu.memory_space<hbm>>
      %dma_start3A_1041 = tpu.memref_slice %arg2[%add3A_709] : memref<204800xi32, #tpu.memory_space<hbm>> -> memref<800xi32, #tpu.memory_space<hbm>>
      tpu.enqueue_dma source(%dma_start3A_1041 : memref<800xi32, #tpu.memory_space<hbm>>) target(%arg7 : memref<800xi32, #tpu.memory_space<vmem>>) target_semaphore(%run_scoped3A : memref<!tpu.dma_semaphore, #tpu.memory_space<semaphore_mem>>)
      %dma_wait3A_1042 = tpu.memref_slice %arg2[%add3A_709] : memref<204800xi32, #tpu.memory_space<hbm>> -> memref<800xi32, #tpu.memory_space<hbm>>
      %dma_wait3A_1043 = tpu.memref_slice %arg2[%add3A_709] : memref<204800xi32, #tpu.memory_space<hbm>> -> memref<800xi32, #tpu.memory_space<hbm>>
      tpu.wait_dma2 semaphore(%run_scoped3A : memref<!tpu.dma_semaphore, #tpu.memory_space<semaphore_mem>>) src(%dma_wait3A_1043 : memref<800xi32, #tpu.memory_space<hbm>>) dst(%arg7 : memref<800xi32, #tpu.memory_space<vmem>>)
      tpu.yield
    }) : () -> ()
    %dma_start3A_710 = arith.constant 0 : i32
    %dma_start3A_711 = arith.constant 0 : i32
    %dma_start3A_712 = tpu.memref_slice %arg9[%dma_start3A_710, %dma_start3A_711] : memref<800x64xf32, #tpu.memory_space<vmem>> -> memref<128x64xf32, #tpu.memory_space<vmem>>
    %dma_start3A_713 = arith.constant 0 : i32
    %dma_start3A_714 = tpu.memref_slice %arg7[%dma_start3A_713] : memref<800xi32, #tpu.memory_space<vmem>> -> memref<128xi32, #tpu.memory_space<vmem>>
    %dma_start3A_715 = arith.constant 0 : i32
    %dma_start3A_716 = arith.constant 0 : i32
    %dma_start3A_717 = tpu.memref_slice %arg3[%dma_start3A_715, %dma_start3A_716] : memref<1000000x64xf32, #tpu.memory_space<hbm>> -> memref<1000000x64xf32, #tpu.memory_space<hbm>>
    tpu.enqueue_indirect_dma source(%dma_start3A_717 : memref<1000000x64xf32, #tpu.memory_space<hbm>>) target(%dma_start3A_712 : memref<128x64xf32, #tpu.memory_space<vmem>>) offsets(%dma_start3A_714 : memref<128xi32, #tpu.memory_space<vmem>>) semaphore(%arg11 : memref<!tpu.dma_semaphore, #tpu.memory_space<semaphore_mem>>)
    %dma_start3A_718 = arith.constant 128 : i32
    %dma_start3A_719 = arith.constant 0 : i32
    %dma_start3A_720 = tpu.memref_slice %arg9[%dma_start3A_718, %dma_start3A_719] : memref<800x64xf32, #tpu.memory_space<vmem>> -> memref<128x64xf32, #tpu.memory_space<vmem>>
    %dma_start3A_721 = arith.constant 128 : i32
    %dma_start3A_722 = tpu.memref_slice %arg7[%dma_start3A_721] : memref<800xi32, #tpu.memory_space<vmem>> -> memref<128xi32, #tpu.memory_space<vmem>>
    %dma_start3A_723 = arith.constant 0 : i32
    %dma_start3A_724 = arith.constant 0 : i32
    %dma_start3A_725 = tpu.memref_slice %arg3[%dma_start3A_723, %dma_start3A_724] : memref<1000000x64xf32, #tpu.memory_space<hbm>> -> memref<1000000x64xf32, #tpu.memory_space<hbm>>
    tpu.enqueue_indirect_dma source(%dma_start3A_725 : memref<1000000x64xf32, #tpu.memory_space<hbm>>) target(%dma_start3A_720 : memref<128x64xf32, #tpu.memory_space<vmem>>) offsets(%dma_start3A_722 : memref<128xi32, #tpu.memory_space<vmem>>) semaphore(%arg11 : memref<!tpu.dma_semaphore, #tpu.memory_space<semaphore_mem>>)
    %dma_start3A_726 = arith.constant 256 : i32
    %dma_start3A_727 = arith.constant 0 : i32
    %dma_start3A_728 = tpu.memref_slice %arg9[%dma_start3A_726, %dma_start3A_727] : memref<800x64xf32, #tpu.memory_space<vmem>> -> memref<128x64xf32, #tpu.memory_space<vmem>>
    %dma_start3A_729 = arith.constant 256 : i32
    %dma_start3A_730 = tpu.memref_slice %arg7[%dma_start3A_729] : memref<800xi32, #tpu.memory_space<vmem>> -> memref<128xi32, #tpu.memory_space<vmem>>
    %dma_start3A_731 = arith.constant 0 : i32
    %dma_start3A_732 = arith.constant 0 : i32
    %dma_start3A_733 = tpu.memref_slice %arg3[%dma_start3A_731, %dma_start3A_732] : memref<1000000x64xf32, #tpu.memory_space<hbm>> -> memref<1000000x64xf32, #tpu.memory_space<hbm>>
    tpu.enqueue_indirect_dma source(%dma_start3A_733 : memref<1000000x64xf32, #tpu.memory_space<hbm>>) target(%dma_start3A_728 : memref<128x64xf32, #tpu.memory_space<vmem>>) offsets(%dma_start3A_730 : memref<128xi32, #tpu.memory_space<vmem>>) semaphore(%arg11 : memref<!tpu.dma_semaphore, #tpu.memory_space<semaphore_mem>>)
    %dma_start3A_734 = arith.constant 384 : i32
    %dma_start3A_735 = arith.constant 0 : i32
    %dma_start3A_736 = tpu.memref_slice %arg9[%dma_start3A_734, %dma_start3A_735] : memref<800x64xf32, #tpu.memory_space<vmem>> -> memref<128x64xf32, #tpu.memory_space<vmem>>
    %dma_start3A_737 = arith.constant 384 : i32
    %dma_start3A_738 = tpu.memref_slice %arg7[%dma_start3A_737] : memref<800xi32, #tpu.memory_space<vmem>> -> memref<128xi32, #tpu.memory_space<vmem>>
    %dma_start3A_739 = arith.constant 0 : i32
    %dma_start3A_740 = arith.constant 0 : i32
    %dma_start3A_741 = tpu.memref_slice %arg3[%dma_start3A_739, %dma_start3A_740] : memref<1000000x64xf32, #tpu.memory_space<hbm>> -> memref<1000000x64xf32, #tpu.memory_space<hbm>>
    tpu.enqueue_indirect_dma source(%dma_start3A_741 : memref<1000000x64xf32, #tpu.memory_space<hbm>>) target(%dma_start3A_736 : memref<128x64xf32, #tpu.memory_space<vmem>>) offsets(%dma_start3A_738 : memref<128xi32, #tpu.memory_space<vmem>>) semaphore(%arg11 : memref<!tpu.dma_semaphore, #tpu.memory_space<semaphore_mem>>)
    %dma_start3A_742 = arith.constant 512 : i32
    %dma_start3A_743 = arith.constant 0 : i32
    %dma_start3A_744 = tpu.memref_slice %arg9[%dma_start3A_742, %dma_start3A_743] : memref<800x64xf32, #tpu.memory_space<vmem>> -> memref<128x64xf32, #tpu.memory_space<vmem>>
    %dma_start3A_745 = arith.constant 512 : i32
    %dma_start3A_746 = tpu.memref_slice %arg7[%dma_start3A_745] : memref<800xi32, #tpu.memory_space<vmem>> -> memref<128xi32, #tpu.memory_space<vmem>>
    %dma_start3A_747 = arith.constant 0 : i32
    %dma_start3A_748 = arith.constant 0 : i32
    %dma_start3A_749 = tpu.memref_slice %arg3[%dma_start3A_747, %dma_start3A_748] : memref<1000000x64xf32, #tpu.memory_space<hbm>> -> memref<1000000x64xf32, #tpu.memory_space<hbm>>
    tpu.enqueue_indirect_dma source(%dma_start3A_749 : memref<1000000x64xf32, #tpu.memory_space<hbm>>) target(%dma_start3A_744 : memref<128x64xf32, #tpu.memory_space<vmem>>) offsets(%dma_start3A_746 : memref<128xi32, #tpu.memory_space<vmem>>) semaphore(%arg11 : memref<!tpu.dma_semaphore, #tpu.memory_space<semaphore_mem>>)
    %dma_start3A_750 = arith.constant 640 : i32
    %dma_start3A_751 = arith.constant 0 : i32
    %dma_start3A_752 = tpu.memref_slice %arg9[%dma_start3A_750, %dma_start3A_751] : memref<800x64xf32, #tpu.memory_space<vmem>> -> memref<128x64xf32, #tpu.memory_space<vmem>>
    %dma_start3A_753 = arith.constant 640 : i32
    %dma_start3A_754 = tpu.memref_slice %arg7[%dma_start3A_753] : memref<800xi32, #tpu.memory_space<vmem>> -> memref<128xi32, #tpu.memory_space<vmem>>
    %dma_start3A_755 = arith.constant 0 : i32
    %dma_start3A_756 = arith.constant 0 : i32
    %dma_start3A_757 = tpu.memref_slice %arg3[%dma_start3A_755, %dma_start3A_756] : memref<1000000x64xf32, #tpu.memory_space<hbm>> -> memref<1000000x64xf32, #tpu.memory_space<hbm>>
    tpu.enqueue_indirect_dma source(%dma_start3A_757 : memref<1000000x64xf32, #tpu.memory_space<hbm>>) target(%dma_start3A_752 : memref<128x64xf32, #tpu.memory_space<vmem>>) offsets(%dma_start3A_754 : memref<128xi32, #tpu.memory_space<vmem>>) semaphore(%arg11 : memref<!tpu.dma_semaphore, #tpu.memory_space<semaphore_mem>>)
    %dma_start3A_758 = arith.constant 768 : i32
    %dma_start3A_759 = arith.constant 0 : i32
    %dma_start3A_760 = tpu.memref_slice %arg9[%dma_start3A_758, %dma_start3A_759] : memref<800x64xf32, #tpu.memory_space<vmem>> -> memref<32x64xf32, #tpu.memory_space<vmem>>
    %dma_start3A_761 = arith.constant 768 : i32
    %dma_start3A_762 = tpu.memref_slice %arg7[%dma_start3A_761] : memref<800xi32, #tpu.memory_space<vmem>> -> memref<32xi32, #tpu.memory_space<vmem>>
    %dma_start3A_763 = arith.constant 0 : i32
    %dma_start3A_764 = arith.constant 0 : i32
    %dma_start3A_765 = tpu.memref_slice %arg3[%dma_start3A_763, %dma_start3A_764] : memref<1000000x64xf32, #tpu.memory_space<hbm>> -> memref<1000000x64xf32, #tpu.memory_space<hbm>>
    tpu.enqueue_indirect_dma source(%dma_start3A_765 : memref<1000000x64xf32, #tpu.memory_space<hbm>>) target(%dma_start3A_760 : memref<32x64xf32, #tpu.memory_space<vmem>>) offsets(%dma_start3A_762 : memref<32xi32, #tpu.memory_space<vmem>>) semaphore(%arg11 : memref<!tpu.dma_semaphore, #tpu.memory_space<semaphore_mem>>)
    %dma_wait3A_766 = arith.constant 0 : i32
    %dma_wait3A_767 = arith.constant 0 : i32
    %dma_wait3A_768 = tpu.memref_slice %arg10[%dma_wait3A_766, %dma_wait3A_767] : memref<800x64xf32, #tpu.memory_space<vmem>> -> memref<128x64xf32, #tpu.memory_space<vmem>>
    %dma_wait3A_769 = arith.constant 0 : i32
    %dma_wait3A_770 = tpu.memref_slice %arg8[%dma_wait3A_769] : memref<800xi32, #tpu.memory_space<vmem>> -> memref<128xi32, #tpu.memory_space<vmem>>
    %dma_wait3A_771 = arith.constant 0 : i32
    %dma_wait3A_772 = arith.constant 0 : i32
    %dma_wait3A_773 = tpu.memref_slice %arg3[%dma_wait3A_771, %dma_wait3A_772] : memref<1000000x64xf32, #tpu.memory_space<hbm>> -> memref<1000000x64xf32, #tpu.memory_space<hbm>>
    tpu.wait_indirect_dma semaphore(%arg12 : memref<!tpu.dma_semaphore, #tpu.memory_space<semaphore_mem>>) src(%dma_wait3A_773 : memref<1000000x64xf32, #tpu.memory_space<hbm>>) dst(%dma_wait3A_768 : memref<128x64xf32, #tpu.memory_space<vmem>>)
    %dma_wait3A_774 = arith.constant 128 : i32
    %dma_wait3A_775 = arith.constant 0 : i32
    %dma_wait3A_776 = tpu.memref_slice %arg10[%dma_wait3A_774, %dma_wait3A_775] : memref<800x64xf32, #tpu.memory_space<vmem>> -> memref<128x64xf32, #tpu.memory_space<vmem>>
    %dma_wait3A_777 = arith.constant 128 : i32
    %dma_wait3A_778 = tpu.memref_slice %arg8[%dma_wait3A_777] : memref<800xi32, #tpu.memory_space<vmem>> -> memref<128xi32, #tpu.memory_space<vmem>>
    %dma_wait3A_779 = arith.constant 0 : i32
    %dma_wait3A_780 = arith.constant 0 : i32
    %dma_wait3A_781 = tpu.memref_slice %arg3[%dma_wait3A_779, %dma_wait3A_780] : memref<1000000x64xf32, #tpu.memory_space<hbm>> -> memref<1000000x64xf32, #tpu.memory_space<hbm>>
    tpu.wait_indirect_dma semaphore(%arg12 : memref<!tpu.dma_semaphore, #tpu.memory_space<semaphore_mem>>) src(%dma_wait3A_781 : memref<1000000x64xf32, #tpu.memory_space<hbm>>) dst(%dma_wait3A_776 : memref<128x64xf32, #tpu.memory_space<vmem>>)
    %dma_wait3A_782 = arith.constant 256 : i32
    %dma_wait3A_783 = arith.constant 0 : i32
    %dma_wait3A_784 = tpu.memref_slice %arg10[%dma_wait3A_782, %dma_wait3A_783] : memref<800x64xf32, #tpu.memory_space<vmem>> -> memref<128x64xf32, #tpu.memory_space<vmem>>
    %dma_wait3A_785 = arith.constant 256 : i32
    %dma_wait3A_786 = tpu.memref_slice %arg8[%dma_wait3A_785] : memref<800xi32, #tpu.memory_space<vmem>> -> memref<128xi32, #tpu.memory_space<vmem>>
    %dma_wait3A_787 = arith.constant 0 : i32
    %dma_wait3A_788 = arith.constant 0 : i32
    %dma_wait3A_789 = tpu.memref_slice %arg3[%dma_wait3A_787, %dma_wait3A_788] : memref<1000000x64xf32, #tpu.memory_space<hbm>> -> memref<1000000x64xf32, #tpu.memory_space<hbm>>
    tpu.wait_indirect_dma semaphore(%arg12 : memref<!tpu.dma_semaphore, #tpu.memory_space<semaphore_mem>>) src(%dma_wait3A_789 : memref<1000000x64xf32, #tpu.memory_space<hbm>>) dst(%dma_wait3A_784 : memref<128x64xf32, #tpu.memory_space<vmem>>)
    %dma_wait3A_790 = arith.constant 384 : i32
    %dma_wait3A_791 = arith.constant 0 : i32
    %dma_wait3A_792 = tpu.memref_slice %arg10[%dma_wait3A_790, %dma_wait3A_791] : memref<800x64xf32, #tpu.memory_space<vmem>> -> memref<128x64xf32, #tpu.memory_space<vmem>>
    %dma_wait3A_793 = arith.constant 384 : i32
    %dma_wait3A_794 = tpu.memref_slice %arg8[%dma_wait3A_793] : memref<800xi32, #tpu.memory_space<vmem>> -> memref<128xi32, #tpu.memory_space<vmem>>
    %dma_wait3A_795 = arith.constant 0 : i32
    %dma_wait3A_796 = arith.constant 0 : i32
    %dma_wait3A_797 = tpu.memref_slice %arg3[%dma_wait3A_795, %dma_wait3A_796] : memref<1000000x64xf32, #tpu.memory_space<hbm>> -> memref<1000000x64xf32, #tpu.memory_space<hbm>>
    tpu.wait_indirect_dma semaphore(%arg12 : memref<!tpu.dma_semaphore, #tpu.memory_space<semaphore_mem>>) src(%dma_wait3A_797 : memref<1000000x64xf32, #tpu.memory_space<hbm>>) dst(%dma_wait3A_792 : memref<128x64xf32, #tpu.memory_space<vmem>>)
    %dma_wait3A_798 = arith.constant 512 : i32
    %dma_wait3A_799 = arith.constant 0 : i32
    %dma_wait3A_800 = tpu.memref_slice %arg10[%dma_wait3A_798, %dma_wait3A_799] : memref<800x64xf32, #tpu.memory_space<vmem>> -> memref<128x64xf32, #tpu.memory_space<vmem>>
    %dma_wait3A_801 = arith.constant 512 : i32
    %dma_wait3A_802 = tpu.memref_slice %arg8[%dma_wait3A_801] : memref<800xi32, #tpu.memory_space<vmem>> -> memref<128xi32, #tpu.memory_space<vmem>>
    %dma_wait3A_803 = arith.constant 0 : i32
    %dma_wait3A_804 = arith.constant 0 : i32
    %dma_wait3A_805 = tpu.memref_slice %arg3[%dma_wait3A_803, %dma_wait3A_804] : memref<1000000x64xf32, #tpu.memory_space<hbm>> -> memref<1000000x64xf32, #tpu.memory_space<hbm>>
    tpu.wait_indirect_dma semaphore(%arg12 : memref<!tpu.dma_semaphore, #tpu.memory_space<semaphore_mem>>) src(%dma_wait3A_805 : memref<1000000x64xf32, #tpu.memory_space<hbm>>) dst(%dma_wait3A_800 : memref<128x64xf32, #tpu.memory_space<vmem>>)
    %dma_wait3A_806 = arith.constant 640 : i32
    %dma_wait3A_807 = arith.constant 0 : i32
    %dma_wait3A_808 = tpu.memref_slice %arg10[%dma_wait3A_806, %dma_wait3A_807] : memref<800x64xf32, #tpu.memory_space<vmem>> -> memref<128x64xf32, #tpu.memory_space<vmem>>
    %dma_wait3A_809 = arith.constant 640 : i32
    %dma_wait3A_810 = tpu.memref_slice %arg8[%dma_wait3A_809] : memref<800xi32, #tpu.memory_space<vmem>> -> memref<128xi32, #tpu.memory_space<vmem>>
    %dma_wait3A_811 = arith.constant 0 : i32
    %dma_wait3A_812 = arith.constant 0 : i32
    %dma_wait3A_813 = tpu.memref_slice %arg3[%dma_wait3A_811, %dma_wait3A_812] : memref<1000000x64xf32, #tpu.memory_space<hbm>> -> memref<1000000x64xf32, #tpu.memory_space<hbm>>
    tpu.wait_indirect_dma semaphore(%arg12 : memref<!tpu.dma_semaphore, #tpu.memory_space<semaphore_mem>>) src(%dma_wait3A_813 : memref<1000000x64xf32, #tpu.memory_space<hbm>>) dst(%dma_wait3A_808 : memref<128x64xf32, #tpu.memory_space<vmem>>)
    %dma_wait3A_814 = arith.constant 768 : i32
    %dma_wait3A_815 = arith.constant 0 : i32
    %dma_wait3A_816 = tpu.memref_slice %arg10[%dma_wait3A_814, %dma_wait3A_815] : memref<800x64xf32, #tpu.memory_space<vmem>> -> memref<32x64xf32, #tpu.memory_space<vmem>>
    %dma_wait3A_817 = arith.constant 768 : i32
    %dma_wait3A_818 = tpu.memref_slice %arg8[%dma_wait3A_817] : memref<800xi32, #tpu.memory_space<vmem>> -> memref<32xi32, #tpu.memory_space<vmem>>
    %dma_wait3A_819 = arith.constant 0 : i32
    %dma_wait3A_820 = arith.constant 0 : i32
    %dma_wait3A_821 = tpu.memref_slice %arg3[%dma_wait3A_819, %dma_wait3A_820] : memref<1000000x64xf32, #tpu.memory_space<hbm>> -> memref<1000000x64xf32, #tpu.memory_space<hbm>>
    tpu.wait_indirect_dma semaphore(%arg12 : memref<!tpu.dma_semaphore, #tpu.memory_space<semaphore_mem>>) src(%dma_wait3A_821 : memref<1000000x64xf32, #tpu.memory_space<hbm>>) dst(%dma_wait3A_816 : memref<32x64xf32, #tpu.memory_space<vmem>>)
    %scan3A_822 = arith.constant 0 : i32
    %scan3A_823 = arith.constant 0 : i32
    %scan3A_824 = arith.constant 200 : i32
    %scan3A_825 = arith.addi %scan3A_823, %scan3A_824 : i32
    %scan3A_826 = arith.constant 1 : i32
    scf.for %scan3A_1040 = %scan3A_823 to %scan3A_825 step %scan3A_826  : i32 {
      %get3A = arith.index_cast %scan3A_1040 : i32 to index
      %get3A_1041 = arith.constant 0 : index
      %get3A_1042 = tpu.vector_load %arg6[%get3A, %get3A_1041] {strides = array<i32>} : memref<200x64xf32, #tpu.memory_space<vmem>>, vector<1x16xf32>,
      %get3A_1043 = vector.shape_cast %get3A_1042 : vector<1x16xf32> to vector<16xf32>
      %get3A_1044 = arith.index_cast %scan3A_1040 : i32 to index
      %get3A_1045 = arith.constant 16 : index
      %get3A_1046 = tpu.vector_load %arg6[%get3A_1044, %get3A_1045] {strides = array<i32>} : memref<200x64xf32, #tpu.memory_space<vmem>>, vector<1x16xf32>,
      %get3A_1047 = vector.shape_cast %get3A_1046 : vector<1x16xf32> to vector<16xf32>
      %get3A_1048 = arith.index_cast %scan3A_1040 : i32 to index
      %get3A_1049 = arith.constant 32 : index
      %get3A_1050 = tpu.vector_load %arg6[%get3A_1048, %get3A_1049] {strides = array<i32>} : memref<200x64xf32, #tpu.memory_space<vmem>>, vector<1x16xf32>,
      %get3A_1051 = vector.shape_cast %get3A_1050 : vector<1x16xf32> to vector<16xf32>
      %get3A_1052 = arith.index_cast %scan3A_1040 : i32 to index
      %get3A_1053 = arith.constant 48 : index
      %get3A_1054 = tpu.vector_load %arg6[%get3A_1052, %get3A_1053] {strides = array<i32>} : memref<200x64xf32, #tpu.memory_space<vmem>>, vector<1x16xf32>,
      %get3A_1055 = vector.shape_cast %get3A_1054 : vector<1x16xf32> to vector<16xf32>
      %add3A_1056 = arith.constant 0 : i32
      %add3A_1057 = arith.addi %add3A_1056, %scan3A_1040 : i32
      %swap3A = arith.index_cast %add3A_1057 : i32 to index
      %swap3A_1058 = arith.constant 0 : index
      %swap3A_1059 = tpu.vector_load %arg10[%swap3A, %swap3A_1058] {strides = array<i32>} : memref<800x64xf32, #tpu.memory_space<vmem>>, vector<1x16xf32>,
      %swap3A_1060 = vector.shape_cast %swap3A_1059 : vector<1x16xf32> to vector<16xf32>
      %swap3A_1061 = vector.shape_cast %get3A_1043 : vector<16xf32> to vector<1x16xf32>
      tpu.vector_store %arg10[%swap3A, %swap3A_1058], %swap3A_1061 {add = true, strides = array<i32>} : memref<800x64xf32, #tpu.memory_space<vmem>>, vector<1x16xf32>,
      %add3A_1062 = arith.constant 0 : i32
      %add3A_1063 = arith.addi %add3A_1062, %scan3A_1040 : i32
      %swap3A_1064 = arith.index_cast %add3A_1063 : i32 to index
      %swap3A_1065 = arith.constant 16 : index
      %swap3A_1066 = tpu.vector_load %arg10[%swap3A_1064, %swap3A_1065] {strides = array<i32>} : memref<800x64xf32, #tpu.memory_space<vmem>>, vector<1x16xf32>,
      %swap3A_1067 = vector.shape_cast %swap3A_1066 : vector<1x16xf32> to vector<16xf32>
      %swap3A_1068 = vector.shape_cast %get3A_1047 : vector<16xf32> to vector<1x16xf32>
      tpu.vector_store %arg10[%swap3A_1064, %swap3A_1065], %swap3A_1068 {add = true, strides = array<i32>} : memref<800x64xf32, #tpu.memory_space<vmem>>, vector<1x16xf32>,
      %add3A_1069 = arith.constant 0 : i32
      %add3A_1070 = arith.addi %add3A_1069, %scan3A_1040 : i32
      %swap3A_1071 = arith.index_cast %add3A_1070 : i32 to index
      %swap3A_1072 = arith.constant 32 : index
      %swap3A_1073 = tpu.vector_load %arg10[%swap3A_1071, %swap3A_1072] {strides = array<i32>} : memref<800x64xf32, #tpu.memory_space<vmem>>, vector<1x16xf32>,
      %swap3A_1074 = vector.shape_cast %swap3A_1073 : vector<1x16xf32> to vector<16xf32>
      %swap3A_1075 = vector.shape_cast %get3A_1051 : vector<16xf32> to vector<1x16xf32>
      tpu.vector_store %arg10[%swap3A_1071, %swap3A_1072], %swap3A_1075 {add = true, strides = array<i32>} : memref<800x64xf32, #tpu.memory_space<vmem>>, vector<1x16xf32>,
      %add3A_1076 = arith.constant 0 : i32
      %add3A_1077 = arith.addi %add3A_1076, %scan3A_1040 : i32
      %swap3A_1078 = arith.index_cast %add3A_1077 : i32 to index
      %swap3A_1079 = arith.constant 48 : index
      %swap3A_1080 = tpu.vector_load %arg10[%swap3A_1078, %swap3A_1079] {strides = array<i32>} : memref<800x64xf32, #tpu.memory_space<vmem>>, vector<1x16xf32>,
      %swap3A_1081 = vector.shape_cast %swap3A_1080 : vector<1x16xf32> to vector<16xf32>
      %swap3A_1082 = vector.shape_cast %get3A_1055 : vector<16xf32> to vector<1x16xf32>
      tpu.vector_store %arg10[%swap3A_1078, %swap3A_1079], %swap3A_1082 {add = true, strides = array<i32>} : memref<800x64xf32, #tpu.memory_space<vmem>>, vector<1x16xf32>,
      %add3A_1083 = arith.constant 200 : i32
      %add3A_1084 = arith.addi %add3A_1083, %scan3A_1040 : i32
      %swap3A_1085 = arith.index_cast %add3A_1084 : i32 to index
      %swap3A_1086 = arith.constant 0 : index
      %swap3A_1087 = tpu.vector_load %arg10[%swap3A_1085, %swap3A_1086] {strides = array<i32>} : memref<800x64xf32, #tpu.memory_space<vmem>>, vector<1x16xf32>,
      %swap3A_1088 = vector.shape_cast %swap3A_1087 : vector<1x16xf32> to vector<16xf32>
      %swap3A_1089 = vector.shape_cast %get3A_1043 : vector<16xf32> to vector<1x16xf32>
      tpu.vector_store %arg10[%swap3A_1085, %swap3A_1086], %swap3A_1089 {add = true, strides = array<i32>} : memref<800x64xf32, #tpu.memory_space<vmem>>, vector<1x16xf32>,
      %add3A_1090 = arith.constant 200 : i32
      %add3A_1091 = arith.addi %add3A_1090, %scan3A_1040 : i32
      %swap3A_1092 = arith.index_cast %add3A_1091 : i32 to index
      %swap3A_1093 = arith.constant 16 : index
      %swap3A_1094 = tpu.vector_load %arg10[%swap3A_1092, %swap3A_1093] {strides = array<i32>} : memref<800x64xf32, #tpu.memory_space<vmem>>, vector<1x16xf32>,
      %swap3A_1095 = vector.shape_cast %swap3A_1094 : vector<1x16xf32> to vector<16xf32>
      %swap3A_1096 = vector.shape_cast %get3A_1047 : vector<16xf32> to vector<1x16xf32>
      tpu.vector_store %arg10[%swap3A_1092, %swap3A_1093], %swap3A_1096 {add = true, strides = array<i32>} : memref<800x64xf32, #tpu.memory_space<vmem>>, vector<1x16xf32>,
      %add3A_1097 = arith.constant 200 : i32
      %add3A_1098 = arith.addi %add3A_1097, %scan3A_1040 : i32
      %swap3A_1099 = arith.index_cast %add3A_1098 : i32 to index
      %swap3A_1100 = arith.constant 32 : index
      %swap3A_1101 = tpu.vector_load %arg10[%swap3A_1099, %swap3A_1100] {strides = array<i32>} : memref<800x64xf32, #tpu.memory_space<vmem>>, vector<1x16xf32>,
      %swap3A_1102 = vector.shape_cast %swap3A_1101 : vector<1x16xf32> to vector<16xf32>
      %swap3A_1103 = vector.shape_cast %get3A_1051 : vector<16xf32> to vector<1x16xf32>
      tpu.vector_store %arg10[%swap3A_1099, %swap3A_1100], %swap3A_1103 {add = true, strides = array<i32>} : memref<800x64xf32, #tpu.memory_space<vmem>>, vector<1x16xf32>,
      %add3A_1104 = arith.constant 200 : i32
      %add3A_1105 = arith.addi %add3A_1104, %scan3A_1040 : i32
      %swap3A_1106 = arith.index_cast %add3A_1105 : i32 to index
      %swap3A_1107 = arith.constant 48 : index
      %swap3A_1108 = tpu.vector_load %arg10[%swap3A_1106, %swap3A_1107] {strides = array<i32>} : memref<800x64xf32, #tpu.memory_space<vmem>>, vector<1x16xf32>,
      %swap3A_1109 = vector.shape_cast %swap3A_1108 : vector<1x16xf32> to vector<16xf32>
      %swap3A_1110 = vector.shape_cast %get3A_1055 : vector<16xf32> to vector<1x16xf32>
      tpu.vector_store %arg10[%swap3A_1106, %swap3A_1107], %swap3A_1110 {add = true, strides = array<i32>} : memref<800x64xf32, #tpu.memory_space<vmem>>, vector<1x16xf32>,
      %add3A_1111 = arith.constant 400 : i32
      %add3A_1112 = arith.addi %add3A_1111, %scan3A_1040 : i32
      %swap3A_1113 = arith.index_cast %add3A_1112 : i32 to index
      %swap3A_1114 = arith.constant 0 : index
      %swap3A_1115 = tpu.vector_load %arg10[%swap3A_1113, %swap3A_1114] {strides = array<i32>} : memref<800x64xf32, #tpu.memory_space<vmem>>, vector<1x16xf32>,
      %swap3A_1116 = vector.shape_cast %swap3A_1115 : vector<1x16xf32> to vector<16xf32>
      %swap3A_1117 = vector.shape_cast %get3A_1043 : vector<16xf32> to vector<1x16xf32>
      tpu.vector_store %arg10[%swap3A_1113, %swap3A_1114], %swap3A_1117 {add = true, strides = array<i32>} : memref<800x64xf32, #tpu.memory_space<vmem>>, vector<1x16xf32>,
      %add3A_1118 = arith.constant 400 : i32
      %add3A_1119 = arith.addi %add3A_1118, %scan3A_1040 : i32
      %swap3A_1120 = arith.index_cast %add3A_1119 : i32 to index
      %swap3A_1121 = arith.constant 16 : index
      %swap3A_1122 = tpu.vector_load %arg10[%swap3A_1120, %swap3A_1121] {strides = array<i32>} : memref<800x64xf32, #tpu.memory_space<vmem>>, vector<1x16xf32>,
      %swap3A_1123 = vector.shape_cast %swap3A_1122 : vector<1x16xf32> to vector<16xf32>
      %swap3A_1124 = vector.shape_cast %get3A_1047 : vector<16xf32> to vector<1x16xf32>
      tpu.vector_store %arg10[%swap3A_1120, %swap3A_1121], %swap3A_1124 {add = true, strides = array<i32>} : memref<800x64xf32, #tpu.memory_space<vmem>>, vector<1x16xf32>,
      %add3A_1125 = arith.constant 400 : i32
      %add3A_1126 = arith.addi %add3A_1125, %scan3A_1040 : i32
      %swap3A_1127 = arith.index_cast %add3A_1126 : i32 to index
      %swap3A_1128 = arith.constant 32 : index
      %swap3A_1129 = tpu.vector_load %arg10[%swap3A_1127, %swap3A_1128] {strides = array<i32>} : memref<800x64xf32, #tpu.memory_space<vmem>>, vector<1x16xf32>,
      %swap3A_1130 = vector.shape_cast %swap3A_1129 : vector<1x16xf32> to vector<16xf32>
      %swap3A_1131 = vector.shape_cast %get3A_1051 : vector<16xf32> to vector<1x16xf32>
      tpu.vector_store %arg10[%swap3A_1127, %swap3A_1128], %swap3A_1131 {add = true, strides = array<i32>} : memref<800x64xf32, #tpu.memory_space<vmem>>, vector<1x16xf32>,
      %add3A_1132 = arith.constant 400 : i32
      %add3A_1133 = arith.addi %add3A_1132, %scan3A_1040 : i32
      %swap3A_1134 = arith.index_cast %add3A_1133 : i32 to index
      %swap3A_1135 = arith.constant 48 : index
      %swap3A_1136 = tpu.vector_load %arg10[%swap3A_1134, %swap3A_1135] {strides = array<i32>} : memref<800x64xf32, #tpu.memory_space<vmem>>, vector<1x16xf32>,
      %swap3A_1137 = vector.shape_cast %swap3A_1136 : vector<1x16xf32> to vector<16xf32>
      %swap3A_1138 = vector.shape_cast %get3A_1055 : vector<16xf32> to vector<1x16xf32>
      tpu.vector_store %arg10[%swap3A_1134, %swap3A_1135], %swap3A_1138 {add = true, strides = array<i32>} : memref<800x64xf32, #tpu.memory_space<vmem>>, vector<1x16xf32>,
      %add3A_1139 = arith.constant 600 : i32
      %add3A_1140 = arith.addi %add3A_1139, %scan3A_1040 : i32
      %swap3A_1141 = arith.index_cast %add3A_1140 : i32 to index
      %swap3A_1142 = arith.constant 0 : index
      %swap3A_1143 = tpu.vector_load %arg10[%swap3A_1141, %swap3A_1142] {strides = array<i32>} : memref<800x64xf32, #tpu.memory_space<vmem>>, vector<1x16xf32>,
      %swap3A_1144 = vector.shape_cast %swap3A_1143 : vector<1x16xf32> to vector<16xf32>
      %swap3A_1145 = vector.shape_cast %get3A_1043 : vector<16xf32> to vector<1x16xf32>
      tpu.vector_store %arg10[%swap3A_1141, %swap3A_1142], %swap3A_1145 {add = true, strides = array<i32>} : memref<800x64xf32, #tpu.memory_space<vmem>>, vector<1x16xf32>,
      %add3A_1146 = arith.constant 600 : i32
      %add3A_1147 = arith.addi %add3A_1146, %scan3A_1040 : i32
      %swap3A_1148 = arith.index_cast %add3A_1147 : i32 to index
      %swap3A_1149 = arith.constant 16 : index
      %swap3A_1150 = tpu.vector_load %arg10[%swap3A_1148, %swap3A_1149] {strides = array<i32>} : memref<800x64xf32, #tpu.memory_space<vmem>>, vector<1x16xf32>,
      %swap3A_1151 = vector.shape_cast %swap3A_1150 : vector<1x16xf32> to vector<16xf32>
      %swap3A_1152 = vector.shape_cast %get3A_1047 : vector<16xf32> to vector<1x16xf32>
      tpu.vector_store %arg10[%swap3A_1148, %swap3A_1149], %swap3A_1152 {add = true, strides = array<i32>} : memref<800x64xf32, #tpu.memory_space<vmem>>, vector<1x16xf32>,
      %add3A_1153 = arith.constant 600 : i32
      %add3A_1154 = arith.addi %add3A_1153, %scan3A_1040 : i32
      %swap3A_1155 = arith.index_cast %add3A_1154 : i32 to index
      %swap3A_1156 = arith.constant 32 : index
      %swap3A_1157 = tpu.vector_load %arg10[%swap3A_1155, %swap3A_1156] {strides = array<i32>} : memref<800x64xf32, #tpu.memory_space<vmem>>, vector<1x16xf32>,
      %swap3A_1158 = vector.shape_cast %swap3A_1157 : vector<1x16xf32> to vector<16xf32>
      %swap3A_1159 = vector.shape_cast %get3A_1051 : vector<16xf32> to vector<1x16xf32>
      tpu.vector_store %arg10[%swap3A_1155, %swap3A_1156], %swap3A_1159 {add = true, strides = array<i32>} : memref<800x64xf32, #tpu.memory_space<vmem>>, vector<1x16xf32>,
      %add3A_1160 = arith.constant 600 : i32
      %add3A_1161 = arith.addi %add3A_1160, %scan3A_1040 : i32
      %swap3A_1162 = arith.index_cast %add3A_1161 : i32 to index
      %swap3A_1163 = arith.constant 48 : index
      %swap3A_1164 = tpu.vector_load %arg10[%swap3A_1162, %swap3A_1163] {strides = array<i32>} : memref<800x64xf32, #tpu.memory_space<vmem>>, vector<1x16xf32>,
      %swap3A_1165 = vector.shape_cast %swap3A_1164 : vector<1x16xf32> to vector<16xf32>
      %swap3A_1166 = vector.shape_cast %get3A_1055 : vector<16xf32> to vector<1x16xf32>
      tpu.vector_store %arg10[%swap3A_1162, %swap3A_1163], %swap3A_1166 {add = true, strides = array<i32>} : memref<800x64xf32, #tpu.memory_space<vmem>>, vector<1x16xf32>,
    }
    %scan3A_827 = arith.constant 200 : i32
    %add3A_828 = arith.constant 4000 : i32
    %add3A_829 = arith.addi %mul3A_2, %add3A_828 : i32
    %dma_start3A_830 = arith.constant 0 : i32
    %dma_start3A_831 = tpu.memref_slice %arg5[%add3A_829, %dma_start3A_830] : memref<204800x64xf32, #tpu.memory_space<hbm>> -> memref<800x64xf32, #tpu.memory_space<hbm>>
    %dma_start3A_832 = arith.constant 0 : i32
    %dma_start3A_833 = tpu.memref_slice %arg5[%add3A_829, %dma_start3A_832] : memref<204800x64xf32, #tpu.memory_space<hbm>> -> memref<800x64xf32, #tpu.memory_space<hbm>>
    tpu.enqueue_dma source(%arg10 : memref<800x64xf32, #tpu.memory_space<vmem>>) target(%dma_start3A_833 : memref<800x64xf32, #tpu.memory_space<hbm>>) target_semaphore(%arg14 : memref<!tpu.dma_semaphore, #tpu.memory_space<semaphore_mem>>)
    %dma_wait3A_834 = arith.constant 0 : i32
    %dma_wait3A_835 = tpu.memref_slice %arg5[%add3A_829, %dma_wait3A_834] : memref<204800x64xf32, #tpu.memory_space<hbm>> -> memref<800x64xf32, #tpu.memory_space<hbm>>
    %dma_wait3A_836 = arith.constant 0 : i32
    %dma_wait3A_837 = tpu.memref_slice %arg5[%add3A_829, %dma_wait3A_836] : memref<204800x64xf32, #tpu.memory_space<hbm>> -> memref<800x64xf32, #tpu.memory_space<hbm>>
    tpu.wait_dma2 semaphore(%arg14 : memref<!tpu.dma_semaphore, #tpu.memory_space<semaphore_mem>>) src(%arg10 : memref<800x64xf32, #tpu.memory_space<vmem>>) dst(%dma_wait3A_837 : memref<800x64xf32, #tpu.memory_space<hbm>>)
    %add3A_838 = arith.constant 5600 : i32
    %add3A_839 = arith.addi %mul3A_2, %add3A_838 : i32
    "tpu.region"() ({
      %run_scoped3A = tpu.sem_alloc : memref<!tpu.dma_semaphore, #tpu.memory_space<semaphore_mem>>
      %dma_start3A_1040 = tpu.memref_slice %arg2[%add3A_839] : memref<204800xi32, #tpu.memory_space<hbm>> -> memref<800xi32, #tpu.memory_space<hbm>>
      %dma_start3A_1041 = tpu.memref_slice %arg2[%add3A_839] : memref<204800xi32, #tpu.memory_space<hbm>> -> memref<800xi32, #tpu.memory_space<hbm>>
      tpu.enqueue_dma source(%dma_start3A_1041 : memref<800xi32, #tpu.memory_space<hbm>>) target(%arg8 : memref<800xi32, #tpu.memory_space<vmem>>) target_semaphore(%run_scoped3A : memref<!tpu.dma_semaphore, #tpu.memory_space<semaphore_mem>>)
      %dma_wait3A_1042 = tpu.memref_slice %arg2[%add3A_839] : memref<204800xi32, #tpu.memory_space<hbm>> -> memref<800xi32, #tpu.memory_space<hbm>>
      %dma_wait3A_1043 = tpu.memref_slice %arg2[%add3A_839] : memref<204800xi32, #tpu.memory_space<hbm>> -> memref<800xi32, #tpu.memory_space<hbm>>
      tpu.wait_dma2 semaphore(%run_scoped3A : memref<!tpu.dma_semaphore, #tpu.memory_space<semaphore_mem>>) src(%dma_wait3A_1043 : memref<800xi32, #tpu.memory_space<hbm>>) dst(%arg8 : memref<800xi32, #tpu.memory_space<vmem>>)
      tpu.yield
    }) : () -> ()
    %dma_start3A_840 = arith.constant 0 : i32
    %dma_start3A_841 = arith.constant 0 : i32
    %dma_start3A_842 = tpu.memref_slice %arg10[%dma_start3A_840, %dma_start3A_841] : memref<800x64xf32, #tpu.memory_space<vmem>> -> memref<128x64xf32, #tpu.memory_space<vmem>>
    %dma_start3A_843 = arith.constant 0 : i32
    %dma_start3A_844 = tpu.memref_slice %arg8[%dma_start3A_843] : memref<800xi32, #tpu.memory_space<vmem>> -> memref<128xi32, #tpu.memory_space<vmem>>
    %dma_start3A_845 = arith.constant 0 : i32
    %dma_start3A_846 = arith.constant 0 : i32
    %dma_start3A_847 = tpu.memref_slice %arg3[%dma_start3A_845, %dma_start3A_846] : memref<1000000x64xf32, #tpu.memory_space<hbm>> -> memref<1000000x64xf32, #tpu.memory_space<hbm>>
    tpu.enqueue_indirect_dma source(%dma_start3A_847 : memref<1000000x64xf32, #tpu.memory_space<hbm>>) target(%dma_start3A_842 : memref<128x64xf32, #tpu.memory_space<vmem>>) offsets(%dma_start3A_844 : memref<128xi32, #tpu.memory_space<vmem>>) semaphore(%arg12 : memref<!tpu.dma_semaphore, #tpu.memory_space<semaphore_mem>>)
    %dma_start3A_848 = arith.constant 128 : i32
    %dma_start3A_849 = arith.constant 0 : i32
    %dma_start3A_850 = tpu.memref_slice %arg10[%dma_start3A_848, %dma_start3A_849] : memref<800x64xf32, #tpu.memory_space<vmem>> -> memref<128x64xf32, #tpu.memory_space<vmem>>
    %dma_start3A_851 = arith.constant 128 : i32
    %dma_start3A_852 = tpu.memref_slice %arg8[%dma_start3A_851] : memref<800xi32, #tpu.memory_space<vmem>> -> memref<128xi32, #tpu.memory_space<vmem>>
    %dma_start3A_853 = arith.constant 0 : i32
    %dma_start3A_854 = arith.constant 0 : i32
    %dma_start3A_855 = tpu.memref_slice %arg3[%dma_start3A_853, %dma_start3A_854] : memref<1000000x64xf32, #tpu.memory_space<hbm>> -> memref<1000000x64xf32, #tpu.memory_space<hbm>>
    tpu.enqueue_indirect_dma source(%dma_start3A_855 : memref<1000000x64xf32, #tpu.memory_space<hbm>>) target(%dma_start3A_850 : memref<128x64xf32, #tpu.memory_space<vmem>>) offsets(%dma_start3A_852 : memref<128xi32, #tpu.memory_space<vmem>>) semaphore(%arg12 : memref<!tpu.dma_semaphore, #tpu.memory_space<semaphore_mem>>)
    %dma_start3A_856 = arith.constant 256 : i32
    %dma_start3A_857 = arith.constant 0 : i32
    %dma_start3A_858 = tpu.memref_slice %arg10[%dma_start3A_856, %dma_start3A_857] : memref<800x64xf32, #tpu.memory_space<vmem>> -> memref<128x64xf32, #tpu.memory_space<vmem>>
    %dma_start3A_859 = arith.constant 256 : i32
    %dma_start3A_860 = tpu.memref_slice %arg8[%dma_start3A_859] : memref<800xi32, #tpu.memory_space<vmem>> -> memref<128xi32, #tpu.memory_space<vmem>>
    %dma_start3A_861 = arith.constant 0 : i32
    %dma_start3A_862 = arith.constant 0 : i32
    %dma_start3A_863 = tpu.memref_slice %arg3[%dma_start3A_861, %dma_start3A_862] : memref<1000000x64xf32, #tpu.memory_space<hbm>> -> memref<1000000x64xf32, #tpu.memory_space<hbm>>
    tpu.enqueue_indirect_dma source(%dma_start3A_863 : memref<1000000x64xf32, #tpu.memory_space<hbm>>) target(%dma_start3A_858 : memref<128x64xf32, #tpu.memory_space<vmem>>) offsets(%dma_start3A_860 : memref<128xi32, #tpu.memory_space<vmem>>) semaphore(%arg12 : memref<!tpu.dma_semaphore, #tpu.memory_space<semaphore_mem>>)
    %dma_start3A_864 = arith.constant 384 : i32
    %dma_start3A_865 = arith.constant 0 : i32
    %dma_start3A_866 = tpu.memref_slice %arg10[%dma_start3A_864, %dma_start3A_865] : memref<800x64xf32, #tpu.memory_space<vmem>> -> memref<128x64xf32, #tpu.memory_space<vmem>>
    %dma_start3A_867 = arith.constant 384 : i32
    %dma_start3A_868 = tpu.memref_slice %arg8[%dma_start3A_867] : memref<800xi32, #tpu.memory_space<vmem>> -> memref<128xi32, #tpu.memory_space<vmem>>
    %dma_start3A_869 = arith.constant 0 : i32
    %dma_start3A_870 = arith.constant 0 : i32
    %dma_start3A_871 = tpu.memref_slice %arg3[%dma_start3A_869, %dma_start3A_870] : memref<1000000x64xf32, #tpu.memory_space<hbm>> -> memref<1000000x64xf32, #tpu.memory_space<hbm>>
    tpu.enqueue_indirect_dma source(%dma_start3A_871 : memref<1000000x64xf32, #tpu.memory_space<hbm>>) target(%dma_start3A_866 : memref<128x64xf32, #tpu.memory_space<vmem>>) offsets(%dma_start3A_868 : memref<128xi32, #tpu.memory_space<vmem>>) semaphore(%arg12 : memref<!tpu.dma_semaphore, #tpu.memory_space<semaphore_mem>>)
    %dma_start3A_872 = arith.constant 512 : i32
    %dma_start3A_873 = arith.constant 0 : i32
    %dma_start3A_874 = tpu.memref_slice %arg10[%dma_start3A_872, %dma_start3A_873] : memref<800x64xf32, #tpu.memory_space<vmem>> -> memref<128x64xf32, #tpu.memory_space<vmem>>
    %dma_start3A_875 = arith.constant 512 : i32
    %dma_start3A_876 = tpu.memref_slice %arg8[%dma_start3A_875] : memref<800xi32, #tpu.memory_space<vmem>> -> memref<128xi32, #tpu.memory_space<vmem>>
    %dma_start3A_877 = arith.constant 0 : i32
    %dma_start3A_878 = arith.constant 0 : i32
    %dma_start3A_879 = tpu.memref_slice %arg3[%dma_start3A_877, %dma_start3A_878] : memref<1000000x64xf32, #tpu.memory_space<hbm>> -> memref<1000000x64xf32, #tpu.memory_space<hbm>>
    tpu.enqueue_indirect_dma source(%dma_start3A_879 : memref<1000000x64xf32, #tpu.memory_space<hbm>>) target(%dma_start3A_874 : memref<128x64xf32, #tpu.memory_space<vmem>>) offsets(%dma_start3A_876 : memref<128xi32, #tpu.memory_space<vmem>>) semaphore(%arg12 : memref<!tpu.dma_semaphore, #tpu.memory_space<semaphore_mem>>)
    %dma_start3A_880 = arith.constant 640 : i32
    %dma_start3A_881 = arith.constant 0 : i32
    %dma_start3A_882 = tpu.memref_slice %arg10[%dma_start3A_880, %dma_start3A_881] : memref<800x64xf32, #tpu.memory_space<vmem>> -> memref<128x64xf32, #tpu.memory_space<vmem>>
    %dma_start3A_883 = arith.constant 640 : i32
    %dma_start3A_884 = tpu.memref_slice %arg8[%dma_start3A_883] : memref<800xi32, #tpu.memory_space<vmem>> -> memref<128xi32, #tpu.memory_space<vmem>>
    %dma_start3A_885 = arith.constant 0 : i32
    %dma_start3A_886 = arith.constant 0 : i32
    %dma_start3A_887 = tpu.memref_slice %arg3[%dma_start3A_885, %dma_start3A_886] : memref<1000000x64xf32, #tpu.memory_space<hbm>> -> memref<1000000x64xf32, #tpu.memory_space<hbm>>
    tpu.enqueue_indirect_dma source(%dma_start3A_887 : memref<1000000x64xf32, #tpu.memory_space<hbm>>) target(%dma_start3A_882 : memref<128x64xf32, #tpu.memory_space<vmem>>) offsets(%dma_start3A_884 : memref<128xi32, #tpu.memory_space<vmem>>) semaphore(%arg12 : memref<!tpu.dma_semaphore, #tpu.memory_space<semaphore_mem>>)
    %dma_start3A_888 = arith.constant 768 : i32
    %dma_start3A_889 = arith.constant 0 : i32
    %dma_start3A_890 = tpu.memref_slice %arg10[%dma_start3A_888, %dma_start3A_889] : memref<800x64xf32, #tpu.memory_space<vmem>> -> memref<32x64xf32, #tpu.memory_space<vmem>>
    %dma_start3A_891 = arith.constant 768 : i32
    %dma_start3A_892 = tpu.memref_slice %arg8[%dma_start3A_891] : memref<800xi32, #tpu.memory_space<vmem>> -> memref<32xi32, #tpu.memory_space<vmem>>
    %dma_start3A_893 = arith.constant 0 : i32
    %dma_start3A_894 = arith.constant 0 : i32
    %dma_start3A_895 = tpu.memref_slice %arg3[%dma_start3A_893, %dma_start3A_894] : memref<1000000x64xf32, #tpu.memory_space<hbm>> -> memref<1000000x64xf32, #tpu.memory_space<hbm>>
    tpu.enqueue_indirect_dma source(%dma_start3A_895 : memref<1000000x64xf32, #tpu.memory_space<hbm>>) target(%dma_start3A_890 : memref<32x64xf32, #tpu.memory_space<vmem>>) offsets(%dma_start3A_892 : memref<32xi32, #tpu.memory_space<vmem>>) semaphore(%arg12 : memref<!tpu.dma_semaphore, #tpu.memory_space<semaphore_mem>>)
    %dma_wait3A_896 = arith.constant 0 : i32
    %dma_wait3A_897 = arith.constant 0 : i32
    %dma_wait3A_898 = tpu.memref_slice %arg9[%dma_wait3A_896, %dma_wait3A_897] : memref<800x64xf32, #tpu.memory_space<vmem>> -> memref<128x64xf32, #tpu.memory_space<vmem>>
    %dma_wait3A_899 = arith.constant 0 : i32
    %dma_wait3A_900 = tpu.memref_slice %arg7[%dma_wait3A_899] : memref<800xi32, #tpu.memory_space<vmem>> -> memref<128xi32, #tpu.memory_space<vmem>>
    %dma_wait3A_901 = arith.constant 0 : i32
    %dma_wait3A_902 = arith.constant 0 : i32
    %dma_wait3A_903 = tpu.memref_slice %arg3[%dma_wait3A_901, %dma_wait3A_902] : memref<1000000x64xf32, #tpu.memory_space<hbm>> -> memref<1000000x64xf32, #tpu.memory_space<hbm>>
    tpu.wait_indirect_dma semaphore(%arg11 : memref<!tpu.dma_semaphore, #tpu.memory_space<semaphore_mem>>) src(%dma_wait3A_903 : memref<1000000x64xf32, #tpu.memory_space<hbm>>) dst(%dma_wait3A_898 : memref<128x64xf32, #tpu.memory_space<vmem>>)
    %dma_wait3A_904 = arith.constant 128 : i32
    %dma_wait3A_905 = arith.constant 0 : i32
    %dma_wait3A_906 = tpu.memref_slice %arg9[%dma_wait3A_904, %dma_wait3A_905] : memref<800x64xf32, #tpu.memory_space<vmem>> -> memref<128x64xf32, #tpu.memory_space<vmem>>
    %dma_wait3A_907 = arith.constant 128 : i32
    %dma_wait3A_908 = tpu.memref_slice %arg7[%dma_wait3A_907] : memref<800xi32, #tpu.memory_space<vmem>> -> memref<128xi32, #tpu.memory_space<vmem>>
    %dma_wait3A_909 = arith.constant 0 : i32
    %dma_wait3A_910 = arith.constant 0 : i32
    %dma_wait3A_911 = tpu.memref_slice %arg3[%dma_wait3A_909, %dma_wait3A_910] : memref<1000000x64xf32, #tpu.memory_space<hbm>> -> memref<1000000x64xf32, #tpu.memory_space<hbm>>
    tpu.wait_indirect_dma semaphore(%arg11 : memref<!tpu.dma_semaphore, #tpu.memory_space<semaphore_mem>>) src(%dma_wait3A_911 : memref<1000000x64xf32, #tpu.memory_space<hbm>>) dst(%dma_wait3A_906 : memref<128x64xf32, #tpu.memory_space<vmem>>)
    %dma_wait3A_912 = arith.constant 256 : i32
    %dma_wait3A_913 = arith.constant 0 : i32
    %dma_wait3A_914 = tpu.memref_slice %arg9[%dma_wait3A_912, %dma_wait3A_913] : memref<800x64xf32, #tpu.memory_space<vmem>> -> memref<128x64xf32, #tpu.memory_space<vmem>>
    %dma_wait3A_915 = arith.constant 256 : i32
    %dma_wait3A_916 = tpu.memref_slice %arg7[%dma_wait3A_915] : memref<800xi32, #tpu.memory_space<vmem>> -> memref<128xi32, #tpu.memory_space<vmem>>
    %dma_wait3A_917 = arith.constant 0 : i32
    %dma_wait3A_918 = arith.constant 0 : i32
    %dma_wait3A_919 = tpu.memref_slice %arg3[%dma_wait3A_917, %dma_wait3A_918] : memref<1000000x64xf32, #tpu.memory_space<hbm>> -> memref<1000000x64xf32, #tpu.memory_space<hbm>>
    tpu.wait_indirect_dma semaphore(%arg11 : memref<!tpu.dma_semaphore, #tpu.memory_space<semaphore_mem>>) src(%dma_wait3A_919 : memref<1000000x64xf32, #tpu.memory_space<hbm>>) dst(%dma_wait3A_914 : memref<128x64xf32, #tpu.memory_space<vmem>>)
    %dma_wait3A_920 = arith.constant 384 : i32
    %dma_wait3A_921 = arith.constant 0 : i32
    %dma_wait3A_922 = tpu.memref_slice %arg9[%dma_wait3A_920, %dma_wait3A_921] : memref<800x64xf32, #tpu.memory_space<vmem>> -> memref<128x64xf32, #tpu.memory_space<vmem>>
    %dma_wait3A_923 = arith.constant 384 : i32
    %dma_wait3A_924 = tpu.memref_slice %arg7[%dma_wait3A_923] : memref<800xi32, #tpu.memory_space<vmem>> -> memref<128xi32, #tpu.memory_space<vmem>>
    %dma_wait3A_925 = arith.constant 0 : i32
    %dma_wait3A_926 = arith.constant 0 : i32
    %dma_wait3A_927 = tpu.memref_slice %arg3[%dma_wait3A_925, %dma_wait3A_926] : memref<1000000x64xf32, #tpu.memory_space<hbm>> -> memref<1000000x64xf32, #tpu.memory_space<hbm>>
    tpu.wait_indirect_dma semaphore(%arg11 : memref<!tpu.dma_semaphore, #tpu.memory_space<semaphore_mem>>) src(%dma_wait3A_927 : memref<1000000x64xf32, #tpu.memory_space<hbm>>) dst(%dma_wait3A_922 : memref<128x64xf32, #tpu.memory_space<vmem>>)
    %dma_wait3A_928 = arith.constant 512 : i32
    %dma_wait3A_929 = arith.constant 0 : i32
    %dma_wait3A_930 = tpu.memref_slice %arg9[%dma_wait3A_928, %dma_wait3A_929] : memref<800x64xf32, #tpu.memory_space<vmem>> -> memref<128x64xf32, #tpu.memory_space<vmem>>
    %dma_wait3A_931 = arith.constant 512 : i32
    %dma_wait3A_932 = tpu.memref_slice %arg7[%dma_wait3A_931] : memref<800xi32, #tpu.memory_space<vmem>> -> memref<128xi32, #tpu.memory_space<vmem>>
    %dma_wait3A_933 = arith.constant 0 : i32
    %dma_wait3A_934 = arith.constant 0 : i32
    %dma_wait3A_935 = tpu.memref_slice %arg3[%dma_wait3A_933, %dma_wait3A_934] : memref<1000000x64xf32, #tpu.memory_space<hbm>> -> memref<1000000x64xf32, #tpu.memory_space<hbm>>
    tpu.wait_indirect_dma semaphore(%arg11 : memref<!tpu.dma_semaphore, #tpu.memory_space<semaphore_mem>>) src(%dma_wait3A_935 : memref<1000000x64xf32, #tpu.memory_space<hbm>>) dst(%dma_wait3A_930 : memref<128x64xf32, #tpu.memory_space<vmem>>)
    %dma_wait3A_936 = arith.constant 640 : i32
    %dma_wait3A_937 = arith.constant 0 : i32
    %dma_wait3A_938 = tpu.memref_slice %arg9[%dma_wait3A_936, %dma_wait3A_937] : memref<800x64xf32, #tpu.memory_space<vmem>> -> memref<128x64xf32, #tpu.memory_space<vmem>>
    %dma_wait3A_939 = arith.constant 640 : i32
    %dma_wait3A_940 = tpu.memref_slice %arg7[%dma_wait3A_939] : memref<800xi32, #tpu.memory_space<vmem>> -> memref<128xi32, #tpu.memory_space<vmem>>
    %dma_wait3A_941 = arith.constant 0 : i32
    %dma_wait3A_942 = arith.constant 0 : i32
    %dma_wait3A_943 = tpu.memref_slice %arg3[%dma_wait3A_941, %dma_wait3A_942] : memref<1000000x64xf32, #tpu.memory_space<hbm>> -> memref<1000000x64xf32, #tpu.memory_space<hbm>>
    tpu.wait_indirect_dma semaphore(%arg11 : memref<!tpu.dma_semaphore, #tpu.memory_space<semaphore_mem>>) src(%dma_wait3A_943 : memref<1000000x64xf32, #tpu.memory_space<hbm>>) dst(%dma_wait3A_938 : memref<128x64xf32, #tpu.memory_space<vmem>>)
    %dma_wait3A_944 = arith.constant 768 : i32
    %dma_wait3A_945 = arith.constant 0 : i32
    %dma_wait3A_946 = tpu.memref_slice %arg9[%dma_wait3A_944, %dma_wait3A_945] : memref<800x64xf32, #tpu.memory_space<vmem>> -> memref<32x64xf32, #tpu.memory_space<vmem>>
    %dma_wait3A_947 = arith.constant 768 : i32
    %dma_wait3A_948 = tpu.memref_slice %arg7[%dma_wait3A_947] : memref<800xi32, #tpu.memory_space<vmem>> -> memref<32xi32, #tpu.memory_space<vmem>>
    %dma_wait3A_949 = arith.constant 0 : i32
    %dma_wait3A_950 = arith.constant 0 : i32
    %dma_wait3A_951 = tpu.memref_slice %arg3[%dma_wait3A_949, %dma_wait3A_950] : memref<1000000x64xf32, #tpu.memory_space<hbm>> -> memref<1000000x64xf32, #tpu.memory_space<hbm>>
    tpu.wait_indirect_dma semaphore(%arg11 : memref<!tpu.dma_semaphore, #tpu.memory_space<semaphore_mem>>) src(%dma_wait3A_951 : memref<1000000x64xf32, #tpu.memory_space<hbm>>) dst(%dma_wait3A_946 : memref<32x64xf32, #tpu.memory_space<vmem>>)
    %scan3A_952 = arith.constant 0 : i32
    %scan3A_953 = arith.constant 0 : i32
    %scan3A_954 = arith.constant 200 : i32
    %scan3A_955 = arith.addi %scan3A_953, %scan3A_954 : i32
    %scan3A_956 = arith.constant 1 : i32
    scf.for %scan3A_1040 = %scan3A_953 to %scan3A_955 step %scan3A_956  : i32 {
      %get3A = arith.index_cast %scan3A_1040 : i32 to index
      %get3A_1041 = arith.constant 0 : index
      %get3A_1042 = tpu.vector_load %arg6[%get3A, %get3A_1041] {strides = array<i32>} : memref<200x64xf32, #tpu.memory_space<vmem>>, vector<1x16xf32>,
      %get3A_1043 = vector.shape_cast %get3A_1042 : vector<1x16xf32> to vector<16xf32>
      %get3A_1044 = arith.index_cast %scan3A_1040 : i32 to index
      %get3A_1045 = arith.constant 16 : index
      %get3A_1046 = tpu.vector_load %arg6[%get3A_1044, %get3A_1045] {strides = array<i32>} : memref<200x64xf32, #tpu.memory_space<vmem>>, vector<1x16xf32>,
      %get3A_1047 = vector.shape_cast %get3A_1046 : vector<1x16xf32> to vector<16xf32>
      %get3A_1048 = arith.index_cast %scan3A_1040 : i32 to index
      %get3A_1049 = arith.constant 32 : index
      %get3A_1050 = tpu.vector_load %arg6[%get3A_1048, %get3A_1049] {strides = array<i32>} : memref<200x64xf32, #tpu.memory_space<vmem>>, vector<1x16xf32>,
      %get3A_1051 = vector.shape_cast %get3A_1050 : vector<1x16xf32> to vector<16xf32>
      %get3A_1052 = arith.index_cast %scan3A_1040 : i32 to index
      %get3A_1053 = arith.constant 48 : index
      %get3A_1054 = tpu.vector_load %arg6[%get3A_1052, %get3A_1053] {strides = array<i32>} : memref<200x64xf32, #tpu.memory_space<vmem>>, vector<1x16xf32>,
      %get3A_1055 = vector.shape_cast %get3A_1054 : vector<1x16xf32> to vector<16xf32>
      %add3A_1056 = arith.constant 0 : i32
      %add3A_1057 = arith.addi %add3A_1056, %scan3A_1040 : i32
      %swap3A = arith.index_cast %add3A_1057 : i32 to index
      %swap3A_1058 = arith.constant 0 : index
      %swap3A_1059 = tpu.vector_load %arg9[%swap3A, %swap3A_1058] {strides = array<i32>} : memref<800x64xf32, #tpu.memory_space<vmem>>, vector<1x16xf32>,
      %swap3A_1060 = vector.shape_cast %swap3A_1059 : vector<1x16xf32> to vector<16xf32>
      %swap3A_1061 = vector.shape_cast %get3A_1043 : vector<16xf32> to vector<1x16xf32>
      tpu.vector_store %arg9[%swap3A, %swap3A_1058], %swap3A_1061 {add = true, strides = array<i32>} : memref<800x64xf32, #tpu.memory_space<vmem>>, vector<1x16xf32>,
      %add3A_1062 = arith.constant 0 : i32
      %add3A_1063 = arith.addi %add3A_1062, %scan3A_1040 : i32
      %swap3A_1064 = arith.index_cast %add3A_1063 : i32 to index
      %swap3A_1065 = arith.constant 16 : index
      %swap3A_1066 = tpu.vector_load %arg9[%swap3A_1064, %swap3A_1065] {strides = array<i32>} : memref<800x64xf32, #tpu.memory_space<vmem>>, vector<1x16xf32>,
      %swap3A_1067 = vector.shape_cast %swap3A_1066 : vector<1x16xf32> to vector<16xf32>
      %swap3A_1068 = vector.shape_cast %get3A_1047 : vector<16xf32> to vector<1x16xf32>
      tpu.vector_store %arg9[%swap3A_1064, %swap3A_1065], %swap3A_1068 {add = true, strides = array<i32>} : memref<800x64xf32, #tpu.memory_space<vmem>>, vector<1x16xf32>,
      %add3A_1069 = arith.constant 0 : i32
      %add3A_1070 = arith.addi %add3A_1069, %scan3A_1040 : i32
      %swap3A_1071 = arith.index_cast %add3A_1070 : i32 to index
      %swap3A_1072 = arith.constant 32 : index
      %swap3A_1073 = tpu.vector_load %arg9[%swap3A_1071, %swap3A_1072] {strides = array<i32>} : memref<800x64xf32, #tpu.memory_space<vmem>>, vector<1x16xf32>,
      %swap3A_1074 = vector.shape_cast %swap3A_1073 : vector<1x16xf32> to vector<16xf32>
      %swap3A_1075 = vector.shape_cast %get3A_1051 : vector<16xf32> to vector<1x16xf32>
      tpu.vector_store %arg9[%swap3A_1071, %swap3A_1072], %swap3A_1075 {add = true, strides = array<i32>} : memref<800x64xf32, #tpu.memory_space<vmem>>, vector<1x16xf32>,
      %add3A_1076 = arith.constant 0 : i32
      %add3A_1077 = arith.addi %add3A_1076, %scan3A_1040 : i32
      %swap3A_1078 = arith.index_cast %add3A_1077 : i32 to index
      %swap3A_1079 = arith.constant 48 : index
      %swap3A_1080 = tpu.vector_load %arg9[%swap3A_1078, %swap3A_1079] {strides = array<i32>} : memref<800x64xf32, #tpu.memory_space<vmem>>, vector<1x16xf32>,
      %swap3A_1081 = vector.shape_cast %swap3A_1080 : vector<1x16xf32> to vector<16xf32>
      %swap3A_1082 = vector.shape_cast %get3A_1055 : vector<16xf32> to vector<1x16xf32>
      tpu.vector_store %arg9[%swap3A_1078, %swap3A_1079], %swap3A_1082 {add = true, strides = array<i32>} : memref<800x64xf32, #tpu.memory_space<vmem>>, vector<1x16xf32>,
      %add3A_1083 = arith.constant 200 : i32
      %add3A_1084 = arith.addi %add3A_1083, %scan3A_1040 : i32
      %swap3A_1085 = arith.index_cast %add3A_1084 : i32 to index
      %swap3A_1086 = arith.constant 0 : index
      %swap3A_1087 = tpu.vector_load %arg9[%swap3A_1085, %swap3A_1086] {strides = array<i32>} : memref<800x64xf32, #tpu.memory_space<vmem>>, vector<1x16xf32>,
      %swap3A_1088 = vector.shape_cast %swap3A_1087 : vector<1x16xf32> to vector<16xf32>
      %swap3A_1089 = vector.shape_cast %get3A_1043 : vector<16xf32> to vector<1x16xf32>
      tpu.vector_store %arg9[%swap3A_1085, %swap3A_1086], %swap3A_1089 {add = true, strides = array<i32>} : memref<800x64xf32, #tpu.memory_space<vmem>>, vector<1x16xf32>,
      %add3A_1090 = arith.constant 200 : i32
      %add3A_1091 = arith.addi %add3A_1090, %scan3A_1040 : i32
      %swap3A_1092 = arith.index_cast %add3A_1091 : i32 to index
      %swap3A_1093 = arith.constant 16 : index
      %swap3A_1094 = tpu.vector_load %arg9[%swap3A_1092, %swap3A_1093] {strides = array<i32>} : memref<800x64xf32, #tpu.memory_space<vmem>>, vector<1x16xf32>,
      %swap3A_1095 = vector.shape_cast %swap3A_1094 : vector<1x16xf32> to vector<16xf32>
      %swap3A_1096 = vector.shape_cast %get3A_1047 : vector<16xf32> to vector<1x16xf32>
      tpu.vector_store %arg9[%swap3A_1092, %swap3A_1093], %swap3A_1096 {add = true, strides = array<i32>} : memref<800x64xf32, #tpu.memory_space<vmem>>, vector<1x16xf32>,
      %add3A_1097 = arith.constant 200 : i32
      %add3A_1098 = arith.addi %add3A_1097, %scan3A_1040 : i32
      %swap3A_1099 = arith.index_cast %add3A_1098 : i32 to index
      %swap3A_1100 = arith.constant 32 : index
      %swap3A_1101 = tpu.vector_load %arg9[%swap3A_1099, %swap3A_1100] {strides = array<i32>} : memref<800x64xf32, #tpu.memory_space<vmem>>, vector<1x16xf32>,
      %swap3A_1102 = vector.shape_cast %swap3A_1101 : vector<1x16xf32> to vector<16xf32>
      %swap3A_1103 = vector.shape_cast %get3A_1051 : vector<16xf32> to vector<1x16xf32>
      tpu.vector_store %arg9[%swap3A_1099, %swap3A_1100], %swap3A_1103 {add = true, strides = array<i32>} : memref<800x64xf32, #tpu.memory_space<vmem>>, vector<1x16xf32>,
      %add3A_1104 = arith.constant 200 : i32
      %add3A_1105 = arith.addi %add3A_1104, %scan3A_1040 : i32
      %swap3A_1106 = arith.index_cast %add3A_1105 : i32 to index
      %swap3A_1107 = arith.constant 48 : index
      %swap3A_1108 = tpu.vector_load %arg9[%swap3A_1106, %swap3A_1107] {strides = array<i32>} : memref<800x64xf32, #tpu.memory_space<vmem>>, vector<1x16xf32>,
      %swap3A_1109 = vector.shape_cast %swap3A_1108 : vector<1x16xf32> to vector<16xf32>
      %swap3A_1110 = vector.shape_cast %get3A_1055 : vector<16xf32> to vector<1x16xf32>
      tpu.vector_store %arg9[%swap3A_1106, %swap3A_1107], %swap3A_1110 {add = true, strides = array<i32>} : memref<800x64xf32, #tpu.memory_space<vmem>>, vector<1x16xf32>,
      %add3A_1111 = arith.constant 400 : i32
      %add3A_1112 = arith.addi %add3A_1111, %scan3A_1040 : i32
      %swap3A_1113 = arith.index_cast %add3A_1112 : i32 to index
      %swap3A_1114 = arith.constant 0 : index
      %swap3A_1115 = tpu.vector_load %arg9[%swap3A_1113, %swap3A_1114] {strides = array<i32>} : memref<800x64xf32, #tpu.memory_space<vmem>>, vector<1x16xf32>,
      %swap3A_1116 = vector.shape_cast %swap3A_1115 : vector<1x16xf32> to vector<16xf32>
      %swap3A_1117 = vector.shape_cast %get3A_1043 : vector<16xf32> to vector<1x16xf32>
      tpu.vector_store %arg9[%swap3A_1113, %swap3A_1114], %swap3A_1117 {add = true, strides = array<i32>} : memref<800x64xf32, #tpu.memory_space<vmem>>, vector<1x16xf32>,
      %add3A_1118 = arith.constant 400 : i32
      %add3A_1119 = arith.addi %add3A_1118, %scan3A_1040 : i32
      %swap3A_1120 = arith.index_cast %add3A_1119 : i32 to index
      %swap3A_1121 = arith.constant 16 : index
      %swap3A_1122 = tpu.vector_load %arg9[%swap3A_1120, %swap3A_1121] {strides = array<i32>} : memref<800x64xf32, #tpu.memory_space<vmem>>, vector<1x16xf32>,
      %swap3A_1123 = vector.shape_cast %swap3A_1122 : vector<1x16xf32> to vector<16xf32>
      %swap3A_1124 = vector.shape_cast %get3A_1047 : vector<16xf32> to vector<1x16xf32>
      tpu.vector_store %arg9[%swap3A_1120, %swap3A_1121], %swap3A_1124 {add = true, strides = array<i32>} : memref<800x64xf32, #tpu.memory_space<vmem>>, vector<1x16xf32>,
      %add3A_1125 = arith.constant 400 : i32
      %add3A_1126 = arith.addi %add3A_1125, %scan3A_1040 : i32
      %swap3A_1127 = arith.index_cast %add3A_1126 : i32 to index
      %swap3A_1128 = arith.constant 32 : index
      %swap3A_1129 = tpu.vector_load %arg9[%swap3A_1127, %swap3A_1128] {strides = array<i32>} : memref<800x64xf32, #tpu.memory_space<vmem>>, vector<1x16xf32>,
      %swap3A_1130 = vector.shape_cast %swap3A_1129 : vector<1x16xf32> to vector<16xf32>
      %swap3A_1131 = vector.shape_cast %get3A_1051 : vector<16xf32> to vector<1x16xf32>
      tpu.vector_store %arg9[%swap3A_1127, %swap3A_1128], %swap3A_1131 {add = true, strides = array<i32>} : memref<800x64xf32, #tpu.memory_space<vmem>>, vector<1x16xf32>,
      %add3A_1132 = arith.constant 400 : i32
      %add3A_1133 = arith.addi %add3A_1132, %scan3A_1040 : i32
      %swap3A_1134 = arith.index_cast %add3A_1133 : i32 to index
      %swap3A_1135 = arith.constant 48 : index
      %swap3A_1136 = tpu.vector_load %arg9[%swap3A_1134, %swap3A_1135] {strides = array<i32>} : memref<800x64xf32, #tpu.memory_space<vmem>>, vector<1x16xf32>,
      %swap3A_1137 = vector.shape_cast %swap3A_1136 : vector<1x16xf32> to vector<16xf32>
      %swap3A_1138 = vector.shape_cast %get3A_1055 : vector<16xf32> to vector<1x16xf32>
      tpu.vector_store %arg9[%swap3A_1134, %swap3A_1135], %swap3A_1138 {add = true, strides = array<i32>} : memref<800x64xf32, #tpu.memory_space<vmem>>, vector<1x16xf32>,
      %add3A_1139 = arith.constant 600 : i32
      %add3A_1140 = arith.addi %add3A_1139, %scan3A_1040 : i32
      %swap3A_1141 = arith.index_cast %add3A_1140 : i32 to index
      %swap3A_1142 = arith.constant 0 : index
      %swap3A_1143 = tpu.vector_load %arg9[%swap3A_1141, %swap3A_1142] {strides = array<i32>} : memref<800x64xf32, #tpu.memory_space<vmem>>, vector<1x16xf32>,
      %swap3A_1144 = vector.shape_cast %swap3A_1143 : vector<1x16xf32> to vector<16xf32>
      %swap3A_1145 = vector.shape_cast %get3A_1043 : vector<16xf32> to vector<1x16xf32>
      tpu.vector_store %arg9[%swap3A_1141, %swap3A_1142], %swap3A_1145 {add = true, strides = array<i32>} : memref<800x64xf32, #tpu.memory_space<vmem>>, vector<1x16xf32>,
      %add3A_1146 = arith.constant 600 : i32
      %add3A_1147 = arith.addi %add3A_1146, %scan3A_1040 : i32
      %swap3A_1148 = arith.index_cast %add3A_1147 : i32 to index
      %swap3A_1149 = arith.constant 16 : index
      %swap3A_1150 = tpu.vector_load %arg9[%swap3A_1148, %swap3A_1149] {strides = array<i32>} : memref<800x64xf32, #tpu.memory_space<vmem>>, vector<1x16xf32>,
      %swap3A_1151 = vector.shape_cast %swap3A_1150 : vector<1x16xf32> to vector<16xf32>
      %swap3A_1152 = vector.shape_cast %get3A_1047 : vector<16xf32> to vector<1x16xf32>
      tpu.vector_store %arg9[%swap3A_1148, %swap3A_1149], %swap3A_1152 {add = true, strides = array<i32>} : memref<800x64xf32, #tpu.memory_space<vmem>>, vector<1x16xf32>,
      %add3A_1153 = arith.constant 600 : i32
      %add3A_1154 = arith.addi %add3A_1153, %scan3A_1040 : i32
      %swap3A_1155 = arith.index_cast %add3A_1154 : i32 to index
      %swap3A_1156 = arith.constant 32 : index
      %swap3A_1157 = tpu.vector_load %arg9[%swap3A_1155, %swap3A_1156] {strides = array<i32>} : memref<800x64xf32, #tpu.memory_space<vmem>>, vector<1x16xf32>,
      %swap3A_1158 = vector.shape_cast %swap3A_1157 : vector<1x16xf32> to vector<16xf32>
      %swap3A_1159 = vector.shape_cast %get3A_1051 : vector<16xf32> to vector<1x16xf32>
      tpu.vector_store %arg9[%swap3A_1155, %swap3A_1156], %swap3A_1159 {add = true, strides = array<i32>} : memref<800x64xf32, #tpu.memory_space<vmem>>, vector<1x16xf32>,
      %add3A_1160 = arith.constant 600 : i32
      %add3A_1161 = arith.addi %add3A_1160, %scan3A_1040 : i32
      %swap3A_1162 = arith.index_cast %add3A_1161 : i32 to index
      %swap3A_1163 = arith.constant 48 : index
      %swap3A_1164 = tpu.vector_load %arg9[%swap3A_1162, %swap3A_1163] {strides = array<i32>} : memref<800x64xf32, #tpu.memory_space<vmem>>, vector<1x16xf32>,
      %swap3A_1165 = vector.shape_cast %swap3A_1164 : vector<1x16xf32> to vector<16xf32>
      %swap3A_1166 = vector.shape_cast %get3A_1055 : vector<16xf32> to vector<1x16xf32>
      tpu.vector_store %arg9[%swap3A_1162, %swap3A_1163], %swap3A_1166 {add = true, strides = array<i32>} : memref<800x64xf32, #tpu.memory_space<vmem>>, vector<1x16xf32>,
    }
    %scan3A_957 = arith.constant 200 : i32
    %add3A_958 = arith.constant 4800 : i32
    %add3A_959 = arith.addi %mul3A_2, %add3A_958 : i32
    %dma_start3A_960 = arith.constant 0 : i32
    %dma_start3A_961 = tpu.memref_slice %arg5[%add3A_959, %dma_start3A_960] : memref<204800x64xf32, #tpu.memory_space<hbm>> -> memref<800x64xf32, #tpu.memory_space<hbm>>
    %dma_start3A_962 = arith.constant 0 : i32
    %dma_start3A_963 = tpu.memref_slice %arg5[%add3A_959, %dma_start3A_962] : memref<204800x64xf32, #tpu.memory_space<hbm>> -> memref<800x64xf32, #tpu.memory_space<hbm>>
    tpu.enqueue_dma source(%arg9 : memref<800x64xf32, #tpu.memory_space<vmem>>) target(%dma_start3A_963 : memref<800x64xf32, #tpu.memory_space<hbm>>) target_semaphore(%arg13 : memref<!tpu.dma_semaphore, #tpu.memory_space<semaphore_mem>>)
    %dma_wait3A_964 = arith.constant 0 : i32
    %dma_wait3A_965 = arith.constant 0 : i32
    %dma_wait3A_966 = tpu.memref_slice %arg10[%dma_wait3A_964, %dma_wait3A_965] : memref<800x64xf32, #tpu.memory_space<vmem>> -> memref<128x64xf32, #tpu.memory_space<vmem>>
    %dma_wait3A_967 = arith.constant 0 : i32
    %dma_wait3A_968 = tpu.memref_slice %arg8[%dma_wait3A_967] : memref<800xi32, #tpu.memory_space<vmem>> -> memref<128xi32, #tpu.memory_space<vmem>>
    %dma_wait3A_969 = arith.constant 0 : i32
    %dma_wait3A_970 = arith.constant 0 : i32
    %dma_wait3A_971 = tpu.memref_slice %arg3[%dma_wait3A_969, %dma_wait3A_970] : memref<1000000x64xf32, #tpu.memory_space<hbm>> -> memref<1000000x64xf32, #tpu.memory_space<hbm>>
    tpu.wait_indirect_dma semaphore(%arg12 : memref<!tpu.dma_semaphore, #tpu.memory_space<semaphore_mem>>) src(%dma_wait3A_971 : memref<1000000x64xf32, #tpu.memory_space<hbm>>) dst(%dma_wait3A_966 : memref<128x64xf32, #tpu.memory_space<vmem>>)
    %dma_wait3A_972 = arith.constant 128 : i32
    %dma_wait3A_973 = arith.constant 0 : i32
    %dma_wait3A_974 = tpu.memref_slice %arg10[%dma_wait3A_972, %dma_wait3A_973] : memref<800x64xf32, #tpu.memory_space<vmem>> -> memref<128x64xf32, #tpu.memory_space<vmem>>
    %dma_wait3A_975 = arith.constant 128 : i32
    %dma_wait3A_976 = tpu.memref_slice %arg8[%dma_wait3A_975] : memref<800xi32, #tpu.memory_space<vmem>> -> memref<128xi32, #tpu.memory_space<vmem>>
    %dma_wait3A_977 = arith.constant 0 : i32
    %dma_wait3A_978 = arith.constant 0 : i32
    %dma_wait3A_979 = tpu.memref_slice %arg3[%dma_wait3A_977, %dma_wait3A_978] : memref<1000000x64xf32, #tpu.memory_space<hbm>> -> memref<1000000x64xf32, #tpu.memory_space<hbm>>
    tpu.wait_indirect_dma semaphore(%arg12 : memref<!tpu.dma_semaphore, #tpu.memory_space<semaphore_mem>>) src(%dma_wait3A_979 : memref<1000000x64xf32, #tpu.memory_space<hbm>>) dst(%dma_wait3A_974 : memref<128x64xf32, #tpu.memory_space<vmem>>)
    %dma_wait3A_980 = arith.constant 256 : i32
    %dma_wait3A_981 = arith.constant 0 : i32
    %dma_wait3A_982 = tpu.memref_slice %arg10[%dma_wait3A_980, %dma_wait3A_981] : memref<800x64xf32, #tpu.memory_space<vmem>> -> memref<128x64xf32, #tpu.memory_space<vmem>>
    %dma_wait3A_983 = arith.constant 256 : i32
    %dma_wait3A_984 = tpu.memref_slice %arg8[%dma_wait3A_983] : memref<800xi32, #tpu.memory_space<vmem>> -> memref<128xi32, #tpu.memory_space<vmem>>
    %dma_wait3A_985 = arith.constant 0 : i32
    %dma_wait3A_986 = arith.constant 0 : i32
    %dma_wait3A_987 = tpu.memref_slice %arg3[%dma_wait3A_985, %dma_wait3A_986] : memref<1000000x64xf32, #tpu.memory_space<hbm>> -> memref<1000000x64xf32, #tpu.memory_space<hbm>>
    tpu.wait_indirect_dma semaphore(%arg12 : memref<!tpu.dma_semaphore, #tpu.memory_space<semaphore_mem>>) src(%dma_wait3A_987 : memref<1000000x64xf32, #tpu.memory_space<hbm>>) dst(%dma_wait3A_982 : memref<128x64xf32, #tpu.memory_space<vmem>>)
    %dma_wait3A_988 = arith.constant 384 : i32
    %dma_wait3A_989 = arith.constant 0 : i32
    %dma_wait3A_990 = tpu.memref_slice %arg10[%dma_wait3A_988, %dma_wait3A_989] : memref<800x64xf32, #tpu.memory_space<vmem>> -> memref<128x64xf32, #tpu.memory_space<vmem>>
    %dma_wait3A_991 = arith.constant 384 : i32
    %dma_wait3A_992 = tpu.memref_slice %arg8[%dma_wait3A_991] : memref<800xi32, #tpu.memory_space<vmem>> -> memref<128xi32, #tpu.memory_space<vmem>>
    %dma_wait3A_993 = arith.constant 0 : i32
    %dma_wait3A_994 = arith.constant 0 : i32
    %dma_wait3A_995 = tpu.memref_slice %arg3[%dma_wait3A_993, %dma_wait3A_994] : memref<1000000x64xf32, #tpu.memory_space<hbm>> -> memref<1000000x64xf32, #tpu.memory_space<hbm>>
    tpu.wait_indirect_dma semaphore(%arg12 : memref<!tpu.dma_semaphore, #tpu.memory_space<semaphore_mem>>) src(%dma_wait3A_995 : memref<1000000x64xf32, #tpu.memory_space<hbm>>) dst(%dma_wait3A_990 : memref<128x64xf32, #tpu.memory_space<vmem>>)
    %dma_wait3A_996 = arith.constant 512 : i32
    %dma_wait3A_997 = arith.constant 0 : i32
    %dma_wait3A_998 = tpu.memref_slice %arg10[%dma_wait3A_996, %dma_wait3A_997] : memref<800x64xf32, #tpu.memory_space<vmem>> -> memref<128x64xf32, #tpu.memory_space<vmem>>
    %dma_wait3A_999 = arith.constant 512 : i32
    %dma_wait3A_1000 = tpu.memref_slice %arg8[%dma_wait3A_999] : memref<800xi32, #tpu.memory_space<vmem>> -> memref<128xi32, #tpu.memory_space<vmem>>
    %dma_wait3A_1001 = arith.constant 0 : i32
    %dma_wait3A_1002 = arith.constant 0 : i32
    %dma_wait3A_1003 = tpu.memref_slice %arg3[%dma_wait3A_1001, %dma_wait3A_1002] : memref<1000000x64xf32, #tpu.memory_space<hbm>> -> memref<1000000x64xf32, #tpu.memory_space<hbm>>
    tpu.wait_indirect_dma semaphore(%arg12 : memref<!tpu.dma_semaphore, #tpu.memory_space<semaphore_mem>>) src(%dma_wait3A_1003 : memref<1000000x64xf32, #tpu.memory_space<hbm>>) dst(%dma_wait3A_998 : memref<128x64xf32, #tpu.memory_space<vmem>>)
    %dma_wait3A_1004 = arith.constant 640 : i32
    %dma_wait3A_1005 = arith.constant 0 : i32
    %dma_wait3A_1006 = tpu.memref_slice %arg10[%dma_wait3A_1004, %dma_wait3A_1005] : memref<800x64xf32, #tpu.memory_space<vmem>> -> memref<128x64xf32, #tpu.memory_space<vmem>>
    %dma_wait3A_1007 = arith.constant 640 : i32
    %dma_wait3A_1008 = tpu.memref_slice %arg8[%dma_wait3A_1007] : memref<800xi32, #tpu.memory_space<vmem>> -> memref<128xi32, #tpu.memory_space<vmem>>
    %dma_wait3A_1009 = arith.constant 0 : i32
    %dma_wait3A_1010 = arith.constant 0 : i32
    %dma_wait3A_1011 = tpu.memref_slice %arg3[%dma_wait3A_1009, %dma_wait3A_1010] : memref<1000000x64xf32, #tpu.memory_space<hbm>> -> memref<1000000x64xf32, #tpu.memory_space<hbm>>
    tpu.wait_indirect_dma semaphore(%arg12 : memref<!tpu.dma_semaphore, #tpu.memory_space<semaphore_mem>>) src(%dma_wait3A_1011 : memref<1000000x64xf32, #tpu.memory_space<hbm>>) dst(%dma_wait3A_1006 : memref<128x64xf32, #tpu.memory_space<vmem>>)
    %dma_wait3A_1012 = arith.constant 768 : i32
    %dma_wait3A_1013 = arith.constant 0 : i32
    %dma_wait3A_1014 = tpu.memref_slice %arg10[%dma_wait3A_1012, %dma_wait3A_1013] : memref<800x64xf32, #tpu.memory_space<vmem>> -> memref<32x64xf32, #tpu.memory_space<vmem>>
    %dma_wait3A_1015 = arith.constant 768 : i32
    %dma_wait3A_1016 = tpu.memref_slice %arg8[%dma_wait3A_1015] : memref<800xi32, #tpu.memory_space<vmem>> -> memref<32xi32, #tpu.memory_space<vmem>>
    %dma_wait3A_1017 = arith.constant 0 : i32
    %dma_wait3A_1018 = arith.constant 0 : i32
    %dma_wait3A_1019 = tpu.memref_slice %arg3[%dma_wait3A_1017, %dma_wait3A_1018] : memref<1000000x64xf32, #tpu.memory_space<hbm>> -> memref<1000000x64xf32, #tpu.memory_space<hbm>>
    tpu.wait_indirect_dma semaphore(%arg12 : memref<!tpu.dma_semaphore, #tpu.memory_space<semaphore_mem>>) src(%dma_wait3A_1019 : memref<1000000x64xf32, #tpu.memory_space<hbm>>) dst(%dma_wait3A_1014 : memref<32x64xf32, #tpu.memory_space<vmem>>)
    %scan3A_1020 = arith.constant 0 : i32
    %scan3A_1021 = arith.constant 0 : i32
    %scan3A_1022 = arith.constant 200 : i32
    %scan3A_1023 = arith.addi %scan3A_1021, %scan3A_1022 : i32
    %scan3A_1024 = arith.constant 1 : i32
    scf.for %scan3A_1040 = %scan3A_1021 to %scan3A_1023 step %scan3A_1024  : i32 {
      %get3A = arith.index_cast %scan3A_1040 : i32 to index
      %get3A_1041 = arith.constant 0 : index
      %get3A_1042 = tpu.vector_load %arg6[%get3A, %get3A_1041] {strides = array<i32>} : memref<200x64xf32, #tpu.memory_space<vmem>>, vector<1x16xf32>,
      %get3A_1043 = vector.shape_cast %get3A_1042 : vector<1x16xf32> to vector<16xf32>
      %get3A_1044 = arith.index_cast %scan3A_1040 : i32 to index
      %get3A_1045 = arith.constant 16 : index
      %get3A_1046 = tpu.vector_load %arg6[%get3A_1044, %get3A_1045] {strides = array<i32>} : memref<200x64xf32, #tpu.memory_space<vmem>>, vector<1x16xf32>,
      %get3A_1047 = vector.shape_cast %get3A_1046 : vector<1x16xf32> to vector<16xf32>
      %get3A_1048 = arith.index_cast %scan3A_1040 : i32 to index
      %get3A_1049 = arith.constant 32 : index
      %get3A_1050 = tpu.vector_load %arg6[%get3A_1048, %get3A_1049] {strides = array<i32>} : memref<200x64xf32, #tpu.memory_space<vmem>>, vector<1x16xf32>,
      %get3A_1051 = vector.shape_cast %get3A_1050 : vector<1x16xf32> to vector<16xf32>
      %get3A_1052 = arith.index_cast %scan3A_1040 : i32 to index
      %get3A_1053 = arith.constant 48 : index
      %get3A_1054 = tpu.vector_load %arg6[%get3A_1052, %get3A_1053] {strides = array<i32>} : memref<200x64xf32, #tpu.memory_space<vmem>>, vector<1x16xf32>,
      %get3A_1055 = vector.shape_cast %get3A_1054 : vector<1x16xf32> to vector<16xf32>
      %add3A_1056 = arith.constant 0 : i32
      %add3A_1057 = arith.addi %add3A_1056, %scan3A_1040 : i32
      %swap3A = arith.index_cast %add3A_1057 : i32 to index
      %swap3A_1058 = arith.constant 0 : index
      %swap3A_1059 = tpu.vector_load %arg10[%swap3A, %swap3A_1058] {strides = array<i32>} : memref<800x64xf32, #tpu.memory_space<vmem>>, vector<1x16xf32>,
      %swap3A_1060 = vector.shape_cast %swap3A_1059 : vector<1x16xf32> to vector<16xf32>
      %swap3A_1061 = vector.shape_cast %get3A_1043 : vector<16xf32> to vector<1x16xf32>
      tpu.vector_store %arg10[%swap3A, %swap3A_1058], %swap3A_1061 {add = true, strides = array<i32>} : memref<800x64xf32, #tpu.memory_space<vmem>>, vector<1x16xf32>,
      %add3A_1062 = arith.constant 0 : i32
      %add3A_1063 = arith.addi %add3A_1062, %scan3A_1040 : i32
      %swap3A_1064 = arith.index_cast %add3A_1063 : i32 to index
      %swap3A_1065 = arith.constant 16 : index
      %swap3A_1066 = tpu.vector_load %arg10[%swap3A_1064, %swap3A_1065] {strides = array<i32>} : memref<800x64xf32, #tpu.memory_space<vmem>>, vector<1x16xf32>,
      %swap3A_1067 = vector.shape_cast %swap3A_1066 : vector<1x16xf32> to vector<16xf32>
      %swap3A_1068 = vector.shape_cast %get3A_1047 : vector<16xf32> to vector<1x16xf32>
      tpu.vector_store %arg10[%swap3A_1064, %swap3A_1065], %swap3A_1068 {add = true, strides = array<i32>} : memref<800x64xf32, #tpu.memory_space<vmem>>, vector<1x16xf32>,
      %add3A_1069 = arith.constant 0 : i32
      %add3A_1070 = arith.addi %add3A_1069, %scan3A_1040 : i32
      %swap3A_1071 = arith.index_cast %add3A_1070 : i32 to index
      %swap3A_1072 = arith.constant 32 : index
      %swap3A_1073 = tpu.vector_load %arg10[%swap3A_1071, %swap3A_1072] {strides = array<i32>} : memref<800x64xf32, #tpu.memory_space<vmem>>, vector<1x16xf32>,
      %swap3A_1074 = vector.shape_cast %swap3A_1073 : vector<1x16xf32> to vector<16xf32>
      %swap3A_1075 = vector.shape_cast %get3A_1051 : vector<16xf32> to vector<1x16xf32>
      tpu.vector_store %arg10[%swap3A_1071, %swap3A_1072], %swap3A_1075 {add = true, strides = array<i32>} : memref<800x64xf32, #tpu.memory_space<vmem>>, vector<1x16xf32>,
      %add3A_1076 = arith.constant 0 : i32
      %add3A_1077 = arith.addi %add3A_1076, %scan3A_1040 : i32
      %swap3A_1078 = arith.index_cast %add3A_1077 : i32 to index
      %swap3A_1079 = arith.constant 48 : index
      %swap3A_1080 = tpu.vector_load %arg10[%swap3A_1078, %swap3A_1079] {strides = array<i32>} : memref<800x64xf32, #tpu.memory_space<vmem>>, vector<1x16xf32>,
      %swap3A_1081 = vector.shape_cast %swap3A_1080 : vector<1x16xf32> to vector<16xf32>
      %swap3A_1082 = vector.shape_cast %get3A_1055 : vector<16xf32> to vector<1x16xf32>
      tpu.vector_store %arg10[%swap3A_1078, %swap3A_1079], %swap3A_1082 {add = true, strides = array<i32>} : memref<800x64xf32, #tpu.memory_space<vmem>>, vector<1x16xf32>,
      %add3A_1083 = arith.constant 200 : i32
      %add3A_1084 = arith.addi %add3A_1083, %scan3A_1040 : i32
      %swap3A_1085 = arith.index_cast %add3A_1084 : i32 to index
      %swap3A_1086 = arith.constant 0 : index
      %swap3A_1087 = tpu.vector_load %arg10[%swap3A_1085, %swap3A_1086] {strides = array<i32>} : memref<800x64xf32, #tpu.memory_space<vmem>>, vector<1x16xf32>,
      %swap3A_1088 = vector.shape_cast %swap3A_1087 : vector<1x16xf32> to vector<16xf32>
      %swap3A_1089 = vector.shape_cast %get3A_1043 : vector<16xf32> to vector<1x16xf32>
      tpu.vector_store %arg10[%swap3A_1085, %swap3A_1086], %swap3A_1089 {add = true, strides = array<i32>} : memref<800x64xf32, #tpu.memory_space<vmem>>, vector<1x16xf32>,
      %add3A_1090 = arith.constant 200 : i32
      %add3A_1091 = arith.addi %add3A_1090, %scan3A_1040 : i32
      %swap3A_1092 = arith.index_cast %add3A_1091 : i32 to index
      %swap3A_1093 = arith.constant 16 : index
      %swap3A_1094 = tpu.vector_load %arg10[%swap3A_1092, %swap3A_1093] {strides = array<i32>} : memref<800x64xf32, #tpu.memory_space<vmem>>, vector<1x16xf32>,
      %swap3A_1095 = vector.shape_cast %swap3A_1094 : vector<1x16xf32> to vector<16xf32>
      %swap3A_1096 = vector.shape_cast %get3A_1047 : vector<16xf32> to vector<1x16xf32>
      tpu.vector_store %arg10[%swap3A_1092, %swap3A_1093], %swap3A_1096 {add = true, strides = array<i32>} : memref<800x64xf32, #tpu.memory_space<vmem>>, vector<1x16xf32>,
      %add3A_1097 = arith.constant 200 : i32
      %add3A_1098 = arith.addi %add3A_1097, %scan3A_1040 : i32
      %swap3A_1099 = arith.index_cast %add3A_1098 : i32 to index
      %swap3A_1100 = arith.constant 32 : index
      %swap3A_1101 = tpu.vector_load %arg10[%swap3A_1099, %swap3A_1100] {strides = array<i32>} : memref<800x64xf32, #tpu.memory_space<vmem>>, vector<1x16xf32>,
      %swap3A_1102 = vector.shape_cast %swap3A_1101 : vector<1x16xf32> to vector<16xf32>
      %swap3A_1103 = vector.shape_cast %get3A_1051 : vector<16xf32> to vector<1x16xf32>
      tpu.vector_store %arg10[%swap3A_1099, %swap3A_1100], %swap3A_1103 {add = true, strides = array<i32>} : memref<800x64xf32, #tpu.memory_space<vmem>>, vector<1x16xf32>,
      %add3A_1104 = arith.constant 200 : i32
      %add3A_1105 = arith.addi %add3A_1104, %scan3A_1040 : i32
      %swap3A_1106 = arith.index_cast %add3A_1105 : i32 to index
      %swap3A_1107 = arith.constant 48 : index
      %swap3A_1108 = tpu.vector_load %arg10[%swap3A_1106, %swap3A_1107] {strides = array<i32>} : memref<800x64xf32, #tpu.memory_space<vmem>>, vector<1x16xf32>,
      %swap3A_1109 = vector.shape_cast %swap3A_1108 : vector<1x16xf32> to vector<16xf32>
      %swap3A_1110 = vector.shape_cast %get3A_1055 : vector<16xf32> to vector<1x16xf32>
      tpu.vector_store %arg10[%swap3A_1106, %swap3A_1107], %swap3A_1110 {add = true, strides = array<i32>} : memref<800x64xf32, #tpu.memory_space<vmem>>, vector<1x16xf32>,
      %add3A_1111 = arith.constant 400 : i32
      %add3A_1112 = arith.addi %add3A_1111, %scan3A_1040 : i32
      %swap3A_1113 = arith.index_cast %add3A_1112 : i32 to index
      %swap3A_1114 = arith.constant 0 : index
      %swap3A_1115 = tpu.vector_load %arg10[%swap3A_1113, %swap3A_1114] {strides = array<i32>} : memref<800x64xf32, #tpu.memory_space<vmem>>, vector<1x16xf32>,
      %swap3A_1116 = vector.shape_cast %swap3A_1115 : vector<1x16xf32> to vector<16xf32>
      %swap3A_1117 = vector.shape_cast %get3A_1043 : vector<16xf32> to vector<1x16xf32>
      tpu.vector_store %arg10[%swap3A_1113, %swap3A_1114], %swap3A_1117 {add = true, strides = array<i32>} : memref<800x64xf32, #tpu.memory_space<vmem>>, vector<1x16xf32>,
      %add3A_1118 = arith.constant 400 : i32
      %add3A_1119 = arith.addi %add3A_1118, %scan3A_1040 : i32
      %swap3A_1120 = arith.index_cast %add3A_1119 : i32 to index
      %swap3A_1121 = arith.constant 16 : index
      %swap3A_1122 = tpu.vector_load %arg10[%swap3A_1120, %swap3A_1121] {strides = array<i32>} : memref<800x64xf32, #tpu.memory_space<vmem>>, vector<1x16xf32>,
      %swap3A_1123 = vector.shape_cast %swap3A_1122 : vector<1x16xf32> to vector<16xf32>
      %swap3A_1124 = vector.shape_cast %get3A_1047 : vector<16xf32> to vector<1x16xf32>
      tpu.vector_store %arg10[%swap3A_1120, %swap3A_1121], %swap3A_1124 {add = true, strides = array<i32>} : memref<800x64xf32, #tpu.memory_space<vmem>>, vector<1x16xf32>,
      %add3A_1125 = arith.constant 400 : i32
      %add3A_1126 = arith.addi %add3A_1125, %scan3A_1040 : i32
      %swap3A_1127 = arith.index_cast %add3A_1126 : i32 to index
      %swap3A_1128 = arith.constant 32 : index
      %swap3A_1129 = tpu.vector_load %arg10[%swap3A_1127, %swap3A_1128] {strides = array<i32>} : memref<800x64xf32, #tpu.memory_space<vmem>>, vector<1x16xf32>,
      %swap3A_1130 = vector.shape_cast %swap3A_1129 : vector<1x16xf32> to vector<16xf32>
      %swap3A_1131 = vector.shape_cast %get3A_1051 : vector<16xf32> to vector<1x16xf32>
      tpu.vector_store %arg10[%swap3A_1127, %swap3A_1128], %swap3A_1131 {add = true, strides = array<i32>} : memref<800x64xf32, #tpu.memory_space<vmem>>, vector<1x16xf32>,
      %add3A_1132 = arith.constant 400 : i32
      %add3A_1133 = arith.addi %add3A_1132, %scan3A_1040 : i32
      %swap3A_1134 = arith.index_cast %add3A_1133 : i32 to index
      %swap3A_1135 = arith.constant 48 : index
      %swap3A_1136 = tpu.vector_load %arg10[%swap3A_1134, %swap3A_1135] {strides = array<i32>} : memref<800x64xf32, #tpu.memory_space<vmem>>, vector<1x16xf32>,
      %swap3A_1137 = vector.shape_cast %swap3A_1136 : vector<1x16xf32> to vector<16xf32>
      %swap3A_1138 = vector.shape_cast %get3A_1055 : vector<16xf32> to vector<1x16xf32>
      tpu.vector_store %arg10[%swap3A_1134, %swap3A_1135], %swap3A_1138 {add = true, strides = array<i32>} : memref<800x64xf32, #tpu.memory_space<vmem>>, vector<1x16xf32>,
      %add3A_1139 = arith.constant 600 : i32
      %add3A_1140 = arith.addi %add3A_1139, %scan3A_1040 : i32
      %swap3A_1141 = arith.index_cast %add3A_1140 : i32 to index
      %swap3A_1142 = arith.constant 0 : index
      %swap3A_1143 = tpu.vector_load %arg10[%swap3A_1141, %swap3A_1142] {strides = array<i32>} : memref<800x64xf32, #tpu.memory_space<vmem>>, vector<1x16xf32>,
      %swap3A_1144 = vector.shape_cast %swap3A_1143 : vector<1x16xf32> to vector<16xf32>
      %swap3A_1145 = vector.shape_cast %get3A_1043 : vector<16xf32> to vector<1x16xf32>
      tpu.vector_store %arg10[%swap3A_1141, %swap3A_1142], %swap3A_1145 {add = true, strides = array<i32>} : memref<800x64xf32, #tpu.memory_space<vmem>>, vector<1x16xf32>,
      %add3A_1146 = arith.constant 600 : i32
      %add3A_1147 = arith.addi %add3A_1146, %scan3A_1040 : i32
      %swap3A_1148 = arith.index_cast %add3A_1147 : i32 to index
      %swap3A_1149 = arith.constant 16 : index
      %swap3A_1150 = tpu.vector_load %arg10[%swap3A_1148, %swap3A_1149] {strides = array<i32>} : memref<800x64xf32, #tpu.memory_space<vmem>>, vector<1x16xf32>,
      %swap3A_1151 = vector.shape_cast %swap3A_1150 : vector<1x16xf32> to vector<16xf32>
      %swap3A_1152 = vector.shape_cast %get3A_1047 : vector<16xf32> to vector<1x16xf32>
      tpu.vector_store %arg10[%swap3A_1148, %swap3A_1149], %swap3A_1152 {add = true, strides = array<i32>} : memref<800x64xf32, #tpu.memory_space<vmem>>, vector<1x16xf32>,
      %add3A_1153 = arith.constant 600 : i32
      %add3A_1154 = arith.addi %add3A_1153, %scan3A_1040 : i32
      %swap3A_1155 = arith.index_cast %add3A_1154 : i32 to index
      %swap3A_1156 = arith.constant 32 : index
      %swap3A_1157 = tpu.vector_load %arg10[%swap3A_1155, %swap3A_1156] {strides = array<i32>} : memref<800x64xf32, #tpu.memory_space<vmem>>, vector<1x16xf32>,
      %swap3A_1158 = vector.shape_cast %swap3A_1157 : vector<1x16xf32> to vector<16xf32>
      %swap3A_1159 = vector.shape_cast %get3A_1051 : vector<16xf32> to vector<1x16xf32>
      tpu.vector_store %arg10[%swap3A_1155, %swap3A_1156], %swap3A_1159 {add = true, strides = array<i32>} : memref<800x64xf32, #tpu.memory_space<vmem>>, vector<1x16xf32>,
      %add3A_1160 = arith.constant 600 : i32
      %add3A_1161 = arith.addi %add3A_1160, %scan3A_1040 : i32
      %swap3A_1162 = arith.index_cast %add3A_1161 : i32 to index
      %swap3A_1163 = arith.constant 48 : index
      %swap3A_1164 = tpu.vector_load %arg10[%swap3A_1162, %swap3A_1163] {strides = array<i32>} : memref<800x64xf32, #tpu.memory_space<vmem>>, vector<1x16xf32>,
      %swap3A_1165 = vector.shape_cast %swap3A_1164 : vector<1x16xf32> to vector<16xf32>
      %swap3A_1166 = vector.shape_cast %get3A_1055 : vector<16xf32> to vector<1x16xf32>
      tpu.vector_store %arg10[%swap3A_1162, %swap3A_1163], %swap3A_1166 {add = true, strides = array<i32>} : memref<800x64xf32, #tpu.memory_space<vmem>>, vector<1x16xf32>,
    }
    %scan3A_1025 = arith.constant 200 : i32
    %add3A_1026 = arith.constant 5600 : i32
    %add3A_1027 = arith.addi %mul3A_2, %add3A_1026 : i32
    %dma_start3A_1028 = arith.constant 0 : i32
    %dma_start3A_1029 = tpu.memref_slice %arg5[%add3A_1027, %dma_start3A_1028] : memref<204800x64xf32, #tpu.memory_space<hbm>> -> memref<800x64xf32, #tpu.memory_space<hbm>>
    %dma_start3A_1030 = arith.constant 0 : i32
    %dma_start3A_1031 = tpu.memref_slice %arg5[%add3A_1027, %dma_start3A_1030] : memref<204800x64xf32, #tpu.memory_space<hbm>> -> memref<800x64xf32, #tpu.memory_space<hbm>>
    tpu.enqueue_dma source(%arg10 : memref<800x64xf32, #tpu.memory_space<vmem>>) target(%dma_start3A_1031 : memref<800x64xf32, #tpu.memory_space<hbm>>) target_semaphore(%arg14 : memref<!tpu.dma_semaphore, #tpu.memory_space<semaphore_mem>>)
    %dma_wait3A_1032 = arith.constant 0 : i32
    %dma_wait3A_1033 = tpu.memref_slice %arg5[%add3A_959, %dma_wait3A_1032] : memref<204800x64xf32, #tpu.memory_space<hbm>> -> memref<800x64xf32, #tpu.memory_space<hbm>>
    %dma_wait3A_1034 = arith.constant 0 : i32
    %dma_wait3A_1035 = tpu.memref_slice %arg5[%add3A_959, %dma_wait3A_1034] : memref<204800x64xf32, #tpu.memory_space<hbm>> -> memref<800x64xf32, #tpu.memory_space<hbm>>
    tpu.wait_dma2 semaphore(%arg13 : memref<!tpu.dma_semaphore, #tpu.memory_space<semaphore_mem>>) src(%arg9 : memref<800x64xf32, #tpu.memory_space<vmem>>) dst(%dma_wait3A_1035 : memref<800x64xf32, #tpu.memory_space<hbm>>)
    %dma_wait3A_1036 = arith.constant 0 : i32
    %dma_wait3A_1037 = tpu.memref_slice %arg5[%add3A_1027, %dma_wait3A_1036] : memref<204800x64xf32, #tpu.memory_space<hbm>> -> memref<800x64xf32, #tpu.memory_space<hbm>>
    %dma_wait3A_1038 = arith.constant 0 : i32
    %dma_wait3A_1039 = tpu.memref_slice %arg5[%add3A_1027, %dma_wait3A_1038] : memref<204800x64xf32, #tpu.memory_space<hbm>> -> memref<800x64xf32, #tpu.memory_space<hbm>>
    tpu.wait_dma2 semaphore(%arg14 : memref<!tpu.dma_semaphore, #tpu.memory_space<semaphore_mem>>) src(%arg10 : memref<800x64xf32, #tpu.memory_space<vmem>>) dst(%dma_wait3A_1039 : memref<800x64xf32, #tpu.memory_space<hbm>>)
    return
  }
}

</mosaic_0001>

<sc_bundles>
// kernel: kernel.3.cloned.1.call-start
scs
__scs_entry_jumppad:
0x0: {  	(pc) =	sbr.rel $0x88, $3  }
0x1: {  	(tag) =	ssettag $0x0;
	lr =	simm.s32 $0x1  }
0x2: {  	[smem:$0x3F9E] =	sst lr;
	_ =	strace $0xD0000000  }
0x3: {  	_ = 	snop  }
0x4: {  	_ = 	snop  }
0x5: {  	_ = 	snop  }
0x6: {  	_ = 	snop  }
0x7: {  	_ = 	snop  }
__scs_overlays_trampoline_lowered:
0x8: {  	[smem:$0x3FAD] =	sst s0  }
0x9: {  	[smem:$0x3FAE] =	sst s1  }
0xa: {  	[smem:$0x3FAF] =	sst s2  }
0xb: {  	[smem:$0x3FB0] =	sst s3  }
0xc: {  	[smem:$0x3FB1] =	sst s4  }
0xd: {  	[smem:$0x3FB2] =	sst s5  }
0xe: {  	[smem:$0x3FB3] =	sst s6  }
0xf: {  	[smem:$0x3FB4] =	sst s7  }
0x10: {  	[smem:$0x3FB5] =	sst s8  }
0x11: {  	[smem:$0x3FB6] =	sst s9;
	s0 =	simm.s32 @!p0 $0x0  }
0x12: {  	s1 =	sld [smem:$0x3F9C];
	s0 =	simm.s32 @p0 $0x1  }
0x13: {  	[smem:$0x3FB7] =	sst s0;
	s0 =	simm.s32 @!p1 $0x0  }
0x14: {  	s2 =	sld [smem:$0x3F9B];
	s0 =	simm.s32 @p1 $0x1  }
0x15: {  	[smem:$0x3FB8] =	sst s0;
	s0 =	simm.s32 @!p2 $0x0  }
0x16: {  	s3 =	sld [smem:$0x3FDB];
	s0 =	simm.s32 @p2 $0x1  }
0x17: {  	s4 =	simm.s32 $0x1BF5;
	[smem:$0x3FBA] =	sst s0  }
0x18: {  	s0 =	sld [smem:$0x3F9D];
	_ =	swait.ge [sflag:s4], $0x0  }
0x19: {  	s7 =	sld [smem:$0x3F9E]  }
0x1a: {  	s8 =	sadd.s32 $0xFFFFE003, lr  }
0x1b: {  	s9 =	sadd.s32 $0xFFFFFEF7, lr;
	s5 =	simm.s32 $0xFFFFFFFF;
	p2 =	slt.u32 s8, $0xFFFFF086  }
0x1c: {  	p1 =	slt.u32 s9, $0xF7A;
	s5 =	simm.s32 @!p2 $0x0  }
0x1d: {  	s5 =	simm.s32 @p1 $0x1;
	p0 =	seq.s32 s7, s2  }
0x1e: {  	s7 =	smul.u32 @!p0 $0xF7A, s2;
	p2 =	seq.s32 @!p0 s5, $0x0  }
0x1f: {  	s9 =	smul.u32 $0xF7A, s1;
	s8 =	simm.s32 @!p0 $0x1BF5;
	p2 =	por !p2, p0  }
0x20: {  	[sflag:s8] =	ssyncset.s32 @!p0 $0xFFFFF086;
	s6 =	sadd.s32 @!p0 s3, s7;
	s7 =	simm.s32 @!p0 $0x108  }
0x21: {  	s3 =	sadd.s32 s3, s9;
	s6 =	sadd.s32 @!p0 $0x88, s6;
	s7 =	simm.s32 @p2 $0x1082  }
0x22: {  	[simem:s7], [sflag:s8] =	dma.local @!p0 [hbm:s6], $0xF7A  }
0x23: {  	s9 =	sor.u32 $0xD0000000, s2;
	s6 =	simm.s32 $0x108;
	_ =	swait.ge @!p0 [sflag:s8], $0x0  }
0x24: {  	s3 =	sadd.s32 $0x88, s3;
	s6 =	simm.s32 @!p1 $0x1082;
	[sflag:s4] =	ssyncset.s32 $0xFFFFF086  }
0x25: {  	[simem:s6], [sflag:s4] =	dma.local [hbm:s3], $0xF7A  }
0x26: {  	[smem:$0x3F9E] =	sst s1;
	(tag) =	ssettag s2;
	_ =	strace s9  }
0x27: {  	s1 =	sld [smem:$0x3FAE]  }
0x28: {  	s2 =	sld [smem:$0x3FAF]  }
0x29: {  	s4 =	sld [smem:$0x3FB1]  }
0x2a: {  	p0 =	seq.s32 s5, $0x0;
	s5 =	sld [smem:$0x3FB2]  }
0x2b: {  	s6 =	sld [smem:$0x3FB3]  }
0x2c: {  	s7 =	sld [smem:$0x3FB4]  }
0x2d: {  	s3 =	simm.s32 $0x108;
	s8 =	sld [smem:$0x3FB5]  }
0x2e: {  	s3 =	simm.s32 @!p0 $0x1082;
	s9 =	sld [smem:$0x3FB6]  }
0x2f: {  	lr =	sadd.s32 s0, s3;
	s0 =	sld [smem:$0x3FAD]  }
0x30: {  	s3 =	sld [smem:$0x3FB0]  }
0x31: {  	[smem:$0x3FB9] =	sst s10  }
0x32: {  	s10 =	sld [smem:$0x3FB7];
	_ =	sdelay $0x3  }
0x33: {  	p0 =	seq.s32 s10, $0x1;
	s10 =	sld [smem:$0x3FB9];
	_ =	sdelay $0x3  }
0x34: {  	[smem:$0x3FB9] =	sst s10  }
0x35: {  	s10 =	sld [smem:$0x3FB8];
	_ =	sdelay $0x3  }
0x36: {  	p1 =	seq.s32 s10, $0x1;
	s10 =	sld [smem:$0x3FB9];
	_ =	sdelay $0x3  }
0x37: {  	[smem:$0x3FB9] =	sst s10  }
0x38: {  	s10 =	sld [smem:$0x3FBA]  }
0x39: {  	_ = 	snop;
	(pc) =	sbr.ind lr, $3  }
0x3a: {  	_ = 	snop  }
0x3b: {  	_ = 	snop  }
0x3c: {  	p2 =	seq.s32 s10, $0x1;
	s10 =	sld [smem:$0x3FB9]  }
0x3d: {  	_ =	shalt  }
0x3e: {  	_ =	shalt  }
0x3f: {  	_ =	shalt  }
0x40: {  	_ =	shalt  }
0x41: {  	_ =	shalt  }
0x42: {  	_ =	shalt  }
0x43: {  	_ =	shalt  }
0x44: {  	_ =	shalt  }
0x45: {  	_ =	shalt  }
0x46: {  	_ =	shalt  }
0x47: {  	_ =	shalt  }
0x48: {  	_ =	shalt  }
0x49: {  	_ =	shalt  }
0x4a: {  	_ =	shalt  }
0x4b: {  	_ =	shalt  }
0x4c: {  	_ =	shalt  }
0x4d: {  	_ =	shalt  }
0x4e: {  	_ =	shalt  }
0x4f: {  	_ =	shalt  }
0x50: {  	_ =	shalt  }
0x51: {  	_ =	shalt  }
0x52: {  	_ =	shalt  }
0x53: {  	_ =	shalt  }
0x54: {  	_ =	shalt  }
0x55: {  	_ =	shalt  }
0x56: {  	_ =	shalt  }
0x57: {  	_ =	shalt  }
0x58: {  	_ =	shalt  }
0x59: {  	_ =	shalt  }
0x5a: {  	_ =	shalt  }
0x5b: {  	_ =	shalt  }
0x5c: {  	_ =	shalt  }
0x5d: {  	_ =	shalt  }
0x5e: {  	_ =	shalt  }
0x5f: {  	_ =	shalt  }
0x60: {  	_ =	shalt  }
0x61: {  	_ =	shalt  }
0x62: {  	_ =	shalt  }
0x63: {  	_ =	shalt  }
0x64: {  	_ =	shalt  }
0x65: {  	_ =	shalt  }
0x66: {  	_ =	shalt  }
0x67: {  	_ =	shalt  }
0x68: {  	_ =	shalt  }
0x69: {  	_ =	shalt  }
0x6a: {  	_ =	shalt  }
0x6b: {  	_ =	shalt  }
0x6c: {  	_ =	shalt  }
0x6d: {  	_ =	shalt  }
0x6e: {  	_ =	shalt  }
0x6f: {  	_ =	shalt  }
0x70: {  	_ =	shalt  }
0x71: {  	_ =	shalt  }
0x72: {  	_ =	shalt  }
0x73: {  	_ =	shalt  }
0x74: {  	_ =	shalt  }
0x75: {  	_ =	shalt  }
0x76: {  	_ =	shalt  }
0x77: {  	_ =	shalt  }
0x78: {  	_ =	shalt  }
0x79: {  	_ =	shalt  }
0x7a: {  	_ =	shalt  }
0x7b: {  	_ =	shalt  }
0x7c: {  	_ =	shalt  }
0x7d: {  	_ =	shalt  }
0x7e: {  	_ =	shalt  }
0x7f: {  	_ =	shalt  }
0x80: {  	_ =	shalt  }
0x81: {  	_ =	shalt  }
0x82: {  	_ =	shalt  }
0x83: {  	_ =	shalt  }
0x84: {  	_ =	shalt  }
0x85: {  	_ =	shalt  }
0x86: {  	_ =	shalt  }
0x87: {  	_ =	shalt  }
.Lfunc_end0:
.L_simem_size_0:
called_computation.1_lowered:
.L_overlay_start_0:
0x88: {  	s2 =	sld [smem:$0x3FD9]  }
0x89: {  	s3 =	sld [smem:$0x3FFE];
	_ =	sdelay $0x1  }
0x8a: {  	s1 =	srdreg.scid  }
0x8b: {  	s0 =	sand.u32 $0x1, s1  }
0x8c: {  	s17 =	sshll.u32 s0, $0xA;
	s2 =	sadd.s32 s3, s2  }
0x8d: {  	s2 =	sadd.s32 s2, s17  }
0x8e: {  	[smem:$0x3FC5] =	sst s2  }
0x8f: {  	_ = 	snop  }
0x90: {  	s2 =	sld [smem:$0x3FD0];
	(tm) =	ssettm $0x1  }
0x91: {  	s18 =	sld [smem:$0x3FFB];
	_ =	sdelay $0x3  }
0x92: {  	_ =	strace s18  }
0x93: {  	s3 =	sld [smem:$0x3FFC];
	_ =	sdelay $0x3  }
0x94: {  	_ =	strace s3  }
0x95: {  	s3 =	sld [smem:$0x3FFD];
	_ =	sdelay $0x3  }
0x96: {  	_ =	strace s3  }
0x97: {  	_ =	strace $0x8FFFFFFF  }
0x98: {  	s19 =	sld [smem:$0x3FDB];
	_ =	sdelay $0x1  }
0x99: {  	s4 =	simm.s32 $_scs_section_size  }
0x9a: {  	s5 =	simm.s32 $_size__tile_overlayer_lowered;
	s6 =	simm.s32 $_tile_overlayer_lowered  }
0x9b: {  	s22 =	simm.s32 $0x1BFF;
	s21 =	sshll.u32 s6, $0x1;
	s3 =	sadd.s32 s4, s19  }
0x9c: {  	s7 =	simm.s32 $0x0;
	s20 =	sshll.u32 s5, $0x1;
	s5 =	sadd.s32 s21, s3  }
0x9d: {  	[timem:s7], [sflag:s22] =	dma.local [hbm:s5], s20  }
0x9e: {  	_ =	swait.ge [sflag:s22], s20  }
0x9f: {  	s4 =	ssub.s32 $0x0, s20;
	[sflag:s22] =	ssyncset.done $0x0  }
0xa0: {  	[sflag:s22] =	ssyncadd.s32 s4;
	_ =	sdelay $0x1  }
0xa1: {  	s23 =	simm.s32 $0x1B8B  }
0xa2: {  	_ =	swait.ge [sflag:s23], $0x1  }
0xa3: {  	[sflag:s23] =	ssyncset.done $0x0  }
0xa4: {  	s25 =	simm.s32 $0x1B8E;
	s24 =	sld [smem:$0x3FFE];
	[sflag:s23] =	ssyncadd.s32 $0xFFFFFFFF  }
0xa5: {  	s26 =	simm.s32 $execute0_lowered;
	[smem:$0x3FD2] =	sst s25  }
0xa6: {  	s5 =	sshll.u32 s26, $0x1;
	_ =	strace $0x80000046;
	[dreg:$0x1] =	wrdreg $0xFFFFFFFF  }
0xa7: {  	s28 =	simm.s32 $_size_execute0_lowered;
	s3 =	sadd.s32 s3, s5;
	[dreg:$0x0] =	wrdreg $0x0  }
0xa8: {  	s5 =	sshll.u32 s28, $0x1;
	[dreg:$0x2] =	wrdreg s3  }
0xa9: {  	[dreg:$0x3] =	wrdreg s5  }
0xaa: {  	[dreg:$0x4] =	wrdreg $0xC0  }
0xab: {  	_ =	task [dreg:s7], $0x5FFFF  }
0xac: {  	[dreg:$0x1] =	wrdreg $0xFFFFFFFF  }
0xad: {  	[dreg:$0x0] =	wrdreg $0x60  }
0xae: {  	[dreg:$0x2] =	wrdreg s24  }
0xaf: {  	[dreg:$0x3] =	wrdreg s2  }
0xb0: {  	[dreg:$0x4] =	wrdreg $0x9  }
0xb1: {  	_ =	task.clear_ibuf [dreg:s7], $0x5FFFF;
	_ =	strace $0x90000046  }
0xb2: {  	s29 =	simm.s32 $0x9;
	_ =	strace $0x80000048  }
0xb3: {  	_ =	swait.ge [sflag:s29], $0x1  }
0xb4: {  	[sflag:s29] =	ssyncadd.s32 $0xFFFFFFFF  }
0xb5: {  	_ =	strace $0x90000048  }
0xb6: {  	_ =	sfence  }
0xb7: {  	s30 =	sld [smem:$0x0];
	_ =	sdelay $0x2  }
0xb8: {  	s31 =	sshll.u32 s1, $0xD;
	s1 =	sshrl.u32 s1, $0x2  }
0xb9: {  	s3 =	sand.u32 $0x4000, s31;
	s1 =	sadd.s32 s1, s30  }
0xba: {  	s0 =	sor.u32 s3, s0;
	s1 =	sshll.u32 s1, $0x11  }
0xbb: {  	s0 =	sor.u32 s1, s0  }
0xbc: {  	s0 =	sadd.s32 $0x8F2B, s0  }
0xbd: {  	[sflag:s0] =	ssyncadd.remote.s32 $0x1  }
0xbe: {  	_ =	sfence.sel $0xFFFF  }
0xbf: {  	[dreg:$0x0] =	wrdreg $0xFFFFFFFF;
	(pc) =	sbr.abs _section_cstart, $3  }
0xc0: {  	[dreg:$0x1] =	wrdreg $0xFFFFFFFF  }
0xc1: {  	_ =	task.clear_ibuf [dreg:s7], $0x2FFFF;
	_ =	strace $0x9FFFFFFF  }
0xc2: {  	(tm) =	ssettm $0x7FFFFFFF  }
0xc3: {  	_ =	shalt  }
tec
execute0_lowered:
.L_overlay_start_1:
0x0: {  	(tag) =	ssettag $0x1  }
0x1: {  	s0 =	rddreg [dreg:$0x0]  }
0x2: {  	s1 =	rddreg [dreg:$0x1]  }
0x3: {  	s2 =	srdreg.scid;
	s3 =	stileid.u32  }
0x4: {  	s4 =	simm.s32 $0x0;
	s28 =	simm.s32 $0x1;
	s29 =	simm.s32 $0x3  }
0x5: {  	s30 =	simm.s32 $0x2;
	s31 =	simm.s32 $0x4;
	s2 =	sand.u32 $0x1, s2  }
0x6: {  	s3 =	sshll.u32 s3, $0x1;
	[smem:$0x7FF] =	sst s4;
	s6 =	sadd.s32 $0xC00, s0  }
0x7: {  	s26 =	sor.u32 s2, s3;
	_ =	strace $0x80000047;
	s2 =	ssub.s32 $0x2, s2  }
0x8: {  	s3 =	sadd.s32 $0xF43000, s0;
	s0 =	sadd.s32 $0x7000, s0;
	s5 =	smul.u32 $0x1900, s26  }
0x9: {  	s7 =	sshrl.u32 s2, $0x1;
	[dreg:$0x3] =	wrdreg s0;
	s4 =	smul.u32 $0xC800, s26  }
0xa: {  	s0 =	ssub.s32 s2, s7;
	s9 =	sadd.s32 $0x320, s5;
	s10 =	sshrl.u32 s5, $0x3  }
0xb: {  	s12 =	sadd.s32 $0x640, s5;
	s4 =	sadd.s32 s1, s4;
	s14 =	sadd.s32 $0x960, s5  }
0xc: {  	s16 =	sadd.s32 $0xC80, s5;
	s19 =	sadd.s32 $0xFA0, s5;
	s23 =	sadd.s32 $0x12C0, s5  }
0xd: {  	s5 =	sadd.s32 $0x15E0, s5;
	s0 =	smax.u32 s0, $0x1;
	s8 =	sshrl.u32 s9, $0x3  }
0xe: {  	s7 =	sadd.s32 s6, s10;
	[dreg:$0x6] =	wrdreg s4;
	s13 =	sshrl.u32 s12, $0x3  }
0xf: {  	s2 =	sshll.u32 s9, $0x3;
	s15 =	sshrl.u32 s14, $0x3;
	s18 =	sshrl.u32 s16, $0x3  }
0x10: {  	s20 =	sshrl.u32 s19, $0x3;
	s21 =	sshll.u32 s16, $0x3;
	s24 =	sshrl.u32 s23, $0x3  }
0x11: {  	s25 =	sshrl.u32 s5, $0x3;
	s26 =	sshll.u32 s5, $0x3;
	[dreg:$0x14] =	wrdreg s0  }
0x12: {  	s9 =	simm.s32 $0xF840;
	s10 =	simm.s32 $0x3520;
	s16 =	simm.s32 $0x36A0  }
0x13: {  	s0 =	simm.s32 $0x0;
	[dreg:$0x4] =	wrdreg s7;
	s11 =	sadd.s32 s6, s8  }
0x14: {  	s4 =	sadd.s32 s6, s13;
	s2 =	sadd.s32 s1, s2;
	s7 =	sshll.u32 s12, $0x3  }
0x15: {  	s22 =	sadd.s32 s1, s21;
	s8 =	simm.s32 $0x3500;
	[dreg:$0x5] =	wrdreg s11  }
0x16: {  	s12 =	simm.s32 $0x35A0;
	s13 =	simm.s32 $0x12040;
	[dreg:$0x7] =	wrdreg s4  }
0x17: {  	s21 =	simm.s32 $0x1A040;
	[dreg:$0x8] =	wrdreg s2;
	s4 =	sadd.s32 s6, s15  }
0x18: {  	s17 =	sadd.s32 s1, s7;
	s2 =	sshll.u32 s14, $0x3;
	[dreg:$0xe] =	wrdreg s22  }
0x19: {  	s7 =	sadd.s32 s6, s24;
	s22 =	simm.s32 $0x5;
	s24 =	simm.s32 $0x80  }
0x1a: {  	s11 =	simm.s32 $0x10040;
	s14 =	simm.s32 $0x3620;
	[dreg:$0x9] =	wrdreg s4  }
0x1b: {  	s15 =	simm.s32 $0x14040;
	[dreg:$0xa] =	wrdreg s17;
	s4 =	sadd.s32 s6, s18  }
0x1c: {  	s2 =	sadd.s32 s1, s2;
	[dreg:$0xf] =	wrdreg s7;
	s7 =	simm.s32 $0x20  }
0x1d: {  	s17 =	simm.s32 $0x16040;
	s18 =	simm.s32 $0x3720;
	[dreg:$0xb] =	wrdreg s4  }
0x1e: {  	[dreg:$0xc] =	wrdreg s2;
	s2 =	sadd.s32 s6, s20;
	s4 =	sshll.u32 s19, $0x3  }
0x1f: {  	s19 =	simm.s32 $0x18040;
	s20 =	simm.s32 $0x37A0;
	[dreg:$0xd] =	wrdreg s2  }
0x20: {  	s4 =	sadd.s32 s1, s4;
	s2 =	sshll.u32 s23, $0x3;
	s23 =	simm.s32 $0x3200  }
0x21: {  	[dreg:$0x10] =	wrdreg s4;
	s4 =	sadd.s32 s6, s25;
	s2 =	sadd.s32 s1, s2  }
0x22: {  	s1 =	sadd.s32 s1, s26;
	s25 =	simm.s32 $0x3840;
	[dreg:$0x11] =	wrdreg s4  }
0x23: {  	s6 =	simm.s32 $0xD840;
	s26 =	simm.s32 $0x1C040;
	[dreg:$0x12] =	wrdreg s2  }
0x24: {  	[dreg:$0x13] =	wrdreg s1;
	s1 =	simm.s32 $0x0;
	s2 =	simm.s32 $0x3820  }
.LBB2_1:
0x25: {  	s4 =	rddreg [dreg:$0x3]  }
0x26: {  	[tilespmem:s1], [sflag:$0x5] =	stream.linear.gather [hbm4b:s4+s1], $0x3200, $0x38;
	[tilespmem:$0x1C840] =	vst v63  }
0x27: {  	_ =	swait.ge [sflag:s22], $0x3200  }
0x28: {  	[sflag:s22] =	ssyncset.done $0x0  }
0x29: {  	s5 =	rddreg [dreg:$0x4];
	[sflag:s22] =	ssyncadd.s32 $0xFFFFCE00  }
0x2a: {  	[tilespmem:s23], [sflag:$0x5] =	stream.linear.gather [hbm4b:s5+s1], $0x320, $0x38;
	[tilespmem:$0x1C840] =	vst v63  }
0x2b: {  	_ =	swait.ge [sflag:s22], $0x320  }
0x2c: {  	[sflag:s22] =	ssyncset.done $0x0  }
0x2d: {  	[sflag:s22] =	ssyncadd.s32 $0xFFFFFCE0  }
0x2e: {  	[tilespmem:s25], [sflag:$0x1] =	stream.indirect.gather [hbm4b:s3+s24], $0x40, s23, s24, $0xb8;
	[tilespmem:$0x1C840] =	vst v63  }
0x2f: {  	s4 =	simm.s32 $0x3280;
	s5 =	simm.s32 $0x5840  }
0x30: {  	[tilespmem:s5], [sflag:$0x1] =	stream.indirect.gather [hbm4b:s3+s24], $0x40, s4, s24, $0xb8;
	[tilespmem:$0x1C840] =	vst v63  }
0x31: {  	s4 =	simm.s32 $0x3300;
	s5 =	simm.s32 $0x7840  }
0x32: {  	[tilespmem:s5], [sflag:$0x1] =	stream.indirect.gather [hbm4b:s3+s24], $0x40, s4, s24, $0xb8;
	[tilespmem:$0x1C840] =	vst v63  }
0x33: {  	s4 =	simm.s32 $0x3380;
	s5 =	simm.s32 $0x9840  }
0x34: {  	[tilespmem:s5], [sflag:$0x1] =	stream.indirect.gather [hbm4b:s3+s24], $0x40, s4, s24, $0xb8;
	[tilespmem:$0x1C840] =	vst v63  }
0x35: {  	s4 =	simm.s32 $0x3400;
	s5 =	simm.s32 $0xB840  }
0x36: {  	[tilespmem:s5], [sflag:$0x1] =	stream.indirect.gather [hbm4b:s3+s24], $0x40, s4, s24, $0xb8;
	[tilespmem:$0x1C840] =	vst v63  }
0x37: {  	s5 =	simm.s32 $0x3480  }
0x38: {  	[tilespmem:s6], [sflag:$0x1] =	stream.indirect.gather [hbm4b:s3+s24], $0x40, s5, s24, $0xb8;
	[tilespmem:$0x1C840] =	vst v63  }
0x39: {  	_ = 	snop  }
0x3a: {  	[tilespmem:s9], [sflag:$0x1] =	stream.indirect.gather [hbm4b:s3+s7], $0x40, s8, s7, $0xb8;
	[tilespmem:$0x1C840] =	vst v63  }
0x3b: {  	s5 =	rddreg [dreg:$0x5]  }
0x3c: {  	[tilespmem:s10], [sflag:$0x5] =	stream.linear.gather [hbm4b:s5+s1], $0x320, $0x38;
	[tilespmem:$0x1C840] =	vst v63  }
0x3d: {  	_ =	swait.ge [sflag:s22], $0x320  }
0x3e: {  	[sflag:s22] =	ssyncset.done $0x0  }
0x3f: {  	[sflag:s22] =	ssyncadd.s32 $0xFFFFFCE0  }
0x40: {  	[tilespmem:s11], [sflag:$0x2] =	stream.indirect.gather [hbm4b:s3+s24], $0x40, s10, s24, $0xb8;
	[tilespmem:$0x1C840] =	vst v63  }
0x41: {  	_ = 	snop  }
0x42: {  	[tilespmem:s13], [sflag:$0x2] =	stream.indirect.gather [hbm4b:s3+s24], $0x40, s12, s24, $0xb8;
	[tilespmem:$0x1C840] =	vst v63  }
0x43: {  	_ = 	snop  }
0x44: {  	[tilespmem:s15], [sflag:$0x2] =	stream.indirect.gather [hbm4b:s3+s24], $0x40, s14, s24, $0xb8;
	[tilespmem:$0x1C840] =	vst v63  }
0x45: {  	_ = 	snop  }
0x46: {  	[tilespmem:s17], [sflag:$0x2] =	stream.indirect.gather [hbm4b:s3+s24], $0x40, s16, s24, $0xb8;
	[tilespmem:$0x1C840] =	vst v63  }
0x47: {  	_ = 	snop  }
0x48: {  	[tilespmem:s19], [sflag:$0x2] =	stream.indirect.gather [hbm4b:s3+s24], $0x40, s18, s24, $0xb8;
	[tilespmem:$0x1C840] =	vst v63  }
0x49: {  	_ = 	snop  }
0x4a: {  	[tilespmem:s21], [sflag:$0x2] =	stream.indirect.gather [hbm4b:s3+s24], $0x40, s20, s24, $0xb8;
	[tilespmem:$0x1C840] =	vst v63  }
0x4b: {  	_ = 	snop  }
0x4c: {  	[tilespmem:s26], [sflag:$0x2] =	stream.indirect.gather [hbm4b:s3+s7], $0x40, s2, s7, $0xb8;
	[tilespmem:$0x1C840] =	vst v63  }
0x4d: {  	_ =	swait.ge [sflag:s28], $0x2000  }
0x4e: {  	[sflag:s28] =	ssyncset.done $0x0  }
0x4f: {  	[sflag:s28] =	ssyncadd.s32 $0xFFFFE000  }
0x50: {  	_ =	swait.ge [sflag:s28], $0x2000  }
0x51: {  	[sflag:s28] =	ssyncset.done $0x0  }
0x52: {  	[sflag:s28] =	ssyncadd.s32 $0xFFFFE000  }
0x53: {  	_ =	swait.ge [sflag:s28], $0x2000  }
0x54: {  	[sflag:s28] =	ssyncset.done $0x0  }
0x55: {  	[sflag:s28] =	ssyncadd.s32 $0xFFFFE000  }
0x56: {  	_ =	swait.ge [sflag:s28], $0x2000  }
0x57: {  	[sflag:s28] =	ssyncset.done $0x0  }
0x58: {  	[sflag:s28] =	ssyncadd.s32 $0xFFFFE000  }
0x59: {  	_ =	swait.ge [sflag:s28], $0x2000  }
0x5a: {  	[sflag:s28] =	ssyncset.done $0x0  }
0x5b: {  	[sflag:s28] =	ssyncadd.s32 $0xFFFFE000  }
0x5c: {  	_ =	swait.ge [sflag:s28], $0x2000  }
0x5d: {  	[sflag:s28] =	ssyncset.done $0x0  }
0x5e: {  	[sflag:s28] =	ssyncadd.s32 $0xFFFFE000  }
0x5f: {  	_ =	swait.ge [sflag:s28], $0x800  }
0x60: {  	[sflag:s28] =	ssyncset.done $0x0  }
0x61: {  	s1 =	simm.s32 $0x0;
	[sflag:s28] =	ssyncadd.s32 $0xFFFFF800  }
0x62: {  	v1 =	vld [tilespmem:s1+$0x30]  }
0x63: {  	v2 =	vld [tilespmem:s1+$0x0]  }
0x64: {  	v3 =	vld [tilespmem:s1+$0x10]  }
0x65: {  	v0 =	vld [tilespmem:s1+$0x20];
	_ =	sdelay $0x1  }
0x66: {  	[tilespmem:s1+$0xCE70] =	vst.add.f32.msk $0xffff, v1  }
0x67: {  	[tilespmem:s1+$0x3840] =	vst.add.f32.msk $0xffff, v2  }
0x68: {  	[tilespmem:s1+$0x3850] =	vst.add.f32.msk $0xffff, v3  }
0x69: {  	[tilespmem:s1+$0x3860] =	vst.add.f32.msk $0xffff, v0  }
0x6a: {  	[tilespmem:s1+$0x3870] =	vst.add.f32.msk $0xffff, v1  }
0x6b: {  	[tilespmem:s1+$0x6A40] =	vst.add.f32.msk $0xffff, v2  }
0x6c: {  	[tilespmem:s1+$0x6A50] =	vst.add.f32.msk $0xffff, v3  }
0x6d: {  	[tilespmem:s1+$0x6A60] =	vst.add.f32.msk $0xffff, v0  }
0x6e: {  	[tilespmem:s1+$0x6A70] =	vst.add.f32.msk $0xffff, v1  }
0x6f: {  	[tilespmem:s1+$0x9C40] =	vst.add.f32.msk $0xffff, v2  }
0x70: {  	[tilespmem:s1+$0x9C50] =	vst.add.f32.msk $0xffff, v3  }
0x71: {  	[tilespmem:s1+$0x9C60] =	vst.add.f32.msk $0xffff, v0  }
0x72: {  	[tilespmem:s1+$0x9C70] =	vst.add.f32.msk $0xffff, v1  }
0x73: {  	[tilespmem:s1+$0xCE40] =	vst.add.f32.msk $0xffff, v2  }
0x74: {  	s4 =	simm.s32 $0x200;
	s5 =	simm.s32 $0x40;
	[tilespmem:s1+$0xCE50] =	vst.add.f32.msk $0xffff, v3  }
.LBB2_2:
0x75: {  	p0 =	sne.s32 s4, $0xC700;
	v1 =	vld [tilespmem:s5+$0x30]  }
0x76: {  	v2 =	vld [tilespmem:s5+$0x0]  }
0x77: {  	v3 =	vld [tilespmem:s5+$0x10]  }
0x78: {  	v4 =	vld [tilespmem:s5+$0x20]  }
0x79: {  	[tilespmem:s1+$0xCE60] =	vst.add.f32.msk $0xffff, v0;
	s1 =	smov.u32 s5  }
0x7a: {  	[tilespmem:s1+$0xCE70] =	vst.add.f32.msk $0xffff, v1  }
0x7b: {  	[tilespmem:s1+$0x3840] =	vst.add.f32.msk $0xffff, v2  }
0x7c: {  	[tilespmem:s1+$0x3850] =	vst.add.f32.msk $0xffff, v3  }
0x7d: {  	[tilespmem:s1+$0x3860] =	vst.add.f32.msk $0xffff, v4;
	v0 =	vmov v4  }
0x7e: {  	[tilespmem:s1+$0x3870] =	vst.add.f32.msk $0xffff, v1  }
0x7f: {  	[tilespmem:s1+$0x6A40] =	vst.add.f32.msk $0xffff, v2  }
0x80: {  	[tilespmem:s1+$0x6A50] =	vst.add.f32.msk $0xffff, v3  }
0x81: {  	[tilespmem:s1+$0x6A60] =	vst.add.f32.msk $0xffff, v0  }
0x82: {  	[tilespmem:s1+$0x6A70] =	vst.add.f32.msk $0xffff, v1  }
0x83: {  	[tilespmem:s1+$0x9C40] =	vst.add.f32.msk $0xffff, v2  }
.Ltmp0:
0x84: {  	[tilespmem:s1+$0x9C50] =	vst.add.f32.msk $0xffff, v3;
	(pc) =	sbr.rel @p0 .LBB2_2-.Ltmp0, $4  }
0x85: {  	[tilespmem:s1+$0x9C60] =	vst.add.f32.msk $0xffff, v0  }
0x86: {  	[tilespmem:s1+$0x9C70] =	vst.add.f32.msk $0xffff, v1  }
0x87: {  	[tilespmem:s1+$0xCE40] =	vst.add.f32.msk $0xffff, v2  }
0x88: {  	s5 =	sshra.s32 s4, $0x2;
	s4 =	sadd.s32 $0x100, s4;
	[tilespmem:s1+$0xCE50] =	vst.add.f32.msk $0xffff, v3  }
0x89: {  	v1 =	vld [tilespmem:s5+$0x30]  }
0x8a: {  	v2 =	vld [tilespmem:s5+$0x0]  }
0x8b: {  	v3 =	vld [tilespmem:s5+$0x10]  }
0x8c: {  	v4 =	vld [tilespmem:s5+$0x20]  }
0x8d: {  	[tilespmem:s1+$0xCE60] =	vst.add.f32.msk $0xffff, v0  }
0x8e: {  	[tilespmem:s5+$0xCE70] =	vst.add.f32.msk $0xffff, v1  }
0x8f: {  	[tilespmem:s5+$0x3840] =	vst.add.f32.msk $0xffff, v2  }
0x90: {  	[tilespmem:s5+$0x3850] =	vst.add.f32.msk $0xffff, v3  }
0x91: {  	[tilespmem:s5+$0x3860] =	vst.add.f32.msk $0xffff, v4  }
0x92: {  	[tilespmem:s5+$0x3870] =	vst.add.f32.msk $0xffff, v1  }
0x93: {  	[tilespmem:s5+$0x6A40] =	vst.add.f32.msk $0xffff, v2  }
0x94: {  	[tilespmem:s5+$0x6A50] =	vst.add.f32.msk $0xffff, v3  }
0x95: {  	[tilespmem:s5+$0x6A60] =	vst.add.f32.msk $0xffff, v4  }
0x96: {  	[tilespmem:s5+$0x6A70] =	vst.add.f32.msk $0xffff, v1  }
0x97: {  	[tilespmem:s5+$0x9C40] =	vst.add.f32.msk $0xffff, v2  }
0x98: {  	[tilespmem:s5+$0x9C50] =	vst.add.f32.msk $0xffff, v3  }
0x99: {  	[tilespmem:s5+$0x9C60] =	vst.add.f32.msk $0xffff, v4  }
0x9a: {  	[tilespmem:s5+$0x9C70] =	vst.add.f32.msk $0xffff, v1  }
0x9b: {  	[tilespmem:s5+$0xCE40] =	vst.add.f32.msk $0xffff, v2  }
0x9c: {  	[tilespmem:s5+$0xCE50] =	vst.add.f32.msk $0xffff, v3  }
0x9d: {  	s1 =	simm.s32 $0x0;
	s4 =	rddreg [dreg:$0x6];
	[tilespmem:s5+$0xCE60] =	vst.add.f32.msk $0xffff, v4  }
0x9e: {  	[hbm4b:s4+s1] =	stream.linear.scatter [tilespmem:s25], [sflag:$0x3], $0xC800, $0x38;
	[tilespmem:$0x1C840] =	vst v63  }
0x9f: {  	_ =	swait.ge [sflag:s29], $0xC800  }
0xa0: {  	[sflag:s29] =	ssyncset.done $0x0  }
0xa1: {  	s5 =	rddreg [dreg:$0x7];
	[sflag:s29] =	ssyncadd.s32 $0xFFFF3800  }
0xa2: {  	[tilespmem:s23], [sflag:$0x5] =	stream.linear.gather [hbm4b:s5+s1], $0x320, $0x38;
	[tilespmem:$0x1C840] =	vst v63  }
0xa3: {  	_ =	swait.ge [sflag:s22], $0x320  }
0xa4: {  	[sflag:s22] =	ssyncset.done $0x0  }
0xa5: {  	[sflag:s22] =	ssyncadd.s32 $0xFFFFFCE0  }
0xa6: {  	[tilespmem:s25], [sflag:$0x1] =	stream.indirect.gather [hbm4b:s3+s24], $0x40, s23, s24, $0xb8;
	[tilespmem:$0x1C840] =	vst v63  }
0xa7: {  	s4 =	simm.s32 $0x3280;
	s5 =	simm.s32 $0x5840  }
0xa8: {  	[tilespmem:s5], [sflag:$0x1] =	stream.indirect.gather [hbm4b:s3+s24], $0x40, s4, s24, $0xb8;
	[tilespmem:$0x1C840] =	vst v63  }
0xa9: {  	s4 =	simm.s32 $0x3300;
	s5 =	simm.s32 $0x7840  }
0xaa: {  	[tilespmem:s5], [sflag:$0x1] =	stream.indirect.gather [hbm4b:s3+s24], $0x40, s4, s24, $0xb8;
	[tilespmem:$0x1C840] =	vst v63  }
0xab: {  	s4 =	simm.s32 $0x3380;
	s5 =	simm.s32 $0x9840  }
0xac: {  	[tilespmem:s5], [sflag:$0x1] =	stream.indirect.gather [hbm4b:s3+s24], $0x40, s4, s24, $0xb8;
	[tilespmem:$0x1C840] =	vst v63  }
0xad: {  	s4 =	simm.s32 $0x3400;
	s5 =	simm.s32 $0xB840  }
0xae: {  	[tilespmem:s5], [sflag:$0x1] =	stream.indirect.gather [hbm4b:s3+s24], $0x40, s4, s24, $0xb8;
	[tilespmem:$0x1C840] =	vst v63  }
0xaf: {  	s5 =	simm.s32 $0x3480  }
0xb0: {  	[tilespmem:s6], [sflag:$0x1] =	stream.indirect.gather [hbm4b:s3+s24], $0x40, s5, s24, $0xb8;
	[tilespmem:$0x1C840] =	vst v63  }
0xb1: {  	_ = 	snop  }
0xb2: {  	[tilespmem:s9], [sflag:$0x1] =	stream.indirect.gather [hbm4b:s3+s7], $0x40, s8, s7, $0xb8;
	[tilespmem:$0x1C840] =	vst v63  }
0xb3: {  	_ =	swait.ge [sflag:s30], $0x2000  }
0xb4: {  	[sflag:s30] =	ssyncset.done $0x0  }
0xb5: {  	[sflag:s30] =	ssyncadd.s32 $0xFFFFE000  }
0xb6: {  	_ =	swait.ge [sflag:s30], $0x2000  }
0xb7: {  	[sflag:s30] =	ssyncset.done $0x0  }
0xb8: {  	[sflag:s30] =	ssyncadd.s32 $0xFFFFE000  }
0xb9: {  	_ =	swait.ge [sflag:s30], $0x2000  }
0xba: {  	[sflag:s30] =	ssyncset.done $0x0  }
0xbb: {  	[sflag:s30] =	ssyncadd.s32 $0xFFFFE000  }
0xbc: {  	_ =	swait.ge [sflag:s30], $0x2000  }
0xbd: {  	[sflag:s30] =	ssyncset.done $0x0  }
0xbe: {  	[sflag:s30] =	ssyncadd.s32 $0xFFFFE000  }
0xbf: {  	_ =	swait.ge [sflag:s30], $0x2000  }
0xc0: {  	[sflag:s30] =	ssyncset.done $0x0  }
0xc1: {  	[sflag:s30] =	ssyncadd.s32 $0xFFFFE000  }
0xc2: {  	_ =	swait.ge [sflag:s30], $0x2000  }
0xc3: {  	[sflag:s30] =	ssyncset.done $0x0  }
0xc4: {  	[sflag:s30] =	ssyncadd.s32 $0xFFFFE000  }
0xc5: {  	_ =	swait.ge [sflag:s30], $0x800  }
0xc6: {  	[sflag:s30] =	ssyncset.done $0x0  }
0xc7: {  	s1 =	simm.s32 $0x0;
	[sflag:s30] =	ssyncadd.s32 $0xFFFFF800  }
0xc8: {  	v1 =	vld [tilespmem:s1+$0x30]  }
0xc9: {  	v2 =	vld [tilespmem:s1+$0x0]  }
0xca: {  	v3 =	vld [tilespmem:s1+$0x10]  }
0xcb: {  	v0 =	vld [tilespmem:s1+$0x20];
	_ =	sdelay $0x1  }
0xcc: {  	[tilespmem:s1+$0x19670] =	vst.add.f32.msk $0xffff, v1  }
0xcd: {  	[tilespmem:s1+$0x10040] =	vst.add.f32.msk $0xffff, v2  }
0xce: {  	[tilespmem:s1+$0x10050] =	vst.add.f32.msk $0xffff, v3  }
0xcf: {  	[tilespmem:s1+$0x10060] =	vst.add.f32.msk $0xffff, v0  }
0xd0: {  	[tilespmem:s1+$0x10070] =	vst.add.f32.msk $0xffff, v1  }
0xd1: {  	[tilespmem:s1+$0x13240] =	vst.add.f32.msk $0xffff, v2  }
0xd2: {  	[tilespmem:s1+$0x13250] =	vst.add.f32.msk $0xffff, v3  }
0xd3: {  	[tilespmem:s1+$0x13260] =	vst.add.f32.msk $0xffff, v0  }
0xd4: {  	[tilespmem:s1+$0x13270] =	vst.add.f32.msk $0xffff, v1  }
0xd5: {  	[tilespmem:s1+$0x16440] =	vst.add.f32.msk $0xffff, v2  }
0xd6: {  	[tilespmem:s1+$0x16450] =	vst.add.f32.msk $0xffff, v3  }
0xd7: {  	[tilespmem:s1+$0x16460] =	vst.add.f32.msk $0xffff, v0  }
0xd8: {  	[tilespmem:s1+$0x16470] =	vst.add.f32.msk $0xffff, v1  }
0xd9: {  	[tilespmem:s1+$0x19640] =	vst.add.f32.msk $0xffff, v2  }
0xda: {  	s4 =	simm.s32 $0x200;
	s5 =	simm.s32 $0x40;
	[tilespmem:s1+$0x19650] =	vst.add.f32.msk $0xffff, v3  }
.LBB2_4:
0xdb: {  	p0 =	sne.s32 s4, $0xC700;
	v1 =	vld [tilespmem:s5+$0x30]  }
0xdc: {  	v2 =	vld [tilespmem:s5+$0x0]  }
0xdd: {  	v3 =	vld [tilespmem:s5+$0x10]  }
0xde: {  	v4 =	vld [tilespmem:s5+$0x20]  }
0xdf: {  	[tilespmem:s1+$0x19660] =	vst.add.f32.msk $0xffff, v0;
	s1 =	smov.u32 s5  }
0xe0: {  	[tilespmem:s1+$0x19670] =	vst.add.f32.msk $0xffff, v1  }
0xe1: {  	[tilespmem:s1+$0x10040] =	vst.add.f32.msk $0xffff, v2  }
0xe2: {  	[tilespmem:s1+$0x10050] =	vst.add.f32.msk $0xffff, v3  }
0xe3: {  	[tilespmem:s1+$0x10060] =	vst.add.f32.msk $0xffff, v4;
	v0 =	vmov v4  }
0xe4: {  	[tilespmem:s1+$0x10070] =	vst.add.f32.msk $0xffff, v1  }
0xe5: {  	[tilespmem:s1+$0x13240] =	vst.add.f32.msk $0xffff, v2  }
0xe6: {  	[tilespmem:s1+$0x13250] =	vst.add.f32.msk $0xffff, v3  }
0xe7: {  	[tilespmem:s1+$0x13260] =	vst.add.f32.msk $0xffff, v0  }
0xe8: {  	[tilespmem:s1+$0x13270] =	vst.add.f32.msk $0xffff, v1  }
0xe9: {  	[tilespmem:s1+$0x16440] =	vst.add.f32.msk $0xffff, v2  }
.Ltmp1:
0xea: {  	[tilespmem:s1+$0x16450] =	vst.add.f32.msk $0xffff, v3;
	(pc) =	sbr.rel @p0 .LBB2_4-.Ltmp1, $4  }
0xeb: {  	[tilespmem:s1+$0x16460] =	vst.add.f32.msk $0xffff, v0  }
0xec: {  	[tilespmem:s1+$0x16470] =	vst.add.f32.msk $0xffff, v1  }
0xed: {  	[tilespmem:s1+$0x19640] =	vst.add.f32.msk $0xffff, v2  }
0xee: {  	s5 =	sshra.s32 s4, $0x2;
	s4 =	sadd.s32 $0x100, s4;
	[tilespmem:s1+$0x19650] =	vst.add.f32.msk $0xffff, v3  }
0xef: {  	v1 =	vld [tilespmem:s5+$0x30]  }
0xf0: {  	v2 =	vld [tilespmem:s5+$0x0]  }
0xf1: {  	v3 =	vld [tilespmem:s5+$0x10]  }
0xf2: {  	v4 =	vld [tilespmem:s5+$0x20]  }
0xf3: {  	[tilespmem:s1+$0x19660] =	vst.add.f32.msk $0xffff, v0  }
0xf4: {  	[tilespmem:s5+$0x19670] =	vst.add.f32.msk $0xffff, v1  }
0xf5: {  	[tilespmem:s5+$0x10040] =	vst.add.f32.msk $0xffff, v2  }
0xf6: {  	[tilespmem:s5+$0x10050] =	vst.add.f32.msk $0xffff, v3  }
0xf7: {  	[tilespmem:s5+$0x10060] =	vst.add.f32.msk $0xffff, v4  }
0xf8: {  	[tilespmem:s5+$0x10070] =	vst.add.f32.msk $0xffff, v1  }
0xf9: {  	[tilespmem:s5+$0x13240] =	vst.add.f32.msk $0xffff, v2  }
0xfa: {  	[tilespmem:s5+$0x13250] =	vst.add.f32.msk $0xffff, v3  }
0xfb: {  	[tilespmem:s5+$0x13260] =	vst.add.f32.msk $0xffff, v4  }
0xfc: {  	[tilespmem:s5+$0x13270] =	vst.add.f32.msk $0xffff, v1  }
0xfd: {  	[tilespmem:s5+$0x16440] =	vst.add.f32.msk $0xffff, v2  }
0xfe: {  	[tilespmem:s5+$0x16450] =	vst.add.f32.msk $0xffff, v3  }
0xff: {  	[tilespmem:s5+$0x16460] =	vst.add.f32.msk $0xffff, v4  }
0x100: {  	[tilespmem:s5+$0x16470] =	vst.add.f32.msk $0xffff, v1  }
0x101: {  	[tilespmem:s5+$0x19640] =	vst.add.f32.msk $0xffff, v2  }
0x102: {  	[tilespmem:s5+$0x19650] =	vst.add.f32.msk $0xffff, v3  }
0x103: {  	s1 =	simm.s32 $0x0;
	s4 =	rddreg [dreg:$0x8];
	[tilespmem:s5+$0x19660] =	vst.add.f32.msk $0xffff, v4  }
0x104: {  	[hbm4b:s4+s1] =	stream.linear.scatter [tilespmem:s11], [sflag:$0x4], $0xC800, $0x38;
	[tilespmem:$0x1C840] =	vst v63  }
0x105: {  	_ =	swait.ge [sflag:s31], $0xC800  }
0x106: {  	[sflag:s31] =	ssyncset.done $0x0  }
0x107: {  	s5 =	rddreg [dreg:$0x9];
	[sflag:s31] =	ssyncadd.s32 $0xFFFF3800  }
0x108: {  	[tilespmem:s10], [sflag:$0x5] =	stream.linear.gather [hbm4b:s5+s1], $0x320, $0x38;
	[tilespmem:$0x1C840] =	vst v63  }
0x109: {  	_ =	swait.ge [sflag:s22], $0x320  }
0x10a: {  	[sflag:s22] =	ssyncset.done $0x0  }
0x10b: {  	[sflag:s22] =	ssyncadd.s32 $0xFFFFFCE0  }
0x10c: {  	[tilespmem:s11], [sflag:$0x2] =	stream.indirect.gather [hbm4b:s3+s24], $0x40, s10, s24, $0xb8;
	[tilespmem:$0x1C840] =	vst v63  }
0x10d: {  	_ = 	snop  }
0x10e: {  	[tilespmem:s13], [sflag:$0x2] =	stream.indirect.gather [hbm4b:s3+s24], $0x40, s12, s24, $0xb8;
	[tilespmem:$0x1C840] =	vst v63  }
0x10f: {  	_ = 	snop  }
0x110: {  	[tilespmem:s15], [sflag:$0x2] =	stream.indirect.gather [hbm4b:s3+s24], $0x40, s14, s24, $0xb8;
	[tilespmem:$0x1C840] =	vst v63  }
0x111: {  	_ = 	snop  }
0x112: {  	[tilespmem:s17], [sflag:$0x2] =	stream.indirect.gather [hbm4b:s3+s24], $0x40, s16, s24, $0xb8;
	[tilespmem:$0x1C840] =	vst v63  }
0x113: {  	_ = 	snop  }
0x114: {  	[tilespmem:s19], [sflag:$0x2] =	stream.indirect.gather [hbm4b:s3+s24], $0x40, s18, s24, $0xb8;
	[tilespmem:$0x1C840] =	vst v63  }
0x115: {  	_ = 	snop  }
0x116: {  	[tilespmem:s21], [sflag:$0x2] =	stream.indirect.gather [hbm4b:s3+s24], $0x40, s20, s24, $0xb8;
	[tilespmem:$0x1C840] =	vst v63  }
0x117: {  	_ = 	snop  }
0x118: {  	[tilespmem:s26], [sflag:$0x2] =	stream.indirect.gather [hbm4b:s3+s7], $0x40, s2, s7, $0xb8;
	[tilespmem:$0x1C840] =	vst v63  }
0x119: {  	_ =	swait.ge [sflag:s28], $0x2000  }
0x11a: {  	[sflag:s28] =	ssyncset.done $0x0  }
0x11b: {  	[sflag:s28] =	ssyncadd.s32 $0xFFFFE000  }
0x11c: {  	_ =	swait.ge [sflag:s28], $0x2000  }
0x11d: {  	[sflag:s28] =	ssyncset.done $0x0  }
0x11e: {  	[sflag:s28] =	ssyncadd.s32 $0xFFFFE000  }
0x11f: {  	_ =	swait.ge [sflag:s28], $0x2000  }
0x120: {  	[sflag:s28] =	ssyncset.done $0x0  }
0x121: {  	[sflag:s28] =	ssyncadd.s32 $0xFFFFE000  }
0x122: {  	_ =	swait.ge [sflag:s28], $0x2000  }
0x123: {  	[sflag:s28] =	ssyncset.done $0x0  }
0x124: {  	[sflag:s28] =	ssyncadd.s32 $0xFFFFE000  }
0x125: {  	_ =	swait.ge [sflag:s28], $0x2000  }
0x126: {  	[sflag:s28] =	ssyncset.done $0x0  }
0x127: {  	[sflag:s28] =	ssyncadd.s32 $0xFFFFE000  }
0x128: {  	_ =	swait.ge [sflag:s28], $0x2000  }
0x129: {  	[sflag:s28] =	ssyncset.done $0x0  }
0x12a: {  	[sflag:s28] =	ssyncadd.s32 $0xFFFFE000  }
0x12b: {  	_ =	swait.ge [sflag:s28], $0x800  }
0x12c: {  	[sflag:s28] =	ssyncset.done $0x0  }
0x12d: {  	s1 =	simm.s32 $0x0;
	[sflag:s28] =	ssyncadd.s32 $0xFFFFF800  }
0x12e: {  	v1 =	vld [tilespmem:s1+$0x30]  }
0x12f: {  	v2 =	vld [tilespmem:s1+$0x0]  }
0x130: {  	v3 =	vld [tilespmem:s1+$0x10]  }
0x131: {  	v0 =	vld [tilespmem:s1+$0x20];
	_ =	sdelay $0x1  }
0x132: {  	[tilespmem:s1+$0xCE70] =	vst.add.f32.msk $0xffff, v1  }
0x133: {  	[tilespmem:s1+$0x3840] =	vst.add.f32.msk $0xffff, v2  }
0x134: {  	[tilespmem:s1+$0x3850] =	vst.add.f32.msk $0xffff, v3  }
0x135: {  	[tilespmem:s1+$0x3860] =	vst.add.f32.msk $0xffff, v0  }
0x136: {  	[tilespmem:s1+$0x3870] =	vst.add.f32.msk $0xffff, v1  }
0x137: {  	[tilespmem:s1+$0x6A40] =	vst.add.f32.msk $0xffff, v2  }
0x138: {  	[tilespmem:s1+$0x6A50] =	vst.add.f32.msk $0xffff, v3  }
0x139: {  	[tilespmem:s1+$0x6A60] =	vst.add.f32.msk $0xffff, v0  }
0x13a: {  	[tilespmem:s1+$0x6A70] =	vst.add.f32.msk $0xffff, v1  }
0x13b: {  	[tilespmem:s1+$0x9C40] =	vst.add.f32.msk $0xffff, v2  }
0x13c: {  	[tilespmem:s1+$0x9C50] =	vst.add.f32.msk $0xffff, v3  }
0x13d: {  	[tilespmem:s1+$0x9C60] =	vst.add.f32.msk $0xffff, v0  }
0x13e: {  	[tilespmem:s1+$0x9C70] =	vst.add.f32.msk $0xffff, v1  }
0x13f: {  	[tilespmem:s1+$0xCE40] =	vst.add.f32.msk $0xffff, v2  }
0x140: {  	s4 =	simm.s32 $0x200;
	s5 =	simm.s32 $0x40;
	[tilespmem:s1+$0xCE50] =	vst.add.f32.msk $0xffff, v3  }
.LBB2_6:
0x141: {  	p0 =	sne.s32 s4, $0xC700;
	v1 =	vld [tilespmem:s5+$0x30]  }
0x142: {  	v2 =	vld [tilespmem:s5+$0x0]  }
0x143: {  	v3 =	vld [tilespmem:s5+$0x10]  }
0x144: {  	v4 =	vld [tilespmem:s5+$0x20]  }
0x145: {  	[tilespmem:s1+$0xCE60] =	vst.add.f32.msk $0xffff, v0;
	s1 =	smov.u32 s5  }
0x146: {  	[tilespmem:s1+$0xCE70] =	vst.add.f32.msk $0xffff, v1  }
0x147: {  	[tilespmem:s1+$0x3840] =	vst.add.f32.msk $0xffff, v2  }
0x148: {  	[tilespmem:s1+$0x3850] =	vst.add.f32.msk $0xffff, v3  }
0x149: {  	[tilespmem:s1+$0x3860] =	vst.add.f32.msk $0xffff, v4;
	v0 =	vmov v4  }
0x14a: {  	[tilespmem:s1+$0x3870] =	vst.add.f32.msk $0xffff, v1  }
0x14b: {  	[tilespmem:s1+$0x6A40] =	vst.add.f32.msk $0xffff, v2  }
0x14c: {  	[tilespmem:s1+$0x6A50] =	vst.add.f32.msk $0xffff, v3  }
0x14d: {  	[tilespmem:s1+$0x6A60] =	vst.add.f32.msk $0xffff, v0  }
0x14e: {  	[tilespmem:s1+$0x6A70] =	vst.add.f32.msk $0xffff, v1  }
0x14f: {  	[tilespmem:s1+$0x9C40] =	vst.add.f32.msk $0xffff, v2  }
.Ltmp2:
0x150: {  	[tilespmem:s1+$0x9C50] =	vst.add.f32.msk $0xffff, v3;
	(pc) =	sbr.rel @p0 .LBB2_6-.Ltmp2, $4  }
0x151: {  	[tilespmem:s1+$0x9C60] =	vst.add.f32.msk $0xffff, v0  }
0x152: {  	[tilespmem:s1+$0x9C70] =	vst.add.f32.msk $0xffff, v1  }
0x153: {  	[tilespmem:s1+$0xCE40] =	vst.add.f32.msk $0xffff, v2  }
0x154: {  	s5 =	sshra.s32 s4, $0x2;
	s4 =	sadd.s32 $0x100, s4;
	[tilespmem:s1+$0xCE50] =	vst.add.f32.msk $0xffff, v3  }
0x155: {  	v1 =	vld [tilespmem:s5+$0x30]  }
0x156: {  	v2 =	vld [tilespmem:s5+$0x0]  }
0x157: {  	v3 =	vld [tilespmem:s5+$0x10]  }
0x158: {  	v4 =	vld [tilespmem:s5+$0x20]  }
0x159: {  	[tilespmem:s1+$0xCE60] =	vst.add.f32.msk $0xffff, v0  }
0x15a: {  	[tilespmem:s5+$0xCE70] =	vst.add.f32.msk $0xffff, v1  }
0x15b: {  	[tilespmem:s5+$0x3840] =	vst.add.f32.msk $0xffff, v2  }
0x15c: {  	[tilespmem:s5+$0x3850] =	vst.add.f32.msk $0xffff, v3  }
0x15d: {  	[tilespmem:s5+$0x3860] =	vst.add.f32.msk $0xffff, v4  }
0x15e: {  	[tilespmem:s5+$0x3870] =	vst.add.f32.msk $0xffff, v1  }
0x15f: {  	[tilespmem:s5+$0x6A40] =	vst.add.f32.msk $0xffff, v2  }
0x160: {  	[tilespmem:s5+$0x6A50] =	vst.add.f32.msk $0xffff, v3  }
0x161: {  	[tilespmem:s5+$0x6A60] =	vst.add.f32.msk $0xffff, v4  }
0x162: {  	[tilespmem:s5+$0x6A70] =	vst.add.f32.msk $0xffff, v1  }
0x163: {  	[tilespmem:s5+$0x9C40] =	vst.add.f32.msk $0xffff, v2  }
0x164: {  	[tilespmem:s5+$0x9C50] =	vst.add.f32.msk $0xffff, v3  }
0x165: {  	[tilespmem:s5+$0x9C60] =	vst.add.f32.msk $0xffff, v4  }
0x166: {  	[tilespmem:s5+$0x9C70] =	vst.add.f32.msk $0xffff, v1  }
0x167: {  	[tilespmem:s5+$0xCE40] =	vst.add.f32.msk $0xffff, v2  }
0x168: {  	[tilespmem:s5+$0xCE50] =	vst.add.f32.msk $0xffff, v3  }
0x169: {  	s1 =	simm.s32 $0x0;
	s4 =	rddreg [dreg:$0xa];
	[tilespmem:s5+$0xCE60] =	vst.add.f32.msk $0xffff, v4  }
0x16a: {  	[hbm4b:s4+s1] =	stream.linear.scatter [tilespmem:s25], [sflag:$0x3], $0xC800, $0x38;
	[tilespmem:$0x1C840] =	vst v63  }
0x16b: {  	_ =	swait.ge [sflag:s29], $0xC800  }
0x16c: {  	[sflag:s29] =	ssyncset.done $0x0  }
0x16d: {  	s5 =	rddreg [dreg:$0xb];
	[sflag:s29] =	ssyncadd.s32 $0xFFFF3800  }
0x16e: {  	[tilespmem:s23], [sflag:$0x5] =	stream.linear.gather [hbm4b:s5+s1], $0x320, $0x38;
	[tilespmem:$0x1C840] =	vst v63  }
0x16f: {  	_ =	swait.ge [sflag:s22], $0x320  }
0x170: {  	[sflag:s22] =	ssyncset.done $0x0  }
0x171: {  	[sflag:s22] =	ssyncadd.s32 $0xFFFFFCE0  }
0x172: {  	[tilespmem:s25], [sflag:$0x1] =	stream.indirect.gather [hbm4b:s3+s24], $0x40, s23, s24, $0xb8;
	[tilespmem:$0x1C840] =	vst v63  }
0x173: {  	s4 =	simm.s32 $0x3280;
	s5 =	simm.s32 $0x5840  }
0x174: {  	[tilespmem:s5], [sflag:$0x1] =	stream.indirect.gather [hbm4b:s3+s24], $0x40, s4, s24, $0xb8;
	[tilespmem:$0x1C840] =	vst v63  }
0x175: {  	s4 =	simm.s32 $0x3300;
	s5 =	simm.s32 $0x7840  }
0x176: {  	[tilespmem:s5], [sflag:$0x1] =	stream.indirect.gather [hbm4b:s3+s24], $0x40, s4, s24, $0xb8;
	[tilespmem:$0x1C840] =	vst v63  }
0x177: {  	s4 =	simm.s32 $0x3380;
	s5 =	simm.s32 $0x9840  }
0x178: {  	[tilespmem:s5], [sflag:$0x1] =	stream.indirect.gather [hbm4b:s3+s24], $0x40, s4, s24, $0xb8;
	[tilespmem:$0x1C840] =	vst v63  }
0x179: {  	s4 =	simm.s32 $0x3400;
	s5 =	simm.s32 $0xB840  }
0x17a: {  	[tilespmem:s5], [sflag:$0x1] =	stream.indirect.gather [hbm4b:s3+s24], $0x40, s4, s24, $0xb8;
	[tilespmem:$0x1C840] =	vst v63  }
0x17b: {  	s5 =	simm.s32 $0x3480  }
0x17c: {  	[tilespmem:s6], [sflag:$0x1] =	stream.indirect.gather [hbm4b:s3+s24], $0x40, s5, s24, $0xb8;
	[tilespmem:$0x1C840] =	vst v63  }
0x17d: {  	_ = 	snop  }
0x17e: {  	[tilespmem:s9], [sflag:$0x1] =	stream.indirect.gather [hbm4b:s3+s7], $0x40, s8, s7, $0xb8;
	[tilespmem:$0x1C840] =	vst v63  }
0x17f: {  	_ =	swait.ge [sflag:s30], $0x2000  }
0x180: {  	[sflag:s30] =	ssyncset.done $0x0  }
0x181: {  	[sflag:s30] =	ssyncadd.s32 $0xFFFFE000  }
0x182: {  	_ =	swait.ge [sflag:s30], $0x2000  }
0x183: {  	[sflag:s30] =	ssyncset.done $0x0  }
0x184: {  	[sflag:s30] =	ssyncadd.s32 $0xFFFFE000  }
0x185: {  	_ =	swait.ge [sflag:s30], $0x2000  }
0x186: {  	[sflag:s30] =	ssyncset.done $0x0  }
0x187: {  	[sflag:s30] =	ssyncadd.s32 $0xFFFFE000  }
0x188: {  	_ =	swait.ge [sflag:s30], $0x2000  }
0x189: {  	[sflag:s30] =	ssyncset.done $0x0  }
0x18a: {  	[sflag:s30] =	ssyncadd.s32 $0xFFFFE000  }
0x18b: {  	_ =	swait.ge [sflag:s30], $0x2000  }
0x18c: {  	[sflag:s30] =	ssyncset.done $0x0  }
0x18d: {  	[sflag:s30] =	ssyncadd.s32 $0xFFFFE000  }
0x18e: {  	_ =	swait.ge [sflag:s30], $0x2000  }
0x18f: {  	[sflag:s30] =	ssyncset.done $0x0  }
0x190: {  	[sflag:s30] =	ssyncadd.s32 $0xFFFFE000  }
0x191: {  	_ =	swait.ge [sflag:s30], $0x800  }
0x192: {  	[sflag:s30] =	ssyncset.done $0x0  }
0x193: {  	s1 =	simm.s32 $0x0;
	[sflag:s30] =	ssyncadd.s32 $0xFFFFF800  }
0x194: {  	v1 =	vld [tilespmem:s1+$0x30]  }
0x195: {  	v2 =	vld [tilespmem:s1+$0x0]  }
0x196: {  	v3 =	vld [tilespmem:s1+$0x10]  }
0x197: {  	v0 =	vld [tilespmem:s1+$0x20];
	_ =	sdelay $0x1  }
0x198: {  	[tilespmem:s1+$0x19670] =	vst.add.f32.msk $0xffff, v1  }
0x199: {  	[tilespmem:s1+$0x10040] =	vst.add.f32.msk $0xffff, v2  }
0x19a: {  	[tilespmem:s1+$0x10050] =	vst.add.f32.msk $0xffff, v3  }
0x19b: {  	[tilespmem:s1+$0x10060] =	vst.add.f32.msk $0xffff, v0  }
0x19c: {  	[tilespmem:s1+$0x10070] =	vst.add.f32.msk $0xffff, v1  }
0x19d: {  	[tilespmem:s1+$0x13240] =	vst.add.f32.msk $0xffff, v2  }
0x19e: {  	[tilespmem:s1+$0x13250] =	vst.add.f32.msk $0xffff, v3  }
0x19f: {  	[tilespmem:s1+$0x13260] =	vst.add.f32.msk $0xffff, v0  }
0x1a0: {  	[tilespmem:s1+$0x13270] =	vst.add.f32.msk $0xffff, v1  }
0x1a1: {  	[tilespmem:s1+$0x16440] =	vst.add.f32.msk $0xffff, v2  }
0x1a2: {  	[tilespmem:s1+$0x16450] =	vst.add.f32.msk $0xffff, v3  }
0x1a3: {  	[tilespmem:s1+$0x16460] =	vst.add.f32.msk $0xffff, v0  }
0x1a4: {  	[tilespmem:s1+$0x16470] =	vst.add.f32.msk $0xffff, v1  }
0x1a5: {  	[tilespmem:s1+$0x19640] =	vst.add.f32.msk $0xffff, v2  }
0x1a6: {  	s4 =	simm.s32 $0x200;
	s5 =	simm.s32 $0x40;
	[tilespmem:s1+$0x19650] =	vst.add.f32.msk $0xffff, v3  }
.LBB2_8:
0x1a7: {  	p0 =	sne.s32 s4, $0xC700;
	v1 =	vld [tilespmem:s5+$0x30]  }
0x1a8: {  	v2 =	vld [tilespmem:s5+$0x0]  }
0x1a9: {  	v3 =	vld [tilespmem:s5+$0x10]  }
0x1aa: {  	v4 =	vld [tilespmem:s5+$0x20]  }
0x1ab: {  	[tilespmem:s1+$0x19660] =	vst.add.f32.msk $0xffff, v0;
	s1 =	smov.u32 s5  }
0x1ac: {  	[tilespmem:s1+$0x19670] =	vst.add.f32.msk $0xffff, v1  }
0x1ad: {  	[tilespmem:s1+$0x10040] =	vst.add.f32.msk $0xffff, v2  }
0x1ae: {  	[tilespmem:s1+$0x10050] =	vst.add.f32.msk $0xffff, v3  }
0x1af: {  	[tilespmem:s1+$0x10060] =	vst.add.f32.msk $0xffff, v4;
	v0 =	vmov v4  }
0x1b0: {  	[tilespmem:s1+$0x10070] =	vst.add.f32.msk $0xffff, v1  }
0x1b1: {  	[tilespmem:s1+$0x13240] =	vst.add.f32.msk $0xffff, v2  }
0x1b2: {  	[tilespmem:s1+$0x13250] =	vst.add.f32.msk $0xffff, v3  }
0x1b3: {  	[tilespmem:s1+$0x13260] =	vst.add.f32.msk $0xffff, v0  }
0x1b4: {  	[tilespmem:s1+$0x13270] =	vst.add.f32.msk $0xffff, v1  }
0x1b5: {  	[tilespmem:s1+$0x16440] =	vst.add.f32.msk $0xffff, v2  }
.Ltmp3:
0x1b6: {  	[tilespmem:s1+$0x16450] =	vst.add.f32.msk $0xffff, v3;
	(pc) =	sbr.rel @p0 .LBB2_8-.Ltmp3, $4  }
0x1b7: {  	[tilespmem:s1+$0x16460] =	vst.add.f32.msk $0xffff, v0  }
0x1b8: {  	[tilespmem:s1+$0x16470] =	vst.add.f32.msk $0xffff, v1  }
0x1b9: {  	[tilespmem:s1+$0x19640] =	vst.add.f32.msk $0xffff, v2  }
0x1ba: {  	s5 =	sshra.s32 s4, $0x2;
	s4 =	sadd.s32 $0x100, s4;
	[tilespmem:s1+$0x19650] =	vst.add.f32.msk $0xffff, v3  }
0x1bb: {  	v1 =	vld [tilespmem:s5+$0x30]  }
0x1bc: {  	v2 =	vld [tilespmem:s5+$0x0]  }
0x1bd: {  	v3 =	vld [tilespmem:s5+$0x10]  }
0x1be: {  	v4 =	vld [tilespmem:s5+$0x20]  }
0x1bf: {  	[tilespmem:s1+$0x19660] =	vst.add.f32.msk $0xffff, v0  }
0x1c0: {  	[tilespmem:s5+$0x19670] =	vst.add.f32.msk $0xffff, v1  }
0x1c1: {  	[tilespmem:s5+$0x10040] =	vst.add.f32.msk $0xffff, v2  }
0x1c2: {  	[tilespmem:s5+$0x10050] =	vst.add.f32.msk $0xffff, v3  }
0x1c3: {  	[tilespmem:s5+$0x10060] =	vst.add.f32.msk $0xffff, v4  }
0x1c4: {  	[tilespmem:s5+$0x10070] =	vst.add.f32.msk $0xffff, v1  }
0x1c5: {  	[tilespmem:s5+$0x13240] =	vst.add.f32.msk $0xffff, v2  }
0x1c6: {  	[tilespmem:s5+$0x13250] =	vst.add.f32.msk $0xffff, v3  }
0x1c7: {  	[tilespmem:s5+$0x13260] =	vst.add.f32.msk $0xffff, v4  }
0x1c8: {  	[tilespmem:s5+$0x13270] =	vst.add.f32.msk $0xffff, v1  }
0x1c9: {  	[tilespmem:s5+$0x16440] =	vst.add.f32.msk $0xffff, v2  }
0x1ca: {  	[tilespmem:s5+$0x16450] =	vst.add.f32.msk $0xffff, v3  }
0x1cb: {  	[tilespmem:s5+$0x16460] =	vst.add.f32.msk $0xffff, v4  }
0x1cc: {  	[tilespmem:s5+$0x16470] =	vst.add.f32.msk $0xffff, v1  }
0x1cd: {  	[tilespmem:s5+$0x19640] =	vst.add.f32.msk $0xffff, v2  }
0x1ce: {  	[tilespmem:s5+$0x19650] =	vst.add.f32.msk $0xffff, v3  }
0x1cf: {  	s1 =	simm.s32 $0x0;
	s4 =	rddreg [dreg:$0xc];
	[tilespmem:s5+$0x19660] =	vst.add.f32.msk $0xffff, v4  }
0x1d0: {  	[hbm4b:s4+s1] =	stream.linear.scatter [tilespmem:s11], [sflag:$0x4], $0xC800, $0x38;
	[tilespmem:$0x1C840] =	vst v63  }
0x1d1: {  	_ =	swait.ge [sflag:s31], $0xC800  }
0x1d2: {  	[sflag:s31] =	ssyncset.done $0x0  }
0x1d3: {  	s5 =	rddreg [dreg:$0xd];
	[sflag:s31] =	ssyncadd.s32 $0xFFFF3800  }
0x1d4: {  	[tilespmem:s10], [sflag:$0x5] =	stream.linear.gather [hbm4b:s5+s1], $0x320, $0x38;
	[tilespmem:$0x1C840] =	vst v63  }
0x1d5: {  	_ =	swait.ge [sflag:s22], $0x320  }
0x1d6: {  	[sflag:s22] =	ssyncset.done $0x0  }
0x1d7: {  	[sflag:s22] =	ssyncadd.s32 $0xFFFFFCE0  }
0x1d8: {  	[tilespmem:s11], [sflag:$0x2] =	stream.indirect.gather [hbm4b:s3+s24], $0x40, s10, s24, $0xb8;
	[tilespmem:$0x1C840] =	vst v63  }
0x1d9: {  	_ = 	snop  }
0x1da: {  	[tilespmem:s13], [sflag:$0x2] =	stream.indirect.gather [hbm4b:s3+s24], $0x40, s12, s24, $0xb8;
	[tilespmem:$0x1C840] =	vst v63  }
0x1db: {  	_ = 	snop  }
0x1dc: {  	[tilespmem:s15], [sflag:$0x2] =	stream.indirect.gather [hbm4b:s3+s24], $0x40, s14, s24, $0xb8;
	[tilespmem:$0x1C840] =	vst v63  }
0x1dd: {  	_ = 	snop  }
0x1de: {  	[tilespmem:s17], [sflag:$0x2] =	stream.indirect.gather [hbm4b:s3+s24], $0x40, s16, s24, $0xb8;
	[tilespmem:$0x1C840] =	vst v63  }
0x1df: {  	_ = 	snop  }
0x1e0: {  	[tilespmem:s19], [sflag:$0x2] =	stream.indirect.gather [hbm4b:s3+s24], $0x40, s18, s24, $0xb8;
	[tilespmem:$0x1C840] =	vst v63  }
0x1e1: {  	_ = 	snop  }
0x1e2: {  	[tilespmem:s21], [sflag:$0x2] =	stream.indirect.gather [hbm4b:s3+s24], $0x40, s20, s24, $0xb8;
	[tilespmem:$0x1C840] =	vst v63  }
0x1e3: {  	_ = 	snop  }
0x1e4: {  	[tilespmem:s26], [sflag:$0x2] =	stream.indirect.gather [hbm4b:s3+s7], $0x40, s2, s7, $0xb8;
	[tilespmem:$0x1C840] =	vst v63  }
0x1e5: {  	_ =	swait.ge [sflag:s28], $0x2000  }
0x1e6: {  	[sflag:s28] =	ssyncset.done $0x0  }
0x1e7: {  	[sflag:s28] =	ssyncadd.s32 $0xFFFFE000  }
0x1e8: {  	_ =	swait.ge [sflag:s28], $0x2000  }
0x1e9: {  	[sflag:s28] =	ssyncset.done $0x0  }
0x1ea: {  	[sflag:s28] =	ssyncadd.s32 $0xFFFFE000  }
0x1eb: {  	_ =	swait.ge [sflag:s28], $0x2000  }
0x1ec: {  	[sflag:s28] =	ssyncset.done $0x0  }
0x1ed: {  	[sflag:s28] =	ssyncadd.s32 $0xFFFFE000  }
0x1ee: {  	_ =	swait.ge [sflag:s28], $0x2000  }
0x1ef: {  	[sflag:s28] =	ssyncset.done $0x0  }
0x1f0: {  	[sflag:s28] =	ssyncadd.s32 $0xFFFFE000  }
0x1f1: {  	_ =	swait.ge [sflag:s28], $0x2000  }
0x1f2: {  	[sflag:s28] =	ssyncset.done $0x0  }
0x1f3: {  	[sflag:s28] =	ssyncadd.s32 $0xFFFFE000  }
0x1f4: {  	_ =	swait.ge [sflag:s28], $0x2000  }
0x1f5: {  	[sflag:s28] =	ssyncset.done $0x0  }
0x1f6: {  	[sflag:s28] =	ssyncadd.s32 $0xFFFFE000  }
0x1f7: {  	_ =	swait.ge [sflag:s28], $0x800  }
0x1f8: {  	[sflag:s28] =	ssyncset.done $0x0  }
0x1f9: {  	s1 =	simm.s32 $0x0;
	[sflag:s28] =	ssyncadd.s32 $0xFFFFF800  }
0x1fa: {  	v1 =	vld [tilespmem:s1+$0x30]  }
0x1fb: {  	v2 =	vld [tilespmem:s1+$0x0]  }
0x1fc: {  	v3 =	vld [tilespmem:s1+$0x10]  }
0x1fd: {  	v0 =	vld [tilespmem:s1+$0x20];
	_ =	sdelay $0x1  }
0x1fe: {  	[tilespmem:s1+$0xCE70] =	vst.add.f32.msk $0xffff, v1  }
0x1ff: {  	[tilespmem:s1+$0x3840] =	vst.add.f32.msk $0xffff, v2  }
0x200: {  	[tilespmem:s1+$0x3850] =	vst.add.f32.msk $0xffff, v3  }
0x201: {  	[tilespmem:s1+$0x3860] =	vst.add.f32.msk $0xffff, v0  }
0x202: {  	[tilespmem:s1+$0x3870] =	vst.add.f32.msk $0xffff, v1  }
0x203: {  	[tilespmem:s1+$0x6A40] =	vst.add.f32.msk $0xffff, v2  }
0x204: {  	[tilespmem:s1+$0x6A50] =	vst.add.f32.msk $0xffff, v3  }
0x205: {  	[tilespmem:s1+$0x6A60] =	vst.add.f32.msk $0xffff, v0  }
0x206: {  	[tilespmem:s1+$0x6A70] =	vst.add.f32.msk $0xffff, v1  }
0x207: {  	[tilespmem:s1+$0x9C40] =	vst.add.f32.msk $0xffff, v2  }
0x208: {  	[tilespmem:s1+$0x9C50] =	vst.add.f32.msk $0xffff, v3  }
0x209: {  	[tilespmem:s1+$0x9C60] =	vst.add.f32.msk $0xffff, v0  }
0x20a: {  	[tilespmem:s1+$0x9C70] =	vst.add.f32.msk $0xffff, v1  }
0x20b: {  	[tilespmem:s1+$0xCE40] =	vst.add.f32.msk $0xffff, v2  }
0x20c: {  	s4 =	simm.s32 $0x200;
	s5 =	simm.s32 $0x40;
	[tilespmem:s1+$0xCE50] =	vst.add.f32.msk $0xffff, v3  }
.LBB2_10:
0x20d: {  	p0 =	sne.s32 s4, $0xC700;
	v1 =	vld [tilespmem:s5+$0x30]  }
0x20e: {  	v2 =	vld [tilespmem:s5+$0x0]  }
0x20f: {  	v3 =	vld [tilespmem:s5+$0x10]  }
0x210: {  	v4 =	vld [tilespmem:s5+$0x20]  }
0x211: {  	[tilespmem:s1+$0xCE60] =	vst.add.f32.msk $0xffff, v0;
	s1 =	smov.u32 s5  }
0x212: {  	[tilespmem:s1+$0xCE70] =	vst.add.f32.msk $0xffff, v1  }
0x213: {  	[tilespmem:s1+$0x3840] =	vst.add.f32.msk $0xffff, v2  }
0x214: {  	[tilespmem:s1+$0x3850] =	vst.add.f32.msk $0xffff, v3  }
0x215: {  	[tilespmem:s1+$0x3860] =	vst.add.f32.msk $0xffff, v4;
	v0 =	vmov v4  }
0x216: {  	[tilespmem:s1+$0x3870] =	vst.add.f32.msk $0xffff, v1  }
0x217: {  	[tilespmem:s1+$0x6A40] =	vst.add.f32.msk $0xffff, v2  }
0x218: {  	[tilespmem:s1+$0x6A50] =	vst.add.f32.msk $0xffff, v3  }
0x219: {  	[tilespmem:s1+$0x6A60] =	vst.add.f32.msk $0xffff, v0  }
0x21a: {  	[tilespmem:s1+$0x6A70] =	vst.add.f32.msk $0xffff, v1  }
0x21b: {  	[tilespmem:s1+$0x9C40] =	vst.add.f32.msk $0xffff, v2  }
.Ltmp4:
0x21c: {  	[tilespmem:s1+$0x9C50] =	vst.add.f32.msk $0xffff, v3;
	(pc) =	sbr.rel @p0 .LBB2_10-.Ltmp4, $4  }
0x21d: {  	[tilespmem:s1+$0x9C60] =	vst.add.f32.msk $0xffff, v0  }
0x21e: {  	[tilespmem:s1+$0x9C70] =	vst.add.f32.msk $0xffff, v1  }
0x21f: {  	[tilespmem:s1+$0xCE40] =	vst.add.f32.msk $0xffff, v2  }
0x220: {  	s5 =	sshra.s32 s4, $0x2;
	s4 =	sadd.s32 $0x100, s4;
	[tilespmem:s1+$0xCE50] =	vst.add.f32.msk $0xffff, v3  }
0x221: {  	v1 =	vld [tilespmem:s5+$0x30]  }
0x222: {  	v2 =	vld [tilespmem:s5+$0x0]  }
0x223: {  	v3 =	vld [tilespmem:s5+$0x10]  }
0x224: {  	v4 =	vld [tilespmem:s5+$0x20]  }
0x225: {  	[tilespmem:s1+$0xCE60] =	vst.add.f32.msk $0xffff, v0  }
0x226: {  	[tilespmem:s5+$0xCE70] =	vst.add.f32.msk $0xffff, v1  }
0x227: {  	[tilespmem:s5+$0x3840] =	vst.add.f32.msk $0xffff, v2  }
0x228: {  	[tilespmem:s5+$0x3850] =	vst.add.f32.msk $0xffff, v3  }
0x229: {  	[tilespmem:s5+$0x3860] =	vst.add.f32.msk $0xffff, v4  }
0x22a: {  	[tilespmem:s5+$0x3870] =	vst.add.f32.msk $0xffff, v1  }
0x22b: {  	[tilespmem:s5+$0x6A40] =	vst.add.f32.msk $0xffff, v2  }
0x22c: {  	[tilespmem:s5+$0x6A50] =	vst.add.f32.msk $0xffff, v3  }
0x22d: {  	[tilespmem:s5+$0x6A60] =	vst.add.f32.msk $0xffff, v4  }
0x22e: {  	[tilespmem:s5+$0x6A70] =	vst.add.f32.msk $0xffff, v1  }
0x22f: {  	[tilespmem:s5+$0x9C40] =	vst.add.f32.msk $0xffff, v2  }
0x230: {  	[tilespmem:s5+$0x9C50] =	vst.add.f32.msk $0xffff, v3  }
0x231: {  	[tilespmem:s5+$0x9C60] =	vst.add.f32.msk $0xffff, v4  }
0x232: {  	[tilespmem:s5+$0x9C70] =	vst.add.f32.msk $0xffff, v1  }
0x233: {  	[tilespmem:s5+$0xCE40] =	vst.add.f32.msk $0xffff, v2  }
0x234: {  	[tilespmem:s5+$0xCE50] =	vst.add.f32.msk $0xffff, v3  }
0x235: {  	s1 =	simm.s32 $0x0;
	s4 =	rddreg [dreg:$0xe];
	[tilespmem:s5+$0xCE60] =	vst.add.f32.msk $0xffff, v4  }
0x236: {  	[hbm4b:s4+s1] =	stream.linear.scatter [tilespmem:s25], [sflag:$0x3], $0xC800, $0x38;
	[tilespmem:$0x1C840] =	vst v63  }
0x237: {  	_ =	swait.ge [sflag:s29], $0xC800  }
0x238: {  	[sflag:s29] =	ssyncset.done $0x0  }
0x239: {  	s5 =	rddreg [dreg:$0xf];
	[sflag:s29] =	ssyncadd.s32 $0xFFFF3800  }
0x23a: {  	[tilespmem:s23], [sflag:$0x5] =	stream.linear.gather [hbm4b:s5+s1], $0x320, $0x38;
	[tilespmem:$0x1C840] =	vst v63  }
0x23b: {  	_ =	swait.ge [sflag:s22], $0x320  }
0x23c: {  	[sflag:s22] =	ssyncset.done $0x0  }
0x23d: {  	[sflag:s22] =	ssyncadd.s32 $0xFFFFFCE0  }
0x23e: {  	[tilespmem:s25], [sflag:$0x1] =	stream.indirect.gather [hbm4b:s3+s24], $0x40, s23, s24, $0xb8;
	[tilespmem:$0x1C840] =	vst v63  }
0x23f: {  	s4 =	simm.s32 $0x3280;
	s5 =	simm.s32 $0x5840  }
0x240: {  	[tilespmem:s5], [sflag:$0x1] =	stream.indirect.gather [hbm4b:s3+s24], $0x40, s4, s24, $0xb8;
	[tilespmem:$0x1C840] =	vst v63  }
0x241: {  	s4 =	simm.s32 $0x3300;
	s5 =	simm.s32 $0x7840  }
0x242: {  	[tilespmem:s5], [sflag:$0x1] =	stream.indirect.gather [hbm4b:s3+s24], $0x40, s4, s24, $0xb8;
	[tilespmem:$0x1C840] =	vst v63  }
0x243: {  	s4 =	simm.s32 $0x3380;
	s5 =	simm.s32 $0x9840  }
0x244: {  	[tilespmem:s5], [sflag:$0x1] =	stream.indirect.gather [hbm4b:s3+s24], $0x40, s4, s24, $0xb8;
	[tilespmem:$0x1C840] =	vst v63  }
0x245: {  	s4 =	simm.s32 $0x3400;
	s5 =	simm.s32 $0xB840  }
0x246: {  	[tilespmem:s5], [sflag:$0x1] =	stream.indirect.gather [hbm4b:s3+s24], $0x40, s4, s24, $0xb8;
	[tilespmem:$0x1C840] =	vst v63  }
0x247: {  	s5 =	simm.s32 $0x3480  }
0x248: {  	[tilespmem:s6], [sflag:$0x1] =	stream.indirect.gather [hbm4b:s3+s24], $0x40, s5, s24, $0xb8;
	[tilespmem:$0x1C840] =	vst v63  }
0x249: {  	_ = 	snop  }
0x24a: {  	[tilespmem:s9], [sflag:$0x1] =	stream.indirect.gather [hbm4b:s3+s7], $0x40, s8, s7, $0xb8;
	[tilespmem:$0x1C840] =	vst v63  }
0x24b: {  	_ =	swait.ge [sflag:s30], $0x2000  }
0x24c: {  	[sflag:s30] =	ssyncset.done $0x0  }
0x24d: {  	[sflag:s30] =	ssyncadd.s32 $0xFFFFE000  }
0x24e: {  	_ =	swait.ge [sflag:s30], $0x2000  }
0x24f: {  	[sflag:s30] =	ssyncset.done $0x0  }
0x250: {  	[sflag:s30] =	ssyncadd.s32 $0xFFFFE000  }
0x251: {  	_ =	swait.ge [sflag:s30], $0x2000  }
0x252: {  	[sflag:s30] =	ssyncset.done $0x0  }
0x253: {  	[sflag:s30] =	ssyncadd.s32 $0xFFFFE000  }
0x254: {  	_ =	swait.ge [sflag:s30], $0x2000  }
0x255: {  	[sflag:s30] =	ssyncset.done $0x0  }
0x256: {  	[sflag:s30] =	ssyncadd.s32 $0xFFFFE000  }
0x257: {  	_ =	swait.ge [sflag:s30], $0x2000  }
0x258: {  	[sflag:s30] =	ssyncset.done $0x0  }
0x259: {  	[sflag:s30] =	ssyncadd.s32 $0xFFFFE000  }
0x25a: {  	_ =	swait.ge [sflag:s30], $0x2000  }
0x25b: {  	[sflag:s30] =	ssyncset.done $0x0  }
0x25c: {  	[sflag:s30] =	ssyncadd.s32 $0xFFFFE000  }
0x25d: {  	_ =	swait.ge [sflag:s30], $0x800  }
0x25e: {  	[sflag:s30] =	ssyncset.done $0x0  }
0x25f: {  	s1 =	simm.s32 $0x0;
	[sflag:s30] =	ssyncadd.s32 $0xFFFFF800  }
0x260: {  	v1 =	vld [tilespmem:s1+$0x30]  }
0x261: {  	v2 =	vld [tilespmem:s1+$0x0]  }
0x262: {  	v3 =	vld [tilespmem:s1+$0x10]  }
0x263: {  	v0 =	vld [tilespmem:s1+$0x20];
	_ =	sdelay $0x1  }
0x264: {  	[tilespmem:s1+$0x19670] =	vst.add.f32.msk $0xffff, v1  }
0x265: {  	[tilespmem:s1+$0x10040] =	vst.add.f32.msk $0xffff, v2  }
0x266: {  	[tilespmem:s1+$0x10050] =	vst.add.f32.msk $0xffff, v3  }
0x267: {  	[tilespmem:s1+$0x10060] =	vst.add.f32.msk $0xffff, v0  }
0x268: {  	[tilespmem:s1+$0x10070] =	vst.add.f32.msk $0xffff, v1  }
0x269: {  	[tilespmem:s1+$0x13240] =	vst.add.f32.msk $0xffff, v2  }
0x26a: {  	[tilespmem:s1+$0x13250] =	vst.add.f32.msk $0xffff, v3  }
0x26b: {  	[tilespmem:s1+$0x13260] =	vst.add.f32.msk $0xffff, v0  }
0x26c: {  	[tilespmem:s1+$0x13270] =	vst.add.f32.msk $0xffff, v1  }
0x26d: {  	[tilespmem:s1+$0x16440] =	vst.add.f32.msk $0xffff, v2  }
0x26e: {  	[tilespmem:s1+$0x16450] =	vst.add.f32.msk $0xffff, v3  }
0x26f: {  	[tilespmem:s1+$0x16460] =	vst.add.f32.msk $0xffff, v0  }
0x270: {  	[tilespmem:s1+$0x16470] =	vst.add.f32.msk $0xffff, v1  }
0x271: {  	[tilespmem:s1+$0x19640] =	vst.add.f32.msk $0xffff, v2  }
0x272: {  	s4 =	simm.s32 $0x200;
	s5 =	simm.s32 $0x40;
	[tilespmem:s1+$0x19650] =	vst.add.f32.msk $0xffff, v3  }
.LBB2_12:
0x273: {  	p0 =	sne.s32 s4, $0xC700;
	v1 =	vld [tilespmem:s5+$0x30]  }
0x274: {  	v2 =	vld [tilespmem:s5+$0x0]  }
0x275: {  	v3 =	vld [tilespmem:s5+$0x10]  }
0x276: {  	v4 =	vld [tilespmem:s5+$0x20]  }
0x277: {  	[tilespmem:s1+$0x19660] =	vst.add.f32.msk $0xffff, v0;
	s1 =	smov.u32 s5  }
0x278: {  	[tilespmem:s1+$0x19670] =	vst.add.f32.msk $0xffff, v1  }
0x279: {  	[tilespmem:s1+$0x10040] =	vst.add.f32.msk $0xffff, v2  }
0x27a: {  	[tilespmem:s1+$0x10050] =	vst.add.f32.msk $0xffff, v3  }
0x27b: {  	[tilespmem:s1+$0x10060] =	vst.add.f32.msk $0xffff, v4;
	v0 =	vmov v4  }
0x27c: {  	[tilespmem:s1+$0x10070] =	vst.add.f32.msk $0xffff, v1  }
0x27d: {  	[tilespmem:s1+$0x13240] =	vst.add.f32.msk $0xffff, v2  }
0x27e: {  	[tilespmem:s1+$0x13250] =	vst.add.f32.msk $0xffff, v3  }
0x27f: {  	[tilespmem:s1+$0x13260] =	vst.add.f32.msk $0xffff, v0  }
0x280: {  	[tilespmem:s1+$0x13270] =	vst.add.f32.msk $0xffff, v1  }
0x281: {  	[tilespmem:s1+$0x16440] =	vst.add.f32.msk $0xffff, v2  }
.Ltmp5:
0x282: {  	[tilespmem:s1+$0x16450] =	vst.add.f32.msk $0xffff, v3;
	(pc) =	sbr.rel @p0 .LBB2_12-.Ltmp5, $4  }
0x283: {  	[tilespmem:s1+$0x16460] =	vst.add.f32.msk $0xffff, v0  }
0x284: {  	[tilespmem:s1+$0x16470] =	vst.add.f32.msk $0xffff, v1  }
0x285: {  	[tilespmem:s1+$0x19640] =	vst.add.f32.msk $0xffff, v2  }
0x286: {  	s5 =	sshra.s32 s4, $0x2;
	s4 =	sadd.s32 $0x100, s4;
	[tilespmem:s1+$0x19650] =	vst.add.f32.msk $0xffff, v3  }
0x287: {  	v1 =	vld [tilespmem:s5+$0x30]  }
0x288: {  	v2 =	vld [tilespmem:s5+$0x0]  }
0x289: {  	v3 =	vld [tilespmem:s5+$0x10]  }
0x28a: {  	v4 =	vld [tilespmem:s5+$0x20]  }
0x28b: {  	[tilespmem:s1+$0x19660] =	vst.add.f32.msk $0xffff, v0  }
0x28c: {  	[tilespmem:s5+$0x19670] =	vst.add.f32.msk $0xffff, v1  }
0x28d: {  	[tilespmem:s5+$0x10040] =	vst.add.f32.msk $0xffff, v2  }
0x28e: {  	[tilespmem:s5+$0x10050] =	vst.add.f32.msk $0xffff, v3  }
0x28f: {  	[tilespmem:s5+$0x10060] =	vst.add.f32.msk $0xffff, v4  }
0x290: {  	[tilespmem:s5+$0x10070] =	vst.add.f32.msk $0xffff, v1  }
0x291: {  	[tilespmem:s5+$0x13240] =	vst.add.f32.msk $0xffff, v2  }
0x292: {  	[tilespmem:s5+$0x13250] =	vst.add.f32.msk $0xffff, v3  }
0x293: {  	[tilespmem:s5+$0x13260] =	vst.add.f32.msk $0xffff, v4  }
0x294: {  	[tilespmem:s5+$0x13270] =	vst.add.f32.msk $0xffff, v1  }
0x295: {  	[tilespmem:s5+$0x16440] =	vst.add.f32.msk $0xffff, v2  }
0x296: {  	[tilespmem:s5+$0x16450] =	vst.add.f32.msk $0xffff, v3  }
0x297: {  	[tilespmem:s5+$0x16460] =	vst.add.f32.msk $0xffff, v4  }
0x298: {  	[tilespmem:s5+$0x16470] =	vst.add.f32.msk $0xffff, v1  }
0x299: {  	[tilespmem:s5+$0x19640] =	vst.add.f32.msk $0xffff, v2  }
0x29a: {  	[tilespmem:s5+$0x19650] =	vst.add.f32.msk $0xffff, v3  }
0x29b: {  	s1 =	simm.s32 $0x0;
	s4 =	rddreg [dreg:$0x10];
	[tilespmem:s5+$0x19660] =	vst.add.f32.msk $0xffff, v4  }
0x29c: {  	[hbm4b:s4+s1] =	stream.linear.scatter [tilespmem:s11], [sflag:$0x4], $0xC800, $0x38;
	[tilespmem:$0x1C840] =	vst v63  }
0x29d: {  	_ =	swait.ge [sflag:s31], $0xC800  }
0x29e: {  	[sflag:s31] =	ssyncset.done $0x0  }
0x29f: {  	s5 =	rddreg [dreg:$0x11];
	[sflag:s31] =	ssyncadd.s32 $0xFFFF3800  }
0x2a0: {  	[tilespmem:s10], [sflag:$0x5] =	stream.linear.gather [hbm4b:s5+s1], $0x320, $0x38;
	[tilespmem:$0x1C840] =	vst v63  }
0x2a1: {  	_ =	swait.ge [sflag:s22], $0x320  }
0x2a2: {  	[sflag:s22] =	ssyncset.done $0x0  }
0x2a3: {  	[sflag:s22] =	ssyncadd.s32 $0xFFFFFCE0  }
0x2a4: {  	[tilespmem:s11], [sflag:$0x2] =	stream.indirect.gather [hbm4b:s3+s24], $0x40, s10, s24, $0xb8;
	[tilespmem:$0x1C840] =	vst v63  }
0x2a5: {  	_ = 	snop  }
0x2a6: {  	[tilespmem:s13], [sflag:$0x2] =	stream.indirect.gather [hbm4b:s3+s24], $0x40, s12, s24, $0xb8;
	[tilespmem:$0x1C840] =	vst v63  }
0x2a7: {  	_ = 	snop  }
0x2a8: {  	[tilespmem:s15], [sflag:$0x2] =	stream.indirect.gather [hbm4b:s3+s24], $0x40, s14, s24, $0xb8;
	[tilespmem:$0x1C840] =	vst v63  }
0x2a9: {  	_ = 	snop  }
0x2aa: {  	[tilespmem:s17], [sflag:$0x2] =	stream.indirect.gather [hbm4b:s3+s24], $0x40, s16, s24, $0xb8;
	[tilespmem:$0x1C840] =	vst v63  }
0x2ab: {  	_ = 	snop  }
0x2ac: {  	[tilespmem:s19], [sflag:$0x2] =	stream.indirect.gather [hbm4b:s3+s24], $0x40, s18, s24, $0xb8;
	[tilespmem:$0x1C840] =	vst v63  }
0x2ad: {  	_ = 	snop  }
0x2ae: {  	[tilespmem:s21], [sflag:$0x2] =	stream.indirect.gather [hbm4b:s3+s24], $0x40, s20, s24, $0xb8;
	[tilespmem:$0x1C840] =	vst v63  }
0x2af: {  	_ = 	snop  }
0x2b0: {  	[tilespmem:s26], [sflag:$0x2] =	stream.indirect.gather [hbm4b:s3+s7], $0x40, s2, s7, $0xb8;
	[tilespmem:$0x1C840] =	vst v63  }
0x2b1: {  	_ =	swait.ge [sflag:s28], $0x2000  }
0x2b2: {  	[sflag:s28] =	ssyncset.done $0x0  }
0x2b3: {  	[sflag:s28] =	ssyncadd.s32 $0xFFFFE000  }
0x2b4: {  	_ =	swait.ge [sflag:s28], $0x2000  }
0x2b5: {  	[sflag:s28] =	ssyncset.done $0x0  }
0x2b6: {  	[sflag:s28] =	ssyncadd.s32 $0xFFFFE000  }
0x2b7: {  	_ =	swait.ge [sflag:s28], $0x2000  }
0x2b8: {  	[sflag:s28] =	ssyncset.done $0x0  }
0x2b9: {  	[sflag:s28] =	ssyncadd.s32 $0xFFFFE000  }
0x2ba: {  	_ =	swait.ge [sflag:s28], $0x2000  }
0x2bb: {  	[sflag:s28] =	ssyncset.done $0x0  }
0x2bc: {  	[sflag:s28] =	ssyncadd.s32 $0xFFFFE000  }
0x2bd: {  	_ =	swait.ge [sflag:s28], $0x2000  }
0x2be: {  	[sflag:s28] =	ssyncset.done $0x0  }
0x2bf: {  	[sflag:s28] =	ssyncadd.s32 $0xFFFFE000  }
0x2c0: {  	_ =	swait.ge [sflag:s28], $0x2000  }
0x2c1: {  	[sflag:s28] =	ssyncset.done $0x0  }
0x2c2: {  	[sflag:s28] =	ssyncadd.s32 $0xFFFFE000  }
0x2c3: {  	_ =	swait.ge [sflag:s28], $0x800  }
0x2c4: {  	[sflag:s28] =	ssyncset.done $0x0  }
0x2c5: {  	s1 =	simm.s32 $0x0;
	[sflag:s28] =	ssyncadd.s32 $0xFFFFF800  }
0x2c6: {  	v1 =	vld [tilespmem:s1+$0x30]  }
0x2c7: {  	v2 =	vld [tilespmem:s1+$0x0]  }
0x2c8: {  	v3 =	vld [tilespmem:s1+$0x10]  }
0x2c9: {  	v0 =	vld [tilespmem:s1+$0x20];
	_ =	sdelay $0x1  }
0x2ca: {  	[tilespmem:s1+$0xCE70] =	vst.add.f32.msk $0xffff, v1  }
0x2cb: {  	[tilespmem:s1+$0x3840] =	vst.add.f32.msk $0xffff, v2  }
0x2cc: {  	[tilespmem:s1+$0x3850] =	vst.add.f32.msk $0xffff, v3  }
0x2cd: {  	[tilespmem:s1+$0x3860] =	vst.add.f32.msk $0xffff, v0  }
0x2ce: {  	[tilespmem:s1+$0x3870] =	vst.add.f32.msk $0xffff, v1  }
0x2cf: {  	[tilespmem:s1+$0x6A40] =	vst.add.f32.msk $0xffff, v2  }
0x2d0: {  	[tilespmem:s1+$0x6A50] =	vst.add.f32.msk $0xffff, v3  }
0x2d1: {  	[tilespmem:s1+$0x6A60] =	vst.add.f32.msk $0xffff, v0  }
0x2d2: {  	[tilespmem:s1+$0x6A70] =	vst.add.f32.msk $0xffff, v1  }
0x2d3: {  	[tilespmem:s1+$0x9C40] =	vst.add.f32.msk $0xffff, v2  }
0x2d4: {  	[tilespmem:s1+$0x9C50] =	vst.add.f32.msk $0xffff, v3  }
0x2d5: {  	[tilespmem:s1+$0x9C60] =	vst.add.f32.msk $0xffff, v0  }
0x2d6: {  	[tilespmem:s1+$0x9C70] =	vst.add.f32.msk $0xffff, v1  }
0x2d7: {  	[tilespmem:s1+$0xCE40] =	vst.add.f32.msk $0xffff, v2  }
0x2d8: {  	s4 =	simm.s32 $0x200;
	s5 =	simm.s32 $0x40;
	[tilespmem:s1+$0xCE50] =	vst.add.f32.msk $0xffff, v3  }
.LBB2_14:
0x2d9: {  	p0 =	sne.s32 s4, $0xC700;
	v1 =	vld [tilespmem:s5+$0x30]  }
0x2da: {  	v2 =	vld [tilespmem:s5+$0x0]  }
0x2db: {  	v3 =	vld [tilespmem:s5+$0x10]  }
0x2dc: {  	v4 =	vld [tilespmem:s5+$0x20]  }
0x2dd: {  	[tilespmem:s1+$0xCE60] =	vst.add.f32.msk $0xffff, v0;
	s1 =	smov.u32 s5  }
0x2de: {  	[tilespmem:s1+$0xCE70] =	vst.add.f32.msk $0xffff, v1  }
0x2df: {  	[tilespmem:s1+$0x3840] =	vst.add.f32.msk $0xffff, v2  }
0x2e0: {  	[tilespmem:s1+$0x3850] =	vst.add.f32.msk $0xffff, v3  }
0x2e1: {  	[tilespmem:s1+$0x3860] =	vst.add.f32.msk $0xffff, v4;
	v0 =	vmov v4  }
0x2e2: {  	[tilespmem:s1+$0x3870] =	vst.add.f32.msk $0xffff, v1  }
0x2e3: {  	[tilespmem:s1+$0x6A40] =	vst.add.f32.msk $0xffff, v2  }
0x2e4: {  	[tilespmem:s1+$0x6A50] =	vst.add.f32.msk $0xffff, v3  }
0x2e5: {  	[tilespmem:s1+$0x6A60] =	vst.add.f32.msk $0xffff, v0  }
0x2e6: {  	[tilespmem:s1+$0x6A70] =	vst.add.f32.msk $0xffff, v1  }
0x2e7: {  	[tilespmem:s1+$0x9C40] =	vst.add.f32.msk $0xffff, v2  }
.Ltmp6:
0x2e8: {  	[tilespmem:s1+$0x9C50] =	vst.add.f32.msk $0xffff, v3;
	(pc) =	sbr.rel @p0 .LBB2_14-.Ltmp6, $4  }
0x2e9: {  	[tilespmem:s1+$0x9C60] =	vst.add.f32.msk $0xffff, v0  }
0x2ea: {  	[tilespmem:s1+$0x9C70] =	vst.add.f32.msk $0xffff, v1  }
0x2eb: {  	[tilespmem:s1+$0xCE40] =	vst.add.f32.msk $0xffff, v2  }
0x2ec: {  	s5 =	sshra.s32 s4, $0x2;
	s4 =	sadd.s32 $0x100, s4;
	[tilespmem:s1+$0xCE50] =	vst.add.f32.msk $0xffff, v3  }
0x2ed: {  	v1 =	vld [tilespmem:s5+$0x30]  }
0x2ee: {  	v2 =	vld [tilespmem:s5+$0x0]  }
0x2ef: {  	v3 =	vld [tilespmem:s5+$0x10]  }
0x2f0: {  	v4 =	vld [tilespmem:s5+$0x20]  }
0x2f1: {  	[tilespmem:s1+$0xCE60] =	vst.add.f32.msk $0xffff, v0  }
0x2f2: {  	[tilespmem:s5+$0xCE70] =	vst.add.f32.msk $0xffff, v1  }
0x2f3: {  	[tilespmem:s5+$0x3840] =	vst.add.f32.msk $0xffff, v2  }
0x2f4: {  	[tilespmem:s5+$0x3850] =	vst.add.f32.msk $0xffff, v3  }
0x2f5: {  	[tilespmem:s5+$0x3860] =	vst.add.f32.msk $0xffff, v4  }
0x2f6: {  	[tilespmem:s5+$0x3870] =	vst.add.f32.msk $0xffff, v1  }
0x2f7: {  	[tilespmem:s5+$0x6A40] =	vst.add.f32.msk $0xffff, v2  }
0x2f8: {  	[tilespmem:s5+$0x6A50] =	vst.add.f32.msk $0xffff, v3  }
0x2f9: {  	[tilespmem:s5+$0x6A60] =	vst.add.f32.msk $0xffff, v4  }
0x2fa: {  	[tilespmem:s5+$0x6A70] =	vst.add.f32.msk $0xffff, v1  }
0x2fb: {  	[tilespmem:s5+$0x9C40] =	vst.add.f32.msk $0xffff, v2  }
0x2fc: {  	[tilespmem:s5+$0x9C50] =	vst.add.f32.msk $0xffff, v3  }
0x2fd: {  	[tilespmem:s5+$0x9C60] =	vst.add.f32.msk $0xffff, v4  }
0x2fe: {  	[tilespmem:s5+$0x9C70] =	vst.add.f32.msk $0xffff, v1  }
0x2ff: {  	[tilespmem:s5+$0xCE40] =	vst.add.f32.msk $0xffff, v2  }
0x300: {  	[tilespmem:s5+$0xCE50] =	vst.add.f32.msk $0xffff, v3  }
0x301: {  	s4 =	rddreg [dreg:$0x12];
	[tilespmem:s5+$0xCE60] =	vst.add.f32.msk $0xffff, v4;
	s5 =	simm.s32 $0x0  }
0x302: {  	[hbm4b:s4+s5] =	stream.linear.scatter [tilespmem:s25], [sflag:$0x3], $0xC800, $0x38;
	[tilespmem:$0x1C840] =	vst v63  }
0x303: {  	_ =	swait.ge [sflag:s30], $0x2000  }
0x304: {  	[sflag:s30] =	ssyncset.done $0x0  }
0x305: {  	[sflag:s30] =	ssyncadd.s32 $0xFFFFE000  }
0x306: {  	_ =	swait.ge [sflag:s30], $0x2000  }
0x307: {  	[sflag:s30] =	ssyncset.done $0x0  }
0x308: {  	[sflag:s30] =	ssyncadd.s32 $0xFFFFE000  }
0x309: {  	_ =	swait.ge [sflag:s30], $0x2000  }
0x30a: {  	[sflag:s30] =	ssyncset.done $0x0  }
0x30b: {  	[sflag:s30] =	ssyncadd.s32 $0xFFFFE000  }
0x30c: {  	_ =	swait.ge [sflag:s30], $0x2000  }
0x30d: {  	[sflag:s30] =	ssyncset.done $0x0  }
0x30e: {  	[sflag:s30] =	ssyncadd.s32 $0xFFFFE000  }
0x30f: {  	_ =	swait.ge [sflag:s30], $0x2000  }
0x310: {  	[sflag:s30] =	ssyncset.done $0x0  }
0x311: {  	[sflag:s30] =	ssyncadd.s32 $0xFFFFE000  }
0x312: {  	_ =	swait.ge [sflag:s30], $0x2000  }
0x313: {  	[sflag:s30] =	ssyncset.done $0x0  }
0x314: {  	[sflag:s30] =	ssyncadd.s32 $0xFFFFE000  }
0x315: {  	_ =	swait.ge [sflag:s30], $0x800  }
0x316: {  	[sflag:s30] =	ssyncset.done $0x0  }
0x317: {  	s1 =	simm.s32 $0x0;
	[sflag:s30] =	ssyncadd.s32 $0xFFFFF800  }
0x318: {  	v1 =	vld [tilespmem:s1+$0x30]  }
0x319: {  	v2 =	vld [tilespmem:s1+$0x0]  }
0x31a: {  	v3 =	vld [tilespmem:s1+$0x10]  }
0x31b: {  	v0 =	vld [tilespmem:s1+$0x20];
	_ =	sdelay $0x1  }
0x31c: {  	[tilespmem:s1+$0x19670] =	vst.add.f32.msk $0xffff, v1  }
0x31d: {  	[tilespmem:s1+$0x10040] =	vst.add.f32.msk $0xffff, v2  }
0x31e: {  	[tilespmem:s1+$0x10050] =	vst.add.f32.msk $0xffff, v3  }
0x31f: {  	[tilespmem:s1+$0x10060] =	vst.add.f32.msk $0xffff, v0  }
0x320: {  	[tilespmem:s1+$0x10070] =	vst.add.f32.msk $0xffff, v1  }
0x321: {  	[tilespmem:s1+$0x13240] =	vst.add.f32.msk $0xffff, v2  }
0x322: {  	[tilespmem:s1+$0x13250] =	vst.add.f32.msk $0xffff, v3  }
0x323: {  	[tilespmem:s1+$0x13260] =	vst.add.f32.msk $0xffff, v0  }
0x324: {  	[tilespmem:s1+$0x13270] =	vst.add.f32.msk $0xffff, v1  }
0x325: {  	[tilespmem:s1+$0x16440] =	vst.add.f32.msk $0xffff, v2  }
0x326: {  	[tilespmem:s1+$0x16450] =	vst.add.f32.msk $0xffff, v3  }
0x327: {  	[tilespmem:s1+$0x16460] =	vst.add.f32.msk $0xffff, v0  }
0x328: {  	[tilespmem:s1+$0x16470] =	vst.add.f32.msk $0xffff, v1  }
0x329: {  	[tilespmem:s1+$0x19640] =	vst.add.f32.msk $0xffff, v2  }
0x32a: {  	s5 =	simm.s32 $0x40;
	s4 =	simm.s32 $0x200;
	[tilespmem:s1+$0x19650] =	vst.add.f32.msk $0xffff, v3  }
.LBB2_16:
0x32b: {  	p0 =	sne.s32 s4, $0xC700;
	v1 =	vld [tilespmem:s5+$0x30]  }
0x32c: {  	v2 =	vld [tilespmem:s5+$0x0]  }
0x32d: {  	v3 =	vld [tilespmem:s5+$0x10]  }
0x32e: {  	v4 =	vld [tilespmem:s5+$0x20]  }
0x32f: {  	[tilespmem:s1+$0x19660] =	vst.add.f32.msk $0xffff, v0;
	s1 =	smov.u32 s5  }
0x330: {  	[tilespmem:s1+$0x19670] =	vst.add.f32.msk $0xffff, v1  }
0x331: {  	[tilespmem:s1+$0x10040] =	vst.add.f32.msk $0xffff, v2  }
0x332: {  	[tilespmem:s1+$0x10050] =	vst.add.f32.msk $0xffff, v3  }
0x333: {  	[tilespmem:s1+$0x10060] =	vst.add.f32.msk $0xffff, v4;
	v0 =	vmov v4  }
0x334: {  	[tilespmem:s1+$0x10070] =	vst.add.f32.msk $0xffff, v1  }
0x335: {  	[tilespmem:s1+$0x13240] =	vst.add.f32.msk $0xffff, v2  }
0x336: {  	[tilespmem:s1+$0x13250] =	vst.add.f32.msk $0xffff, v3  }
0x337: {  	[tilespmem:s1+$0x13260] =	vst.add.f32.msk $0xffff, v0  }
0x338: {  	[tilespmem:s1+$0x13270] =	vst.add.f32.msk $0xffff, v1  }
0x339: {  	[tilespmem:s1+$0x16440] =	vst.add.f32.msk $0xffff, v2  }
.Ltmp7:
0x33a: {  	[tilespmem:s1+$0x16450] =	vst.add.f32.msk $0xffff, v3;
	(pc) =	sbr.rel @p0 .LBB2_16-.Ltmp7, $4  }
0x33b: {  	[tilespmem:s1+$0x16460] =	vst.add.f32.msk $0xffff, v0  }
0x33c: {  	[tilespmem:s1+$0x16470] =	vst.add.f32.msk $0xffff, v1  }
0x33d: {  	[tilespmem:s1+$0x19640] =	vst.add.f32.msk $0xffff, v2  }
0x33e: {  	s5 =	sshra.s32 s4, $0x2;
	s4 =	sadd.s32 $0x100, s4;
	[tilespmem:s1+$0x19650] =	vst.add.f32.msk $0xffff, v3  }
0x33f: {  	v1 =	vld [tilespmem:s5+$0x30]  }
0x340: {  	v2 =	vld [tilespmem:s5+$0x0]  }
0x341: {  	v3 =	vld [tilespmem:s5+$0x10]  }
0x342: {  	v4 =	vld [tilespmem:s5+$0x20]  }
0x343: {  	[tilespmem:s1+$0x19660] =	vst.add.f32.msk $0xffff, v0  }
0x344: {  	[tilespmem:s5+$0x19670] =	vst.add.f32.msk $0xffff, v1  }
0x345: {  	[tilespmem:s5+$0x10040] =	vst.add.f32.msk $0xffff, v2  }
0x346: {  	[tilespmem:s5+$0x10050] =	vst.add.f32.msk $0xffff, v3  }
0x347: {  	[tilespmem:s5+$0x10060] =	vst.add.f32.msk $0xffff, v4  }
0x348: {  	[tilespmem:s5+$0x10070] =	vst.add.f32.msk $0xffff, v1  }
0x349: {  	[tilespmem:s5+$0x13240] =	vst.add.f32.msk $0xffff, v2  }
0x34a: {  	[tilespmem:s5+$0x13250] =	vst.add.f32.msk $0xffff, v3  }
0x34b: {  	[tilespmem:s5+$0x13260] =	vst.add.f32.msk $0xffff, v4  }
0x34c: {  	[tilespmem:s5+$0x13270] =	vst.add.f32.msk $0xffff, v1  }
0x34d: {  	[tilespmem:s5+$0x16440] =	vst.add.f32.msk $0xffff, v2  }
0x34e: {  	[tilespmem:s5+$0x16450] =	vst.add.f32.msk $0xffff, v3  }
0x34f: {  	[tilespmem:s5+$0x16460] =	vst.add.f32.msk $0xffff, v4  }
0x350: {  	[tilespmem:s5+$0x16470] =	vst.add.f32.msk $0xffff, v1  }
0x351: {  	[tilespmem:s5+$0x19640] =	vst.add.f32.msk $0xffff, v2  }
0x352: {  	[tilespmem:s5+$0x19650] =	vst.add.f32.msk $0xffff, v3  }
0x353: {  	s1 =	simm.s32 $0x0;
	s4 =	rddreg [dreg:$0x13];
	[tilespmem:s5+$0x19660] =	vst.add.f32.msk $0xffff, v4  }
0x354: {  	[hbm4b:s4+s1] =	stream.linear.scatter [tilespmem:s11], [sflag:$0x4], $0xC800, $0x38;
	[tilespmem:$0x1C840] =	vst v63  }
0x355: {  	_ =	swait.ge [sflag:s29], $0xC800  }
0x356: {  	[sflag:s29] =	ssyncset.done $0x0  }
0x357: {  	[sflag:s29] =	ssyncadd.s32 $0xFFFF3800  }
0x358: {  	_ =	swait.ge [sflag:s31], $0xC800  }
0x359: {  	s0 =	sadd.s32 $0x1, s0;
	s5 =	rddreg [dreg:$0x14]  }
0x35a: {  	p0 =	sne.s32 s0, s5  }
.Ltmp8:
0x35b: {  	_ = 	snop;
	(pc) =	sbr.rel @p0 .LBB2_1-.Ltmp8, $3  }
0x35c: {  	_ =	sdelay $0x1  }
0x35d: {  	[sflag:s31] =	ssyncset.done $0x0  }
0x35e: {  	[sflag:s31] =	ssyncadd.s32 $0xFFFF3800  }
0x35f: {  	_ =	sfence.sel $0x180000  }
0x360: {  	[bflag:$0x0] =	sbarrier.arrive $0xFFFF  }
0x361: {  	_ =	strace $0x90000047  }
0x362: {  	s0 =	stileid.u32;
	[bflag:$0x2] =	sbarrier.arrive $0xFFFF  }
0x363: {  	p0 =	sne.s32 s0, $0x0;
	s0 =	rddreg [dreg:$0x2]  }
0x364: {  	s0 =	sadd.s32 @!p0 $0x100000, s0  }
0x365: {  	[sflag:s0] =	ssyncadd.tile.s32 @!p0 $0x1;
	_ =	shalt  }
.Lfunc_end2:
_tile_overlayer_lowered:
.L_overlay_start_2:
0x366: {  	(tag) =	ssettag $0x2  }
0x367: {  	s0 =	rddreg [dreg:$0x0];
	s2 =	stileid.u32  }
0x368: {  	s1 =	rddreg [dreg:$0x1];
	p0 =	sne.s32 s2, $0x0  }
0x369: {  	s3 =	rddreg [dreg:$0x2];
	[bflag:$0x3] =	sbarrier.arrive $0xFFFF;
	s2 =	simm.s32 @!p0 $0x1C05  }
0x36a: {  	[timem:s3], [sflag:s2] =	dma.local @!p0 [hbm:s0], s1  }
0x36b: {  	s0 =	simm.s32 @!p0 $0x5  }
0x36c: {  	_ =	swait.ge @!p0 [sflag:s0], s1  }
0x36d: {  	s1 =	ssub.s32 @!p0 $0x0, s1;
	[sflag:s0] =	ssyncset.done @!p0 $0x0  }
0x36e: {  	[sflag:s0] =	ssyncadd.s32 @!p0 s1  }
0x36f: {  	[bflag:$0x3] =	sbarrier.arrive $0xFFFF  }
0x370: {  	_ =	shalt  }

// kernel: sparse-core-data-format-call.cloned.1.call-start
scs
called_computation_lowered:
.L_overlay_start_0:
0x0: {  	s2 =	sld [smem:$0x3FD9]  }
0x1: {  	s3 =	sld [smem:$0x3FFE];
	_ =	sdelay $0x1  }
0x2: {  	s1 =	srdreg.scid  }
0x3: {  	s0 =	sand.u32 $0x1, s1  }
0x4: {  	s18 =	sshll.u32 s0, $0xA;
	s2 =	sadd.s32 s3, s2  }
0x5: {  	s2 =	sadd.s32 s2, s18  }
0x6: {  	[smem:$0x3FC5] =	sst s2  }
0x7: {  	_ = 	snop  }
0x8: {  	s2 =	sld [smem:$0x3FD0];
	(tm) =	ssettm $0x1  }
0x9: {  	s19 =	sld [smem:$0x3FFB];
	_ =	sdelay $0x3  }
0xa: {  	_ =	strace s19  }
0xb: {  	s3 =	sld [smem:$0x3FFC];
	_ =	sdelay $0x3  }
0xc: {  	_ =	strace s3  }
0xd: {  	s3 =	sld [smem:$0x3FFD];
	_ =	sdelay $0x3  }
0xe: {  	_ =	strace s3  }
0xf: {  	_ =	strace $0x8FFFFFFF  }
0x10: {  	s20 =	sld [smem:$0x3FDB];
	_ =	sdelay $0x1  }
0x11: {  	s4 =	simm.s32 $_scs_section_size  }
0x12: {  	s5 =	simm.s32 $_size__tile_overlayer_lowered;
	s6 =	simm.s32 $_tile_overlayer_lowered  }
0x13: {  	s23 =	simm.s32 $0x1BFF;
	s22 =	sshll.u32 s6, $0x1;
	s3 =	sadd.s32 s4, s20  }
0x14: {  	s7 =	simm.s32 $0x0;
	s21 =	sshll.u32 s5, $0x1;
	s5 =	sadd.s32 s22, s3  }
0x15: {  	[timem:s7], [sflag:s23] =	dma.local [hbm:s5], s21  }
0x16: {  	_ =	swait.ge [sflag:s23], s21  }
0x17: {  	s4 =	ssub.s32 $0x0, s21;
	[sflag:s23] =	ssyncset.done $0x0  }
0x18: {  	[sflag:s23] =	ssyncadd.s32 s4;
	_ =	sdelay $0x1  }
0x19: {  	s24 =	simm.s32 $0x1B8B  }
0x1a: {  	_ =	swait.ge [sflag:s24], $0x1  }
0x1b: {  	[sflag:s24] =	ssyncset.done $0x0  }
0x1c: {  	s26 =	simm.s32 $0x1B8E;
	s25 =	sld [smem:$0x3FFE];
	[sflag:s24] =	ssyncadd.s32 $0xFFFFFFFF  }
0x1d: {  	s27 =	simm.s32 $execute0_lowered;
	[smem:$0x3FD2] =	sst s26  }
0x1e: {  	s5 =	sshll.u32 s27, $0x1;
	_ =	strace $0x80000049;
	[dreg:$0x1] =	wrdreg $0xFFFFFFFF  }
0x1f: {  	s28 =	simm.s32 $_size_execute0_lowered;
	s3 =	sadd.s32 s3, s5;
	[dreg:$0x0] =	wrdreg $0x0  }
0x20: {  	s5 =	sshll.u32 s28, $0x1;
	[dreg:$0x2] =	wrdreg s3  }
0x21: {  	[dreg:$0x3] =	wrdreg s5  }
0x22: {  	[dreg:$0x4] =	wrdreg $0xC0  }
0x23: {  	_ =	task [dreg:s7], $0x5FFFF  }
0x24: {  	[dreg:$0x1] =	wrdreg $0xFFFFFFFF  }
0x25: {  	[dreg:$0x0] =	wrdreg $0x60  }
0x26: {  	[dreg:$0x2] =	wrdreg s25  }
0x27: {  	[dreg:$0x3] =	wrdreg s2  }
0x28: {  	[dreg:$0x4] =	wrdreg $0x9  }
0x29: {  	_ =	task.clear_ibuf [dreg:s7], $0x5FFFF;
	_ =	strace $0x90000049  }
0x2a: {  	s29 =	simm.s32 $0x9;
	_ =	strace $0x8000004B  }
0x2b: {  	_ =	swait.ge [sflag:s29], $0x1  }
0x2c: {  	[sflag:s29] =	ssyncadd.s32 $0xFFFFFFFF  }
0x2d: {  	_ =	strace $0x9000004B  }
0x2e: {  	_ =	sfence  }
0x2f: {  	s30 =	sld [smem:$0x0];
	_ =	sdelay $0x2  }
0x30: {  	s31 =	sshll.u32 s1, $0xD;
	s1 =	sshrl.u32 s1, $0x2  }
0x31: {  	s3 =	sand.u32 $0x4000, s31;
	s1 =	sadd.s32 s1, s30  }
0x32: {  	s0 =	sor.u32 s3, s0;
	s1 =	sshll.u32 s1, $0x11  }
0x33: {  	s0 =	sor.u32 s1, s0  }
0x34: {  	s0 =	sadd.s32 $0x8F2B, s0  }
0x35: {  	[sflag:s0] =	ssyncadd.remote.s32 $0x1  }
0x36: {  	_ =	sfence.sel $0xFFFF  }
0x37: {  	[dreg:$0x0] =	wrdreg $0xFFFFFFFF;
	(pc) =	sbr.abs _section_cstart, $3  }
0x38: {  	[dreg:$0x1] =	wrdreg $0xFFFFFFFF  }
0x39: {  	_ =	task.clear_ibuf [dreg:s7], $0x2FFFF;
	_ =	strace $0x9FFFFFFF  }
0x3a: {  	(tm) =	ssettm $0x7FFFFFFF  }
0x3b: {  	_ =	shalt  }
tec
execute0_lowered:
.L_overlay_start_1:
0x0: {  	(tag) =	ssettag $0x1  }
0x1: {  	s0 =	stileid.u32;
	s6 =	rddreg [dreg:$0x0]  }
0x2: {  	s2 =	rddreg [dreg:$0x1];
	s5 =	srdreg.scid  }
0x3: {  	s31 =	simm.s32 $0x2;
	s13 =	simm.s32 $0x0;
	s1 =	sshll.u32 s0, $0x7  }
0x4: {  	s14 =	simm.s32 $0x0;
	s12 =	simm.s32 $0x0;
	s3 =	sand.u32 $0x380, s1  }
0x5: {  	s5 =	sshll.u32 s5, $0x4;
	s6 =	sadd.s32 $0xC00, s6;
	s4 =	ssub.s32 $0x400, s3  }
0x6: {  	s1 =	rddreg [dreg:$0x2];
	_ =	strace $0x8000004A;
	s7 =	sand.u32 $0x380, s4  }
0x7: {  	s5 =	sand.u32 $0x10, s5;
	p0 =	sne.s32 s7, $0x0;
	s7 =	simm.s32 $0x1  }
.Ltmp0:
0x8: {  	s8 =	sshrl.u32 s4, $0xA;
	s7 =	simm.s32 @!p0 $0x0;
	(pc) =	sbr.rel .LBB1_1-.Ltmp0, $4  }
0x9: {  	s9 =	sor.u32 s0, s5;
	s4 =	simm.s32 $0x1;
	s30 =	sadd.s32 s7, s8  }
0xa: {  	s11 =	smov.u32 s3;
	[sflag:s4] =	ssyncpa.u1 $0x0;
	s5 =	smul.u32 $0x32, s30  }
0xb: {  	[sflag:s31] =	ssyncpa.u1 $0x0;
	p0 =	por $0x0, $0x0;
	s7 =	sshrl.u32 s9, $0x3  }
0xc: {  	s9 =	simm.s32 $0x2000;
	s10 =	smov.u32 s7;
	s8 =	sor.u32 $0x1, s5  }
.LBB1_4:
0xd: {  	s17 =	sand.u32 $0x1F80, s14;
	s13 =	sshll.u32 s13, $0xD  }
0xe: {  	[tilespmem:s16+$0x810 ss:$0x81] =	vst.msk $0xffff, v2;
	s18 =	sshrl.u32 s14, $0x3;
	s31 =	sand.u32 $0x7, s14;
	s17 =	sadd.s32 s2, s17  }
0xf: {  	[tilespmem:s16+$0x1020 ss:$0x81] =	vst.msk $0xffff, v0;
	s18 =	sand.u32 $0xF, s18;
	s14 =	sshll.u32 s31, $0x12;
	s13 =	sadd.s32 s13, s17  }
0x10: {  	[tilespmem:s16+$0x0 ss:$0x81] =	vst.msk $0xffff, v1;
	s14 =	sor.u32 $0x400, s14;
	s13 =	sadd.s32 s18, s13  }
0x11: {  	[hbm4b:s13+s14] =	stream.strided.scatter [tilespmem:s15], [sflag:$0x2], $0x2000, s9, s14, $0x20;
	[tilespmem:$0x8080] =	vst v63  }
.LBB1_5:
0x12: {  	s15 =	sadd.s32 $0x4, s10  }
0x13: {  	s13 =	sadd.s32 $0x400, s11;
	s17 =	smov.u32 s11;
	p2 =	sgt.s32 s15, $0xC7  }
0x14: {  	s17 =	smov.u32 @p2 s13  }
0x15: {  	s15 =	smov.u32 @p2 s7;
	p2 =	sgt.s32 s17, $0x3FF  }
0x16: {  	s17 =	smov.u32 @p2 s3;
	p2 =	sne.s32 s12, s8  }
.Ltmp1:
0x17: {  	p1 =	slt.u32 s12, $0x2;
	(pc) =	sbr.rel @!p2 .LBB1_6-.Ltmp1, $4  }
0x18: {  	s16 =	simm.s32 @!p1 $0x2  }
0x19: {  	s14 =	smov.u32 s11;
	p0 =	por !p0, !p0;
	_ =	swait.ge @!p1 [sflag:s16], $0x2000  }
0x1a: {  	s13 =	smov.u32 s10;
	[sflag:s16] =	ssyncset.done @!p1 $0x0;
	s10 =	smov.u32 s15  }
0x1b: {  	s12 =	sadd.s32 $0x1, s12;
	[sflag:s16] =	ssyncadd.s32 @!p1 $0xFFFFE000;
	s11 =	smov.u32 s17  }
.LBB1_1:
0x1c: {  	p1 =	sge.u32 s12, s5  }
0x1d: {  	s15 =	sand.u32 @!p1 $0x1FFFFFF, s10  }
0x1e: {  	s16 =	smulhi.u32 @!p1 $0x147AE15, s15;
	_ =	sdelay $0x1  }
0x1f: {  	s16 =	smul.u32 @!p1 $0xC8, s16  }
0x20: {  	s17 =	sxor.u32 @!p1 $0xFFFFFFFF, s12;
	s18 =	smul.u32 @!p1 $0xC80, s11  }
0x21: {  	s31 =	sadd.s32 $0xFFFFFFFF, s12;
	s17 =	sshll.u32 @!p1 s17, $0xD;
	s15 =	ssub.s32 @!p1 s15, s16  }
0x22: {  	s16 =	sand.u32 @!p1 $0x2000, s17;
	s17 =	sadd.s32 @!p1 s6, s18;
	s15 =	sshll.u32 @!p1 s15, $0x4  }
0x23: {  	s18 =	simm.s32 @!p1 $0x6400;
	s15 =	sadd.s32 @!p1 s15, s17;
	s17 =	simm.s32 @!p1 $0x40  }
0x24: {  	[tilespmem:s16], [sflag:$0x1] =	stream.strided.gather @!p1 [hbm4b:s15+s17], $0x2000, s18, s17, $0x38;
	[tilespmem:$0x8080] =	vst v63  }
0x25: {  	p1 =	sge.u32 s31, s5  }
.Ltmp2:
0x26: {  	_ = 	snop;
	(pc) =	sbr.rel @p1 .LBB1_5-.Ltmp2, $1  }
0x27: {  	_ =	sdelay $0x3  }
0x28: {  	s15 =	simm.s32 $0x1  }
0x29: {  	_ =	swait.ge [sflag:s4], $0x2000;
	s15 =	simm.s32 @!p0 $0x0  }
0x2a: {  	[sflag:s4] =	ssyncset.done $0x0;
	s16 =	sshll.u32 s15, $0xD  }
0x2b: {  	[sflag:s4] =	ssyncadd.s32 $0xFFFFE000;
	s19 =	sor.u32 $0x20, s16  }
0x2c: {  	s15 =	smul.u32 $0x8100, s15;
	v3 =	vld [tilespmem:s19+$0x10]  }
0x2d: {  	s30 =	sand.u32 $0x1, s12;
	v2 =	vld [tilespmem:s19+$0xFFFFFFF0]  }
0x2e: {  	s16 =	smul.u32 $0x8100, s30;
	s15 =	sshrl.u32 s15, $0x2;
	v0 =	vld [tilespmem:s19+$0x0]  }
0x2f: {  	v1 =	vld [tilespmem:s19+$0xFFFFFFE0];
	s17 =	sor.u32 $0x4000, s15  }
0x30: {  	s31 =	sshrl.u32 s16, $0x2;
	s16 =	sadd.s32 $0x0, s17  }
0x31: {  	s18 =	simm.s32 $0x4;
	s19 =	sadd.s32 $0x40, s19;
	s15 =	sor.u32 $0x4000, s31;
	[tilespmem:s16+$0x1830 ss:$0x81] =	vst.msk $0xffff, v3  }
.LBB1_3:
0x32: {  	v3 =	vld [tilespmem:s19+$0x10];
	p1 =	sne.s32 s18, $0x1FC;
	[tilespmem:s16+$0x810 ss:$0x81] =	vst.msk $0xffff, v2;
	s20 =	smov.u32 s18;
	s18 =	sadd.s32 $0x4, s18  }
.Ltmp3:
0x33: {  	v2 =	vld [tilespmem:s19+$0xFFFFFFF0];
	[tilespmem:s16+$0x1020 ss:$0x81] =	vst.msk $0xffff, v0;
	(pc) =	sbr.rel @p1 .LBB1_3-.Ltmp3, $4  }
0x34: {  	v0 =	vld [tilespmem:s19+$0x0];
	[tilespmem:s16+$0x0 ss:$0x81] =	vst.msk $0xffff, v1  }
0x35: {  	s16 =	sshra.s32 s20, $0x2;
	v1 =	vld [tilespmem:s19+$0xFFFFFFE0]  }
0x36: {  	s16 =	sadd.s32 s16, s17  }
0x37: {  	s19 =	sadd.s32 $0x40, s19;
	[tilespmem:s16+$0x1830 ss:$0x81] =	vst.msk $0xffff, v3  }
.Ltmp4:
0x38: {  	_ = 	snop;
	(pc) =	sbr.rel .LBB1_4-.Ltmp4, $1  }
0x39: {  	_ =	sdelay $0x3  }
.LBB1_6:
0x3a: {  	_ =	sfence.sel $0x180000  }
0x3b: {  	s2 =	simm.s32 $0x1;
	[bflag:$0x0] =	sbarrier.arrive $0xFFFF  }
0x3c: {  	s31 =	simm.s32 $0x2;
	[sflag:s2] =	ssyncpa.u1 $0x1  }
0x3d: {  	[sflag:s31] =	ssyncpa.u1 $0x1  }
0x3e: {  	p0 =	sne.s32 s0, $0x0;
	_ =	strace $0x9000004A  }
0x3f: {  	s0 =	sadd.s32 @!p0 $0x100000, s1;
	[bflag:$0x2] =	sbarrier.arrive $0xFFFF  }
0x40: {  	[sflag:s0] =	ssyncadd.tile.s32 @!p0 $0x1;
	_ =	shalt  }
.Lfunc_end1:
_tile_overlayer_lowered:
.L_overlay_start_2:
0x41: {  	(tag) =	ssettag $0x2  }
0x42: {  	s0 =	rddreg [dreg:$0x0];
	s2 =	stileid.u32  }
0x43: {  	s1 =	rddreg [dreg:$0x1];
	p0 =	sne.s32 s2, $0x0  }
0x44: {  	s3 =	rddreg [dreg:$0x2];
	[bflag:$0x3] =	sbarrier.arrive $0xFFFF;
	s2 =	simm.s32 @!p0 $0x1C01  }
0x45: {  	[timem:s3], [sflag:s2] =	dma.local @!p0 [hbm:s0], s1  }
0x46: {  	s0 =	simm.s32 @!p0 $0x1  }
0x47: {  	_ =	swait.ge @!p0 [sflag:s0], s1  }
0x48: {  	s1 =	ssub.s32 @!p0 $0x0, s1;
	[sflag:s0] =	ssyncset.done @!p0 $0x0  }
0x49: {  	[sflag:s0] =	ssyncadd.s32 @!p0 s1  }
0x4a: {  	[bflag:$0x3] =	sbarrier.arrive $0xFFFF  }
0x4b: {  	_ =	shalt  }

</sc_bundles>
